<compile_context>
chip_gen: v7x
topology: tpu7x:2x2x1
jax: 0.10.2.dev20260603
libtpu: 0.0.44.dev20260713+nightly
codegen_flags: <defaults>
</compile_context>

<pallas_src>
import jax
import jax.numpy as jnp
from jax import lax
from jax.experimental import pallas as pl
from jax.experimental.pallas import tpu as pltpu
from jax.experimental.pallas import tpu_sc as plsc

N = 10000
E = 320000
R = 8
D = 128
NINE = R + 1
NC = 2
NS = 16
NW = NC * NS
EPW = 10240
E_PAD = EPW * NW
K = 128
NCHUNK = EPW // K
NR = N * R
NRP = 81920
SPT = NRP // NW
SPS = NRP // NS
NP = 10240
RPT = NP // NS

_sc_mesh = plsc.VectorSubcoreMesh(core_axis_name="c", subcore_axis_name="s")



def _sc_counts_body(widx_hbm, cnt_out, widx_v, ones_v, buf_v, cnt_sh):
    core = lax.axis_index("c")
    sid = lax.axis_index("s")
    wid = core * NS + sid
    zero16 = jnp.zeros((16,), jnp.float32)
    one16 = jnp.ones((16,), jnp.float32)

    def zbody(i, _):
        buf_v[pl.ds(i * 16, 16)] = zero16
        return 0
    lax.fori_loop(0, SPS // 16, zbody, 0)
    pltpu.sync_copy(buf_v, cnt_sh.at[pl.ds(sid * SPS, SPS)])
    for j in range(K // 16):
        ones_v[pl.ds(j * 16, 16)] = one16
    plsc.subcore_barrier()

    base = wid * EPW

    def chunk(k, _):
        pltpu.sync_copy(widx_hbm.at[pl.ds(base + k * K, K)], widx_v)
        pltpu.sync_copy(ones_v, cnt_sh.at[widx_v], add=True)
        return 0
    lax.fori_loop(0, NCHUNK, chunk, 0)
    plsc.subcore_barrier()
    pltpu.sync_copy(cnt_sh.at[pl.ds(sid * SPS, SPS)],
                    cnt_out.at[core, pl.ds(sid * SPS, SPS)])


_sc_counts = pl.kernel(
    _sc_counts_body,
    out_type=jax.ShapeDtypeStruct((NC, NRP), jnp.float32),
    mesh=_sc_mesh,
    scratch_types=[
        pltpu.VMEM((K,), jnp.int32),
        pltpu.VMEM((K,), jnp.float32),
        pltpu.VMEM((SPS,), jnp.float32),
        pltpu.VMEM_SHARED((NRP,), jnp.float32),
    ],
)


def _sc_winv_body(cnt_hbm, winv_out, ca_v, cb_v, wo_v):
    wid = lax.axis_index("c") * NS + lax.axis_index("s")
    base = wid * SPT
    pltpu.sync_copy(cnt_hbm.at[0, pl.ds(base, SPT)], ca_v)
    pltpu.sync_copy(cnt_hbm.at[1, pl.ds(base, SPT)], cb_v)
    iot = lax.iota(jnp.int32, 16)

    def body(i, _):
        c = ca_v[pl.ds(i * 16, 16)] + cb_v[pl.ds(i * 16, 16)]
        w = 1.0 / jnp.maximum(c, 1.0)
        slot = base + i * 16 + iot
        wo_v[pl.ds(i * 16, 16)] = jnp.where(slot < NR, w, 0.0)
        return 0
    lax.fori_loop(0, SPT // 16, body, 0)
    pltpu.sync_copy(wo_v, winv_out.at[pl.ds(base, SPT)])


_sc_winv = pl.kernel(
    _sc_winv_body,
    out_type=jax.ShapeDtypeStruct((NRP,), jnp.float32),
    mesh=_sc_mesh,
    scratch_types=[
        pltpu.VMEM((SPT,), jnp.float32),
        pltpu.VMEM((SPT,), jnp.float32),
        pltpu.VMEM((SPT,), jnp.float32),
    ],
)


def _sc_edge_body(xr_hbm, gidx_hbm, dst_hbm, widx_hbm, winv_hbm, agg_out,
                  rows_v, gidx_v, dst_v, widx_v, wv_v, winv_sh, agg_sh, sem):
    core = lax.axis_index("c")
    sid = lax.axis_index("s")
    wid = core * NS + sid
    pltpu.sync_copy(winv_hbm.at[pl.ds(sid * SPS, SPS)],
                    winv_sh.at[pl.ds(sid * SPS, SPS)])

    zero16 = jnp.zeros((16,), jnp.float32)

    def zrow(i, _):
        for j in range(D // 16):
            rows_v[i, pl.ds(j * 16, 16)] = zero16
        return 0
    lax.fori_loop(0, K, zrow, 0)
    for t in range(RPT // K):
        pltpu.sync_copy(rows_v, agg_sh.at[pl.ds(sid * RPT + t * K, K)])
    plsc.subcore_barrier()

    base = wid * EPW
    iot = lax.iota(jnp.int32, 16)

    def chunk(k, _):
        off = base + k * K
        pltpu.sync_copy(gidx_hbm.at[pl.ds(off, K)], gidx_v)
        pltpu.sync_copy(widx_hbm.at[pl.ds(off, K)], widx_v)
        pltpu.sync_copy(dst_hbm.at[pl.ds(off, K)], dst_v)
        pltpu.async_copy(xr_hbm.at[gidx_v], rows_v, sem).wait()
        pltpu.sync_copy(winv_sh.at[widx_v], wv_v)

        def scale(g, _):
            rowi = g * 16 + iot
            w16 = wv_v[pl.ds(g * 16, 16)]
            for c in range(D):
                coli = jnp.full((16,), c, jnp.int32)
                vals = plsc.load_gather(rows_v, [rowi, coli])
                plsc.store_scatter(rows_v, [rowi, coli], vals * w16)
            return 0
        lax.fori_loop(0, K // 16, scale, 0)
        pltpu.sync_copy(rows_v, agg_sh.at[dst_v], add=True)
        return 0
    lax.fori_loop(0, NCHUNK, chunk, 0)
    plsc.subcore_barrier()
    pltpu.sync_copy(agg_sh.at[pl.ds(sid * RPT, RPT)],
                    agg_out.at[core, pl.ds(sid * RPT, RPT)])


_sc_edge = pl.kernel(
    _sc_edge_body,
    out_type=jax.ShapeDtypeStruct((NC, NP, D), jnp.float32),
    mesh=_sc_mesh,
    compiler_params=pltpu.CompilerParams(needs_layout_passes=False),
    scratch_types=[
        pltpu.VMEM((K, D), jnp.float32),
        pltpu.VMEM((K,), jnp.int32),
        pltpu.VMEM((K,), jnp.int32),
        pltpu.VMEM((K,), jnp.int32),
        pltpu.VMEM((K,), jnp.float32),
        pltpu.VMEM_SHARED((NRP,), jnp.float32),
        pltpu.VMEM_SHARED((NP, D), jnp.float32),
        pltpu.SemaphoreType.DMA,
    ],
)



def _p0_body(src_ref, dst_ref, typ_ref, gidx_ref, widx_ref):
    i = pl.program_id(0)
    rr = i * 128 + lax.broadcasted_iota(jnp.int32, (128, 128), 0)
    valid = rr < (E // 128)
    s = src_ref[...]
    d = dst_ref[...]
    t = typ_ref[...]
    gidx_ref[...] = jnp.where(valid, s * NINE + t + 1, 0)
    widx_ref[...] = jnp.where(valid, d * R + t, NR)


def _mm_body(x_ref, w_ref, o_ref):
    o_ref[...] = jnp.dot(x_ref[...], w_ref[...],
                         preferred_element_type=jnp.float32)


def _combine1_body(root_ref, aga_ref, agb_ref, b0_ref, g_ref, be_ref,
                   mu_ref, va_ref, w_ref, o_ref):
    z = root_ref[...] + aga_ref[...] + agb_ref[...] + b0_ref[...]
    rstd = lax.rsqrt(va_ref[...] + 1e-5)
    h = (z - mu_ref[...]) * (g_ref[...] * rstd) + be_ref[...]
    h = jnp.maximum(h, 0.0)
    o_ref[...] = jnp.dot(h, w_ref[...], preferred_element_type=jnp.float32)


def _combine2_body(root_ref, aga_ref, agb_ref, b1_ref, o_ref):
    o_ref[...] = root_ref[...] + aga_ref[...] + agb_ref[...] + b1_ref[...]


_NB = 10
_BR = N // _NB


def _row_spec(cols):
    return pl.BlockSpec((_BR, cols), lambda i: (i, 0))


def _full_spec(rows, cols):
    return pl.BlockSpec((rows, cols), lambda i: (0, 0))



def kernel(x, edge_index, edge_type, W_rel0, W_root0, b0, gamma0, beta0,
           mean0, var0, W_rel1, W_root1, b1):
    src = edge_index[0].astype(jnp.int32)
    dst = edge_index[1].astype(jnp.int32)
    typ = edge_type.astype(jnp.int32)
    pad = E_PAD - E
    dste = jnp.pad(dst, (0, pad))
    srcp = jnp.pad(src, (0, pad)).reshape(E_PAD // 128, 128)
    dstp = dste.reshape(E_PAD // 128, 128)
    typp = jnp.pad(typ, (0, pad)).reshape(E_PAD // 128, 128)

    gidx, widx = pl.pallas_call(
        _p0_body,
        grid=(E_PAD // (128 * 128),),
        in_specs=[pl.BlockSpec((128, 128), lambda i: (i, 0))] * 3,
        out_specs=[pl.BlockSpec((128, 128), lambda i: (i, 0))] * 2,
        out_shape=[jax.ShapeDtypeStruct((E_PAD // 128, 128), jnp.int32)] * 2,
    )(srcp, dstp, typp)
    gidx = gidx.reshape(E_PAD)
    widx = widx.reshape(E_PAD)

    cnt = _sc_counts(widx)
    winv = _sc_winv(cnt)

    Wcat0 = jnp.concatenate([W_root0] + [W_rel0[r] for r in range(R)], axis=1)
    Wcat1 = jnp.concatenate([W_root1] + [W_rel1[r] for r in range(R)], axis=1)

    XR0 = pl.pallas_call(
        _mm_body,
        grid=(_NB,),
        in_specs=[_row_spec(D), _full_spec(D, NINE * D)],
        out_specs=_row_spec(NINE * D),
        out_shape=jax.ShapeDtypeStruct((N, NINE * D), jnp.float32),
    )(x, Wcat0)

    agg0 = _sc_edge(XR0.reshape(N * NINE, D), gidx, dste, widx, winv)

    vec = lambda v: v.reshape(1, D)
    XR1 = pl.pallas_call(
        _combine1_body,
        grid=(_NB,),
        in_specs=[_row_spec(D), _row_spec(D), _row_spec(D)]
        + [_full_spec(1, D)] * 5
        + [_full_spec(D, NINE * D)],
        out_specs=_row_spec(NINE * D),
        out_shape=jax.ShapeDtypeStruct((N, NINE * D), jnp.float32),
    )(XR0[:, :D], agg0[0, :N], agg0[1, :N], vec(b0), vec(gamma0),
      vec(beta0), vec(mean0), vec(var0), Wcat1)

    agg1 = _sc_edge(XR1.reshape(N * NINE, D), gidx, dste, widx, winv)

    out = pl.pallas_call(
        _combine2_body,
        grid=(_NB,),
        in_specs=[_row_spec(D), _row_spec(D), _row_spec(D), _full_spec(1, D)],
        out_specs=_row_spec(D),
        out_shape=jax.ShapeDtypeStruct((N, D), jnp.float32),
    )(XR1[:, :D], agg1[0, :N], agg1[1, :N], vec(b1))
    return out

# --- scband reference (transcript-rebuilt; emitter-appended) ---
"""Pipeline reference for scband-rgcn-90795608637584 (READ-ONLY COPY).

The authoritative reference and input builder live on the scoring server;
editing this copy changes nothing except your own understanding.
"""

import jax, jax.numpy as jnp
import numpy as np

N = 10000
E = 320000
R = 8
DIN = 128
DH = 128
DOUT = 128


def setup_inputs(seed: int = 0) -> dict:
    key = jax.random.key(seed)
    ks = jax.random.split(key, 16)
    x = jax.random.normal(ks[0], (N, DIN), dtype=jnp.float32)
    edge_index = jax.random.randint(ks[1], (2, E), 0, N)
    edge_type = jax.random.randint(ks[2], (E,), 0, R)
    s0 = 1.0 / np.sqrt(DIN)
    s1 = 1.0 / np.sqrt(DH)
    W_rel0 = jax.random.normal(ks[3], (R, DIN, DH), dtype=jnp.float32) * s0
    W_root0 = jax.random.normal(ks[4], (DIN, DH), dtype=jnp.float32) * s0
    b0 = jnp.zeros((DH,), dtype=jnp.float32)
    gamma0 = jnp.ones((DH,), dtype=jnp.float32)
    beta0 = jnp.zeros((DH,), dtype=jnp.float32)
    mean0 = jnp.zeros((DH,), dtype=jnp.float32)
    var0 = jnp.ones((DH,), dtype=jnp.float32)
    W_rel1 = jax.random.normal(ks[5], (R, DH, DOUT), dtype=jnp.float32) * s1
    W_root1 = jax.random.normal(ks[6], (DH, DOUT), dtype=jnp.float32) * s1
    b1 = jnp.zeros((DOUT,), dtype=jnp.float32)
    return {"x": x, "edge_index": edge_index, "edge_type": edge_type,
            "W_rel0": W_rel0, "W_root0": W_root0, "b0": b0,
            "gamma0": gamma0, "beta0": beta0, "mean0": mean0, "var0": var0,
            "W_rel1": W_rel1, "W_root1": W_root1, "b1": b1}


def rgcn_conv(x, edge_index, edge_type, W_rel, W_root, b):
    # PyG-style RGCNConv with aggr='mean' per relation:
    # out_i = x_i @ W_root + b + sum_r mean_{j in N_r(i)} x_j @ W_r
    src = edge_index[0]
    dst = edge_index[1]
    n = x.shape[0]
    out = x @ W_root + b
    for r in range(R):
        mask = (edge_type == r).astype(x.dtype)
        xr = x @ W_rel[r]
        msg = jnp.take(xr, src, axis=0) * mask[:, None]
        agg = jax.ops.segment_sum(msg, dst, num_segments=n)
        cnt = jax.ops.segment_sum(mask, dst, num_segments=n)
        out = out + agg / jnp.clip(cnt, 1.0, None)[:, None]
    return out


def batchnorm_eval(h, gamma, beta, mean, var, eps=1e-5):
    return (h - mean) / jnp.sqrt(var + eps) * gamma + beta


def reference(x, edge_index, edge_type, W_rel0, W_root0, b0, gamma0, beta0, mean0, var0, W_rel1, W_root1, b1):
    h = rgcn_conv(x, edge_index, edge_type, W_rel0, W_root0, b0)
    h = batchnorm_eval(h, gamma0, beta0, mean0, var0)
    h = jax.nn.relu(h)
    # dropout is identity in eval mode
    h = rgcn_conv(h, edge_index, edge_type, W_rel1, W_root1, b1)
    return h

if __name__ == "__main__":
    import jax
    _d = setup_inputs()
    print(jax.jit(kernel)(*tuple(_d.values())))

</pallas_src>

<mosaic_0001>
#map = affine_map<(d0, d1) -> (0, 0)>
#map1 = affine_map<(d0, d1) -> (0)>
module attributes {stable_mosaic.version = 14 : i64} {
  func.func @_sc_winv_body(%arg0: i32, %arg1: i32, %arg2: memref<2x81920xf32, #tpu.memory_space<hbm>>, %arg3: memref<81920xf32, #tpu.memory_space<hbm>>, %arg4: memref<2560xf32, #tpu.memory_space<vmem>>, %arg5: memref<2560xf32, #tpu.memory_space<vmem>>, %arg6: memref<2560xf32, #tpu.memory_space<vmem>>) attributes {dimension_semantics = [#tpu.dimension_semantics<core_parallel>, #tpu.dimension_semantics<subcore_parallel>], iteration_bounds = array<i64: 2, 16>, scalar_prefetch = 0 : i64, scratch_operands = 3 : i64, tpu.core_type = #tpu.core_type<sc_vector_subcore>, window_params = [{transform_indices = #map}, {transform_indices = #map1}]} {
    %mul3A = arith.constant 16 : i32
    %mul3A_0 = arith.muli %arg0, %mul3A : i32
    %add3A = arith.addi %mul3A_0, %arg1 : i32
    %mul3A_1 = arith.constant 2560 : i32
    %mul3A_2 = arith.muli %add3A, %mul3A_1 : i32
    %run_scoped3A = arith.constant 0 : i32
    "tpu.region"() ({
      %run_scoped3A_10 = tpu.sem_alloc : memref<!tpu.dma_semaphore, #tpu.memory_space<semaphore_mem>>
      %dma_start3A = tpu.memref_slice %arg2[%run_scoped3A, %mul3A_2] : memref<2x81920xf32, #tpu.memory_space<hbm>> -> memref<1x2560xf32, #tpu.memory_space<hbm>>
      %dma_start3A_11 = tpu.memref_squeeze %dma_start3A : memref<1x2560xf32, #tpu.memory_space<hbm>> -> memref<2560xf32, #tpu.memory_space<hbm>>
      %dma_start3A_12 = tpu.memref_slice %arg2[%run_scoped3A, %mul3A_2] : memref<2x81920xf32, #tpu.memory_space<hbm>> -> memref<1x2560xf32, #tpu.memory_space<hbm>>
      %dma_start3A_13 = tpu.memref_squeeze %dma_start3A_12 : memref<1x2560xf32, #tpu.memory_space<hbm>> -> memref<2560xf32, #tpu.memory_space<hbm>>
      tpu.enqueue_dma source(%dma_start3A_13 : memref<2560xf32, #tpu.memory_space<hbm>>) target(%arg4 : memref<2560xf32, #tpu.memory_space<vmem>>) target_semaphore(%run_scoped3A_10 : memref<!tpu.dma_semaphore, #tpu.memory_space<semaphore_mem>>)
      %dma_wait3A = tpu.memref_slice %arg2[%run_scoped3A, %mul3A_2] : memref<2x81920xf32, #tpu.memory_space<hbm>> -> memref<1x2560xf32, #tpu.memory_space<hbm>>
      %dma_wait3A_14 = tpu.memref_squeeze %dma_wait3A : memref<1x2560xf32, #tpu.memory_space<hbm>> -> memref<2560xf32, #tpu.memory_space<hbm>>
      %dma_wait3A_15 = tpu.memref_slice %arg2[%run_scoped3A, %mul3A_2] : memref<2x81920xf32, #tpu.memory_space<hbm>> -> memref<1x2560xf32, #tpu.memory_space<hbm>>
      %dma_wait3A_16 = tpu.memref_squeeze %dma_wait3A_15 : memref<1x2560xf32, #tpu.memory_space<hbm>> -> memref<2560xf32, #tpu.memory_space<hbm>>
      tpu.wait_dma2 semaphore(%run_scoped3A_10 : memref<!tpu.dma_semaphore, #tpu.memory_space<semaphore_mem>>) src(%dma_wait3A_16 : memref<2560xf32, #tpu.memory_space<hbm>>) dst(%arg4 : memref<2560xf32, #tpu.memory_space<vmem>>)
      tpu.yield
    }) : () -> ()
    %run_scoped3A_3 = arith.constant 1 : i32
    "tpu.region"() ({
      %run_scoped3A_10 = tpu.sem_alloc : memref<!tpu.dma_semaphore, #tpu.memory_space<semaphore_mem>>
      %dma_start3A = tpu.memref_slice %arg2[%run_scoped3A_3, %mul3A_2] : memref<2x81920xf32, #tpu.memory_space<hbm>> -> memref<1x2560xf32, #tpu.memory_space<hbm>>
      %dma_start3A_11 = tpu.memref_squeeze %dma_start3A : memref<1x2560xf32, #tpu.memory_space<hbm>> -> memref<2560xf32, #tpu.memory_space<hbm>>
      %dma_start3A_12 = tpu.memref_slice %arg2[%run_scoped3A_3, %mul3A_2] : memref<2x81920xf32, #tpu.memory_space<hbm>> -> memref<1x2560xf32, #tpu.memory_space<hbm>>
      %dma_start3A_13 = tpu.memref_squeeze %dma_start3A_12 : memref<1x2560xf32, #tpu.memory_space<hbm>> -> memref<2560xf32, #tpu.memory_space<hbm>>
      tpu.enqueue_dma source(%dma_start3A_13 : memref<2560xf32, #tpu.memory_space<hbm>>) target(%arg5 : memref<2560xf32, #tpu.memory_space<vmem>>) target_semaphore(%run_scoped3A_10 : memref<!tpu.dma_semaphore, #tpu.memory_space<semaphore_mem>>)
      %dma_wait3A = tpu.memref_slice %arg2[%run_scoped3A_3, %mul3A_2] : memref<2x81920xf32, #tpu.memory_space<hbm>> -> memref<1x2560xf32, #tpu.memory_space<hbm>>
      %dma_wait3A_14 = tpu.memref_squeeze %dma_wait3A : memref<1x2560xf32, #tpu.memory_space<hbm>> -> memref<2560xf32, #tpu.memory_space<hbm>>
      %dma_wait3A_15 = tpu.memref_slice %arg2[%run_scoped3A_3, %mul3A_2] : memref<2x81920xf32, #tpu.memory_space<hbm>> -> memref<1x2560xf32, #tpu.memory_space<hbm>>
      %dma_wait3A_16 = tpu.memref_squeeze %dma_wait3A_15 : memref<1x2560xf32, #tpu.memory_space<hbm>> -> memref<2560xf32, #tpu.memory_space<hbm>>
      tpu.wait_dma2 semaphore(%run_scoped3A_10 : memref<!tpu.dma_semaphore, #tpu.memory_space<semaphore_mem>>) src(%dma_wait3A_16 : memref<2560xf32, #tpu.memory_space<hbm>>) dst(%arg5 : memref<2560xf32, #tpu.memory_space<vmem>>)
      tpu.yield
    }) : () -> ()
    %iota3A = tpu.iota {dimensions = array<i32: 0>} : vector<16xi32>
    %scan3A = arith.constant 0 : i32
    %scan3A_4 = arith.constant 0 : i32
    %scan3A_5 = arith.constant 160 : i32
    %scan3A_6 = arith.addi %scan3A_4, %scan3A_5 : i32
    %scan3A_7 = arith.constant 1 : i32
    %scan3A_8 = scf.for %scan3A_10 = %scan3A_4 to %scan3A_6 step %scan3A_7 iter_args(%scan3A_11 = %scan3A) -> (i32)  : i32 {
      %mul3A_12 = arith.constant 16 : i32
      %mul3A_13 = arith.muli %scan3A_10, %mul3A_12 : i32
      %get3A = arith.index_cast %mul3A_13 : i32 to index
      %get3A_14 = tpu.vector_load %arg4[%get3A] {strides = array<i32>} : memref<2560xf32, #tpu.memory_space<vmem>>, vector<16xf32>,
      %get3A_15 = vector.shape_cast %get3A_14 : vector<16xf32> to vector<16xf32>
      %mul3A_16 = arith.constant 16 : i32
      %mul3A_17 = arith.muli %scan3A_10, %mul3A_16 : i32
      %get3A_18 = arith.index_cast %mul3A_17 : i32 to index
      %get3A_19 = tpu.vector_load %arg5[%get3A_18] {strides = array<i32>} : memref<2560xf32, #tpu.memory_space<vmem>>, vector<16xf32>,
      %get3A_20 = vector.shape_cast %get3A_19 : vector<16xf32> to vector<16xf32>
      %add3A_21 = arith.addf %get3A_15, %get3A_20 : vector<16xf32>
      %max3A = arith.constant 1.000000e+00 : f32
      %max3A_22 = vector.broadcast %max3A : f32 to vector<16xf32>
      %max3A_23 = arith.maximumf %add3A_21, %max3A_22 : vector<16xf32>
      %div3A = arith.constant 1.000000e+00 : f32
      %div3A_24 = vector.broadcast %div3A : f32 to vector<16xf32>
      %div3A_25 = arith.divf %div3A_24, %max3A_23 : vector<16xf32>
      %mul3A_26 = arith.constant 16 : i32
      %mul3A_27 = arith.muli %scan3A_10, %mul3A_26 : i32
      %add3A_28 = arith.addi %mul3A_2, %mul3A_27 : i32
      %add3A_29 = vector.broadcast %add3A_28 : i32 to vector<16xi32>
      %add3A_30 = arith.addi %add3A_29, %iota3A : vector<16xi32>
      %lt3A = arith.constant 80000 : i32
      %lt3A_31 = vector.broadcast %lt3A : i32 to vector<16xi32>
      %lt3A_32 = arith.cmpi slt, %add3A_30, %lt3A_31 : vector<16xi32>
      %jit3A = arith.constant 0.000000e+00 : f32
      %broadcast_in_dim3A = vector.broadcast %jit3A : f32 to vector<16xf32>
      %select_n3A = arith.select %lt3A_32, %div3A_25, %broadcast_in_dim3A : vector<16xi1>, vector<16xf32>
      %mul3A_33 = arith.constant 16 : i32
      %mul3A_34 = arith.muli %scan3A_10, %mul3A_33 : i32
      %swap3A = arith.index_cast %mul3A_34 : i32 to index
      %swap3A_35 = tpu.vector_load %arg6[%swap3A] {strides = array<i32>} : memref<2560xf32, #tpu.memory_space<vmem>>, vector<16xf32>,
      %swap3A_36 = vector.shape_cast %swap3A_35 : vector<16xf32> to vector<16xf32>
      %swap3A_37 = vector.shape_cast %select_n3A : vector<16xf32> to vector<16xf32>
      tpu.vector_store %arg6[%swap3A], %swap3A_37 {strides = array<i32>} : memref<2560xf32, #tpu.memory_space<vmem>>, vector<16xf32>,
      %scan3A_38 = arith.constant 0 : i32
      scf.yield %scan3A_38 : i32
    }
    %scan3A_9 = arith.constant 160 : i32
    "tpu.region"() ({
      %run_scoped3A_10 = tpu.sem_alloc : memref<!tpu.dma_semaphore, #tpu.memory_space<semaphore_mem>>
      %dma_start3A = tpu.memref_slice %arg3[%mul3A_2] : memref<81920xf32, #tpu.memory_space<hbm>> -> memref<2560xf32, #tpu.memory_space<hbm>>
      %dma_start3A_11 = tpu.memref_slice %arg3[%mul3A_2] : memref<81920xf32, #tpu.memory_space<hbm>> -> memref<2560xf32, #tpu.memory_space<hbm>>
      tpu.enqueue_dma source(%arg6 : memref<2560xf32, #tpu.memory_space<vmem>>) target(%dma_start3A_11 : memref<2560xf32, #tpu.memory_space<hbm>>) target_semaphore(%run_scoped3A_10 : memref<!tpu.dma_semaphore, #tpu.memory_space<semaphore_mem>>)
      %dma_wait3A = tpu.memref_slice %arg3[%mul3A_2] : memref<81920xf32, #tpu.memory_space<hbm>> -> memref<2560xf32, #tpu.memory_space<hbm>>
      %dma_wait3A_12 = tpu.memref_slice %arg3[%mul3A_2] : memref<81920xf32, #tpu.memory_space<hbm>> -> memref<2560xf32, #tpu.memory_space<hbm>>
      tpu.wait_dma2 semaphore(%run_scoped3A_10 : memref<!tpu.dma_semaphore, #tpu.memory_space<semaphore_mem>>) src(%arg6 : memref<2560xf32, #tpu.memory_space<vmem>>) dst(%dma_wait3A_12 : memref<2560xf32, #tpu.memory_space<hbm>>)
      tpu.yield
    }) : () -> ()
    return
  }
}

#map = affine_map<(d0, d1) -> (0, 0)>
#map1 = affine_map<(d0, d1) -> (0)>
#map2 = affine_map<(d0, d1) -> (0, 0, 0)>
module attributes {stable_mosaic.version = 14 : i64} {
  func.func @_sc_edge_body(%arg0: i32, %arg1: i32, %arg2: memref<90000x128xf32, #tpu.memory_space<hbm>>, %arg3: memref<327680xi32, #tpu.memory_space<hbm>>, %arg4: memref<327680xi32, #tpu.memory_space<hbm>>, %arg5: memref<327680xi32, #tpu.memory_space<hbm>>, %arg6: memref<81920xf32, #tpu.memory_space<hbm>>, %arg7: memref<2x10240x128xf32, #tpu.memory_space<hbm>>, %arg8: memref<128x128xf32, #tpu.memory_space<vmem>>, %arg9: memref<128xi32, #tpu.memory_space<vmem>>, %arg10: memref<128xi32, #tpu.memory_space<vmem>>, %arg11: memref<128xi32, #tpu.memory_space<vmem>>, %arg12: memref<128xf32, #tpu.memory_space<vmem>>, %arg13: memref<81920xf32, #tpu.memory_space<vmem_shared>>, %arg14: memref<10240x128xf32, #tpu.memory_space<vmem_shared>>, %arg15: memref<!tpu.dma_semaphore, #tpu.memory_space<semaphore_mem>>) attributes {dimension_semantics = [#tpu.dimension_semantics<core_parallel>, #tpu.dimension_semantics<subcore_parallel>], iteration_bounds = array<i64: 2, 16>, scalar_prefetch = 0 : i64, scratch_operands = 8 : i64, tpu.core_type = #tpu.core_type<sc_vector_subcore>, window_params = [{transform_indices = #map}, {transform_indices = #map1}, {transform_indices = #map1}, {transform_indices = #map1}, {transform_indices = #map1}, {transform_indices = #map2}]} {
    %mul3A = arith.constant 16 : i32
    %mul3A_0 = arith.muli %arg0, %mul3A : i32
    %add3A = arith.addi %mul3A_0, %arg1 : i32
    %mul3A_1 = arith.constant 5120 : i32
    %mul3A_2 = arith.muli %arg1, %mul3A_1 : i32
    %mul3A_3 = arith.constant 5120 : i32
    %mul3A_4 = arith.muli %arg1, %mul3A_3 : i32
    "tpu.region"() ({
      %run_scoped3A = tpu.sem_alloc : memref<!tpu.dma_semaphore, #tpu.memory_space<semaphore_mem>>
      %dma_start3A = tpu.memref_slice %arg13[%mul3A_4] : memref<81920xf32, #tpu.memory_space<vmem_shared>> -> memref<5120xf32, #tpu.memory_space<vmem_shared>>
      %dma_start3A_46 = tpu.memref_slice %arg6[%mul3A_2] : memref<81920xf32, #tpu.memory_space<hbm>> -> memref<5120xf32, #tpu.memory_space<hbm>>
      tpu.enqueue_dma source(%dma_start3A_46 : memref<5120xf32, #tpu.memory_space<hbm>>) target(%dma_start3A : memref<5120xf32, #tpu.memory_space<vmem_shared>>) target_semaphore(%run_scoped3A : memref<!tpu.dma_semaphore, #tpu.memory_space<semaphore_mem>>)
      %dma_wait3A = tpu.memref_slice %arg13[%mul3A_4] : memref<81920xf32, #tpu.memory_space<vmem_shared>> -> memref<5120xf32, #tpu.memory_space<vmem_shared>>
      %dma_wait3A_47 = tpu.memref_slice %arg6[%mul3A_2] : memref<81920xf32, #tpu.memory_space<hbm>> -> memref<5120xf32, #tpu.memory_space<hbm>>
      tpu.wait_dma2 semaphore(%run_scoped3A : memref<!tpu.dma_semaphore, #tpu.memory_space<semaphore_mem>>) src(%dma_wait3A_47 : memref<5120xf32, #tpu.memory_space<hbm>>) dst(%dma_wait3A : memref<5120xf32, #tpu.memory_space<vmem_shared>>)
      tpu.yield
    }) : () -> ()
    %broadcast_in_dim3A = arith.constant 0.000000e+00 : f32
    %broadcast_in_dim3A_5 = vector.broadcast %broadcast_in_dim3A : f32 to vector<16xf32>
    %scan3A = arith.constant 0 : i32
    %scan3A_6 = arith.constant 0 : i32
    %scan3A_7 = arith.constant 128 : i32
    %scan3A_8 = arith.addi %scan3A_6, %scan3A_7 : i32
    %scan3A_9 = arith.constant 1 : i32
    %scan3A_10 = scf.for %scan3A_46 = %scan3A_6 to %scan3A_8 step %scan3A_9 iter_args(%scan3A_47 = %scan3A) -> (i32)  : i32 {
      %swap3A = arith.index_cast %scan3A_46 : i32 to index
      %swap3A_48 = arith.constant 0 : index
      %swap3A_49 = tpu.vector_load %arg8[%swap3A, %swap3A_48] {strides = array<i32>} : memref<128x128xf32, #tpu.memory_space<vmem>>, vector<16xf32>,
      tpu.vector_store %arg8[%swap3A, %swap3A_48], %broadcast_in_dim3A_5 {strides = array<i32>} : memref<128x128xf32, #tpu.memory_space<vmem>>, vector<16xf32>,
      %swap3A_50 = arith.index_cast %scan3A_46 : i32 to index
      %swap3A_51 = arith.constant 16 : index
      %swap3A_52 = tpu.vector_load %arg8[%swap3A_50, %swap3A_51] {strides = array<i32>} : memref<128x128xf32, #tpu.memory_space<vmem>>, vector<16xf32>,
      tpu.vector_store %arg8[%swap3A_50, %swap3A_51], %broadcast_in_dim3A_5 {strides = array<i32>} : memref<128x128xf32, #tpu.memory_space<vmem>>, vector<16xf32>,
      %swap3A_53 = arith.index_cast %scan3A_46 : i32 to index
      %swap3A_54 = arith.constant 32 : index
      %swap3A_55 = tpu.vector_load %arg8[%swap3A_53, %swap3A_54] {strides = array<i32>} : memref<128x128xf32, #tpu.memory_space<vmem>>, vector<16xf32>,
      tpu.vector_store %arg8[%swap3A_53, %swap3A_54], %broadcast_in_dim3A_5 {strides = array<i32>} : memref<128x128xf32, #tpu.memory_space<vmem>>, vector<16xf32>,
      %swap3A_56 = arith.index_cast %scan3A_46 : i32 to index
      %swap3A_57 = arith.constant 48 : index
      %swap3A_58 = tpu.vector_load %arg8[%swap3A_56, %swap3A_57] {strides = array<i32>} : memref<128x128xf32, #tpu.memory_space<vmem>>, vector<16xf32>,
      tpu.vector_store %arg8[%swap3A_56, %swap3A_57], %broadcast_in_dim3A_5 {strides = array<i32>} : memref<128x128xf32, #tpu.memory_space<vmem>>, vector<16xf32>,
      %swap3A_59 = arith.index_cast %scan3A_46 : i32 to index
      %swap3A_60 = arith.constant 64 : index
      %swap3A_61 = tpu.vector_load %arg8[%swap3A_59, %swap3A_60] {strides = array<i32>} : memref<128x128xf32, #tpu.memory_space<vmem>>, vector<16xf32>,
      tpu.vector_store %arg8[%swap3A_59, %swap3A_60], %broadcast_in_dim3A_5 {strides = array<i32>} : memref<128x128xf32, #tpu.memory_space<vmem>>, vector<16xf32>,
      %swap3A_62 = arith.index_cast %scan3A_46 : i32 to index
      %swap3A_63 = arith.constant 80 : index
      %swap3A_64 = tpu.vector_load %arg8[%swap3A_62, %swap3A_63] {strides = array<i32>} : memref<128x128xf32, #tpu.memory_space<vmem>>, vector<16xf32>,
      tpu.vector_store %arg8[%swap3A_62, %swap3A_63], %broadcast_in_dim3A_5 {strides = array<i32>} : memref<128x128xf32, #tpu.memory_space<vmem>>, vector<16xf32>,
      %swap3A_65 = arith.index_cast %scan3A_46 : i32 to index
      %swap3A_66 = arith.constant 96 : index
      %swap3A_67 = tpu.vector_load %arg8[%swap3A_65, %swap3A_66] {strides = array<i32>} : memref<128x128xf32, #tpu.memory_space<vmem>>, vector<16xf32>,
      tpu.vector_store %arg8[%swap3A_65, %swap3A_66], %broadcast_in_dim3A_5 {strides = array<i32>} : memref<128x128xf32, #tpu.memory_space<vmem>>, vector<16xf32>,
      %swap3A_68 = arith.index_cast %scan3A_46 : i32 to index
      %swap3A_69 = arith.constant 112 : index
      %swap3A_70 = tpu.vector_load %arg8[%swap3A_68, %swap3A_69] {strides = array<i32>} : memref<128x128xf32, #tpu.memory_space<vmem>>, vector<16xf32>,
      tpu.vector_store %arg8[%swap3A_68, %swap3A_69], %broadcast_in_dim3A_5 {strides = array<i32>} : memref<128x128xf32, #tpu.memory_space<vmem>>, vector<16xf32>,
      %scan3A_71 = arith.constant 0 : i32
      scf.yield %scan3A_71 : i32
    }
    %scan3A_11 = arith.constant 128 : i32
    %mul3A_12 = arith.constant 640 : i32
    %mul3A_13 = arith.muli %arg1, %mul3A_12 : i32
    %add3A_14 = arith.constant 0 : i32
    %add3A_15 = arith.addi %mul3A_13, %add3A_14 : i32
    "tpu.region"() ({
      %run_scoped3A = tpu.sem_alloc : memref<!tpu.dma_semaphore, #tpu.memory_space<semaphore_mem>>
      %dma_start3A = arith.constant 0 : i32
      %dma_start3A_46 = tpu.memref_slice %arg14[%add3A_15, %dma_start3A] : memref<10240x128xf32, #tpu.memory_space<vmem_shared>> -> memref<128x128xf32, #tpu.memory_space<vmem_shared>>
      %dma_start3A_47 = arith.constant 0 : i32
      %dma_start3A_48 = tpu.memref_slice %arg14[%add3A_15, %dma_start3A_47] : memref<10240x128xf32, #tpu.memory_space<vmem_shared>> -> memref<128x128xf32, #tpu.memory_space<vmem_shared>>
      tpu.enqueue_dma source(%arg8 : memref<128x128xf32, #tpu.memory_space<vmem>>) target(%dma_start3A_48 : memref<128x128xf32, #tpu.memory_space<vmem_shared>>) target_semaphore(%run_scoped3A : memref<!tpu.dma_semaphore, #tpu.memory_space<semaphore_mem>>)
      %dma_wait3A = arith.constant 0 : i32
      %dma_wait3A_49 = tpu.memref_slice %arg14[%add3A_15, %dma_wait3A] : memref<10240x128xf32, #tpu.memory_space<vmem_shared>> -> memref<128x128xf32, #tpu.memory_space<vmem_shared>>
      %dma_wait3A_50 = arith.constant 0 : i32
      %dma_wait3A_51 = tpu.memref_slice %arg14[%add3A_15, %dma_wait3A_50] : memref<10240x128xf32, #tpu.memory_space<vmem_shared>> -> memref<128x128xf32, #tpu.memory_space<vmem_shared>>
      tpu.wait_dma2 semaphore(%run_scoped3A : memref<!tpu.dma_semaphore, #tpu.memory_space<semaphore_mem>>) src(%arg8 : memref<128x128xf32, #tpu.memory_space<vmem>>) dst(%dma_wait3A_51 : memref<128x128xf32, #tpu.memory_space<vmem_shared>>)
      tpu.yield
    }) : () -> ()
    %mul3A_16 = arith.constant 640 : i32
    %mul3A_17 = arith.muli %arg1, %mul3A_16 : i32
    %add3A_18 = arith.constant 128 : i32
    %add3A_19 = arith.addi %mul3A_17, %add3A_18 : i32
    "tpu.region"() ({
      %run_scoped3A = tpu.sem_alloc : memref<!tpu.dma_semaphore, #tpu.memory_space<semaphore_mem>>
      %dma_start3A = arith.constant 0 : i32
      %dma_start3A_46 = tpu.memref_slice %arg14[%add3A_19, %dma_start3A] : memref<10240x128xf32, #tpu.memory_space<vmem_shared>> -> memref<128x128xf32, #tpu.memory_space<vmem_shared>>
      %dma_start3A_47 = arith.constant 0 : i32
      %dma_start3A_48 = tpu.memref_slice %arg14[%add3A_19, %dma_start3A_47] : memref<10240x128xf32, #tpu.memory_space<vmem_shared>> -> memref<128x128xf32, #tpu.memory_space<vmem_shared>>
      tpu.enqueue_dma source(%arg8 : memref<128x128xf32, #tpu.memory_space<vmem>>) target(%dma_start3A_48 : memref<128x128xf32, #tpu.memory_space<vmem_shared>>) target_semaphore(%run_scoped3A : memref<!tpu.dma_semaphore, #tpu.memory_space<semaphore_mem>>)
      %dma_wait3A = arith.constant 0 : i32
      %dma_wait3A_49 = tpu.memref_slice %arg14[%add3A_19, %dma_wait3A] : memref<10240x128xf32, #tpu.memory_space<vmem_shared>> -> memref<128x128xf32, #tpu.memory_space<vmem_shared>>
      %dma_wait3A_50 = arith.constant 0 : i32
      %dma_wait3A_51 = tpu.memref_slice %arg14[%add3A_19, %dma_wait3A_50] : memref<10240x128xf32, #tpu.memory_space<vmem_shared>> -> memref<128x128xf32, #tpu.memory_space<vmem_shared>>
      tpu.wait_dma2 semaphore(%run_scoped3A : memref<!tpu.dma_semaphore, #tpu.memory_space<semaphore_mem>>) src(%arg8 : memref<128x128xf32, #tpu.memory_space<vmem>>) dst(%dma_wait3A_51 : memref<128x128xf32, #tpu.memory_space<vmem_shared>>)
      tpu.yield
    }) : () -> ()
    %mul3A_20 = arith.constant 640 : i32
    %mul3A_21 = arith.muli %arg1, %mul3A_20 : i32
    %add3A_22 = arith.constant 256 : i32
    %add3A_23 = arith.addi %mul3A_21, %add3A_22 : i32
    "tpu.region"() ({
      %run_scoped3A = tpu.sem_alloc : memref<!tpu.dma_semaphore, #tpu.memory_space<semaphore_mem>>
      %dma_start3A = arith.constant 0 : i32
      %dma_start3A_46 = tpu.memref_slice %arg14[%add3A_23, %dma_start3A] : memref<10240x128xf32, #tpu.memory_space<vmem_shared>> -> memref<128x128xf32, #tpu.memory_space<vmem_shared>>
      %dma_start3A_47 = arith.constant 0 : i32
      %dma_start3A_48 = tpu.memref_slice %arg14[%add3A_23, %dma_start3A_47] : memref<10240x128xf32, #tpu.memory_space<vmem_shared>> -> memref<128x128xf32, #tpu.memory_space<vmem_shared>>
      tpu.enqueue_dma source(%arg8 : memref<128x128xf32, #tpu.memory_space<vmem>>) target(%dma_start3A_48 : memref<128x128xf32, #tpu.memory_space<vmem_shared>>) target_semaphore(%run_scoped3A : memref<!tpu.dma_semaphore, #tpu.memory_space<semaphore_mem>>)
      %dma_wait3A = arith.constant 0 : i32
      %dma_wait3A_49 = tpu.memref_slice %arg14[%add3A_23, %dma_wait3A] : memref<10240x128xf32, #tpu.memory_space<vmem_shared>> -> memref<128x128xf32, #tpu.memory_space<vmem_shared>>
      %dma_wait3A_50 = arith.constant 0 : i32
      %dma_wait3A_51 = tpu.memref_slice %arg14[%add3A_23, %dma_wait3A_50] : memref<10240x128xf32, #tpu.memory_space<vmem_shared>> -> memref<128x128xf32, #tpu.memory_space<vmem_shared>>
      tpu.wait_dma2 semaphore(%run_scoped3A : memref<!tpu.dma_semaphore, #tpu.memory_space<semaphore_mem>>) src(%arg8 : memref<128x128xf32, #tpu.memory_space<vmem>>) dst(%dma_wait3A_51 : memref<128x128xf32, #tpu.memory_space<vmem_shared>>)
      tpu.yield
    }) : () -> ()
    %mul3A_24 = arith.constant 640 : i32
    %mul3A_25 = arith.muli %arg1, %mul3A_24 : i32
    %add3A_26 = arith.constant 384 : i32
    %add3A_27 = arith.addi %mul3A_25, %add3A_26 : i32
    "tpu.region"() ({
      %run_scoped3A = tpu.sem_alloc : memref<!tpu.dma_semaphore, #tpu.memory_space<semaphore_mem>>
      %dma_start3A = arith.constant 0 : i32
      %dma_start3A_46 = tpu.memref_slice %arg14[%add3A_27, %dma_start3A] : memref<10240x128xf32, #tpu.memory_space<vmem_shared>> -> memref<128x128xf32, #tpu.memory_space<vmem_shared>>
      %dma_start3A_47 = arith.constant 0 : i32
      %dma_start3A_48 = tpu.memref_slice %arg14[%add3A_27, %dma_start3A_47] : memref<10240x128xf32, #tpu.memory_space<vmem_shared>> -> memref<128x128xf32, #tpu.memory_space<vmem_shared>>
      tpu.enqueue_dma source(%arg8 : memref<128x128xf32, #tpu.memory_space<vmem>>) target(%dma_start3A_48 : memref<128x128xf32, #tpu.memory_space<vmem_shared>>) target_semaphore(%run_scoped3A : memref<!tpu.dma_semaphore, #tpu.memory_space<semaphore_mem>>)
      %dma_wait3A = arith.constant 0 : i32
      %dma_wait3A_49 = tpu.memref_slice %arg14[%add3A_27, %dma_wait3A] : memref<10240x128xf32, #tpu.memory_space<vmem_shared>> -> memref<128x128xf32, #tpu.memory_space<vmem_shared>>
      %dma_wait3A_50 = arith.constant 0 : i32
      %dma_wait3A_51 = tpu.memref_slice %arg14[%add3A_27, %dma_wait3A_50] : memref<10240x128xf32, #tpu.memory_space<vmem_shared>> -> memref<128x128xf32, #tpu.memory_space<vmem_shared>>
      tpu.wait_dma2 semaphore(%run_scoped3A : memref<!tpu.dma_semaphore, #tpu.memory_space<semaphore_mem>>) src(%arg8 : memref<128x128xf32, #tpu.memory_space<vmem>>) dst(%dma_wait3A_51 : memref<128x128xf32, #tpu.memory_space<vmem_shared>>)
      tpu.yield
    }) : () -> ()
    %mul3A_28 = arith.constant 640 : i32
    %mul3A_29 = arith.muli %arg1, %mul3A_28 : i32
    %add3A_30 = arith.constant 512 : i32
    %add3A_31 = arith.addi %mul3A_29, %add3A_30 : i32
    "tpu.region"() ({
      %run_scoped3A = tpu.sem_alloc : memref<!tpu.dma_semaphore, #tpu.memory_space<semaphore_mem>>
      %dma_start3A = arith.constant 0 : i32
      %dma_start3A_46 = tpu.memref_slice %arg14[%add3A_31, %dma_start3A] : memref<10240x128xf32, #tpu.memory_space<vmem_shared>> -> memref<128x128xf32, #tpu.memory_space<vmem_shared>>
      %dma_start3A_47 = arith.constant 0 : i32
      %dma_start3A_48 = tpu.memref_slice %arg14[%add3A_31, %dma_start3A_47] : memref<10240x128xf32, #tpu.memory_space<vmem_shared>> -> memref<128x128xf32, #tpu.memory_space<vmem_shared>>
      tpu.enqueue_dma source(%arg8 : memref<128x128xf32, #tpu.memory_space<vmem>>) target(%dma_start3A_48 : memref<128x128xf32, #tpu.memory_space<vmem_shared>>) target_semaphore(%run_scoped3A : memref<!tpu.dma_semaphore, #tpu.memory_space<semaphore_mem>>)
      %dma_wait3A = arith.constant 0 : i32
      %dma_wait3A_49 = tpu.memref_slice %arg14[%add3A_31, %dma_wait3A] : memref<10240x128xf32, #tpu.memory_space<vmem_shared>> -> memref<128x128xf32, #tpu.memory_space<vmem_shared>>
      %dma_wait3A_50 = arith.constant 0 : i32
      %dma_wait3A_51 = tpu.memref_slice %arg14[%add3A_31, %dma_wait3A_50] : memref<10240x128xf32, #tpu.memory_space<vmem_shared>> -> memref<128x128xf32, #tpu.memory_space<vmem_shared>>
      tpu.wait_dma2 semaphore(%run_scoped3A : memref<!tpu.dma_semaphore, #tpu.memory_space<semaphore_mem>>) src(%arg8 : memref<128x128xf32, #tpu.memory_space<vmem>>) dst(%dma_wait3A_51 : memref<128x128xf32, #tpu.memory_space<vmem_shared>>)
      tpu.yield
    }) : () -> ()
    %barrier3A = arith.constant 0 : index
    tpu.barrier barrier_id(%barrier3A)
    %mul3A_32 = arith.constant 10240 : i32
    %mul3A_33 = arith.muli %add3A, %mul3A_32 : i32
    %iota3A = tpu.iota {dimensions = array<i32: 0>} : vector<16xi32>
    %scan3A_34 = arith.constant 0 : i32
    %scan3A_35 = arith.constant 0 : i32
    %scan3A_36 = arith.constant 80 : i32
    %scan3A_37 = arith.addi %scan3A_35, %scan3A_36 : i32
    %scan3A_38 = arith.constant 1 : i32
    %scan3A_39 = scf.for %scan3A_46 = %scan3A_35 to %scan3A_37 step %scan3A_38 iter_args(%scan3A_47 = %scan3A_34) -> (i32)  : i32 {
      %mul3A_48 = arith.constant 128 : i32
      %mul3A_49 = arith.muli %scan3A_46, %mul3A_48 : i32
      %add3A_50 = arith.addi %mul3A_33, %mul3A_49 : i32
      "tpu.region"() ({
        %run_scoped3A = tpu.sem_alloc : memref<!tpu.dma_semaphore, #tpu.memory_space<semaphore_mem>>
        %dma_start3A_63 = tpu.memref_slice %arg3[%add3A_50] : memref<327680xi32, #tpu.memory_space<hbm>> -> memref<128xi32, #tpu.memory_space<hbm>>
        %dma_start3A_64 = tpu.memref_slice %arg3[%add3A_50] : memref<327680xi32, #tpu.memory_space<hbm>> -> memref<128xi32, #tpu.memory_space<hbm>>
        tpu.enqueue_dma source(%dma_start3A_64 : memref<128xi32, #tpu.memory_space<hbm>>) target(%arg9 : memref<128xi32, #tpu.memory_space<vmem>>) target_semaphore(%run_scoped3A : memref<!tpu.dma_semaphore, #tpu.memory_space<semaphore_mem>>)
        %dma_wait3A_65 = tpu.memref_slice %arg3[%add3A_50] : memref<327680xi32, #tpu.memory_space<hbm>> -> memref<128xi32, #tpu.memory_space<hbm>>
        %dma_wait3A_66 = tpu.memref_slice %arg3[%add3A_50] : memref<327680xi32, #tpu.memory_space<hbm>> -> memref<128xi32, #tpu.memory_space<hbm>>
        tpu.wait_dma2 semaphore(%run_scoped3A : memref<!tpu.dma_semaphore, #tpu.memory_space<semaphore_mem>>) src(%dma_wait3A_66 : memref<128xi32, #tpu.memory_space<hbm>>) dst(%arg9 : memref<128xi32, #tpu.memory_space<vmem>>)
        tpu.yield
      }) : () -> ()
      "tpu.region"() ({
        %run_scoped3A = tpu.sem_alloc : memref<!tpu.dma_semaphore, #tpu.memory_space<semaphore_mem>>
        %dma_start3A_63 = tpu.memref_slice %arg5[%add3A_50] : memref<327680xi32, #tpu.memory_space<hbm>> -> memref<128xi32, #tpu.memory_space<hbm>>
        %dma_start3A_64 = tpu.memref_slice %arg5[%add3A_50] : memref<327680xi32, #tpu.memory_space<hbm>> -> memref<128xi32, #tpu.memory_space<hbm>>
        tpu.enqueue_dma source(%dma_start3A_64 : memref<128xi32, #tpu.memory_space<hbm>>) target(%arg11 : memref<128xi32, #tpu.memory_space<vmem>>) target_semaphore(%run_scoped3A : memref<!tpu.dma_semaphore, #tpu.memory_space<semaphore_mem>>)
        %dma_wait3A_65 = tpu.memref_slice %arg5[%add3A_50] : memref<327680xi32, #tpu.memory_space<hbm>> -> memref<128xi32, #tpu.memory_space<hbm>>
        %dma_wait3A_66 = tpu.memref_slice %arg5[%add3A_50] : memref<327680xi32, #tpu.memory_space<hbm>> -> memref<128xi32, #tpu.memory_space<hbm>>
        tpu.wait_dma2 semaphore(%run_scoped3A : memref<!tpu.dma_semaphore, #tpu.memory_space<semaphore_mem>>) src(%dma_wait3A_66 : memref<128xi32, #tpu.memory_space<hbm>>) dst(%arg11 : memref<128xi32, #tpu.memory_space<vmem>>)
        tpu.yield
      }) : () -> ()
      "tpu.region"() ({
        %run_scoped3A = tpu.sem_alloc : memref<!tpu.dma_semaphore, #tpu.memory_space<semaphore_mem>>
        %dma_start3A_63 = tpu.memref_slice %arg4[%add3A_50] : memref<327680xi32, #tpu.memory_space<hbm>> -> memref<128xi32, #tpu.memory_space<hbm>>
        %dma_start3A_64 = tpu.memref_slice %arg4[%add3A_50] : memref<327680xi32, #tpu.memory_space<hbm>> -> memref<128xi32, #tpu.memory_space<hbm>>
        tpu.enqueue_dma source(%dma_start3A_64 : memref<128xi32, #tpu.memory_space<hbm>>) target(%arg10 : memref<128xi32, #tpu.memory_space<vmem>>) target_semaphore(%run_scoped3A : memref<!tpu.dma_semaphore, #tpu.memory_space<semaphore_mem>>)
        %dma_wait3A_65 = tpu.memref_slice %arg4[%add3A_50] : memref<327680xi32, #tpu.memory_space<hbm>> -> memref<128xi32, #tpu.memory_space<hbm>>
        %dma_wait3A_66 = tpu.memref_slice %arg4[%add3A_50] : memref<327680xi32, #tpu.memory_space<hbm>> -> memref<128xi32, #tpu.memory_space<hbm>>
        tpu.wait_dma2 semaphore(%run_scoped3A : memref<!tpu.dma_semaphore, #tpu.memory_space<semaphore_mem>>) src(%dma_wait3A_66 : memref<128xi32, #tpu.memory_space<hbm>>) dst(%arg10 : memref<128xi32, #tpu.memory_space<vmem>>)
        tpu.yield
      }) : () -> ()
      %dma_start3A = arith.constant 0 : i32
      %dma_start3A_51 = arith.constant 0 : i32
      %dma_start3A_52 = tpu.memref_slice %arg2[%dma_start3A, %dma_start3A_51] : memref<90000x128xf32, #tpu.memory_space<hbm>> -> memref<90000x128xf32, #tpu.memory_space<hbm>>
      tpu.enqueue_indirect_dma source(%dma_start3A_52 : memref<90000x128xf32, #tpu.memory_space<hbm>>) target(%arg8 : memref<128x128xf32, #tpu.memory_space<vmem>>) offsets(%arg9 : memref<128xi32, #tpu.memory_space<vmem>>) semaphore(%arg15 : memref<!tpu.dma_semaphore, #tpu.memory_space<semaphore_mem>>)
      %dma_wait3A = arith.constant 0 : i32
      %dma_wait3A_53 = arith.constant 0 : i32
      %dma_wait3A_54 = tpu.memref_slice %arg2[%dma_wait3A, %dma_wait3A_53] : memref<90000x128xf32, #tpu.memory_space<hbm>> -> memref<90000x128xf32, #tpu.memory_space<hbm>>
      tpu.wait_indirect_dma semaphore(%arg15 : memref<!tpu.dma_semaphore, #tpu.memory_space<semaphore_mem>>) src(%dma_wait3A_54 : memref<90000x128xf32, #tpu.memory_space<hbm>>) dst(%arg8 : memref<128x128xf32, #tpu.memory_space<vmem>>)
      "tpu.region"() ({
        %run_scoped3A = tpu.sem_alloc : memref<!tpu.dma_semaphore, #tpu.memory_space<semaphore_mem>>
        %dma_start3A_63 = arith.constant 0 : i32
        %dma_start3A_64 = tpu.memref_slice %arg13[%dma_start3A_63] : memref<81920xf32, #tpu.memory_space<vmem_shared>> -> memref<81920xf32, #tpu.memory_space<vmem_shared>>
        tpu.enqueue_indirect_dma source(%dma_start3A_64 : memref<81920xf32, #tpu.memory_space<vmem_shared>>) target(%arg12 : memref<128xf32, #tpu.memory_space<vmem>>) offsets(%arg11 : memref<128xi32, #tpu.memory_space<vmem>>) semaphore(%run_scoped3A : memref<!tpu.dma_semaphore, #tpu.memory_space<semaphore_mem>>)
        %dma_wait3A_65 = arith.constant 0 : i32
        %dma_wait3A_66 = tpu.memref_slice %arg13[%dma_wait3A_65] : memref<81920xf32, #tpu.memory_space<vmem_shared>> -> memref<81920xf32, #tpu.memory_space<vmem_shared>>
        tpu.wait_indirect_dma semaphore(%run_scoped3A : memref<!tpu.dma_semaphore, #tpu.memory_space<semaphore_mem>>) src(%dma_wait3A_66 : memref<81920xf32, #tpu.memory_space<vmem_shared>>) dst(%arg12 : memref<128xf32, #tpu.memory_space<vmem>>)
        tpu.yield
      }) : () -> ()
      %scan3A_55 = arith.constant 0 : i32
      %scan3A_56 = arith.constant 0 : i32
      %scan3A_57 = arith.constant 8 : i32
      %scan3A_58 = arith.addi %scan3A_56, %scan3A_57 : i32
      %scan3A_59 = arith.constant 1 : i32
      %scan3A_60 = scf.for %scan3A_63 = %scan3A_56 to %scan3A_58 step %scan3A_59 iter_args(%scan3A_64 = %scan3A_55) -> (i32)  : i32 {
        %mul3A_65 = arith.constant 16 : i32
        %mul3A_66 = arith.muli %scan3A_63, %mul3A_65 : i32
        %add3A_67 = vector.broadcast %mul3A_66 : i32 to vector<16xi32>
        %add3A_68 = arith.addi %add3A_67, %iota3A : vector<16xi32>
        %mul3A_69 = arith.constant 16 : i32
        %mul3A_70 = arith.muli %scan3A_63, %mul3A_69 : i32
        %get3A = arith.index_cast %mul3A_70 : i32 to index
        %get3A_71 = tpu.vector_load %arg12[%get3A] {strides = array<i32>} : memref<128xf32, #tpu.memory_space<vmem>>, vector<16xf32>,
        %broadcast_in_dim3A_72 = arith.constant 0 : i32
        %broadcast_in_dim3A_73 = vector.broadcast %broadcast_in_dim3A_72 : i32 to vector<16xi32>
        %gather3A = tpu.vector_load_idx %arg8[%add3A_68, %broadcast_in_dim3A_73] : memref<128x128xf32, #tpu.memory_space<vmem>>[vector<16xi32>, vector<16xi32>], vector<16xf32>,
        %mul3A_74 = arith.mulf %gather3A, %get3A_71 : vector<16xf32>
        tpu.vector_store_idx %arg8[%add3A_68, %broadcast_in_dim3A_73], %mul3A_74 : memref<128x128xf32, #tpu.memory_space<vmem>>[vector<16xi32>, vector<16xi32>], vector<16xf32>,
        %broadcast_in_dim3A_75 = arith.constant 1 : i32
        %broadcast_in_dim3A_76 = vector.broadcast %broadcast_in_dim3A_75 : i32 to vector<16xi32>
        %gather3A_77 = tpu.vector_load_idx %arg8[%add3A_68, %broadcast_in_dim3A_76] : memref<128x128xf32, #tpu.memory_space<vmem>>[vector<16xi32>, vector<16xi32>], vector<16xf32>,
        %mul3A_78 = arith.mulf %gather3A_77, %get3A_71 : vector<16xf32>
        tpu.vector_store_idx %arg8[%add3A_68, %broadcast_in_dim3A_76], %mul3A_78 : memref<128x128xf32, #tpu.memory_space<vmem>>[vector<16xi32>, vector<16xi32>], vector<16xf32>,
        %broadcast_in_dim3A_79 = arith.constant 2 : i32
        %broadcast_in_dim3A_80 = vector.broadcast %broadcast_in_dim3A_79 : i32 to vector<16xi32>
        %gather3A_81 = tpu.vector_load_idx %arg8[%add3A_68, %broadcast_in_dim3A_80] : memref<128x128xf32, #tpu.memory_space<vmem>>[vector<16xi32>, vector<16xi32>], vector<16xf32>,
        %mul3A_82 = arith.mulf %gather3A_81, %get3A_71 : vector<16xf32>
        tpu.vector_store_idx %arg8[%add3A_68, %broadcast_in_dim3A_80], %mul3A_82 : memref<128x128xf32, #tpu.memory_space<vmem>>[vector<16xi32>, vector<16xi32>], vector<16xf32>,
        %broadcast_in_dim3A_83 = arith.constant 3 : i32
        %broadcast_in_dim3A_84 = vector.broadcast %broadcast_in_dim3A_83 : i32 to vector<16xi32>
        %gather3A_85 = tpu.vector_load_idx %arg8[%add3A_68, %broadcast_in_dim3A_84] : memref<128x128xf32, #tpu.memory_space<vmem>>[vector<16xi32>, vector<16xi32>], vector<16xf32>,
        %mul3A_86 = arith.mulf %gather3A_85, %get3A_71 : vector<16xf32>
        tpu.vector_store_idx %arg8[%add3A_68, %broadcast_in_dim3A_84], %mul3A_86 : memref<128x128xf32, #tpu.memory_space<vmem>>[vector<16xi32>, vector<16xi32>], vector<16xf32>,
        %broadcast_in_dim3A_87 = arith.constant 4 : i32
        %broadcast_in_dim3A_88 = vector.broadcast %broadcast_in_dim3A_87 : i32 to vector<16xi32>
        %gather3A_89 = tpu.vector_load_idx %arg8[%add3A_68, %broadcast_in_dim3A_88] : memref<128x128xf32, #tpu.memory_space<vmem>>[vector<16xi32>, vector<16xi32>], vector<16xf32>,
        %mul3A_90 = arith.mulf %gather3A_89, %get3A_71 : vector<16xf32>
        tpu.vector_store_idx %arg8[%add3A_68, %broadcast_in_dim3A_88], %mul3A_90 : memref<128x128xf32, #tpu.memory_space<vmem>>[vector<16xi32>, vector<16xi32>], vector<16xf32>,
        %broadcast_in_dim3A_91 = arith.constant 5 : i32
        %broadcast_in_dim3A_92 = vector.broadcast %broadcast_in_dim3A_91 : i32 to vector<16xi32>
        %gather3A_93 = tpu.vector_load_idx %arg8[%add3A_68, %broadcast_in_dim3A_92] : memref<128x128xf32, #tpu.memory_space<vmem>>[vector<16xi32>, vector<16xi32>], vector<16xf32>,
        %mul3A_94 = arith.mulf %gather3A_93, %get3A_71 : vector<16xf32>
        tpu.vector_store_idx %arg8[%add3A_68, %broadcast_in_dim3A_92], %mul3A_94 : memref<128x128xf32, #tpu.memory_space<vmem>>[vector<16xi32>, vector<16xi32>], vector<16xf32>,
        %broadcast_in_dim3A_95 = arith.constant 6 : i32
        %broadcast_in_dim3A_96 = vector.broadcast %broadcast_in_dim3A_95 : i32 to vector<16xi32>
        %gather3A_97 = tpu.vector_load_idx %arg8[%add3A_68, %broadcast_in_dim3A_96] : memref<128x128xf32, #tpu.memory_space<vmem>>[vector<16xi32>, vector<16xi32>], vector<16xf32>,
        %mul3A_98 = arith.mulf %gather3A_97, %get3A_71 : vector<16xf32>
        tpu.vector_store_idx %arg8[%add3A_68, %broadcast_in_dim3A_96], %mul3A_98 : memref<128x128xf32, #tpu.memory_space<vmem>>[vector<16xi32>, vector<16xi32>], vector<16xf32>,
        %broadcast_in_dim3A_99 = arith.constant 7 : i32
        %broadcast_in_dim3A_100 = vector.broadcast %broadcast_in_dim3A_99 : i32 to vector<16xi32>
        %gather3A_101 = tpu.vector_load_idx %arg8[%add3A_68, %broadcast_in_dim3A_100] : memref<128x128xf32, #tpu.memory_space<vmem>>[vector<16xi32>, vector<16xi32>], vector<16xf32>,
        %mul3A_102 = arith.mulf %gather3A_101, %get3A_71 : vector<16xf32>
        tpu.vector_store_idx %arg8[%add3A_68, %broadcast_in_dim3A_100], %mul3A_102 : memref<128x128xf32, #tpu.memory_space<vmem>>[vector<16xi32>, vector<16xi32>], vector<16xf32>,
        %broadcast_in_dim3A_103 = arith.constant 8 : i32
        %broadcast_in_dim3A_104 = vector.broadcast %broadcast_in_dim3A_103 : i32 to vector<16xi32>
        %gather3A_105 = tpu.vector_load_idx %arg8[%add3A_68, %broadcast_in_dim3A_104] : memref<128x128xf32, #tpu.memory_space<vmem>>[vector<16xi32>, vector<16xi32>], vector<16xf32>,
        %mul3A_106 = arith.mulf %gather3A_105, %get3A_71 : vector<16xf32>
        tpu.vector_store_idx %arg8[%add3A_68, %broadcast_in_dim3A_104], %mul3A_106 : memref<128x128xf32, #tpu.memory_space<vmem>>[vector<16xi32>, vector<16xi32>], vector<16xf32>,
        %broadcast_in_dim3A_107 = arith.constant 9 : i32
        %broadcast_in_dim3A_108 = vector.broadcast %broadcast_in_dim3A_107 : i32 to vector<16xi32>
        %gather3A_109 = tpu.vector_load_idx %arg8[%add3A_68, %broadcast_in_dim3A_108] : memref<128x128xf32, #tpu.memory_space<vmem>>[vector<16xi32>, vector<16xi32>], vector<16xf32>,
        %mul3A_110 = arith.mulf %gather3A_109, %get3A_71 : vector<16xf32>
        tpu.vector_store_idx %arg8[%add3A_68, %broadcast_in_dim3A_108], %mul3A_110 : memref<128x128xf32, #tpu.memory_space<vmem>>[vector<16xi32>, vector<16xi32>], vector<16xf32>,
        %broadcast_in_dim3A_111 = arith.constant 10 : i32
        %broadcast_in_dim3A_112 = vector.broadcast %broadcast_in_dim3A_111 : i32 to vector<16xi32>
        %gather3A_113 = tpu.vector_load_idx %arg8[%add3A_68, %broadcast_in_dim3A_112] : memref<128x128xf32, #tpu.memory_space<vmem>>[vector<16xi32>, vector<16xi32>], vector<16xf32>,
        %mul3A_114 = arith.mulf %gather3A_113, %get3A_71 : vector<16xf32>
        tpu.vector_store_idx %arg8[%add3A_68, %broadcast_in_dim3A_112], %mul3A_114 : memref<128x128xf32, #tpu.memory_space<vmem>>[vector<16xi32>, vector<16xi32>], vector<16xf32>,
        %broadcast_in_dim3A_115 = arith.constant 11 : i32
        %broadcast_in_dim3A_116 = vector.broadcast %broadcast_in_dim3A_115 : i32 to vector<16xi32>
        %gather3A_117 = tpu.vector_load_idx %arg8[%add3A_68, %broadcast_in_dim3A_116] : memref<128x128xf32, #tpu.memory_space<vmem>>[vector<16xi32>, vector<16xi32>], vector<16xf32>,
        %mul3A_118 = arith.mulf %gather3A_117, %get3A_71 : vector<16xf32>
        tpu.vector_store_idx %arg8[%add3A_68, %broadcast_in_dim3A_116], %mul3A_118 : memref<128x128xf32, #tpu.memory_space<vmem>>[vector<16xi32>, vector<16xi32>], vector<16xf32>,
        %broadcast_in_dim3A_119 = arith.constant 12 : i32
        %broadcast_in_dim3A_120 = vector.broadcast %broadcast_in_dim3A_119 : i32 to vector<16xi32>
        %gather3A_121 = tpu.vector_load_idx %arg8[%add3A_68, %broadcast_in_dim3A_120] : memref<128x128xf32, #tpu.memory_space<vmem>>[vector<16xi32>, vector<16xi32>], vector<16xf32>,
        %mul3A_122 = arith.mulf %gather3A_121, %get3A_71 : vector<16xf32>
        tpu.vector_store_idx %arg8[%add3A_68, %broadcast_in_dim3A_120], %mul3A_122 : memref<128x128xf32, #tpu.memory_space<vmem>>[vector<16xi32>, vector<16xi32>], vector<16xf32>,
        %broadcast_in_dim3A_123 = arith.constant 13 : i32
        %broadcast_in_dim3A_124 = vector.broadcast %broadcast_in_dim3A_123 : i32 to vector<16xi32>
        %gather3A_125 = tpu.vector_load_idx %arg8[%add3A_68, %broadcast_in_dim3A_124] : memref<128x128xf32, #tpu.memory_space<vmem>>[vector<16xi32>, vector<16xi32>], vector<16xf32>,
        %mul3A_126 = arith.mulf %gather3A_125, %get3A_71 : vector<16xf32>
        tpu.vector_store_idx %arg8[%add3A_68, %broadcast_in_dim3A_124], %mul3A_126 : memref<128x128xf32, #tpu.memory_space<vmem>>[vector<16xi32>, vector<16xi32>], vector<16xf32>,
        %broadcast_in_dim3A_127 = arith.constant 14 : i32
        %broadcast_in_dim3A_128 = vector.broadcast %broadcast_in_dim3A_127 : i32 to vector<16xi32>
        %gather3A_129 = tpu.vector_load_idx %arg8[%add3A_68, %broadcast_in_dim3A_128] : memref<128x128xf32, #tpu.memory_space<vmem>>[vector<16xi32>, vector<16xi32>], vector<16xf32>,
        %mul3A_130 = arith.mulf %gather3A_129, %get3A_71 : vector<16xf32>
        tpu.vector_store_idx %arg8[%add3A_68, %broadcast_in_dim3A_128], %mul3A_130 : memref<128x128xf32, #tpu.memory_space<vmem>>[vector<16xi32>, vector<16xi32>], vector<16xf32>,
        %broadcast_in_dim3A_131 = arith.constant 15 : i32
        %broadcast_in_dim3A_132 = vector.broadcast %broadcast_in_dim3A_131 : i32 to vector<16xi32>
        %gather3A_133 = tpu.vector_load_idx %arg8[%add3A_68, %broadcast_in_dim3A_132] : memref<128x128xf32, #tpu.memory_space<vmem>>[vector<16xi32>, vector<16xi32>], vector<16xf32>,
        %mul3A_134 = arith.mulf %gather3A_133, %get3A_71 : vector<16xf32>
        tpu.vector_store_idx %arg8[%add3A_68, %broadcast_in_dim3A_132], %mul3A_134 : memref<128x128xf32, #tpu.memory_space<vmem>>[vector<16xi32>, vector<16xi32>], vector<16xf32>,
        %broadcast_in_dim3A_135 = arith.constant 16 : i32
        %broadcast_in_dim3A_136 = vector.broadcast %broadcast_in_dim3A_135 : i32 to vector<16xi32>
        %gather3A_137 = tpu.vector_load_idx %arg8[%add3A_68, %broadcast_in_dim3A_136] : memref<128x128xf32, #tpu.memory_space<vmem>>[vector<16xi32>, vector<16xi32>], vector<16xf32>,
        %mul3A_138 = arith.mulf %gather3A_137, %get3A_71 : vector<16xf32>
        tpu.vector_store_idx %arg8[%add3A_68, %broadcast_in_dim3A_136], %mul3A_138 : memref<128x128xf32, #tpu.memory_space<vmem>>[vector<16xi32>, vector<16xi32>], vector<16xf32>,
        %broadcast_in_dim3A_139 = arith.constant 17 : i32
        %broadcast_in_dim3A_140 = vector.broadcast %broadcast_in_dim3A_139 : i32 to vector<16xi32>
        %gather3A_141 = tpu.vector_load_idx %arg8[%add3A_68, %broadcast_in_dim3A_140] : memref<128x128xf32, #tpu.memory_space<vmem>>[vector<16xi32>, vector<16xi32>], vector<16xf32>,
        %mul3A_142 = arith.mulf %gather3A_141, %get3A_71 : vector<16xf32>
        tpu.vector_store_idx %arg8[%add3A_68, %broadcast_in_dim3A_140], %mul3A_142 : memref<128x128xf32, #tpu.memory_space<vmem>>[vector<16xi32>, vector<16xi32>], vector<16xf32>,
        %broadcast_in_dim3A_143 = arith.constant 18 : i32
        %broadcast_in_dim3A_144 = vector.broadcast %broadcast_in_dim3A_143 : i32 to vector<16xi32>
        %gather3A_145 = tpu.vector_load_idx %arg8[%add3A_68, %broadcast_in_dim3A_144] : memref<128x128xf32, #tpu.memory_space<vmem>>[vector<16xi32>, vector<16xi32>], vector<16xf32>,
        %mul3A_146 = arith.mulf %gather3A_145, %get3A_71 : vector<16xf32>
        tpu.vector_store_idx %arg8[%add3A_68, %broadcast_in_dim3A_144], %mul3A_146 : memref<128x128xf32, #tpu.memory_space<vmem>>[vector<16xi32>, vector<16xi32>], vector<16xf32>,
        %broadcast_in_dim3A_147 = arith.constant 19 : i32
        %broadcast_in_dim3A_148 = vector.broadcast %broadcast_in_dim3A_147 : i32 to vector<16xi32>
        %gather3A_149 = tpu.vector_load_idx %arg8[%add3A_68, %broadcast_in_dim3A_148] : memref<128x128xf32, #tpu.memory_space<vmem>>[vector<16xi32>, vector<16xi32>], vector<16xf32>,
        %mul3A_150 = arith.mulf %gather3A_149, %get3A_71 : vector<16xf32>
        tpu.vector_store_idx %arg8[%add3A_68, %broadcast_in_dim3A_148], %mul3A_150 : memref<128x128xf32, #tpu.memory_space<vmem>>[vector<16xi32>, vector<16xi32>], vector<16xf32>,
        %broadcast_in_dim3A_151 = arith.constant 20 : i32
        %broadcast_in_dim3A_152 = vector.broadcast %broadcast_in_dim3A_151 : i32 to vector<16xi32>
        %gather3A_153 = tpu.vector_load_idx %arg8[%add3A_68, %broadcast_in_dim3A_152] : memref<128x128xf32, #tpu.memory_space<vmem>>[vector<16xi32>, vector<16xi32>], vector<16xf32>,
        %mul3A_154 = arith.mulf %gather3A_153, %get3A_71 : vector<16xf32>
        tpu.vector_store_idx %arg8[%add3A_68, %broadcast_in_dim3A_152], %mul3A_154 : memref<128x128xf32, #tpu.memory_space<vmem>>[vector<16xi32>, vector<16xi32>], vector<16xf32>,
        %broadcast_in_dim3A_155 = arith.constant 21 : i32
        %broadcast_in_dim3A_156 = vector.broadcast %broadcast_in_dim3A_155 : i32 to vector<16xi32>
        %gather3A_157 = tpu.vector_load_idx %arg8[%add3A_68, %broadcast_in_dim3A_156] : memref<128x128xf32, #tpu.memory_space<vmem>>[vector<16xi32>, vector<16xi32>], vector<16xf32>,
        %mul3A_158 = arith.mulf %gather3A_157, %get3A_71 : vector<16xf32>
        tpu.vector_store_idx %arg8[%add3A_68, %broadcast_in_dim3A_156], %mul3A_158 : memref<128x128xf32, #tpu.memory_space<vmem>>[vector<16xi32>, vector<16xi32>], vector<16xf32>,
        %broadcast_in_dim3A_159 = arith.constant 22 : i32
        %broadcast_in_dim3A_160 = vector.broadcast %broadcast_in_dim3A_159 : i32 to vector<16xi32>
        %gather3A_161 = tpu.vector_load_idx %arg8[%add3A_68, %broadcast_in_dim3A_160] : memref<128x128xf32, #tpu.memory_space<vmem>>[vector<16xi32>, vector<16xi32>], vector<16xf32>,
        %mul3A_162 = arith.mulf %gather3A_161, %get3A_71 : vector<16xf32>
        tpu.vector_store_idx %arg8[%add3A_68, %broadcast_in_dim3A_160], %mul3A_162 : memref<128x128xf32, #tpu.memory_space<vmem>>[vector<16xi32>, vector<16xi32>], vector<16xf32>,
        %broadcast_in_dim3A_163 = arith.constant 23 : i32
        %broadcast_in_dim3A_164 = vector.broadcast %broadcast_in_dim3A_163 : i32 to vector<16xi32>
        %gather3A_165 = tpu.vector_load_idx %arg8[%add3A_68, %broadcast_in_dim3A_164] : memref<128x128xf32, #tpu.memory_space<vmem>>[vector<16xi32>, vector<16xi32>], vector<16xf32>,
        %mul3A_166 = arith.mulf %gather3A_165, %get3A_71 : vector<16xf32>
        tpu.vector_store_idx %arg8[%add3A_68, %broadcast_in_dim3A_164], %mul3A_166 : memref<128x128xf32, #tpu.memory_space<vmem>>[vector<16xi32>, vector<16xi32>], vector<16xf32>,
        %broadcast_in_dim3A_167 = arith.constant 24 : i32
        %broadcast_in_dim3A_168 = vector.broadcast %broadcast_in_dim3A_167 : i32 to vector<16xi32>
        %gather3A_169 = tpu.vector_load_idx %arg8[%add3A_68, %broadcast_in_dim3A_168] : memref<128x128xf32, #tpu.memory_space<vmem>>[vector<16xi32>, vector<16xi32>], vector<16xf32>,
        %mul3A_170 = arith.mulf %gather3A_169, %get3A_71 : vector<16xf32>
        tpu.vector_store_idx %arg8[%add3A_68, %broadcast_in_dim3A_168], %mul3A_170 : memref<128x128xf32, #tpu.memory_space<vmem>>[vector<16xi32>, vector<16xi32>], vector<16xf32>,
        %broadcast_in_dim3A_171 = arith.constant 25 : i32
        %broadcast_in_dim3A_172 = vector.broadcast %broadcast_in_dim3A_171 : i32 to vector<16xi32>
        %gather3A_173 = tpu.vector_load_idx %arg8[%add3A_68, %broadcast_in_dim3A_172] : memref<128x128xf32, #tpu.memory_space<vmem>>[vector<16xi32>, vector<16xi32>], vector<16xf32>,
        %mul3A_174 = arith.mulf %gather3A_173, %get3A_71 : vector<16xf32>
        tpu.vector_store_idx %arg8[%add3A_68, %broadcast_in_dim3A_172], %mul3A_174 : memref<128x128xf32, #tpu.memory_space<vmem>>[vector<16xi32>, vector<16xi32>], vector<16xf32>,
        %broadcast_in_dim3A_175 = arith.constant 26 : i32
        %broadcast_in_dim3A_176 = vector.broadcast %broadcast_in_dim3A_175 : i32 to vector<16xi32>
        %gather3A_177 = tpu.vector_load_idx %arg8[%add3A_68, %broadcast_in_dim3A_176] : memref<128x128xf32, #tpu.memory_space<vmem>>[vector<16xi32>, vector<16xi32>], vector<16xf32>,
        %mul3A_178 = arith.mulf %gather3A_177, %get3A_71 : vector<16xf32>
        tpu.vector_store_idx %arg8[%add3A_68, %broadcast_in_dim3A_176], %mul3A_178 : memref<128x128xf32, #tpu.memory_space<vmem>>[vector<16xi32>, vector<16xi32>], vector<16xf32>,
        %broadcast_in_dim3A_179 = arith.constant 27 : i32
        %broadcast_in_dim3A_180 = vector.broadcast %broadcast_in_dim3A_179 : i32 to vector<16xi32>
        %gather3A_181 = tpu.vector_load_idx %arg8[%add3A_68, %broadcast_in_dim3A_180] : memref<128x128xf32, #tpu.memory_space<vmem>>[vector<16xi32>, vector<16xi32>], vector<16xf32>,
        %mul3A_182 = arith.mulf %gather3A_181, %get3A_71 : vector<16xf32>
        tpu.vector_store_idx %arg8[%add3A_68, %broadcast_in_dim3A_180], %mul3A_182 : memref<128x128xf32, #tpu.memory_space<vmem>>[vector<16xi32>, vector<16xi32>], vector<16xf32>,
        %broadcast_in_dim3A_183 = arith.constant 28 : i32
        %broadcast_in_dim3A_184 = vector.broadcast %broadcast_in_dim3A_183 : i32 to vector<16xi32>
        %gather3A_185 = tpu.vector_load_idx %arg8[%add3A_68, %broadcast_in_dim3A_184] : memref<128x128xf32, #tpu.memory_space<vmem>>[vector<16xi32>, vector<16xi32>], vector<16xf32>,
        %mul3A_186 = arith.mulf %gather3A_185, %get3A_71 : vector<16xf32>
        tpu.vector_store_idx %arg8[%add3A_68, %broadcast_in_dim3A_184], %mul3A_186 : memref<128x128xf32, #tpu.memory_space<vmem>>[vector<16xi32>, vector<16xi32>], vector<16xf32>,
        %broadcast_in_dim3A_187 = arith.constant 29 : i32
        %broadcast_in_dim3A_188 = vector.broadcast %broadcast_in_dim3A_187 : i32 to vector<16xi32>
        %gather3A_189 = tpu.vector_load_idx %arg8[%add3A_68, %broadcast_in_dim3A_188] : memref<128x128xf32, #tpu.memory_space<vmem>>[vector<16xi32>, vector<16xi32>], vector<16xf32>,
        %mul3A_190 = arith.mulf %gather3A_189, %get3A_71 : vector<16xf32>
        tpu.vector_store_idx %arg8[%add3A_68, %broadcast_in_dim3A_188], %mul3A_190 : memref<128x128xf32, #tpu.memory_space<vmem>>[vector<16xi32>, vector<16xi32>], vector<16xf32>,
        %broadcast_in_dim3A_191 = arith.constant 30 : i32
        %broadcast_in_dim3A_192 = vector.broadcast %broadcast_in_dim3A_191 : i32 to vector<16xi32>
        %gather3A_193 = tpu.vector_load_idx %arg8[%add3A_68, %broadcast_in_dim3A_192] : memref<128x128xf32, #tpu.memory_space<vmem>>[vector<16xi32>, vector<16xi32>], vector<16xf32>,
        %mul3A_194 = arith.mulf %gather3A_193, %get3A_71 : vector<16xf32>
        tpu.vector_store_idx %arg8[%add3A_68, %broadcast_in_dim3A_192], %mul3A_194 : memref<128x128xf32, #tpu.memory_space<vmem>>[vector<16xi32>, vector<16xi32>], vector<16xf32>,
        %broadcast_in_dim3A_195 = arith.constant 31 : i32
        %broadcast_in_dim3A_196 = vector.broadcast %broadcast_in_dim3A_195 : i32 to vector<16xi32>
        %gather3A_197 = tpu.vector_load_idx %arg8[%add3A_68, %broadcast_in_dim3A_196] : memref<128x128xf32, #tpu.memory_space<vmem>>[vector<16xi32>, vector<16xi32>], vector<16xf32>,
        %mul3A_198 = arith.mulf %gather3A_197, %get3A_71 : vector<16xf32>
        tpu.vector_store_idx %arg8[%add3A_68, %broadcast_in_dim3A_196], %mul3A_198 : memref<128x128xf32, #tpu.memory_space<vmem>>[vector<16xi32>, vector<16xi32>], vector<16xf32>,
        %broadcast_in_dim3A_199 = arith.constant 32 : i32
        %broadcast_in_dim3A_200 = vector.broadcast %broadcast_in_dim3A_199 : i32 to vector<16xi32>
        %gather3A_201 = tpu.vector_load_idx %arg8[%add3A_68, %broadcast_in_dim3A_200] : memref<128x128xf32, #tpu.memory_space<vmem>>[vector<16xi32>, vector<16xi32>], vector<16xf32>,
        %mul3A_202 = arith.mulf %gather3A_201, %get3A_71 : vector<16xf32>
        tpu.vector_store_idx %arg8[%add3A_68, %broadcast_in_dim3A_200], %mul3A_202 : memref<128x128xf32, #tpu.memory_space<vmem>>[vector<16xi32>, vector<16xi32>], vector<16xf32>,
        %broadcast_in_dim3A_203 = arith.constant 33 : i32
        %broadcast_in_dim3A_204 = vector.broadcast %broadcast_in_dim3A_203 : i32 to vector<16xi32>
        %gather3A_205 = tpu.vector_load_idx %arg8[%add3A_68, %broadcast_in_dim3A_204] : memref<128x128xf32, #tpu.memory_space<vmem>>[vector<16xi32>, vector<16xi32>], vector<16xf32>,
        %mul3A_206 = arith.mulf %gather3A_205, %get3A_71 : vector<16xf32>
        tpu.vector_store_idx %arg8[%add3A_68, %broadcast_in_dim3A_204], %mul3A_206 : memref<128x128xf32, #tpu.memory_space<vmem>>[vector<16xi32>, vector<16xi32>], vector<16xf32>,
        %broadcast_in_dim3A_207 = arith.constant 34 : i32
        %broadcast_in_dim3A_208 = vector.broadcast %broadcast_in_dim3A_207 : i32 to vector<16xi32>
        %gather3A_209 = tpu.vector_load_idx %arg8[%add3A_68, %broadcast_in_dim3A_208] : memref<128x128xf32, #tpu.memory_space<vmem>>[vector<16xi32>, vector<16xi32>], vector<16xf32>,
        %mul3A_210 = arith.mulf %gather3A_209, %get3A_71 : vector<16xf32>
        tpu.vector_store_idx %arg8[%add3A_68, %broadcast_in_dim3A_208], %mul3A_210 : memref<128x128xf32, #tpu.memory_space<vmem>>[vector<16xi32>, vector<16xi32>], vector<16xf32>,
        %broadcast_in_dim3A_211 = arith.constant 35 : i32
        %broadcast_in_dim3A_212 = vector.broadcast %broadcast_in_dim3A_211 : i32 to vector<16xi32>
        %gather3A_213 = tpu.vector_load_idx %arg8[%add3A_68, %broadcast_in_dim3A_212] : memref<128x128xf32, #tpu.memory_space<vmem>>[vector<16xi32>, vector<16xi32>], vector<16xf32>,
        %mul3A_214 = arith.mulf %gather3A_213, %get3A_71 : vector<16xf32>
        tpu.vector_store_idx %arg8[%add3A_68, %broadcast_in_dim3A_212], %mul3A_214 : memref<128x128xf32, #tpu.memory_space<vmem>>[vector<16xi32>, vector<16xi32>], vector<16xf32>,
        %broadcast_in_dim3A_215 = arith.constant 36 : i32
        %broadcast_in_dim3A_216 = vector.broadcast %broadcast_in_dim3A_215 : i32 to vector<16xi32>
        %gather3A_217 = tpu.vector_load_idx %arg8[%add3A_68, %broadcast_in_dim3A_216] : memref<128x128xf32, #tpu.memory_space<vmem>>[vector<16xi32>, vector<16xi32>], vector<16xf32>,
        %mul3A_218 = arith.mulf %gather3A_217, %get3A_71 : vector<16xf32>
        tpu.vector_store_idx %arg8[%add3A_68, %broadcast_in_dim3A_216], %mul3A_218 : memref<128x128xf32, #tpu.memory_space<vmem>>[vector<16xi32>, vector<16xi32>], vector<16xf32>,
        %broadcast_in_dim3A_219 = arith.constant 37 : i32
        %broadcast_in_dim3A_220 = vector.broadcast %broadcast_in_dim3A_219 : i32 to vector<16xi32>
        %gather3A_221 = tpu.vector_load_idx %arg8[%add3A_68, %broadcast_in_dim3A_220] : memref<128x128xf32, #tpu.memory_space<vmem>>[vector<16xi32>, vector<16xi32>], vector<16xf32>,
        %mul3A_222 = arith.mulf %gather3A_221, %get3A_71 : vector<16xf32>
        tpu.vector_store_idx %arg8[%add3A_68, %broadcast_in_dim3A_220], %mul3A_222 : memref<128x128xf32, #tpu.memory_space<vmem>>[vector<16xi32>, vector<16xi32>], vector<16xf32>,
        %broadcast_in_dim3A_223 = arith.constant 38 : i32
        %broadcast_in_dim3A_224 = vector.broadcast %broadcast_in_dim3A_223 : i32 to vector<16xi32>
        %gather3A_225 = tpu.vector_load_idx %arg8[%add3A_68, %broadcast_in_dim3A_224] : memref<128x128xf32, #tpu.memory_space<vmem>>[vector<16xi32>, vector<16xi32>], vector<16xf32>,
        %mul3A_226 = arith.mulf %gather3A_225, %get3A_71 : vector<16xf32>
        tpu.vector_store_idx %arg8[%add3A_68, %broadcast_in_dim3A_224], %mul3A_226 : memref<128x128xf32, #tpu.memory_space<vmem>>[vector<16xi32>, vector<16xi32>], vector<16xf32>,
        %broadcast_in_dim3A_227 = arith.constant 39 : i32
        %broadcast_in_dim3A_228 = vector.broadcast %broadcast_in_dim3A_227 : i32 to vector<16xi32>
        %gather3A_229 = tpu.vector_load_idx %arg8[%add3A_68, %broadcast_in_dim3A_228] : memref<128x128xf32, #tpu.memory_space<vmem>>[vector<16xi32>, vector<16xi32>], vector<16xf32>,
        %mul3A_230 = arith.mulf %gather3A_229, %get3A_71 : vector<16xf32>
        tpu.vector_store_idx %arg8[%add3A_68, %broadcast_in_dim3A_228], %mul3A_230 : memref<128x128xf32, #tpu.memory_space<vmem>>[vector<16xi32>, vector<16xi32>], vector<16xf32>,
        %broadcast_in_dim3A_231 = arith.constant 40 : i32
        %broadcast_in_dim3A_232 = vector.broadcast %broadcast_in_dim3A_231 : i32 to vector<16xi32>
        %gather3A_233 = tpu.vector_load_idx %arg8[%add3A_68, %broadcast_in_dim3A_232] : memref<128x128xf32, #tpu.memory_space<vmem>>[vector<16xi32>, vector<16xi32>], vector<16xf32>,
        %mul3A_234 = arith.mulf %gather3A_233, %get3A_71 : vector<16xf32>
        tpu.vector_store_idx %arg8[%add3A_68, %broadcast_in_dim3A_232], %mul3A_234 : memref<128x128xf32, #tpu.memory_space<vmem>>[vector<16xi32>, vector<16xi32>], vector<16xf32>,
        %broadcast_in_dim3A_235 = arith.constant 41 : i32
        %broadcast_in_dim3A_236 = vector.broadcast %broadcast_in_dim3A_235 : i32 to vector<16xi32>
        %gather3A_237 = tpu.vector_load_idx %arg8[%add3A_68, %broadcast_in_dim3A_236] : memref<128x128xf32, #tpu.memory_space<vmem>>[vector<16xi32>, vector<16xi32>], vector<16xf32>,
        %mul3A_238 = arith.mulf %gather3A_237, %get3A_71 : vector<16xf32>
        tpu.vector_store_idx %arg8[%add3A_68, %broadcast_in_dim3A_236], %mul3A_238 : memref<128x128xf32, #tpu.memory_space<vmem>>[vector<16xi32>, vector<16xi32>], vector<16xf32>,
        %broadcast_in_dim3A_239 = arith.constant 42 : i32
        %broadcast_in_dim3A_240 = vector.broadcast %broadcast_in_dim3A_239 : i32 to vector<16xi32>
        %gather3A_241 = tpu.vector_load_idx %arg8[%add3A_68, %broadcast_in_dim3A_240] : memref<128x128xf32, #tpu.memory_space<vmem>>[vector<16xi32>, vector<16xi32>], vector<16xf32>,
        %mul3A_242 = arith.mulf %gather3A_241, %get3A_71 : vector<16xf32>
        tpu.vector_store_idx %arg8[%add3A_68, %broadcast_in_dim3A_240], %mul3A_242 : memref<128x128xf32, #tpu.memory_space<vmem>>[vector<16xi32>, vector<16xi32>], vector<16xf32>,
        %broadcast_in_dim3A_243 = arith.constant 43 : i32
        %broadcast_in_dim3A_244 = vector.broadcast %broadcast_in_dim3A_243 : i32 to vector<16xi32>
        %gather3A_245 = tpu.vector_load_idx %arg8[%add3A_68, %broadcast_in_dim3A_244] : memref<128x128xf32, #tpu.memory_space<vmem>>[vector<16xi32>, vector<16xi32>], vector<16xf32>,
        %mul3A_246 = arith.mulf %gather3A_245, %get3A_71 : vector<16xf32>
        tpu.vector_store_idx %arg8[%add3A_68, %broadcast_in_dim3A_244], %mul3A_246 : memref<128x128xf32, #tpu.memory_space<vmem>>[vector<16xi32>, vector<16xi32>], vector<16xf32>,
        %broadcast_in_dim3A_247 = arith.constant 44 : i32
        %broadcast_in_dim3A_248 = vector.broadcast %broadcast_in_dim3A_247 : i32 to vector<16xi32>
        %gather3A_249 = tpu.vector_load_idx %arg8[%add3A_68, %broadcast_in_dim3A_248] : memref<128x128xf32, #tpu.memory_space<vmem>>[vector<16xi32>, vector<16xi32>], vector<16xf32>,
        %mul3A_250 = arith.mulf %gather3A_249, %get3A_71 : vector<16xf32>
        tpu.vector_store_idx %arg8[%add3A_68, %broadcast_in_dim3A_248], %mul3A_250 : memref<128x128xf32, #tpu.memory_space<vmem>>[vector<16xi32>, vector<16xi32>], vector<16xf32>,
        %broadcast_in_dim3A_251 = arith.constant 45 : i32
        %broadcast_in_dim3A_252 = vector.broadcast %broadcast_in_dim3A_251 : i32 to vector<16xi32>
        %gather3A_253 = tpu.vector_load_idx %arg8[%add3A_68, %broadcast_in_dim3A_252] : memref<128x128xf32, #tpu.memory_space<vmem>>[vector<16xi32>, vector<16xi32>], vector<16xf32>,
        %mul3A_254 = arith.mulf %gather3A_253, %get3A_71 : vector<16xf32>
        tpu.vector_store_idx %arg8[%add3A_68, %broadcast_in_dim3A_252], %mul3A_254 : memref<128x128xf32, #tpu.memory_space<vmem>>[vector<16xi32>, vector<16xi32>], vector<16xf32>,
        %broadcast_in_dim3A_255 = arith.constant 46 : i32
        %broadcast_in_dim3A_256 = vector.broadcast %broadcast_in_dim3A_255 : i32 to vector<16xi32>
        %gather3A_257 = tpu.vector_load_idx %arg8[%add3A_68, %broadcast_in_dim3A_256] : memref<128x128xf32, #tpu.memory_space<vmem>>[vector<16xi32>, vector<16xi32>], vector<16xf32>,
        %mul3A_258 = arith.mulf %gather3A_257, %get3A_71 : vector<16xf32>
        tpu.vector_store_idx %arg8[%add3A_68, %broadcast_in_dim3A_256], %mul3A_258 : memref<128x128xf32, #tpu.memory_space<vmem>>[vector<16xi32>, vector<16xi32>], vector<16xf32>,
        %broadcast_in_dim3A_259 = arith.constant 47 : i32
        %broadcast_in_dim3A_260 = vector.broadcast %broadcast_in_dim3A_259 : i32 to vector<16xi32>
        %gather3A_261 = tpu.vector_load_idx %arg8[%add3A_68, %broadcast_in_dim3A_260] : memref<128x128xf32, #tpu.memory_space<vmem>>[vector<16xi32>, vector<16xi32>], vector<16xf32>,
        %mul3A_262 = arith.mulf %gather3A_261, %get3A_71 : vector<16xf32>
        tpu.vector_store_idx %arg8[%add3A_68, %broadcast_in_dim3A_260], %mul3A_262 : memref<128x128xf32, #tpu.memory_space<vmem>>[vector<16xi32>, vector<16xi32>], vector<16xf32>,
        %broadcast_in_dim3A_263 = arith.constant 48 : i32
        %broadcast_in_dim3A_264 = vector.broadcast %broadcast_in_dim3A_263 : i32 to vector<16xi32>
        %gather3A_265 = tpu.vector_load_idx %arg8[%add3A_68, %broadcast_in_dim3A_264] : memref<128x128xf32, #tpu.memory_space<vmem>>[vector<16xi32>, vector<16xi32>], vector<16xf32>,
        %mul3A_266 = arith.mulf %gather3A_265, %get3A_71 : vector<16xf32>
        tpu.vector_store_idx %arg8[%add3A_68, %broadcast_in_dim3A_264], %mul3A_266 : memref<128x128xf32, #tpu.memory_space<vmem>>[vector<16xi32>, vector<16xi32>], vector<16xf32>,
        %broadcast_in_dim3A_267 = arith.constant 49 : i32
        %broadcast_in_dim3A_268 = vector.broadcast %broadcast_in_dim3A_267 : i32 to vector<16xi32>
        %gather3A_269 = tpu.vector_load_idx %arg8[%add3A_68, %broadcast_in_dim3A_268] : memref<128x128xf32, #tpu.memory_space<vmem>>[vector<16xi32>, vector<16xi32>], vector<16xf32>,
        %mul3A_270 = arith.mulf %gather3A_269, %get3A_71 : vector<16xf32>
        tpu.vector_store_idx %arg8[%add3A_68, %broadcast_in_dim3A_268], %mul3A_270 : memref<128x128xf32, #tpu.memory_space<vmem>>[vector<16xi32>, vector<16xi32>], vector<16xf32>,
        %broadcast_in_dim3A_271 = arith.constant 50 : i32
        %broadcast_in_dim3A_272 = vector.broadcast %broadcast_in_dim3A_271 : i32 to vector<16xi32>
        %gather3A_273 = tpu.vector_load_idx %arg8[%add3A_68, %broadcast_in_dim3A_272] : memref<128x128xf32, #tpu.memory_space<vmem>>[vector<16xi32>, vector<16xi32>], vector<16xf32>,
        %mul3A_274 = arith.mulf %gather3A_273, %get3A_71 : vector<16xf32>
        tpu.vector_store_idx %arg8[%add3A_68, %broadcast_in_dim3A_272], %mul3A_274 : memref<128x128xf32, #tpu.memory_space<vmem>>[vector<16xi32>, vector<16xi32>], vector<16xf32>,
        %broadcast_in_dim3A_275 = arith.constant 51 : i32
        %broadcast_in_dim3A_276 = vector.broadcast %broadcast_in_dim3A_275 : i32 to vector<16xi32>
        %gather3A_277 = tpu.vector_load_idx %arg8[%add3A_68, %broadcast_in_dim3A_276] : memref<128x128xf32, #tpu.memory_space<vmem>>[vector<16xi32>, vector<16xi32>], vector<16xf32>,
        %mul3A_278 = arith.mulf %gather3A_277, %get3A_71 : vector<16xf32>
        tpu.vector_store_idx %arg8[%add3A_68, %broadcast_in_dim3A_276], %mul3A_278 : memref<128x128xf32, #tpu.memory_space<vmem>>[vector<16xi32>, vector<16xi32>], vector<16xf32>,
        %broadcast_in_dim3A_279 = arith.constant 52 : i32
        %broadcast_in_dim3A_280 = vector.broadcast %broadcast_in_dim3A_279 : i32 to vector<16xi32>
        %gather3A_281 = tpu.vector_load_idx %arg8[%add3A_68, %broadcast_in_dim3A_280] : memref<128x128xf32, #tpu.memory_space<vmem>>[vector<16xi32>, vector<16xi32>], vector<16xf32>,
        %mul3A_282 = arith.mulf %gather3A_281, %get3A_71 : vector<16xf32>
        tpu.vector_store_idx %arg8[%add3A_68, %broadcast_in_dim3A_280], %mul3A_282 : memref<128x128xf32, #tpu.memory_space<vmem>>[vector<16xi32>, vector<16xi32>], vector<16xf32>,
        %broadcast_in_dim3A_283 = arith.constant 53 : i32
        %broadcast_in_dim3A_284 = vector.broadcast %broadcast_in_dim3A_283 : i32 to vector<16xi32>
        %gather3A_285 = tpu.vector_load_idx %arg8[%add3A_68, %broadcast_in_dim3A_284] : memref<128x128xf32, #tpu.memory_space<vmem>>[vector<16xi32>, vector<16xi32>], vector<16xf32>,
        %mul3A_286 = arith.mulf %gather3A_285, %get3A_71 : vector<16xf32>
        tpu.vector_store_idx %arg8[%add3A_68, %broadcast_in_dim3A_284], %mul3A_286 : memref<128x128xf32, #tpu.memory_space<vmem>>[vector<16xi32>, vector<16xi32>], vector<16xf32>,
        %broadcast_in_dim3A_287 = arith.constant 54 : i32
        %broadcast_in_dim3A_288 = vector.broadcast %broadcast_in_dim3A_287 : i32 to vector<16xi32>
        %gather3A_289 = tpu.vector_load_idx %arg8[%add3A_68, %broadcast_in_dim3A_288] : memref<128x128xf32, #tpu.memory_space<vmem>>[vector<16xi32>, vector<16xi32>], vector<16xf32>,
        %mul3A_290 = arith.mulf %gather3A_289, %get3A_71 : vector<16xf32>
        tpu.vector_store_idx %arg8[%add3A_68, %broadcast_in_dim3A_288], %mul3A_290 : memref<128x128xf32, #tpu.memory_space<vmem>>[vector<16xi32>, vector<16xi32>], vector<16xf32>,
        %broadcast_in_dim3A_291 = arith.constant 55 : i32
        %broadcast_in_dim3A_292 = vector.broadcast %broadcast_in_dim3A_291 : i32 to vector<16xi32>
        %gather3A_293 = tpu.vector_load_idx %arg8[%add3A_68, %broadcast_in_dim3A_292] : memref<128x128xf32, #tpu.memory_space<vmem>>[vector<16xi32>, vector<16xi32>], vector<16xf32>,
        %mul3A_294 = arith.mulf %gather3A_293, %get3A_71 : vector<16xf32>
        tpu.vector_store_idx %arg8[%add3A_68, %broadcast_in_dim3A_292], %mul3A_294 : memref<128x128xf32, #tpu.memory_space<vmem>>[vector<16xi32>, vector<16xi32>], vector<16xf32>,
        %broadcast_in_dim3A_295 = arith.constant 56 : i32
        %broadcast_in_dim3A_296 = vector.broadcast %broadcast_in_dim3A_295 : i32 to vector<16xi32>
        %gather3A_297 = tpu.vector_load_idx %arg8[%add3A_68, %broadcast_in_dim3A_296] : memref<128x128xf32, #tpu.memory_space<vmem>>[vector<16xi32>, vector<16xi32>], vector<16xf32>,
        %mul3A_298 = arith.mulf %gather3A_297, %get3A_71 : vector<16xf32>
        tpu.vector_store_idx %arg8[%add3A_68, %broadcast_in_dim3A_296], %mul3A_298 : memref<128x128xf32, #tpu.memory_space<vmem>>[vector<16xi32>, vector<16xi32>], vector<16xf32>,
        %broadcast_in_dim3A_299 = arith.constant 57 : i32
        %broadcast_in_dim3A_300 = vector.broadcast %broadcast_in_dim3A_299 : i32 to vector<16xi32>
        %gather3A_301 = tpu.vector_load_idx %arg8[%add3A_68, %broadcast_in_dim3A_300] : memref<128x128xf32, #tpu.memory_space<vmem>>[vector<16xi32>, vector<16xi32>], vector<16xf32>,
        %mul3A_302 = arith.mulf %gather3A_301, %get3A_71 : vector<16xf32>
        tpu.vector_store_idx %arg8[%add3A_68, %broadcast_in_dim3A_300], %mul3A_302 : memref<128x128xf32, #tpu.memory_space<vmem>>[vector<16xi32>, vector<16xi32>], vector<16xf32>,
        %broadcast_in_dim3A_303 = arith.constant 58 : i32
        %broadcast_in_dim3A_304 = vector.broadcast %broadcast_in_dim3A_303 : i32 to vector<16xi32>
        %gather3A_305 = tpu.vector_load_idx %arg8[%add3A_68, %broadcast_in_dim3A_304] : memref<128x128xf32, #tpu.memory_space<vmem>>[vector<16xi32>, vector<16xi32>], vector<16xf32>,
        %mul3A_306 = arith.mulf %gather3A_305, %get3A_71 : vector<16xf32>
        tpu.vector_store_idx %arg8[%add3A_68, %broadcast_in_dim3A_304], %mul3A_306 : memref<128x128xf32, #tpu.memory_space<vmem>>[vector<16xi32>, vector<16xi32>], vector<16xf32>,
        %broadcast_in_dim3A_307 = arith.constant 59 : i32
        %broadcast_in_dim3A_308 = vector.broadcast %broadcast_in_dim3A_307 : i32 to vector<16xi32>
        %gather3A_309 = tpu.vector_load_idx %arg8[%add3A_68, %broadcast_in_dim3A_308] : memref<128x128xf32, #tpu.memory_space<vmem>>[vector<16xi32>, vector<16xi32>], vector<16xf32>,
        %mul3A_310 = arith.mulf %gather3A_309, %get3A_71 : vector<16xf32>
        tpu.vector_store_idx %arg8[%add3A_68, %broadcast_in_dim3A_308], %mul3A_310 : memref<128x128xf32, #tpu.memory_space<vmem>>[vector<16xi32>, vector<16xi32>], vector<16xf32>,
        %broadcast_in_dim3A_311 = arith.constant 60 : i32
        %broadcast_in_dim3A_312 = vector.broadcast %broadcast_in_dim3A_311 : i32 to vector<16xi32>
        %gather3A_313 = tpu.vector_load_idx %arg8[%add3A_68, %broadcast_in_dim3A_312] : memref<128x128xf32, #tpu.memory_space<vmem>>[vector<16xi32>, vector<16xi32>], vector<16xf32>,
        %mul3A_314 = arith.mulf %gather3A_313, %get3A_71 : vector<16xf32>
        tpu.vector_store_idx %arg8[%add3A_68, %broadcast_in_dim3A_312], %mul3A_314 : memref<128x128xf32, #tpu.memory_space<vmem>>[vector<16xi32>, vector<16xi32>], vector<16xf32>,
        %broadcast_in_dim3A_315 = arith.constant 61 : i32
        %broadcast_in_dim3A_316 = vector.broadcast %broadcast_in_dim3A_315 : i32 to vector<16xi32>
        %gather3A_317 = tpu.vector_load_idx %arg8[%add3A_68, %broadcast_in_dim3A_316] : memref<128x128xf32, #tpu.memory_space<vmem>>[vector<16xi32>, vector<16xi32>], vector<16xf32>,
        %mul3A_318 = arith.mulf %gather3A_317, %get3A_71 : vector<16xf32>
        tpu.vector_store_idx %arg8[%add3A_68, %broadcast_in_dim3A_316], %mul3A_318 : memref<128x128xf32, #tpu.memory_space<vmem>>[vector<16xi32>, vector<16xi32>], vector<16xf32>,
        %broadcast_in_dim3A_319 = arith.constant 62 : i32
        %broadcast_in_dim3A_320 = vector.broadcast %broadcast_in_dim3A_319 : i32 to vector<16xi32>
        %gather3A_321 = tpu.vector_load_idx %arg8[%add3A_68, %broadcast_in_dim3A_320] : memref<128x128xf32, #tpu.memory_space<vmem>>[vector<16xi32>, vector<16xi32>], vector<16xf32>,
        %mul3A_322 = arith.mulf %gather3A_321, %get3A_71 : vector<16xf32>
        tpu.vector_store_idx %arg8[%add3A_68, %broadcast_in_dim3A_320], %mul3A_322 : memref<128x128xf32, #tpu.memory_space<vmem>>[vector<16xi32>, vector<16xi32>], vector<16xf32>,
        %broadcast_in_dim3A_323 = arith.constant 63 : i32
        %broadcast_in_dim3A_324 = vector.broadcast %broadcast_in_dim3A_323 : i32 to vector<16xi32>
        %gather3A_325 = tpu.vector_load_idx %arg8[%add3A_68, %broadcast_in_dim3A_324] : memref<128x128xf32, #tpu.memory_space<vmem>>[vector<16xi32>, vector<16xi32>], vector<16xf32>,
        %mul3A_326 = arith.mulf %gather3A_325, %get3A_71 : vector<16xf32>
        tpu.vector_store_idx %arg8[%add3A_68, %broadcast_in_dim3A_324], %mul3A_326 : memref<128x128xf32, #tpu.memory_space<vmem>>[vector<16xi32>, vector<16xi32>], vector<16xf32>,
        %broadcast_in_dim3A_327 = arith.constant 64 : i32
        %broadcast_in_dim3A_328 = vector.broadcast %broadcast_in_dim3A_327 : i32 to vector<16xi32>
        %gather3A_329 = tpu.vector_load_idx %arg8[%add3A_68, %broadcast_in_dim3A_328] : memref<128x128xf32, #tpu.memory_space<vmem>>[vector<16xi32>, vector<16xi32>], vector<16xf32>,
        %mul3A_330 = arith.mulf %gather3A_329, %get3A_71 : vector<16xf32>
        tpu.vector_store_idx %arg8[%add3A_68, %broadcast_in_dim3A_328], %mul3A_330 : memref<128x128xf32, #tpu.memory_space<vmem>>[vector<16xi32>, vector<16xi32>], vector<16xf32>,
        %broadcast_in_dim3A_331 = arith.constant 65 : i32
        %broadcast_in_dim3A_332 = vector.broadcast %broadcast_in_dim3A_331 : i32 to vector<16xi32>
        %gather3A_333 = tpu.vector_load_idx %arg8[%add3A_68, %broadcast_in_dim3A_332] : memref<128x128xf32, #tpu.memory_space<vmem>>[vector<16xi32>, vector<16xi32>], vector<16xf32>,
        %mul3A_334 = arith.mulf %gather3A_333, %get3A_71 : vector<16xf32>
        tpu.vector_store_idx %arg8[%add3A_68, %broadcast_in_dim3A_332], %mul3A_334 : memref<128x128xf32, #tpu.memory_space<vmem>>[vector<16xi32>, vector<16xi32>], vector<16xf32>,
        %broadcast_in_dim3A_335 = arith.constant 66 : i32
        %broadcast_in_dim3A_336 = vector.broadcast %broadcast_in_dim3A_335 : i32 to vector<16xi32>
        %gather3A_337 = tpu.vector_load_idx %arg8[%add3A_68, %broadcast_in_dim3A_336] : memref<128x128xf32, #tpu.memory_space<vmem>>[vector<16xi32>, vector<16xi32>], vector<16xf32>,
        %mul3A_338 = arith.mulf %gather3A_337, %get3A_71 : vector<16xf32>
        tpu.vector_store_idx %arg8[%add3A_68, %broadcast_in_dim3A_336], %mul3A_338 : memref<128x128xf32, #tpu.memory_space<vmem>>[vector<16xi32>, vector<16xi32>], vector<16xf32>,
        %broadcast_in_dim3A_339 = arith.constant 67 : i32
        %broadcast_in_dim3A_340 = vector.broadcast %broadcast_in_dim3A_339 : i32 to vector<16xi32>
        %gather3A_341 = tpu.vector_load_idx %arg8[%add3A_68, %broadcast_in_dim3A_340] : memref<128x128xf32, #tpu.memory_space<vmem>>[vector<16xi32>, vector<16xi32>], vector<16xf32>,
        %mul3A_342 = arith.mulf %gather3A_341, %get3A_71 : vector<16xf32>
        tpu.vector_store_idx %arg8[%add3A_68, %broadcast_in_dim3A_340], %mul3A_342 : memref<128x128xf32, #tpu.memory_space<vmem>>[vector<16xi32>, vector<16xi32>], vector<16xf32>,
        %broadcast_in_dim3A_343 = arith.constant 68 : i32
        %broadcast_in_dim3A_344 = vector.broadcast %broadcast_in_dim3A_343 : i32 to vector<16xi32>
        %gather3A_345 = tpu.vector_load_idx %arg8[%add3A_68, %broadcast_in_dim3A_344] : memref<128x128xf32, #tpu.memory_space<vmem>>[vector<16xi32>, vector<16xi32>], vector<16xf32>,
        %mul3A_346 = arith.mulf %gather3A_345, %get3A_71 : vector<16xf32>
        tpu.vector_store_idx %arg8[%add3A_68, %broadcast_in_dim3A_344], %mul3A_346 : memref<128x128xf32, #tpu.memory_space<vmem>>[vector<16xi32>, vector<16xi32>], vector<16xf32>,
        %broadcast_in_dim3A_347 = arith.constant 69 : i32
        %broadcast_in_dim3A_348 = vector.broadcast %broadcast_in_dim3A_347 : i32 to vector<16xi32>
        %gather3A_349 = tpu.vector_load_idx %arg8[%add3A_68, %broadcast_in_dim3A_348] : memref<128x128xf32, #tpu.memory_space<vmem>>[vector<16xi32>, vector<16xi32>], vector<16xf32>,
        %mul3A_350 = arith.mulf %gather3A_349, %get3A_71 : vector<16xf32>
        tpu.vector_store_idx %arg8[%add3A_68, %broadcast_in_dim3A_348], %mul3A_350 : memref<128x128xf32, #tpu.memory_space<vmem>>[vector<16xi32>, vector<16xi32>], vector<16xf32>,
        %broadcast_in_dim3A_351 = arith.constant 70 : i32
        %broadcast_in_dim3A_352 = vector.broadcast %broadcast_in_dim3A_351 : i32 to vector<16xi32>
        %gather3A_353 = tpu.vector_load_idx %arg8[%add3A_68, %broadcast_in_dim3A_352] : memref<128x128xf32, #tpu.memory_space<vmem>>[vector<16xi32>, vector<16xi32>], vector<16xf32>,
        %mul3A_354 = arith.mulf %gather3A_353, %get3A_71 : vector<16xf32>
        tpu.vector_store_idx %arg8[%add3A_68, %broadcast_in_dim3A_352], %mul3A_354 : memref<128x128xf32, #tpu.memory_space<vmem>>[vector<16xi32>, vector<16xi32>], vector<16xf32>,
        %broadcast_in_dim3A_355 = arith.constant 71 : i32
        %broadcast_in_dim3A_356 = vector.broadcast %broadcast_in_dim3A_355 : i32 to vector<16xi32>
        %gather3A_357 = tpu.vector_load_idx %arg8[%add3A_68, %broadcast_in_dim3A_356] : memref<128x128xf32, #tpu.memory_space<vmem>>[vector<16xi32>, vector<16xi32>], vector<16xf32>,
        %mul3A_358 = arith.mulf %gather3A_357, %get3A_71 : vector<16xf32>
        tpu.vector_store_idx %arg8[%add3A_68, %broadcast_in_dim3A_356], %mul3A_358 : memref<128x128xf32, #tpu.memory_space<vmem>>[vector<16xi32>, vector<16xi32>], vector<16xf32>,
        %broadcast_in_dim3A_359 = arith.constant 72 : i32
        %broadcast_in_dim3A_360 = vector.broadcast %broadcast_in_dim3A_359 : i32 to vector<16xi32>
        %gather3A_361 = tpu.vector_load_idx %arg8[%add3A_68, %broadcast_in_dim3A_360] : memref<128x128xf32, #tpu.memory_space<vmem>>[vector<16xi32>, vector<16xi32>], vector<16xf32>,
        %mul3A_362 = arith.mulf %gather3A_361, %get3A_71 : vector<16xf32>
        tpu.vector_store_idx %arg8[%add3A_68, %broadcast_in_dim3A_360], %mul3A_362 : memref<128x128xf32, #tpu.memory_space<vmem>>[vector<16xi32>, vector<16xi32>], vector<16xf32>,
        %broadcast_in_dim3A_363 = arith.constant 73 : i32
        %broadcast_in_dim3A_364 = vector.broadcast %broadcast_in_dim3A_363 : i32 to vector<16xi32>
        %gather3A_365 = tpu.vector_load_idx %arg8[%add3A_68, %broadcast_in_dim3A_364] : memref<128x128xf32, #tpu.memory_space<vmem>>[vector<16xi32>, vector<16xi32>], vector<16xf32>,
        %mul3A_366 = arith.mulf %gather3A_365, %get3A_71 : vector<16xf32>
        tpu.vector_store_idx %arg8[%add3A_68, %broadcast_in_dim3A_364], %mul3A_366 : memref<128x128xf32, #tpu.memory_space<vmem>>[vector<16xi32>, vector<16xi32>], vector<16xf32>,
        %broadcast_in_dim3A_367 = arith.constant 74 : i32
        %broadcast_in_dim3A_368 = vector.broadcast %broadcast_in_dim3A_367 : i32 to vector<16xi32>
        %gather3A_369 = tpu.vector_load_idx %arg8[%add3A_68, %broadcast_in_dim3A_368] : memref<128x128xf32, #tpu.memory_space<vmem>>[vector<16xi32>, vector<16xi32>], vector<16xf32>,
        %mul3A_370 = arith.mulf %gather3A_369, %get3A_71 : vector<16xf32>
        tpu.vector_store_idx %arg8[%add3A_68, %broadcast_in_dim3A_368], %mul3A_370 : memref<128x128xf32, #tpu.memory_space<vmem>>[vector<16xi32>, vector<16xi32>], vector<16xf32>,
        %broadcast_in_dim3A_371 = arith.constant 75 : i32
        %broadcast_in_dim3A_372 = vector.broadcast %broadcast_in_dim3A_371 : i32 to vector<16xi32>
        %gather3A_373 = tpu.vector_load_idx %arg8[%add3A_68, %broadcast_in_dim3A_372] : memref<128x128xf32, #tpu.memory_space<vmem>>[vector<16xi32>, vector<16xi32>], vector<16xf32>,
        %mul3A_374 = arith.mulf %gather3A_373, %get3A_71 : vector<16xf32>
        tpu.vector_store_idx %arg8[%add3A_68, %broadcast_in_dim3A_372], %mul3A_374 : memref<128x128xf32, #tpu.memory_space<vmem>>[vector<16xi32>, vector<16xi32>], vector<16xf32>,
        %broadcast_in_dim3A_375 = arith.constant 76 : i32
        %broadcast_in_dim3A_376 = vector.broadcast %broadcast_in_dim3A_375 : i32 to vector<16xi32>
        %gather3A_377 = tpu.vector_load_idx %arg8[%add3A_68, %broadcast_in_dim3A_376] : memref<128x128xf32, #tpu.memory_space<vmem>>[vector<16xi32>, vector<16xi32>], vector<16xf32>,
        %mul3A_378 = arith.mulf %gather3A_377, %get3A_71 : vector<16xf32>
        tpu.vector_store_idx %arg8[%add3A_68, %broadcast_in_dim3A_376], %mul3A_378 : memref<128x128xf32, #tpu.memory_space<vmem>>[vector<16xi32>, vector<16xi32>], vector<16xf32>,
        %broadcast_in_dim3A_379 = arith.constant 77 : i32
        %broadcast_in_dim3A_380 = vector.broadcast %broadcast_in_dim3A_379 : i32 to vector<16xi32>
        %gather3A_381 = tpu.vector_load_idx %arg8[%add3A_68, %broadcast_in_dim3A_380] : memref<128x128xf32, #tpu.memory_space<vmem>>[vector<16xi32>, vector<16xi32>], vector<16xf32>,
        %mul3A_382 = arith.mulf %gather3A_381, %get3A_71 : vector<16xf32>
        tpu.vector_store_idx %arg8[%add3A_68, %broadcast_in_dim3A_380], %mul3A_382 : memref<128x128xf32, #tpu.memory_space<vmem>>[vector<16xi32>, vector<16xi32>], vector<16xf32>,
        %broadcast_in_dim3A_383 = arith.constant 78 : i32
        %broadcast_in_dim3A_384 = vector.broadcast %broadcast_in_dim3A_383 : i32 to vector<16xi32>
        %gather3A_385 = tpu.vector_load_idx %arg8[%add3A_68, %broadcast_in_dim3A_384] : memref<128x128xf32, #tpu.memory_space<vmem>>[vector<16xi32>, vector<16xi32>], vector<16xf32>,
        %mul3A_386 = arith.mulf %gather3A_385, %get3A_71 : vector<16xf32>
        tpu.vector_store_idx %arg8[%add3A_68, %broadcast_in_dim3A_384], %mul3A_386 : memref<128x128xf32, #tpu.memory_space<vmem>>[vector<16xi32>, vector<16xi32>], vector<16xf32>,
        %broadcast_in_dim3A_387 = arith.constant 79 : i32
        %broadcast_in_dim3A_388 = vector.broadcast %broadcast_in_dim3A_387 : i32 to vector<16xi32>
        %gather3A_389 = tpu.vector_load_idx %arg8[%add3A_68, %broadcast_in_dim3A_388] : memref<128x128xf32, #tpu.memory_space<vmem>>[vector<16xi32>, vector<16xi32>], vector<16xf32>,
        %mul3A_390 = arith.mulf %gather3A_389, %get3A_71 : vector<16xf32>
        tpu.vector_store_idx %arg8[%add3A_68, %broadcast_in_dim3A_388], %mul3A_390 : memref<128x128xf32, #tpu.memory_space<vmem>>[vector<16xi32>, vector<16xi32>], vector<16xf32>,
        %broadcast_in_dim3A_391 = arith.constant 80 : i32
        %broadcast_in_dim3A_392 = vector.broadcast %broadcast_in_dim3A_391 : i32 to vector<16xi32>
        %gather3A_393 = tpu.vector_load_idx %arg8[%add3A_68, %broadcast_in_dim3A_392] : memref<128x128xf32, #tpu.memory_space<vmem>>[vector<16xi32>, vector<16xi32>], vector<16xf32>,
        %mul3A_394 = arith.mulf %gather3A_393, %get3A_71 : vector<16xf32>
        tpu.vector_store_idx %arg8[%add3A_68, %broadcast_in_dim3A_392], %mul3A_394 : memref<128x128xf32, #tpu.memory_space<vmem>>[vector<16xi32>, vector<16xi32>], vector<16xf32>,
        %broadcast_in_dim3A_395 = arith.constant 81 : i32
        %broadcast_in_dim3A_396 = vector.broadcast %broadcast_in_dim3A_395 : i32 to vector<16xi32>
        %gather3A_397 = tpu.vector_load_idx %arg8[%add3A_68, %broadcast_in_dim3A_396] : memref<128x128xf32, #tpu.memory_space<vmem>>[vector<16xi32>, vector<16xi32>], vector<16xf32>,
        %mul3A_398 = arith.mulf %gather3A_397, %get3A_71 : vector<16xf32>
        tpu.vector_store_idx %arg8[%add3A_68, %broadcast_in_dim3A_396], %mul3A_398 : memref<128x128xf32, #tpu.memory_space<vmem>>[vector<16xi32>, vector<16xi32>], vector<16xf32>,
        %broadcast_in_dim3A_399 = arith.constant 82 : i32
        %broadcast_in_dim3A_400 = vector.broadcast %broadcast_in_dim3A_399 : i32 to vector<16xi32>
        %gather3A_401 = tpu.vector_load_idx %arg8[%add3A_68, %broadcast_in_dim3A_400] : memref<128x128xf32, #tpu.memory_space<vmem>>[vector<16xi32>, vector<16xi32>], vector<16xf32>,
        %mul3A_402 = arith.mulf %gather3A_401, %get3A_71 : vector<16xf32>
        tpu.vector_store_idx %arg8[%add3A_68, %broadcast_in_dim3A_400], %mul3A_402 : memref<128x128xf32, #tpu.memory_space<vmem>>[vector<16xi32>, vector<16xi32>], vector<16xf32>,
        %broadcast_in_dim3A_403 = arith.constant 83 : i32
        %broadcast_in_dim3A_404 = vector.broadcast %broadcast_in_dim3A_403 : i32 to vector<16xi32>
        %gather3A_405 = tpu.vector_load_idx %arg8[%add3A_68, %broadcast_in_dim3A_404] : memref<128x128xf32, #tpu.memory_space<vmem>>[vector<16xi32>, vector<16xi32>], vector<16xf32>,
        %mul3A_406 = arith.mulf %gather3A_405, %get3A_71 : vector<16xf32>
        tpu.vector_store_idx %arg8[%add3A_68, %broadcast_in_dim3A_404], %mul3A_406 : memref<128x128xf32, #tpu.memory_space<vmem>>[vector<16xi32>, vector<16xi32>], vector<16xf32>,
        %broadcast_in_dim3A_407 = arith.constant 84 : i32
        %broadcast_in_dim3A_408 = vector.broadcast %broadcast_in_dim3A_407 : i32 to vector<16xi32>
        %gather3A_409 = tpu.vector_load_idx %arg8[%add3A_68, %broadcast_in_dim3A_408] : memref<128x128xf32, #tpu.memory_space<vmem>>[vector<16xi32>, vector<16xi32>], vector<16xf32>,
        %mul3A_410 = arith.mulf %gather3A_409, %get3A_71 : vector<16xf32>
        tpu.vector_store_idx %arg8[%add3A_68, %broadcast_in_dim3A_408], %mul3A_410 : memref<128x128xf32, #tpu.memory_space<vmem>>[vector<16xi32>, vector<16xi32>], vector<16xf32>,
        %broadcast_in_dim3A_411 = arith.constant 85 : i32
        %broadcast_in_dim3A_412 = vector.broadcast %broadcast_in_dim3A_411 : i32 to vector<16xi32>
        %gather3A_413 = tpu.vector_load_idx %arg8[%add3A_68, %broadcast_in_dim3A_412] : memref<128x128xf32, #tpu.memory_space<vmem>>[vector<16xi32>, vector<16xi32>], vector<16xf32>,
        %mul3A_414 = arith.mulf %gather3A_413, %get3A_71 : vector<16xf32>
        tpu.vector_store_idx %arg8[%add3A_68, %broadcast_in_dim3A_412], %mul3A_414 : memref<128x128xf32, #tpu.memory_space<vmem>>[vector<16xi32>, vector<16xi32>], vector<16xf32>,
        %broadcast_in_dim3A_415 = arith.constant 86 : i32
        %broadcast_in_dim3A_416 = vector.broadcast %broadcast_in_dim3A_415 : i32 to vector<16xi32>
        %gather3A_417 = tpu.vector_load_idx %arg8[%add3A_68, %broadcast_in_dim3A_416] : memref<128x128xf32, #tpu.memory_space<vmem>>[vector<16xi32>, vector<16xi32>], vector<16xf32>,
        %mul3A_418 = arith.mulf %gather3A_417, %get3A_71 : vector<16xf32>
        tpu.vector_store_idx %arg8[%add3A_68, %broadcast_in_dim3A_416], %mul3A_418 : memref<128x128xf32, #tpu.memory_space<vmem>>[vector<16xi32>, vector<16xi32>], vector<16xf32>,
        %broadcast_in_dim3A_419 = arith.constant 87 : i32
        %broadcast_in_dim3A_420 = vector.broadcast %broadcast_in_dim3A_419 : i32 to vector<16xi32>
        %gather3A_421 = tpu.vector_load_idx %arg8[%add3A_68, %broadcast_in_dim3A_420] : memref<128x128xf32, #tpu.memory_space<vmem>>[vector<16xi32>, vector<16xi32>], vector<16xf32>,
        %mul3A_422 = arith.mulf %gather3A_421, %get3A_71 : vector<16xf32>
        tpu.vector_store_idx %arg8[%add3A_68, %broadcast_in_dim3A_420], %mul3A_422 : memref<128x128xf32, #tpu.memory_space<vmem>>[vector<16xi32>, vector<16xi32>], vector<16xf32>,
        %broadcast_in_dim3A_423 = arith.constant 88 : i32
        %broadcast_in_dim3A_424 = vector.broadcast %broadcast_in_dim3A_423 : i32 to vector<16xi32>
        %gather3A_425 = tpu.vector_load_idx %arg8[%add3A_68, %broadcast_in_dim3A_424] : memref<128x128xf32, #tpu.memory_space<vmem>>[vector<16xi32>, vector<16xi32>], vector<16xf32>,
        %mul3A_426 = arith.mulf %gather3A_425, %get3A_71 : vector<16xf32>
        tpu.vector_store_idx %arg8[%add3A_68, %broadcast_in_dim3A_424], %mul3A_426 : memref<128x128xf32, #tpu.memory_space<vmem>>[vector<16xi32>, vector<16xi32>], vector<16xf32>,
        %broadcast_in_dim3A_427 = arith.constant 89 : i32
        %broadcast_in_dim3A_428 = vector.broadcast %broadcast_in_dim3A_427 : i32 to vector<16xi32>
        %gather3A_429 = tpu.vector_load_idx %arg8[%add3A_68, %broadcast_in_dim3A_428] : memref<128x128xf32, #tpu.memory_space<vmem>>[vector<16xi32>, vector<16xi32>], vector<16xf32>,
        %mul3A_430 = arith.mulf %gather3A_429, %get3A_71 : vector<16xf32>
        tpu.vector_store_idx %arg8[%add3A_68, %broadcast_in_dim3A_428], %mul3A_430 : memref<128x128xf32, #tpu.memory_space<vmem>>[vector<16xi32>, vector<16xi32>], vector<16xf32>,
        %broadcast_in_dim3A_431 = arith.constant 90 : i32
        %broadcast_in_dim3A_432 = vector.broadcast %broadcast_in_dim3A_431 : i32 to vector<16xi32>
        %gather3A_433 = tpu.vector_load_idx %arg8[%add3A_68, %broadcast_in_dim3A_432] : memref<128x128xf32, #tpu.memory_space<vmem>>[vector<16xi32>, vector<16xi32>], vector<16xf32>,
        %mul3A_434 = arith.mulf %gather3A_433, %get3A_71 : vector<16xf32>
        tpu.vector_store_idx %arg8[%add3A_68, %broadcast_in_dim3A_432], %mul3A_434 : memref<128x128xf32, #tpu.memory_space<vmem>>[vector<16xi32>, vector<16xi32>], vector<16xf32>,
        %broadcast_in_dim3A_435 = arith.constant 91 : i32
        %broadcast_in_dim3A_436 = vector.broadcast %broadcast_in_dim3A_435 : i32 to vector<16xi32>
        %gather3A_437 = tpu.vector_load_idx %arg8[%add3A_68, %broadcast_in_dim3A_436] : memref<128x128xf32, #tpu.memory_space<vmem>>[vector<16xi32>, vector<16xi32>], vector<16xf32>,
        %mul3A_438 = arith.mulf %gather3A_437, %get3A_71 : vector<16xf32>
        tpu.vector_store_idx %arg8[%add3A_68, %broadcast_in_dim3A_436], %mul3A_438 : memref<128x128xf32, #tpu.memory_space<vmem>>[vector<16xi32>, vector<16xi32>], vector<16xf32>,
        %broadcast_in_dim3A_439 = arith.constant 92 : i32
        %broadcast_in_dim3A_440 = vector.broadcast %broadcast_in_dim3A_439 : i32 to vector<16xi32>
        %gather3A_441 = tpu.vector_load_idx %arg8[%add3A_68, %broadcast_in_dim3A_440] : memref<128x128xf32, #tpu.memory_space<vmem>>[vector<16xi32>, vector<16xi32>], vector<16xf32>,
        %mul3A_442 = arith.mulf %gather3A_441, %get3A_71 : vector<16xf32>
        tpu.vector_store_idx %arg8[%add3A_68, %broadcast_in_dim3A_440], %mul3A_442 : memref<128x128xf32, #tpu.memory_space<vmem>>[vector<16xi32>, vector<16xi32>], vector<16xf32>,
        %broadcast_in_dim3A_443 = arith.constant 93 : i32
        %broadcast_in_dim3A_444 = vector.broadcast %broadcast_in_dim3A_443 : i32 to vector<16xi32>
        %gather3A_445 = tpu.vector_load_idx %arg8[%add3A_68, %broadcast_in_dim3A_444] : memref<128x128xf32, #tpu.memory_space<vmem>>[vector<16xi32>, vector<16xi32>], vector<16xf32>,
        %mul3A_446 = arith.mulf %gather3A_445, %get3A_71 : vector<16xf32>
        tpu.vector_store_idx %arg8[%add3A_68, %broadcast_in_dim3A_444], %mul3A_446 : memref<128x128xf32, #tpu.memory_space<vmem>>[vector<16xi32>, vector<16xi32>], vector<16xf32>,
        %broadcast_in_dim3A_447 = arith.constant 94 : i32
        %broadcast_in_dim3A_448 = vector.broadcast %broadcast_in_dim3A_447 : i32 to vector<16xi32>
        %gather3A_449 = tpu.vector_load_idx %arg8[%add3A_68, %broadcast_in_dim3A_448] : memref<128x128xf32, #tpu.memory_space<vmem>>[vector<16xi32>, vector<16xi32>], vector<16xf32>,
        %mul3A_450 = arith.mulf %gather3A_449, %get3A_71 : vector<16xf32>
        tpu.vector_store_idx %arg8[%add3A_68, %broadcast_in_dim3A_448], %mul3A_450 : memref<128x128xf32, #tpu.memory_space<vmem>>[vector<16xi32>, vector<16xi32>], vector<16xf32>,
        %broadcast_in_dim3A_451 = arith.constant 95 : i32
        %broadcast_in_dim3A_452 = vector.broadcast %broadcast_in_dim3A_451 : i32 to vector<16xi32>
        %gather3A_453 = tpu.vector_load_idx %arg8[%add3A_68, %broadcast_in_dim3A_452] : memref<128x128xf32, #tpu.memory_space<vmem>>[vector<16xi32>, vector<16xi32>], vector<16xf32>,
        %mul3A_454 = arith.mulf %gather3A_453, %get3A_71 : vector<16xf32>
        tpu.vector_store_idx %arg8[%add3A_68, %broadcast_in_dim3A_452], %mul3A_454 : memref<128x128xf32, #tpu.memory_space<vmem>>[vector<16xi32>, vector<16xi32>], vector<16xf32>,
        %broadcast_in_dim3A_455 = arith.constant 96 : i32
        %broadcast_in_dim3A_456 = vector.broadcast %broadcast_in_dim3A_455 : i32 to vector<16xi32>
        %gather3A_457 = tpu.vector_load_idx %arg8[%add3A_68, %broadcast_in_dim3A_456] : memref<128x128xf32, #tpu.memory_space<vmem>>[vector<16xi32>, vector<16xi32>], vector<16xf32>,
        %mul3A_458 = arith.mulf %gather3A_457, %get3A_71 : vector<16xf32>
        tpu.vector_store_idx %arg8[%add3A_68, %broadcast_in_dim3A_456], %mul3A_458 : memref<128x128xf32, #tpu.memory_space<vmem>>[vector<16xi32>, vector<16xi32>], vector<16xf32>,
        %broadcast_in_dim3A_459 = arith.constant 97 : i32
        %broadcast_in_dim3A_460 = vector.broadcast %broadcast_in_dim3A_459 : i32 to vector<16xi32>
        %gather3A_461 = tpu.vector_load_idx %arg8[%add3A_68, %broadcast_in_dim3A_460] : memref<128x128xf32, #tpu.memory_space<vmem>>[vector<16xi32>, vector<16xi32>], vector<16xf32>,
        %mul3A_462 = arith.mulf %gather3A_461, %get3A_71 : vector<16xf32>
        tpu.vector_store_idx %arg8[%add3A_68, %broadcast_in_dim3A_460], %mul3A_462 : memref<128x128xf32, #tpu.memory_space<vmem>>[vector<16xi32>, vector<16xi32>], vector<16xf32>,
        %broadcast_in_dim3A_463 = arith.constant 98 : i32
        %broadcast_in_dim3A_464 = vector.broadcast %broadcast_in_dim3A_463 : i32 to vector<16xi32>
        %gather3A_465 = tpu.vector_load_idx %arg8[%add3A_68, %broadcast_in_dim3A_464] : memref<128x128xf32, #tpu.memory_space<vmem>>[vector<16xi32>, vector<16xi32>], vector<16xf32>,
        %mul3A_466 = arith.mulf %gather3A_465, %get3A_71 : vector<16xf32>
        tpu.vector_store_idx %arg8[%add3A_68, %broadcast_in_dim3A_464], %mul3A_466 : memref<128x128xf32, #tpu.memory_space<vmem>>[vector<16xi32>, vector<16xi32>], vector<16xf32>,
        %broadcast_in_dim3A_467 = arith.constant 99 : i32
        %broadcast_in_dim3A_468 = vector.broadcast %broadcast_in_dim3A_467 : i32 to vector<16xi32>
        %gather3A_469 = tpu.vector_load_idx %arg8[%add3A_68, %broadcast_in_dim3A_468] : memref<128x128xf32, #tpu.memory_space<vmem>>[vector<16xi32>, vector<16xi32>], vector<16xf32>,
        %mul3A_470 = arith.mulf %gather3A_469, %get3A_71 : vector<16xf32>
        tpu.vector_store_idx %arg8[%add3A_68, %broadcast_in_dim3A_468], %mul3A_470 : memref<128x128xf32, #tpu.memory_space<vmem>>[vector<16xi32>, vector<16xi32>], vector<16xf32>,
        %broadcast_in_dim3A_471 = arith.constant 100 : i32
        %broadcast_in_dim3A_472 = vector.broadcast %broadcast_in_dim3A_471 : i32 to vector<16xi32>
        %gather3A_473 = tpu.vector_load_idx %arg8[%add3A_68, %broadcast_in_dim3A_472] : memref<128x128xf32, #tpu.memory_space<vmem>>[vector<16xi32>, vector<16xi32>], vector<16xf32>,
        %mul3A_474 = arith.mulf %gather3A_473, %get3A_71 : vector<16xf32>
        tpu.vector_store_idx %arg8[%add3A_68, %broadcast_in_dim3A_472], %mul3A_474 : memref<128x128xf32, #tpu.memory_space<vmem>>[vector<16xi32>, vector<16xi32>], vector<16xf32>,
        %broadcast_in_dim3A_475 = arith.constant 101 : i32
        %broadcast_in_dim3A_476 = vector.broadcast %broadcast_in_dim3A_475 : i32 to vector<16xi32>
        %gather3A_477 = tpu.vector_load_idx %arg8[%add3A_68, %broadcast_in_dim3A_476] : memref<128x128xf32, #tpu.memory_space<vmem>>[vector<16xi32>, vector<16xi32>], vector<16xf32>,
        %mul3A_478 = arith.mulf %gather3A_477, %get3A_71 : vector<16xf32>
        tpu.vector_store_idx %arg8[%add3A_68, %broadcast_in_dim3A_476], %mul3A_478 : memref<128x128xf32, #tpu.memory_space<vmem>>[vector<16xi32>, vector<16xi32>], vector<16xf32>,
        %broadcast_in_dim3A_479 = arith.constant 102 : i32
        %broadcast_in_dim3A_480 = vector.broadcast %broadcast_in_dim3A_479 : i32 to vector<16xi32>
        %gather3A_481 = tpu.vector_load_idx %arg8[%add3A_68, %broadcast_in_dim3A_480] : memref<128x128xf32, #tpu.memory_space<vmem>>[vector<16xi32>, vector<16xi32>], vector<16xf32>,
        %mul3A_482 = arith.mulf %gather3A_481, %get3A_71 : vector<16xf32>
        tpu.vector_store_idx %arg8[%add3A_68, %broadcast_in_dim3A_480], %mul3A_482 : memref<128x128xf32, #tpu.memory_space<vmem>>[vector<16xi32>, vector<16xi32>], vector<16xf32>,
        %broadcast_in_dim3A_483 = arith.constant 103 : i32
        %broadcast_in_dim3A_484 = vector.broadcast %broadcast_in_dim3A_483 : i32 to vector<16xi32>
        %gather3A_485 = tpu.vector_load_idx %arg8[%add3A_68, %broadcast_in_dim3A_484] : memref<128x128xf32, #tpu.memory_space<vmem>>[vector<16xi32>, vector<16xi32>], vector<16xf32>,
        %mul3A_486 = arith.mulf %gather3A_485, %get3A_71 : vector<16xf32>
        tpu.vector_store_idx %arg8[%add3A_68, %broadcast_in_dim3A_484], %mul3A_486 : memref<128x128xf32, #tpu.memory_space<vmem>>[vector<16xi32>, vector<16xi32>], vector<16xf32>,
        %broadcast_in_dim3A_487 = arith.constant 104 : i32
        %broadcast_in_dim3A_488 = vector.broadcast %broadcast_in_dim3A_487 : i32 to vector<16xi32>
        %gather3A_489 = tpu.vector_load_idx %arg8[%add3A_68, %broadcast_in_dim3A_488] : memref<128x128xf32, #tpu.memory_space<vmem>>[vector<16xi32>, vector<16xi32>], vector<16xf32>,
        %mul3A_490 = arith.mulf %gather3A_489, %get3A_71 : vector<16xf32>
        tpu.vector_store_idx %arg8[%add3A_68, %broadcast_in_dim3A_488], %mul3A_490 : memref<128x128xf32, #tpu.memory_space<vmem>>[vector<16xi32>, vector<16xi32>], vector<16xf32>,
        %broadcast_in_dim3A_491 = arith.constant 105 : i32
        %broadcast_in_dim3A_492 = vector.broadcast %broadcast_in_dim3A_491 : i32 to vector<16xi32>
        %gather3A_493 = tpu.vector_load_idx %arg8[%add3A_68, %broadcast_in_dim3A_492] : memref<128x128xf32, #tpu.memory_space<vmem>>[vector<16xi32>, vector<16xi32>], vector<16xf32>,
        %mul3A_494 = arith.mulf %gather3A_493, %get3A_71 : vector<16xf32>
        tpu.vector_store_idx %arg8[%add3A_68, %broadcast_in_dim3A_492], %mul3A_494 : memref<128x128xf32, #tpu.memory_space<vmem>>[vector<16xi32>, vector<16xi32>], vector<16xf32>,
        %broadcast_in_dim3A_495 = arith.constant 106 : i32
        %broadcast_in_dim3A_496 = vector.broadcast %broadcast_in_dim3A_495 : i32 to vector<16xi32>
        %gather3A_497 = tpu.vector_load_idx %arg8[%add3A_68, %broadcast_in_dim3A_496] : memref<128x128xf32, #tpu.memory_space<vmem>>[vector<16xi32>, vector<16xi32>], vector<16xf32>,
        %mul3A_498 = arith.mulf %gather3A_497, %get3A_71 : vector<16xf32>
        tpu.vector_store_idx %arg8[%add3A_68, %broadcast_in_dim3A_496], %mul3A_498 : memref<128x128xf32, #tpu.memory_space<vmem>>[vector<16xi32>, vector<16xi32>], vector<16xf32>,
        %broadcast_in_dim3A_499 = arith.constant 107 : i32
        %broadcast_in_dim3A_500 = vector.broadcast %broadcast_in_dim3A_499 : i32 to vector<16xi32>
        %gather3A_501 = tpu.vector_load_idx %arg8[%add3A_68, %broadcast_in_dim3A_500] : memref<128x128xf32, #tpu.memory_space<vmem>>[vector<16xi32>, vector<16xi32>], vector<16xf32>,
        %mul3A_502 = arith.mulf %gather3A_501, %get3A_71 : vector<16xf32>
        tpu.vector_store_idx %arg8[%add3A_68, %broadcast_in_dim3A_500], %mul3A_502 : memref<128x128xf32, #tpu.memory_space<vmem>>[vector<16xi32>, vector<16xi32>], vector<16xf32>,
        %broadcast_in_dim3A_503 = arith.constant 108 : i32
        %broadcast_in_dim3A_504 = vector.broadcast %broadcast_in_dim3A_503 : i32 to vector<16xi32>
        %gather3A_505 = tpu.vector_load_idx %arg8[%add3A_68, %broadcast_in_dim3A_504] : memref<128x128xf32, #tpu.memory_space<vmem>>[vector<16xi32>, vector<16xi32>], vector<16xf32>,
        %mul3A_506 = arith.mulf %gather3A_505, %get3A_71 : vector<16xf32>
        tpu.vector_store_idx %arg8[%add3A_68, %broadcast_in_dim3A_504], %mul3A_506 : memref<128x128xf32, #tpu.memory_space<vmem>>[vector<16xi32>, vector<16xi32>], vector<16xf32>,
        %broadcast_in_dim3A_507 = arith.constant 109 : i32
        %broadcast_in_dim3A_508 = vector.broadcast %broadcast_in_dim3A_507 : i32 to vector<16xi32>
        %gather3A_509 = tpu.vector_load_idx %arg8[%add3A_68, %broadcast_in_dim3A_508] : memref<128x128xf32, #tpu.memory_space<vmem>>[vector<16xi32>, vector<16xi32>], vector<16xf32>,
        %mul3A_510 = arith.mulf %gather3A_509, %get3A_71 : vector<16xf32>
        tpu.vector_store_idx %arg8[%add3A_68, %broadcast_in_dim3A_508], %mul3A_510 : memref<128x128xf32, #tpu.memory_space<vmem>>[vector<16xi32>, vector<16xi32>], vector<16xf32>,
        %broadcast_in_dim3A_511 = arith.constant 110 : i32
        %broadcast_in_dim3A_512 = vector.broadcast %broadcast_in_dim3A_511 : i32 to vector<16xi32>
        %gather3A_513 = tpu.vector_load_idx %arg8[%add3A_68, %broadcast_in_dim3A_512] : memref<128x128xf32, #tpu.memory_space<vmem>>[vector<16xi32>, vector<16xi32>], vector<16xf32>,
        %mul3A_514 = arith.mulf %gather3A_513, %get3A_71 : vector<16xf32>
        tpu.vector_store_idx %arg8[%add3A_68, %broadcast_in_dim3A_512], %mul3A_514 : memref<128x128xf32, #tpu.memory_space<vmem>>[vector<16xi32>, vector<16xi32>], vector<16xf32>,
        %broadcast_in_dim3A_515 = arith.constant 111 : i32
        %broadcast_in_dim3A_516 = vector.broadcast %broadcast_in_dim3A_515 : i32 to vector<16xi32>
        %gather3A_517 = tpu.vector_load_idx %arg8[%add3A_68, %broadcast_in_dim3A_516] : memref<128x128xf32, #tpu.memory_space<vmem>>[vector<16xi32>, vector<16xi32>], vector<16xf32>,
        %mul3A_518 = arith.mulf %gather3A_517, %get3A_71 : vector<16xf32>
        tpu.vector_store_idx %arg8[%add3A_68, %broadcast_in_dim3A_516], %mul3A_518 : memref<128x128xf32, #tpu.memory_space<vmem>>[vector<16xi32>, vector<16xi32>], vector<16xf32>,
        %broadcast_in_dim3A_519 = arith.constant 112 : i32
        %broadcast_in_dim3A_520 = vector.broadcast %broadcast_in_dim3A_519 : i32 to vector<16xi32>
        %gather3A_521 = tpu.vector_load_idx %arg8[%add3A_68, %broadcast_in_dim3A_520] : memref<128x128xf32, #tpu.memory_space<vmem>>[vector<16xi32>, vector<16xi32>], vector<16xf32>,
        %mul3A_522 = arith.mulf %gather3A_521, %get3A_71 : vector<16xf32>
        tpu.vector_store_idx %arg8[%add3A_68, %broadcast_in_dim3A_520], %mul3A_522 : memref<128x128xf32, #tpu.memory_space<vmem>>[vector<16xi32>, vector<16xi32>], vector<16xf32>,
        %broadcast_in_dim3A_523 = arith.constant 113 : i32
        %broadcast_in_dim3A_524 = vector.broadcast %broadcast_in_dim3A_523 : i32 to vector<16xi32>
        %gather3A_525 = tpu.vector_load_idx %arg8[%add3A_68, %broadcast_in_dim3A_524] : memref<128x128xf32, #tpu.memory_space<vmem>>[vector<16xi32>, vector<16xi32>], vector<16xf32>,
        %mul3A_526 = arith.mulf %gather3A_525, %get3A_71 : vector<16xf32>
        tpu.vector_store_idx %arg8[%add3A_68, %broadcast_in_dim3A_524], %mul3A_526 : memref<128x128xf32, #tpu.memory_space<vmem>>[vector<16xi32>, vector<16xi32>], vector<16xf32>,
        %broadcast_in_dim3A_527 = arith.constant 114 : i32
        %broadcast_in_dim3A_528 = vector.broadcast %broadcast_in_dim3A_527 : i32 to vector<16xi32>
        %gather3A_529 = tpu.vector_load_idx %arg8[%add3A_68, %broadcast_in_dim3A_528] : memref<128x128xf32, #tpu.memory_space<vmem>>[vector<16xi32>, vector<16xi32>], vector<16xf32>,
        %mul3A_530 = arith.mulf %gather3A_529, %get3A_71 : vector<16xf32>
        tpu.vector_store_idx %arg8[%add3A_68, %broadcast_in_dim3A_528], %mul3A_530 : memref<128x128xf32, #tpu.memory_space<vmem>>[vector<16xi32>, vector<16xi32>], vector<16xf32>,
        %broadcast_in_dim3A_531 = arith.constant 115 : i32
        %broadcast_in_dim3A_532 = vector.broadcast %broadcast_in_dim3A_531 : i32 to vector<16xi32>
        %gather3A_533 = tpu.vector_load_idx %arg8[%add3A_68, %broadcast_in_dim3A_532] : memref<128x128xf32, #tpu.memory_space<vmem>>[vector<16xi32>, vector<16xi32>], vector<16xf32>,
        %mul3A_534 = arith.mulf %gather3A_533, %get3A_71 : vector<16xf32>
        tpu.vector_store_idx %arg8[%add3A_68, %broadcast_in_dim3A_532], %mul3A_534 : memref<128x128xf32, #tpu.memory_space<vmem>>[vector<16xi32>, vector<16xi32>], vector<16xf32>,
        %broadcast_in_dim3A_535 = arith.constant 116 : i32
        %broadcast_in_dim3A_536 = vector.broadcast %broadcast_in_dim3A_535 : i32 to vector<16xi32>
        %gather3A_537 = tpu.vector_load_idx %arg8[%add3A_68, %broadcast_in_dim3A_536] : memref<128x128xf32, #tpu.memory_space<vmem>>[vector<16xi32>, vector<16xi32>], vector<16xf32>,
        %mul3A_538 = arith.mulf %gather3A_537, %get3A_71 : vector<16xf32>
        tpu.vector_store_idx %arg8[%add3A_68, %broadcast_in_dim3A_536], %mul3A_538 : memref<128x128xf32, #tpu.memory_space<vmem>>[vector<16xi32>, vector<16xi32>], vector<16xf32>,
        %broadcast_in_dim3A_539 = arith.constant 117 : i32
        %broadcast_in_dim3A_540 = vector.broadcast %broadcast_in_dim3A_539 : i32 to vector<16xi32>
        %gather3A_541 = tpu.vector_load_idx %arg8[%add3A_68, %broadcast_in_dim3A_540] : memref<128x128xf32, #tpu.memory_space<vmem>>[vector<16xi32>, vector<16xi32>], vector<16xf32>,
        %mul3A_542 = arith.mulf %gather3A_541, %get3A_71 : vector<16xf32>
        tpu.vector_store_idx %arg8[%add3A_68, %broadcast_in_dim3A_540], %mul3A_542 : memref<128x128xf32, #tpu.memory_space<vmem>>[vector<16xi32>, vector<16xi32>], vector<16xf32>,
        %broadcast_in_dim3A_543 = arith.constant 118 : i32
        %broadcast_in_dim3A_544 = vector.broadcast %broadcast_in_dim3A_543 : i32 to vector<16xi32>
        %gather3A_545 = tpu.vector_load_idx %arg8[%add3A_68, %broadcast_in_dim3A_544] : memref<128x128xf32, #tpu.memory_space<vmem>>[vector<16xi32>, vector<16xi32>], vector<16xf32>,
        %mul3A_546 = arith.mulf %gather3A_545, %get3A_71 : vector<16xf32>
        tpu.vector_store_idx %arg8[%add3A_68, %broadcast_in_dim3A_544], %mul3A_546 : memref<128x128xf32, #tpu.memory_space<vmem>>[vector<16xi32>, vector<16xi32>], vector<16xf32>,
        %broadcast_in_dim3A_547 = arith.constant 119 : i32
        %broadcast_in_dim3A_548 = vector.broadcast %broadcast_in_dim3A_547 : i32 to vector<16xi32>
        %gather3A_549 = tpu.vector_load_idx %arg8[%add3A_68, %broadcast_in_dim3A_548] : memref<128x128xf32, #tpu.memory_space<vmem>>[vector<16xi32>, vector<16xi32>], vector<16xf32>,
        %mul3A_550 = arith.mulf %gather3A_549, %get3A_71 : vector<16xf32>
        tpu.vector_store_idx %arg8[%add3A_68, %broadcast_in_dim3A_548], %mul3A_550 : memref<128x128xf32, #tpu.memory_space<vmem>>[vector<16xi32>, vector<16xi32>], vector<16xf32>,
        %broadcast_in_dim3A_551 = arith.constant 120 : i32
        %broadcast_in_dim3A_552 = vector.broadcast %broadcast_in_dim3A_551 : i32 to vector<16xi32>
        %gather3A_553 = tpu.vector_load_idx %arg8[%add3A_68, %broadcast_in_dim3A_552] : memref<128x128xf32, #tpu.memory_space<vmem>>[vector<16xi32>, vector<16xi32>], vector<16xf32>,
        %mul3A_554 = arith.mulf %gather3A_553, %get3A_71 : vector<16xf32>
        tpu.vector_store_idx %arg8[%add3A_68, %broadcast_in_dim3A_552], %mul3A_554 : memref<128x128xf32, #tpu.memory_space<vmem>>[vector<16xi32>, vector<16xi32>], vector<16xf32>,
        %broadcast_in_dim3A_555 = arith.constant 121 : i32
        %broadcast_in_dim3A_556 = vector.broadcast %broadcast_in_dim3A_555 : i32 to vector<16xi32>
        %gather3A_557 = tpu.vector_load_idx %arg8[%add3A_68, %broadcast_in_dim3A_556] : memref<128x128xf32, #tpu.memory_space<vmem>>[vector<16xi32>, vector<16xi32>], vector<16xf32>,
        %mul3A_558 = arith.mulf %gather3A_557, %get3A_71 : vector<16xf32>
        tpu.vector_store_idx %arg8[%add3A_68, %broadcast_in_dim3A_556], %mul3A_558 : memref<128x128xf32, #tpu.memory_space<vmem>>[vector<16xi32>, vector<16xi32>], vector<16xf32>,
        %broadcast_in_dim3A_559 = arith.constant 122 : i32
        %broadcast_in_dim3A_560 = vector.broadcast %broadcast_in_dim3A_559 : i32 to vector<16xi32>
        %gather3A_561 = tpu.vector_load_idx %arg8[%add3A_68, %broadcast_in_dim3A_560] : memref<128x128xf32, #tpu.memory_space<vmem>>[vector<16xi32>, vector<16xi32>], vector<16xf32>,
        %mul3A_562 = arith.mulf %gather3A_561, %get3A_71 : vector<16xf32>
        tpu.vector_store_idx %arg8[%add3A_68, %broadcast_in_dim3A_560], %mul3A_562 : memref<128x128xf32, #tpu.memory_space<vmem>>[vector<16xi32>, vector<16xi32>], vector<16xf32>,
        %broadcast_in_dim3A_563 = arith.constant 123 : i32
        %broadcast_in_dim3A_564 = vector.broadcast %broadcast_in_dim3A_563 : i32 to vector<16xi32>
        %gather3A_565 = tpu.vector_load_idx %arg8[%add3A_68, %broadcast_in_dim3A_564] : memref<128x128xf32, #tpu.memory_space<vmem>>[vector<16xi32>, vector<16xi32>], vector<16xf32>,
        %mul3A_566 = arith.mulf %gather3A_565, %get3A_71 : vector<16xf32>
        tpu.vector_store_idx %arg8[%add3A_68, %broadcast_in_dim3A_564], %mul3A_566 : memref<128x128xf32, #tpu.memory_space<vmem>>[vector<16xi32>, vector<16xi32>], vector<16xf32>,
        %broadcast_in_dim3A_567 = arith.constant 124 : i32
        %broadcast_in_dim3A_568 = vector.broadcast %broadcast_in_dim3A_567 : i32 to vector<16xi32>
        %gather3A_569 = tpu.vector_load_idx %arg8[%add3A_68, %broadcast_in_dim3A_568] : memref<128x128xf32, #tpu.memory_space<vmem>>[vector<16xi32>, vector<16xi32>], vector<16xf32>,
        %mul3A_570 = arith.mulf %gather3A_569, %get3A_71 : vector<16xf32>
        tpu.vector_store_idx %arg8[%add3A_68, %broadcast_in_dim3A_568], %mul3A_570 : memref<128x128xf32, #tpu.memory_space<vmem>>[vector<16xi32>, vector<16xi32>], vector<16xf32>,
        %broadcast_in_dim3A_571 = arith.constant 125 : i32
        %broadcast_in_dim3A_572 = vector.broadcast %broadcast_in_dim3A_571 : i32 to vector<16xi32>
        %gather3A_573 = tpu.vector_load_idx %arg8[%add3A_68, %broadcast_in_dim3A_572] : memref<128x128xf32, #tpu.memory_space<vmem>>[vector<16xi32>, vector<16xi32>], vector<16xf32>,
        %mul3A_574 = arith.mulf %gather3A_573, %get3A_71 : vector<16xf32>
        tpu.vector_store_idx %arg8[%add3A_68, %broadcast_in_dim3A_572], %mul3A_574 : memref<128x128xf32, #tpu.memory_space<vmem>>[vector<16xi32>, vector<16xi32>], vector<16xf32>,
        %broadcast_in_dim3A_575 = arith.constant 126 : i32
        %broadcast_in_dim3A_576 = vector.broadcast %broadcast_in_dim3A_575 : i32 to vector<16xi32>
        %gather3A_577 = tpu.vector_load_idx %arg8[%add3A_68, %broadcast_in_dim3A_576] : memref<128x128xf32, #tpu.memory_space<vmem>>[vector<16xi32>, vector<16xi32>], vector<16xf32>,
        %mul3A_578 = arith.mulf %gather3A_577, %get3A_71 : vector<16xf32>
        tpu.vector_store_idx %arg8[%add3A_68, %broadcast_in_dim3A_576], %mul3A_578 : memref<128x128xf32, #tpu.memory_space<vmem>>[vector<16xi32>, vector<16xi32>], vector<16xf32>,
        %broadcast_in_dim3A_579 = arith.constant 127 : i32
        %broadcast_in_dim3A_580 = vector.broadcast %broadcast_in_dim3A_579 : i32 to vector<16xi32>
        %gather3A_581 = tpu.vector_load_idx %arg8[%add3A_68, %broadcast_in_dim3A_580] : memref<128x128xf32, #tpu.memory_space<vmem>>[vector<16xi32>, vector<16xi32>], vector<16xf32>,
        %mul3A_582 = arith.mulf %gather3A_581, %get3A_71 : vector<16xf32>
        tpu.vector_store_idx %arg8[%add3A_68, %broadcast_in_dim3A_580], %mul3A_582 : memref<128x128xf32, #tpu.memory_space<vmem>>[vector<16xi32>, vector<16xi32>], vector<16xf32>,
        %scan3A_583 = arith.constant 0 : i32
        scf.yield %scan3A_583 : i32
      }
      %scan3A_61 = arith.constant 8 : i32
      "tpu.region"() ({
        %run_scoped3A = tpu.sem_alloc : memref<!tpu.dma_semaphore, #tpu.memory_space<semaphore_mem>>
        %dma_start3A_63 = arith.constant 0 : i32
        %dma_start3A_64 = arith.constant 0 : i32
        %dma_start3A_65 = tpu.memref_slice %arg14[%dma_start3A_63, %dma_start3A_64] : memref<10240x128xf32, #tpu.memory_space<vmem_shared>> -> memref<10240x128xf32, #tpu.memory_space<vmem_shared>>
        tpu.enqueue_indirect_dma source(%arg8 : memref<128x128xf32, #tpu.memory_space<vmem>>) target(%dma_start3A_65 : memref<10240x128xf32, #tpu.memory_space<vmem_shared>>) offsets(%arg10 : memref<128xi32, #tpu.memory_space<vmem>>) semaphore(%run_scoped3A : memref<!tpu.dma_semaphore, #tpu.memory_space<semaphore_mem>>) {add = true}
        %dma_wait3A_66 = arith.constant 0 : i32
        %dma_wait3A_67 = arith.constant 0 : i32
        %dma_wait3A_68 = tpu.memref_slice %arg14[%dma_wait3A_66, %dma_wait3A_67] : memref<10240x128xf32, #tpu.memory_space<vmem_shared>> -> memref<10240x128xf32, #tpu.memory_space<vmem_shared>>
        tpu.wait_indirect_dma semaphore(%run_scoped3A : memref<!tpu.dma_semaphore, #tpu.memory_space<semaphore_mem>>) src(%arg8 : memref<128x128xf32, #tpu.memory_space<vmem>>) dst(%dma_wait3A_68 : memref<10240x128xf32, #tpu.memory_space<vmem_shared>>)
        tpu.yield
      }) : () -> ()
      %scan3A_62 = arith.constant 0 : i32
      scf.yield %scan3A_62 : i32
    }
    %scan3A_40 = arith.constant 80 : i32
    %barrier3A_41 = arith.constant 0 : index
    tpu.barrier barrier_id(%barrier3A_41)
    %mul3A_42 = arith.constant 640 : i32
    %mul3A_43 = arith.muli %arg1, %mul3A_42 : i32
    %mul3A_44 = arith.constant 640 : i32
    %mul3A_45 = arith.muli %arg1, %mul3A_44 : i32
    "tpu.region"() ({
      %run_scoped3A = tpu.sem_alloc : memref<!tpu.dma_semaphore, #tpu.memory_space<semaphore_mem>>
      %dma_start3A = arith.constant 0 : i32
      %dma_start3A_46 = tpu.memref_slice %arg7[%arg0, %mul3A_45, %dma_start3A] : memref<2x10240x128xf32, #tpu.memory_space<hbm>> -> memref<1x640x128xf32, #tpu.memory_space<hbm>>
      %dma_start3A_47 = tpu.memref_squeeze %dma_start3A_46 : memref<1x640x128xf32, #tpu.memory_space<hbm>> -> memref<640x128xf32, #tpu.memory_space<hbm>>
      %dma_start3A_48 = arith.constant 0 : i32
      %dma_start3A_49 = tpu.memref_slice %arg14[%mul3A_43, %dma_start3A_48] : memref<10240x128xf32, #tpu.memory_space<vmem_shared>> -> memref<640x128xf32, #tpu.memory_space<vmem_shared>>
      tpu.enqueue_dma source(%dma_start3A_49 : memref<640x128xf32, #tpu.memory_space<vmem_shared>>) target(%dma_start3A_47 : memref<640x128xf32, #tpu.memory_space<hbm>>) target_semaphore(%run_scoped3A : memref<!tpu.dma_semaphore, #tpu.memory_space<semaphore_mem>>)
      %dma_wait3A = arith.constant 0 : i32
      %dma_wait3A_50 = tpu.memref_slice %arg7[%arg0, %mul3A_45, %dma_wait3A] : memref<2x10240x128xf32, #tpu.memory_space<hbm>> -> memref<1x640x128xf32, #tpu.memory_space<hbm>>
      %dma_wait3A_51 = tpu.memref_squeeze %dma_wait3A_50 : memref<1x640x128xf32, #tpu.memory_space<hbm>> -> memref<640x128xf32, #tpu.memory_space<hbm>>
      %dma_wait3A_52 = arith.constant 0 : i32
      %dma_wait3A_53 = tpu.memref_slice %arg14[%mul3A_43, %dma_wait3A_52] : memref<10240x128xf32, #tpu.memory_space<vmem_shared>> -> memref<640x128xf32, #tpu.memory_space<vmem_shared>>
      tpu.wait_dma2 semaphore(%run_scoped3A : memref<!tpu.dma_semaphore, #tpu.memory_space<semaphore_mem>>) src(%dma_wait3A_53 : memref<640x128xf32, #tpu.memory_space<vmem_shared>>) dst(%dma_wait3A_51 : memref<640x128xf32, #tpu.memory_space<hbm>>)
      tpu.yield
    }) : () -> ()
    return
  }
}

#map = affine_map<(d0, d1) -> (0)>
#map1 = affine_map<(d0, d1) -> (0, 0)>
module attributes {stable_mosaic.version = 14 : i64} {
  func.func @_sc_counts_body(%arg0: i32, %arg1: i32, %arg2: memref<327680xi32, #tpu.memory_space<hbm>>, %arg3: memref<2x81920xf32, #tpu.memory_space<hbm>>, %arg4: memref<128xi32, #tpu.memory_space<vmem>>, %arg5: memref<128xf32, #tpu.memory_space<vmem>>, %arg6: memref<5120xf32, #tpu.memory_space<vmem>>, %arg7: memref<81920xf32, #tpu.memory_space<vmem_shared>>) attributes {dimension_semantics = [#tpu.dimension_semantics<core_parallel>, #tpu.dimension_semantics<subcore_parallel>], iteration_bounds = array<i64: 2, 16>, scalar_prefetch = 0 : i64, scratch_operands = 4 : i64, tpu.core_type = #tpu.core_type<sc_vector_subcore>, window_params = [{transform_indices = #map}, {transform_indices = #map1}]} {
    %mul3A = arith.constant 16 : i32
    %mul3A_0 = arith.muli %arg0, %mul3A : i32
    %add3A = arith.addi %mul3A_0, %arg1 : i32
    %broadcast_in_dim3A = arith.constant 0.000000e+00 : f32
    %broadcast_in_dim3A_1 = vector.broadcast %broadcast_in_dim3A : f32 to vector<16xf32>
    %broadcast_in_dim3A_2 = arith.constant 1.000000e+00 : f32
    %broadcast_in_dim3A_3 = vector.broadcast %broadcast_in_dim3A_2 : f32 to vector<16xf32>
    %scan3A = arith.constant 0 : i32
    %scan3A_4 = arith.constant 0 : i32
    %scan3A_5 = arith.constant 320 : i32
    %scan3A_6 = arith.addi %scan3A_4, %scan3A_5 : i32
    %scan3A_7 = arith.constant 1 : i32
    %scan3A_8 = scf.for %scan3A_57 = %scan3A_4 to %scan3A_6 step %scan3A_7 iter_args(%scan3A_58 = %scan3A) -> (i32)  : i32 {
      %mul3A_59 = arith.constant 16 : i32
      %mul3A_60 = arith.muli %scan3A_57, %mul3A_59 : i32
      %swap3A_61 = arith.index_cast %mul3A_60 : i32 to index
      %swap3A_62 = tpu.vector_load %arg6[%swap3A_61] {strides = array<i32>} : memref<5120xf32, #tpu.memory_space<vmem>>, vector<16xf32>,
      %swap3A_63 = vector.shape_cast %swap3A_62 : vector<16xf32> to vector<16xf32>
      %swap3A_64 = vector.shape_cast %broadcast_in_dim3A_1 : vector<16xf32> to vector<16xf32>
      tpu.vector_store %arg6[%swap3A_61], %swap3A_64 {strides = array<i32>} : memref<5120xf32, #tpu.memory_space<vmem>>, vector<16xf32>,
      %scan3A_65 = arith.constant 0 : i32
      scf.yield %scan3A_65 : i32
    }
    %scan3A_9 = arith.constant 320 : i32
    %mul3A_10 = arith.constant 5120 : i32
    %mul3A_11 = arith.muli %arg1, %mul3A_10 : i32
    "tpu.region"() ({
      %run_scoped3A = tpu.sem_alloc : memref<!tpu.dma_semaphore, #tpu.memory_space<semaphore_mem>>
      %dma_start3A = tpu.memref_slice %arg7[%mul3A_11] : memref<81920xf32, #tpu.memory_space<vmem_shared>> -> memref<5120xf32, #tpu.memory_space<vmem_shared>>
      %dma_start3A_57 = tpu.memref_slice %arg7[%mul3A_11] : memref<81920xf32, #tpu.memory_space<vmem_shared>> -> memref<5120xf32, #tpu.memory_space<vmem_shared>>
      tpu.enqueue_dma source(%arg6 : memref<5120xf32, #tpu.memory_space<vmem>>) target(%dma_start3A_57 : memref<5120xf32, #tpu.memory_space<vmem_shared>>) target_semaphore(%run_scoped3A : memref<!tpu.dma_semaphore, #tpu.memory_space<semaphore_mem>>)
      %dma_wait3A = tpu.memref_slice %arg7[%mul3A_11] : memref<81920xf32, #tpu.memory_space<vmem_shared>> -> memref<5120xf32, #tpu.memory_space<vmem_shared>>
      %dma_wait3A_58 = tpu.memref_slice %arg7[%mul3A_11] : memref<81920xf32, #tpu.memory_space<vmem_shared>> -> memref<5120xf32, #tpu.memory_space<vmem_shared>>
      tpu.wait_dma2 semaphore(%run_scoped3A : memref<!tpu.dma_semaphore, #tpu.memory_space<semaphore_mem>>) src(%arg6 : memref<5120xf32, #tpu.memory_space<vmem>>) dst(%dma_wait3A_58 : memref<5120xf32, #tpu.memory_space<vmem_shared>>)
      tpu.yield
    }) : () -> ()
    %swap3A = arith.constant 0 : index
    %swap3A_12 = tpu.vector_load %arg5[%swap3A] {strides = array<i32>} : memref<128xf32, #tpu.memory_space<vmem>>, vector<16xf32>,
    %swap3A_13 = vector.shape_cast %swap3A_12 : vector<16xf32> to vector<16xf32>
    %swap3A_14 = vector.shape_cast %broadcast_in_dim3A_3 : vector<16xf32> to vector<16xf32>
    tpu.vector_store %arg5[%swap3A], %swap3A_14 {strides = array<i32>} : memref<128xf32, #tpu.memory_space<vmem>>, vector<16xf32>,
    %swap3A_15 = arith.constant 16 : index
    %swap3A_16 = tpu.vector_load %arg5[%swap3A_15] {strides = array<i32>} : memref<128xf32, #tpu.memory_space<vmem>>, vector<16xf32>,
    %swap3A_17 = vector.shape_cast %swap3A_16 : vector<16xf32> to vector<16xf32>
    %swap3A_18 = vector.shape_cast %broadcast_in_dim3A_3 : vector<16xf32> to vector<16xf32>
    tpu.vector_store %arg5[%swap3A_15], %swap3A_18 {strides = array<i32>} : memref<128xf32, #tpu.memory_space<vmem>>, vector<16xf32>,
    %swap3A_19 = arith.constant 32 : index
    %swap3A_20 = tpu.vector_load %arg5[%swap3A_19] {strides = array<i32>} : memref<128xf32, #tpu.memory_space<vmem>>, vector<16xf32>,
    %swap3A_21 = vector.shape_cast %swap3A_20 : vector<16xf32> to vector<16xf32>
    %swap3A_22 = vector.shape_cast %broadcast_in_dim3A_3 : vector<16xf32> to vector<16xf32>
    tpu.vector_store %arg5[%swap3A_19], %swap3A_22 {strides = array<i32>} : memref<128xf32, #tpu.memory_space<vmem>>, vector<16xf32>,
    %swap3A_23 = arith.constant 48 : index
    %swap3A_24 = tpu.vector_load %arg5[%swap3A_23] {strides = array<i32>} : memref<128xf32, #tpu.memory_space<vmem>>, vector<16xf32>,
    %swap3A_25 = vector.shape_cast %swap3A_24 : vector<16xf32> to vector<16xf32>
    %swap3A_26 = vector.shape_cast %broadcast_in_dim3A_3 : vector<16xf32> to vector<16xf32>
    tpu.vector_store %arg5[%swap3A_23], %swap3A_26 {strides = array<i32>} : memref<128xf32, #tpu.memory_space<vmem>>, vector<16xf32>,
    %swap3A_27 = arith.constant 64 : index
    %swap3A_28 = tpu.vector_load %arg5[%swap3A_27] {strides = array<i32>} : memref<128xf32, #tpu.memory_space<vmem>>, vector<16xf32>,
    %swap3A_29 = vector.shape_cast %swap3A_28 : vector<16xf32> to vector<16xf32>
    %swap3A_30 = vector.shape_cast %broadcast_in_dim3A_3 : vector<16xf32> to vector<16xf32>
    tpu.vector_store %arg5[%swap3A_27], %swap3A_30 {strides = array<i32>} : memref<128xf32, #tpu.memory_space<vmem>>, vector<16xf32>,
    %swap3A_31 = arith.constant 80 : index
    %swap3A_32 = tpu.vector_load %arg5[%swap3A_31] {strides = array<i32>} : memref<128xf32, #tpu.memory_space<vmem>>, vector<16xf32>,
    %swap3A_33 = vector.shape_cast %swap3A_32 : vector<16xf32> to vector<16xf32>
    %swap3A_34 = vector.shape_cast %broadcast_in_dim3A_3 : vector<16xf32> to vector<16xf32>
    tpu.vector_store %arg5[%swap3A_31], %swap3A_34 {strides = array<i32>} : memref<128xf32, #tpu.memory_space<vmem>>, vector<16xf32>,
    %swap3A_35 = arith.constant 96 : index
    %swap3A_36 = tpu.vector_load %arg5[%swap3A_35] {strides = array<i32>} : memref<128xf32, #tpu.memory_space<vmem>>, vector<16xf32>,
    %swap3A_37 = vector.shape_cast %swap3A_36 : vector<16xf32> to vector<16xf32>
    %swap3A_38 = vector.shape_cast %broadcast_in_dim3A_3 : vector<16xf32> to vector<16xf32>
    tpu.vector_store %arg5[%swap3A_35], %swap3A_38 {strides = array<i32>} : memref<128xf32, #tpu.memory_space<vmem>>, vector<16xf32>,
    %swap3A_39 = arith.constant 112 : index
    %swap3A_40 = tpu.vector_load %arg5[%swap3A_39] {strides = array<i32>} : memref<128xf32, #tpu.memory_space<vmem>>, vector<16xf32>,
    %swap3A_41 = vector.shape_cast %swap3A_40 : vector<16xf32> to vector<16xf32>
    %swap3A_42 = vector.shape_cast %broadcast_in_dim3A_3 : vector<16xf32> to vector<16xf32>
    tpu.vector_store %arg5[%swap3A_39], %swap3A_42 {strides = array<i32>} : memref<128xf32, #tpu.memory_space<vmem>>, vector<16xf32>,
    %barrier3A = arith.constant 0 : index
    tpu.barrier barrier_id(%barrier3A)
    %mul3A_43 = arith.constant 10240 : i32
    %mul3A_44 = arith.muli %add3A, %mul3A_43 : i32
    %scan3A_45 = arith.constant 0 : i32
    %scan3A_46 = arith.constant 0 : i32
    %scan3A_47 = arith.constant 80 : i32
    %scan3A_48 = arith.addi %scan3A_46, %scan3A_47 : i32
    %scan3A_49 = arith.constant 1 : i32
    %scan3A_50 = scf.for %scan3A_57 = %scan3A_46 to %scan3A_48 step %scan3A_49 iter_args(%scan3A_58 = %scan3A_45) -> (i32)  : i32 {
      %mul3A_59 = arith.constant 128 : i32
      %mul3A_60 = arith.muli %scan3A_57, %mul3A_59 : i32
      %add3A_61 = arith.addi %mul3A_44, %mul3A_60 : i32
      "tpu.region"() ({
        %run_scoped3A = tpu.sem_alloc : memref<!tpu.dma_semaphore, #tpu.memory_space<semaphore_mem>>
        %dma_start3A = tpu.memref_slice %arg2[%add3A_61] : memref<327680xi32, #tpu.memory_space<hbm>> -> memref<128xi32, #tpu.memory_space<hbm>>
        %dma_start3A_63 = tpu.memref_slice %arg2[%add3A_61] : memref<327680xi32, #tpu.memory_space<hbm>> -> memref<128xi32, #tpu.memory_space<hbm>>
        tpu.enqueue_dma source(%dma_start3A_63 : memref<128xi32, #tpu.memory_space<hbm>>) target(%arg4 : memref<128xi32, #tpu.memory_space<vmem>>) target_semaphore(%run_scoped3A : memref<!tpu.dma_semaphore, #tpu.memory_space<semaphore_mem>>)
        %dma_wait3A = tpu.memref_slice %arg2[%add3A_61] : memref<327680xi32, #tpu.memory_space<hbm>> -> memref<128xi32, #tpu.memory_space<hbm>>
        %dma_wait3A_64 = tpu.memref_slice %arg2[%add3A_61] : memref<327680xi32, #tpu.memory_space<hbm>> -> memref<128xi32, #tpu.memory_space<hbm>>
        tpu.wait_dma2 semaphore(%run_scoped3A : memref<!tpu.dma_semaphore, #tpu.memory_space<semaphore_mem>>) src(%dma_wait3A_64 : memref<128xi32, #tpu.memory_space<hbm>>) dst(%arg4 : memref<128xi32, #tpu.memory_space<vmem>>)
        tpu.yield
      }) : () -> ()
      "tpu.region"() ({
        %run_scoped3A = tpu.sem_alloc : memref<!tpu.dma_semaphore, #tpu.memory_space<semaphore_mem>>
        %dma_start3A = arith.constant 0 : i32
        %dma_start3A_63 = tpu.memref_slice %arg7[%dma_start3A] : memref<81920xf32, #tpu.memory_space<vmem_shared>> -> memref<81920xf32, #tpu.memory_space<vmem_shared>>
        tpu.enqueue_indirect_dma source(%arg5 : memref<128xf32, #tpu.memory_space<vmem>>) target(%dma_start3A_63 : memref<81920xf32, #tpu.memory_space<vmem_shared>>) offsets(%arg4 : memref<128xi32, #tpu.memory_space<vmem>>) semaphore(%run_scoped3A : memref<!tpu.dma_semaphore, #tpu.memory_space<semaphore_mem>>) {add = true}
        %dma_wait3A = arith.constant 0 : i32
        %dma_wait3A_64 = tpu.memref_slice %arg7[%dma_wait3A] : memref<81920xf32, #tpu.memory_space<vmem_shared>> -> memref<81920xf32, #tpu.memory_space<vmem_shared>>
        tpu.wait_indirect_dma semaphore(%run_scoped3A : memref<!tpu.dma_semaphore, #tpu.memory_space<semaphore_mem>>) src(%arg5 : memref<128xf32, #tpu.memory_space<vmem>>) dst(%dma_wait3A_64 : memref<81920xf32, #tpu.memory_space<vmem_shared>>)
        tpu.yield
      }) : () -> ()
      %scan3A_62 = arith.constant 0 : i32
      scf.yield %scan3A_62 : i32
    }
    %scan3A_51 = arith.constant 80 : i32
    %barrier3A_52 = arith.constant 0 : index
    tpu.barrier barrier_id(%barrier3A_52)
    %mul3A_53 = arith.constant 5120 : i32
    %mul3A_54 = arith.muli %arg1, %mul3A_53 : i32
    %mul3A_55 = arith.constant 5120 : i32
    %mul3A_56 = arith.muli %arg1, %mul3A_55 : i32
    "tpu.region"() ({
      %run_scoped3A = tpu.sem_alloc : memref<!tpu.dma_semaphore, #tpu.memory_space<semaphore_mem>>
      %dma_start3A = tpu.memref_slice %arg3[%arg0, %mul3A_56] : memref<2x81920xf32, #tpu.memory_space<hbm>> -> memref<1x5120xf32, #tpu.memory_space<hbm>>
      %dma_start3A_57 = tpu.memref_squeeze %dma_start3A : memref<1x5120xf32, #tpu.memory_space<hbm>> -> memref<5120xf32, #tpu.memory_space<hbm>>
      %dma_start3A_58 = tpu.memref_slice %arg7[%mul3A_54] : memref<81920xf32, #tpu.memory_space<vmem_shared>> -> memref<5120xf32, #tpu.memory_space<vmem_shared>>
      tpu.enqueue_dma source(%dma_start3A_58 : memref<5120xf32, #tpu.memory_space<vmem_shared>>) target(%dma_start3A_57 : memref<5120xf32, #tpu.memory_space<hbm>>) target_semaphore(%run_scoped3A : memref<!tpu.dma_semaphore, #tpu.memory_space<semaphore_mem>>)
      %dma_wait3A = tpu.memref_slice %arg3[%arg0, %mul3A_56] : memref<2x81920xf32, #tpu.memory_space<hbm>> -> memref<1x5120xf32, #tpu.memory_space<hbm>>
      %dma_wait3A_59 = tpu.memref_squeeze %dma_wait3A : memref<1x5120xf32, #tpu.memory_space<hbm>> -> memref<5120xf32, #tpu.memory_space<hbm>>
      %dma_wait3A_60 = tpu.memref_slice %arg7[%mul3A_54] : memref<81920xf32, #tpu.memory_space<vmem_shared>> -> memref<5120xf32, #tpu.memory_space<vmem_shared>>
      tpu.wait_dma2 semaphore(%run_scoped3A : memref<!tpu.dma_semaphore, #tpu.memory_space<semaphore_mem>>) src(%dma_wait3A_60 : memref<5120xf32, #tpu.memory_space<vmem_shared>>) dst(%dma_wait3A_59 : memref<5120xf32, #tpu.memory_space<hbm>>)
      tpu.yield
    }) : () -> ()
    return
  }
}

#map = affine_map<(d0, d1) -> (0, 0)>
#map1 = affine_map<(d0, d1) -> (0)>
#map2 = affine_map<(d0, d1) -> (0, 0, 0)>
module attributes {stable_mosaic.version = 14 : i64} {
  func.func @_sc_edge_body(%arg0: i32, %arg1: i32, %arg2: memref<90000x128xf32, #tpu.memory_space<hbm>>, %arg3: memref<327680xi32, #tpu.memory_space<hbm>>, %arg4: memref<327680xi32, #tpu.memory_space<hbm>>, %arg5: memref<327680xi32, #tpu.memory_space<hbm>>, %arg6: memref<81920xf32, #tpu.memory_space<hbm>>, %arg7: memref<2x10240x128xf32, #tpu.memory_space<hbm>>, %arg8: memref<128x128xf32, #tpu.memory_space<vmem>>, %arg9: memref<128xi32, #tpu.memory_space<vmem>>, %arg10: memref<128xi32, #tpu.memory_space<vmem>>, %arg11: memref<128xi32, #tpu.memory_space<vmem>>, %arg12: memref<128xf32, #tpu.memory_space<vmem>>, %arg13: memref<81920xf32, #tpu.memory_space<vmem_shared>>, %arg14: memref<10240x128xf32, #tpu.memory_space<vmem_shared>>, %arg15: memref<!tpu.dma_semaphore, #tpu.memory_space<semaphore_mem>>) attributes {dimension_semantics = [#tpu.dimension_semantics<core_parallel>, #tpu.dimension_semantics<subcore_parallel>], iteration_bounds = array<i64: 2, 16>, scalar_prefetch = 0 : i64, scratch_operands = 8 : i64, tpu.core_type = #tpu.core_type<sc_vector_subcore>, window_params = [{transform_indices = #map}, {transform_indices = #map1}, {transform_indices = #map1}, {transform_indices = #map1}, {transform_indices = #map1}, {transform_indices = #map2}]} {
    %mul3A = arith.constant 16 : i32
    %mul3A_0 = arith.muli %arg0, %mul3A : i32
    %add3A = arith.addi %mul3A_0, %arg1 : i32
    %mul3A_1 = arith.constant 5120 : i32
    %mul3A_2 = arith.muli %arg1, %mul3A_1 : i32
    %mul3A_3 = arith.constant 5120 : i32
    %mul3A_4 = arith.muli %arg1, %mul3A_3 : i32
    "tpu.region"() ({
      %run_scoped3A = tpu.sem_alloc : memref<!tpu.dma_semaphore, #tpu.memory_space<semaphore_mem>>
      %dma_start3A = tpu.memref_slice %arg13[%mul3A_4] : memref<81920xf32, #tpu.memory_space<vmem_shared>> -> memref<5120xf32, #tpu.memory_space<vmem_shared>>
      %dma_start3A_46 = tpu.memref_slice %arg6[%mul3A_2] : memref<81920xf32, #tpu.memory_space<hbm>> -> memref<5120xf32, #tpu.memory_space<hbm>>
      tpu.enqueue_dma source(%dma_start3A_46 : memref<5120xf32, #tpu.memory_space<hbm>>) target(%dma_start3A : memref<5120xf32, #tpu.memory_space<vmem_shared>>) target_semaphore(%run_scoped3A : memref<!tpu.dma_semaphore, #tpu.memory_space<semaphore_mem>>)
      %dma_wait3A = tpu.memref_slice %arg13[%mul3A_4] : memref<81920xf32, #tpu.memory_space<vmem_shared>> -> memref<5120xf32, #tpu.memory_space<vmem_shared>>
      %dma_wait3A_47 = tpu.memref_slice %arg6[%mul3A_2] : memref<81920xf32, #tpu.memory_space<hbm>> -> memref<5120xf32, #tpu.memory_space<hbm>>
      tpu.wait_dma2 semaphore(%run_scoped3A : memref<!tpu.dma_semaphore, #tpu.memory_space<semaphore_mem>>) src(%dma_wait3A_47 : memref<5120xf32, #tpu.memory_space<hbm>>) dst(%dma_wait3A : memref<5120xf32, #tpu.memory_space<vmem_shared>>)
      tpu.yield
    }) : () -> ()
    %broadcast_in_dim3A = arith.constant 0.000000e+00 : f32
    %broadcast_in_dim3A_5 = vector.broadcast %broadcast_in_dim3A : f32 to vector<16xf32>
    %scan3A = arith.constant 0 : i32
    %scan3A_6 = arith.constant 0 : i32
    %scan3A_7 = arith.constant 128 : i32
    %scan3A_8 = arith.addi %scan3A_6, %scan3A_7 : i32
    %scan3A_9 = arith.constant 1 : i32
    %scan3A_10 = scf.for %scan3A_46 = %scan3A_6 to %scan3A_8 step %scan3A_9 iter_args(%scan3A_47 = %scan3A) -> (i32)  : i32 {
      %swap3A = arith.index_cast %scan3A_46 : i32 to index
      %swap3A_48 = arith.constant 0 : index
      %swap3A_49 = tpu.vector_load %arg8[%swap3A, %swap3A_48] {strides = array<i32>} : memref<128x128xf32, #tpu.memory_space<vmem>>, vector<16xf32>,
      tpu.vector_store %arg8[%swap3A, %swap3A_48], %broadcast_in_dim3A_5 {strides = array<i32>} : memref<128x128xf32, #tpu.memory_space<vmem>>, vector<16xf32>,
      %swap3A_50 = arith.index_cast %scan3A_46 : i32 to index
      %swap3A_51 = arith.constant 16 : index
      %swap3A_52 = tpu.vector_load %arg8[%swap3A_50, %swap3A_51] {strides = array<i32>} : memref<128x128xf32, #tpu.memory_space<vmem>>, vector<16xf32>,
      tpu.vector_store %arg8[%swap3A_50, %swap3A_51], %broadcast_in_dim3A_5 {strides = array<i32>} : memref<128x128xf32, #tpu.memory_space<vmem>>, vector<16xf32>,
      %swap3A_53 = arith.index_cast %scan3A_46 : i32 to index
      %swap3A_54 = arith.constant 32 : index
      %swap3A_55 = tpu.vector_load %arg8[%swap3A_53, %swap3A_54] {strides = array<i32>} : memref<128x128xf32, #tpu.memory_space<vmem>>, vector<16xf32>,
      tpu.vector_store %arg8[%swap3A_53, %swap3A_54], %broadcast_in_dim3A_5 {strides = array<i32>} : memref<128x128xf32, #tpu.memory_space<vmem>>, vector<16xf32>,
      %swap3A_56 = arith.index_cast %scan3A_46 : i32 to index
      %swap3A_57 = arith.constant 48 : index
      %swap3A_58 = tpu.vector_load %arg8[%swap3A_56, %swap3A_57] {strides = array<i32>} : memref<128x128xf32, #tpu.memory_space<vmem>>, vector<16xf32>,
      tpu.vector_store %arg8[%swap3A_56, %swap3A_57], %broadcast_in_dim3A_5 {strides = array<i32>} : memref<128x128xf32, #tpu.memory_space<vmem>>, vector<16xf32>,
      %swap3A_59 = arith.index_cast %scan3A_46 : i32 to index
      %swap3A_60 = arith.constant 64 : index
      %swap3A_61 = tpu.vector_load %arg8[%swap3A_59, %swap3A_60] {strides = array<i32>} : memref<128x128xf32, #tpu.memory_space<vmem>>, vector<16xf32>,
      tpu.vector_store %arg8[%swap3A_59, %swap3A_60], %broadcast_in_dim3A_5 {strides = array<i32>} : memref<128x128xf32, #tpu.memory_space<vmem>>, vector<16xf32>,
      %swap3A_62 = arith.index_cast %scan3A_46 : i32 to index
      %swap3A_63 = arith.constant 80 : index
      %swap3A_64 = tpu.vector_load %arg8[%swap3A_62, %swap3A_63] {strides = array<i32>} : memref<128x128xf32, #tpu.memory_space<vmem>>, vector<16xf32>,
      tpu.vector_store %arg8[%swap3A_62, %swap3A_63], %broadcast_in_dim3A_5 {strides = array<i32>} : memref<128x128xf32, #tpu.memory_space<vmem>>, vector<16xf32>,
      %swap3A_65 = arith.index_cast %scan3A_46 : i32 to index
      %swap3A_66 = arith.constant 96 : index
      %swap3A_67 = tpu.vector_load %arg8[%swap3A_65, %swap3A_66] {strides = array<i32>} : memref<128x128xf32, #tpu.memory_space<vmem>>, vector<16xf32>,
      tpu.vector_store %arg8[%swap3A_65, %swap3A_66], %broadcast_in_dim3A_5 {strides = array<i32>} : memref<128x128xf32, #tpu.memory_space<vmem>>, vector<16xf32>,
      %swap3A_68 = arith.index_cast %scan3A_46 : i32 to index
      %swap3A_69 = arith.constant 112 : index
      %swap3A_70 = tpu.vector_load %arg8[%swap3A_68, %swap3A_69] {strides = array<i32>} : memref<128x128xf32, #tpu.memory_space<vmem>>, vector<16xf32>,
      tpu.vector_store %arg8[%swap3A_68, %swap3A_69], %broadcast_in_dim3A_5 {strides = array<i32>} : memref<128x128xf32, #tpu.memory_space<vmem>>, vector<16xf32>,
      %scan3A_71 = arith.constant 0 : i32
      scf.yield %scan3A_71 : i32
    }
    %scan3A_11 = arith.constant 128 : i32
    %mul3A_12 = arith.constant 640 : i32
    %mul3A_13 = arith.muli %arg1, %mul3A_12 : i32
    %add3A_14 = arith.constant 0 : i32
    %add3A_15 = arith.addi %mul3A_13, %add3A_14 : i32
    "tpu.region"() ({
      %run_scoped3A = tpu.sem_alloc : memref<!tpu.dma_semaphore, #tpu.memory_space<semaphore_mem>>
      %dma_start3A = arith.constant 0 : i32
      %dma_start3A_46 = tpu.memref_slice %arg14[%add3A_15, %dma_start3A] : memref<10240x128xf32, #tpu.memory_space<vmem_shared>> -> memref<128x128xf32, #tpu.memory_space<vmem_shared>>
      %dma_start3A_47 = arith.constant 0 : i32
      %dma_start3A_48 = tpu.memref_slice %arg14[%add3A_15, %dma_start3A_47] : memref<10240x128xf32, #tpu.memory_space<vmem_shared>> -> memref<128x128xf32, #tpu.memory_space<vmem_shared>>
      tpu.enqueue_dma source(%arg8 : memref<128x128xf32, #tpu.memory_space<vmem>>) target(%dma_start3A_48 : memref<128x128xf32, #tpu.memory_space<vmem_shared>>) target_semaphore(%run_scoped3A : memref<!tpu.dma_semaphore, #tpu.memory_space<semaphore_mem>>)
      %dma_wait3A = arith.constant 0 : i32
      %dma_wait3A_49 = tpu.memref_slice %arg14[%add3A_15, %dma_wait3A] : memref<10240x128xf32, #tpu.memory_space<vmem_shared>> -> memref<128x128xf32, #tpu.memory_space<vmem_shared>>
      %dma_wait3A_50 = arith.constant 0 : i32
      %dma_wait3A_51 = tpu.memref_slice %arg14[%add3A_15, %dma_wait3A_50] : memref<10240x128xf32, #tpu.memory_space<vmem_shared>> -> memref<128x128xf32, #tpu.memory_space<vmem_shared>>
      tpu.wait_dma2 semaphore(%run_scoped3A : memref<!tpu.dma_semaphore, #tpu.memory_space<semaphore_mem>>) src(%arg8 : memref<128x128xf32, #tpu.memory_space<vmem>>) dst(%dma_wait3A_51 : memref<128x128xf32, #tpu.memory_space<vmem_shared>>)
      tpu.yield
    }) : () -> ()
    %mul3A_16 = arith.constant 640 : i32
    %mul3A_17 = arith.muli %arg1, %mul3A_16 : i32
    %add3A_18 = arith.constant 128 : i32
    %add3A_19 = arith.addi %mul3A_17, %add3A_18 : i32
    "tpu.region"() ({
      %run_scoped3A = tpu.sem_alloc : memref<!tpu.dma_semaphore, #tpu.memory_space<semaphore_mem>>
      %dma_start3A = arith.constant 0 : i32
      %dma_start3A_46 = tpu.memref_slice %arg14[%add3A_19, %dma_start3A] : memref<10240x128xf32, #tpu.memory_space<vmem_shared>> -> memref<128x128xf32, #tpu.memory_space<vmem_shared>>
      %dma_start3A_47 = arith.constant 0 : i32
      %dma_start3A_48 = tpu.memref_slice %arg14[%add3A_19, %dma_start3A_47] : memref<10240x128xf32, #tpu.memory_space<vmem_shared>> -> memref<128x128xf32, #tpu.memory_space<vmem_shared>>
      tpu.enqueue_dma source(%arg8 : memref<128x128xf32, #tpu.memory_space<vmem>>) target(%dma_start3A_48 : memref<128x128xf32, #tpu.memory_space<vmem_shared>>) target_semaphore(%run_scoped3A : memref<!tpu.dma_semaphore, #tpu.memory_space<semaphore_mem>>)
      %dma_wait3A = arith.constant 0 : i32
      %dma_wait3A_49 = tpu.memref_slice %arg14[%add3A_19, %dma_wait3A] : memref<10240x128xf32, #tpu.memory_space<vmem_shared>> -> memref<128x128xf32, #tpu.memory_space<vmem_shared>>
      %dma_wait3A_50 = arith.constant 0 : i32
      %dma_wait3A_51 = tpu.memref_slice %arg14[%add3A_19, %dma_wait3A_50] : memref<10240x128xf32, #tpu.memory_space<vmem_shared>> -> memref<128x128xf32, #tpu.memory_space<vmem_shared>>
      tpu.wait_dma2 semaphore(%run_scoped3A : memref<!tpu.dma_semaphore, #tpu.memory_space<semaphore_mem>>) src(%arg8 : memref<128x128xf32, #tpu.memory_space<vmem>>) dst(%dma_wait3A_51 : memref<128x128xf32, #tpu.memory_space<vmem_shared>>)
      tpu.yield
    }) : () -> ()
    %mul3A_20 = arith.constant 640 : i32
    %mul3A_21 = arith.muli %arg1, %mul3A_20 : i32
    %add3A_22 = arith.constant 256 : i32
    %add3A_23 = arith.addi %mul3A_21, %add3A_22 : i32
    "tpu.region"() ({
      %run_scoped3A = tpu.sem_alloc : memref<!tpu.dma_semaphore, #tpu.memory_space<semaphore_mem>>
      %dma_start3A = arith.constant 0 : i32
      %dma_start3A_46 = tpu.memref_slice %arg14[%add3A_23, %dma_start3A] : memref<10240x128xf32, #tpu.memory_space<vmem_shared>> -> memref<128x128xf32, #tpu.memory_space<vmem_shared>>
      %dma_start3A_47 = arith.constant 0 : i32
      %dma_start3A_48 = tpu.memref_slice %arg14[%add3A_23, %dma_start3A_47] : memref<10240x128xf32, #tpu.memory_space<vmem_shared>> -> memref<128x128xf32, #tpu.memory_space<vmem_shared>>
      tpu.enqueue_dma source(%arg8 : memref<128x128xf32, #tpu.memory_space<vmem>>) target(%dma_start3A_48 : memref<128x128xf32, #tpu.memory_space<vmem_shared>>) target_semaphore(%run_scoped3A : memref<!tpu.dma_semaphore, #tpu.memory_space<semaphore_mem>>)
      %dma_wait3A = arith.constant 0 : i32
      %dma_wait3A_49 = tpu.memref_slice %arg14[%add3A_23, %dma_wait3A] : memref<10240x128xf32, #tpu.memory_space<vmem_shared>> -> memref<128x128xf32, #tpu.memory_space<vmem_shared>>
      %dma_wait3A_50 = arith.constant 0 : i32
      %dma_wait3A_51 = tpu.memref_slice %arg14[%add3A_23, %dma_wait3A_50] : memref<10240x128xf32, #tpu.memory_space<vmem_shared>> -> memref<128x128xf32, #tpu.memory_space<vmem_shared>>
      tpu.wait_dma2 semaphore(%run_scoped3A : memref<!tpu.dma_semaphore, #tpu.memory_space<semaphore_mem>>) src(%arg8 : memref<128x128xf32, #tpu.memory_space<vmem>>) dst(%dma_wait3A_51 : memref<128x128xf32, #tpu.memory_space<vmem_shared>>)
      tpu.yield
    }) : () -> ()
    %mul3A_24 = arith.constant 640 : i32
    %mul3A_25 = arith.muli %arg1, %mul3A_24 : i32
    %add3A_26 = arith.constant 384 : i32
    %add3A_27 = arith.addi %mul3A_25, %add3A_26 : i32
    "tpu.region"() ({
      %run_scoped3A = tpu.sem_alloc : memref<!tpu.dma_semaphore, #tpu.memory_space<semaphore_mem>>
      %dma_start3A = arith.constant 0 : i32
      %dma_start3A_46 = tpu.memref_slice %arg14[%add3A_27, %dma_start3A] : memref<10240x128xf32, #tpu.memory_space<vmem_shared>> -> memref<128x128xf32, #tpu.memory_space<vmem_shared>>
      %dma_start3A_47 = arith.constant 0 : i32
      %dma_start3A_48 = tpu.memref_slice %arg14[%add3A_27, %dma_start3A_47] : memref<10240x128xf32, #tpu.memory_space<vmem_shared>> -> memref<128x128xf32, #tpu.memory_space<vmem_shared>>
      tpu.enqueue_dma source(%arg8 : memref<128x128xf32, #tpu.memory_space<vmem>>) target(%dma_start3A_48 : memref<128x128xf32, #tpu.memory_space<vmem_shared>>) target_semaphore(%run_scoped3A : memref<!tpu.dma_semaphore, #tpu.memory_space<semaphore_mem>>)
      %dma_wait3A = arith.constant 0 : i32
      %dma_wait3A_49 = tpu.memref_slice %arg14[%add3A_27, %dma_wait3A] : memref<10240x128xf32, #tpu.memory_space<vmem_shared>> -> memref<128x128xf32, #tpu.memory_space<vmem_shared>>
      %dma_wait3A_50 = arith.constant 0 : i32
      %dma_wait3A_51 = tpu.memref_slice %arg14[%add3A_27, %dma_wait3A_50] : memref<10240x128xf32, #tpu.memory_space<vmem_shared>> -> memref<128x128xf32, #tpu.memory_space<vmem_shared>>
      tpu.wait_dma2 semaphore(%run_scoped3A : memref<!tpu.dma_semaphore, #tpu.memory_space<semaphore_mem>>) src(%arg8 : memref<128x128xf32, #tpu.memory_space<vmem>>) dst(%dma_wait3A_51 : memref<128x128xf32, #tpu.memory_space<vmem_shared>>)
      tpu.yield
    }) : () -> ()
    %mul3A_28 = arith.constant 640 : i32
    %mul3A_29 = arith.muli %arg1, %mul3A_28 : i32
    %add3A_30 = arith.constant 512 : i32
    %add3A_31 = arith.addi %mul3A_29, %add3A_30 : i32
    "tpu.region"() ({
      %run_scoped3A = tpu.sem_alloc : memref<!tpu.dma_semaphore, #tpu.memory_space<semaphore_mem>>
      %dma_start3A = arith.constant 0 : i32
      %dma_start3A_46 = tpu.memref_slice %arg14[%add3A_31, %dma_start3A] : memref<10240x128xf32, #tpu.memory_space<vmem_shared>> -> memref<128x128xf32, #tpu.memory_space<vmem_shared>>
      %dma_start3A_47 = arith.constant 0 : i32
      %dma_start3A_48 = tpu.memref_slice %arg14[%add3A_31, %dma_start3A_47] : memref<10240x128xf32, #tpu.memory_space<vmem_shared>> -> memref<128x128xf32, #tpu.memory_space<vmem_shared>>
      tpu.enqueue_dma source(%arg8 : memref<128x128xf32, #tpu.memory_space<vmem>>) target(%dma_start3A_48 : memref<128x128xf32, #tpu.memory_space<vmem_shared>>) target_semaphore(%run_scoped3A : memref<!tpu.dma_semaphore, #tpu.memory_space<semaphore_mem>>)
      %dma_wait3A = arith.constant 0 : i32
      %dma_wait3A_49 = tpu.memref_slice %arg14[%add3A_31, %dma_wait3A] : memref<10240x128xf32, #tpu.memory_space<vmem_shared>> -> memref<128x128xf32, #tpu.memory_space<vmem_shared>>
      %dma_wait3A_50 = arith.constant 0 : i32
      %dma_wait3A_51 = tpu.memref_slice %arg14[%add3A_31, %dma_wait3A_50] : memref<10240x128xf32, #tpu.memory_space<vmem_shared>> -> memref<128x128xf32, #tpu.memory_space<vmem_shared>>
      tpu.wait_dma2 semaphore(%run_scoped3A : memref<!tpu.dma_semaphore, #tpu.memory_space<semaphore_mem>>) src(%arg8 : memref<128x128xf32, #tpu.memory_space<vmem>>) dst(%dma_wait3A_51 : memref<128x128xf32, #tpu.memory_space<vmem_shared>>)
      tpu.yield
    }) : () -> ()
    %barrier3A = arith.constant 0 : index
    tpu.barrier barrier_id(%barrier3A)
    %mul3A_32 = arith.constant 10240 : i32
    %mul3A_33 = arith.muli %add3A, %mul3A_32 : i32
    %iota3A = tpu.iota {dimensions = array<i32: 0>} : vector<16xi32>
    %scan3A_34 = arith.constant 0 : i32
    %scan3A_35 = arith.constant 0 : i32
    %scan3A_36 = arith.constant 80 : i32
    %scan3A_37 = arith.addi %scan3A_35, %scan3A_36 : i32
    %scan3A_38 = arith.constant 1 : i32
    %scan3A_39 = scf.for %scan3A_46 = %scan3A_35 to %scan3A_37 step %scan3A_38 iter_args(%scan3A_47 = %scan3A_34) -> (i32)  : i32 {
      %mul3A_48 = arith.constant 128 : i32
      %mul3A_49 = arith.muli %scan3A_46, %mul3A_48 : i32
      %add3A_50 = arith.addi %mul3A_33, %mul3A_49 : i32
      "tpu.region"() ({
        %run_scoped3A = tpu.sem_alloc : memref<!tpu.dma_semaphore, #tpu.memory_space<semaphore_mem>>
        %dma_start3A_63 = tpu.memref_slice %arg3[%add3A_50] : memref<327680xi32, #tpu.memory_space<hbm>> -> memref<128xi32, #tpu.memory_space<hbm>>
        %dma_start3A_64 = tpu.memref_slice %arg3[%add3A_50] : memref<327680xi32, #tpu.memory_space<hbm>> -> memref<128xi32, #tpu.memory_space<hbm>>
        tpu.enqueue_dma source(%dma_start3A_64 : memref<128xi32, #tpu.memory_space<hbm>>) target(%arg9 : memref<128xi32, #tpu.memory_space<vmem>>) target_semaphore(%run_scoped3A : memref<!tpu.dma_semaphore, #tpu.memory_space<semaphore_mem>>)
        %dma_wait3A_65 = tpu.memref_slice %arg3[%add3A_50] : memref<327680xi32, #tpu.memory_space<hbm>> -> memref<128xi32, #tpu.memory_space<hbm>>
        %dma_wait3A_66 = tpu.memref_slice %arg3[%add3A_50] : memref<327680xi32, #tpu.memory_space<hbm>> -> memref<128xi32, #tpu.memory_space<hbm>>
        tpu.wait_dma2 semaphore(%run_scoped3A : memref<!tpu.dma_semaphore, #tpu.memory_space<semaphore_mem>>) src(%dma_wait3A_66 : memref<128xi32, #tpu.memory_space<hbm>>) dst(%arg9 : memref<128xi32, #tpu.memory_space<vmem>>)
        tpu.yield
      }) : () -> ()
      "tpu.region"() ({
        %run_scoped3A = tpu.sem_alloc : memref<!tpu.dma_semaphore, #tpu.memory_space<semaphore_mem>>
        %dma_start3A_63 = tpu.memref_slice %arg5[%add3A_50] : memref<327680xi32, #tpu.memory_space<hbm>> -> memref<128xi32, #tpu.memory_space<hbm>>
        %dma_start3A_64 = tpu.memref_slice %arg5[%add3A_50] : memref<327680xi32, #tpu.memory_space<hbm>> -> memref<128xi32, #tpu.memory_space<hbm>>
        tpu.enqueue_dma source(%dma_start3A_64 : memref<128xi32, #tpu.memory_space<hbm>>) target(%arg11 : memref<128xi32, #tpu.memory_space<vmem>>) target_semaphore(%run_scoped3A : memref<!tpu.dma_semaphore, #tpu.memory_space<semaphore_mem>>)
        %dma_wait3A_65 = tpu.memref_slice %arg5[%add3A_50] : memref<327680xi32, #tpu.memory_space<hbm>> -> memref<128xi32, #tpu.memory_space<hbm>>
        %dma_wait3A_66 = tpu.memref_slice %arg5[%add3A_50] : memref<327680xi32, #tpu.memory_space<hbm>> -> memref<128xi32, #tpu.memory_space<hbm>>
        tpu.wait_dma2 semaphore(%run_scoped3A : memref<!tpu.dma_semaphore, #tpu.memory_space<semaphore_mem>>) src(%dma_wait3A_66 : memref<128xi32, #tpu.memory_space<hbm>>) dst(%arg11 : memref<128xi32, #tpu.memory_space<vmem>>)
        tpu.yield
      }) : () -> ()
      "tpu.region"() ({
        %run_scoped3A = tpu.sem_alloc : memref<!tpu.dma_semaphore, #tpu.memory_space<semaphore_mem>>
        %dma_start3A_63 = tpu.memref_slice %arg4[%add3A_50] : memref<327680xi32, #tpu.memory_space<hbm>> -> memref<128xi32, #tpu.memory_space<hbm>>
        %dma_start3A_64 = tpu.memref_slice %arg4[%add3A_50] : memref<327680xi32, #tpu.memory_space<hbm>> -> memref<128xi32, #tpu.memory_space<hbm>>
        tpu.enqueue_dma source(%dma_start3A_64 : memref<128xi32, #tpu.memory_space<hbm>>) target(%arg10 : memref<128xi32, #tpu.memory_space<vmem>>) target_semaphore(%run_scoped3A : memref<!tpu.dma_semaphore, #tpu.memory_space<semaphore_mem>>)
        %dma_wait3A_65 = tpu.memref_slice %arg4[%add3A_50] : memref<327680xi32, #tpu.memory_space<hbm>> -> memref<128xi32, #tpu.memory_space<hbm>>
        %dma_wait3A_66 = tpu.memref_slice %arg4[%add3A_50] : memref<327680xi32, #tpu.memory_space<hbm>> -> memref<128xi32, #tpu.memory_space<hbm>>
        tpu.wait_dma2 semaphore(%run_scoped3A : memref<!tpu.dma_semaphore, #tpu.memory_space<semaphore_mem>>) src(%dma_wait3A_66 : memref<128xi32, #tpu.memory_space<hbm>>) dst(%arg10 : memref<128xi32, #tpu.memory_space<vmem>>)
        tpu.yield
      }) : () -> ()
      %dma_start3A = arith.constant 0 : i32
      %dma_start3A_51 = arith.constant 0 : i32
      %dma_start3A_52 = tpu.memref_slice %arg2[%dma_start3A, %dma_start3A_51] : memref<90000x128xf32, #tpu.memory_space<hbm>> -> memref<90000x128xf32, #tpu.memory_space<hbm>>
      tpu.enqueue_indirect_dma source(%dma_start3A_52 : memref<90000x128xf32, #tpu.memory_space<hbm>>) target(%arg8 : memref<128x128xf32, #tpu.memory_space<vmem>>) offsets(%arg9 : memref<128xi32, #tpu.memory_space<vmem>>) semaphore(%arg15 : memref<!tpu.dma_semaphore, #tpu.memory_space<semaphore_mem>>)
      %dma_wait3A = arith.constant 0 : i32
      %dma_wait3A_53 = arith.constant 0 : i32
      %dma_wait3A_54 = tpu.memref_slice %arg2[%dma_wait3A, %dma_wait3A_53] : memref<90000x128xf32, #tpu.memory_space<hbm>> -> memref<90000x128xf32, #tpu.memory_space<hbm>>
      tpu.wait_indirect_dma semaphore(%arg15 : memref<!tpu.dma_semaphore, #tpu.memory_space<semaphore_mem>>) src(%dma_wait3A_54 : memref<90000x128xf32, #tpu.memory_space<hbm>>) dst(%arg8 : memref<128x128xf32, #tpu.memory_space<vmem>>)
      "tpu.region"() ({
        %run_scoped3A = tpu.sem_alloc : memref<!tpu.dma_semaphore, #tpu.memory_space<semaphore_mem>>
        %dma_start3A_63 = arith.constant 0 : i32
        %dma_start3A_64 = tpu.memref_slice %arg13[%dma_start3A_63] : memref<81920xf32, #tpu.memory_space<vmem_shared>> -> memref<81920xf32, #tpu.memory_space<vmem_shared>>
        tpu.enqueue_indirect_dma source(%dma_start3A_64 : memref<81920xf32, #tpu.memory_space<vmem_shared>>) target(%arg12 : memref<128xf32, #tpu.memory_space<vmem>>) offsets(%arg11 : memref<128xi32, #tpu.memory_space<vmem>>) semaphore(%run_scoped3A : memref<!tpu.dma_semaphore, #tpu.memory_space<semaphore_mem>>)
        %dma_wait3A_65 = arith.constant 0 : i32
        %dma_wait3A_66 = tpu.memref_slice %arg13[%dma_wait3A_65] : memref<81920xf32, #tpu.memory_space<vmem_shared>> -> memref<81920xf32, #tpu.memory_space<vmem_shared>>
        tpu.wait_indirect_dma semaphore(%run_scoped3A : memref<!tpu.dma_semaphore, #tpu.memory_space<semaphore_mem>>) src(%dma_wait3A_66 : memref<81920xf32, #tpu.memory_space<vmem_shared>>) dst(%arg12 : memref<128xf32, #tpu.memory_space<vmem>>)
        tpu.yield
      }) : () -> ()
      %scan3A_55 = arith.constant 0 : i32
      %scan3A_56 = arith.constant 0 : i32
      %scan3A_57 = arith.constant 8 : i32
      %scan3A_58 = arith.addi %scan3A_56, %scan3A_57 : i32
      %scan3A_59 = arith.constant 1 : i32
      %scan3A_60 = scf.for %scan3A_63 = %scan3A_56 to %scan3A_58 step %scan3A_59 iter_args(%scan3A_64 = %scan3A_55) -> (i32)  : i32 {
        %mul3A_65 = arith.constant 16 : i32
        %mul3A_66 = arith.muli %scan3A_63, %mul3A_65 : i32
        %add3A_67 = vector.broadcast %mul3A_66 : i32 to vector<16xi32>
        %add3A_68 = arith.addi %add3A_67, %iota3A : vector<16xi32>
        %mul3A_69 = arith.constant 16 : i32
        %mul3A_70 = arith.muli %scan3A_63, %mul3A_69 : i32
        %get3A = arith.index_cast %mul3A_70 : i32 to index
        %get3A_71 = tpu.vector_load %arg12[%get3A] {strides = array<i32>} : memref<128xf32, #tpu.memory_space<vmem>>, vector<16xf32>,
        %broadcast_in_dim3A_72 = arith.constant 0 : i32
        %broadcast_in_dim3A_73 = vector.broadcast %broadcast_in_dim3A_72 : i32 to vector<16xi32>
        %gather3A = tpu.vector_load_idx %arg8[%add3A_68, %broadcast_in_dim3A_73] : memref<128x128xf32, #tpu.memory_space<vmem>>[vector<16xi32>, vector<16xi32>], vector<16xf32>,
        %mul3A_74 = arith.mulf %gather3A, %get3A_71 : vector<16xf32>
        tpu.vector_store_idx %arg8[%add3A_68, %broadcast_in_dim3A_73], %mul3A_74 : memref<128x128xf32, #tpu.memory_space<vmem>>[vector<16xi32>, vector<16xi32>], vector<16xf32>,
        %broadcast_in_dim3A_75 = arith.constant 1 : i32
        %broadcast_in_dim3A_76 = vector.broadcast %broadcast_in_dim3A_75 : i32 to vector<16xi32>
        %gather3A_77 = tpu.vector_load_idx %arg8[%add3A_68, %broadcast_in_dim3A_76] : memref<128x128xf32, #tpu.memory_space<vmem>>[vector<16xi32>, vector<16xi32>], vector<16xf32>,
        %mul3A_78 = arith.mulf %gather3A_77, %get3A_71 : vector<16xf32>
        tpu.vector_store_idx %arg8[%add3A_68, %broadcast_in_dim3A_76], %mul3A_78 : memref<128x128xf32, #tpu.memory_space<vmem>>[vector<16xi32>, vector<16xi32>], vector<16xf32>,
        %broadcast_in_dim3A_79 = arith.constant 2 : i32
        %broadcast_in_dim3A_80 = vector.broadcast %broadcast_in_dim3A_79 : i32 to vector<16xi32>
        %gather3A_81 = tpu.vector_load_idx %arg8[%add3A_68, %broadcast_in_dim3A_80] : memref<128x128xf32, #tpu.memory_space<vmem>>[vector<16xi32>, vector<16xi32>], vector<16xf32>,
        %mul3A_82 = arith.mulf %gather3A_81, %get3A_71 : vector<16xf32>
        tpu.vector_store_idx %arg8[%add3A_68, %broadcast_in_dim3A_80], %mul3A_82 : memref<128x128xf32, #tpu.memory_space<vmem>>[vector<16xi32>, vector<16xi32>], vector<16xf32>,
        %broadcast_in_dim3A_83 = arith.constant 3 : i32
        %broadcast_in_dim3A_84 = vector.broadcast %broadcast_in_dim3A_83 : i32 to vector<16xi32>
        %gather3A_85 = tpu.vector_load_idx %arg8[%add3A_68, %broadcast_in_dim3A_84] : memref<128x128xf32, #tpu.memory_space<vmem>>[vector<16xi32>, vector<16xi32>], vector<16xf32>,
        %mul3A_86 = arith.mulf %gather3A_85, %get3A_71 : vector<16xf32>
        tpu.vector_store_idx %arg8[%add3A_68, %broadcast_in_dim3A_84], %mul3A_86 : memref<128x128xf32, #tpu.memory_space<vmem>>[vector<16xi32>, vector<16xi32>], vector<16xf32>,
        %broadcast_in_dim3A_87 = arith.constant 4 : i32
        %broadcast_in_dim3A_88 = vector.broadcast %broadcast_in_dim3A_87 : i32 to vector<16xi32>
        %gather3A_89 = tpu.vector_load_idx %arg8[%add3A_68, %broadcast_in_dim3A_88] : memref<128x128xf32, #tpu.memory_space<vmem>>[vector<16xi32>, vector<16xi32>], vector<16xf32>,
        %mul3A_90 = arith.mulf %gather3A_89, %get3A_71 : vector<16xf32>
        tpu.vector_store_idx %arg8[%add3A_68, %broadcast_in_dim3A_88], %mul3A_90 : memref<128x128xf32, #tpu.memory_space<vmem>>[vector<16xi32>, vector<16xi32>], vector<16xf32>,
        %broadcast_in_dim3A_91 = arith.constant 5 : i32
        %broadcast_in_dim3A_92 = vector.broadcast %broadcast_in_dim3A_91 : i32 to vector<16xi32>
        %gather3A_93 = tpu.vector_load_idx %arg8[%add3A_68, %broadcast_in_dim3A_92] : memref<128x128xf32, #tpu.memory_space<vmem>>[vector<16xi32>, vector<16xi32>], vector<16xf32>,
        %mul3A_94 = arith.mulf %gather3A_93, %get3A_71 : vector<16xf32>
        tpu.vector_store_idx %arg8[%add3A_68, %broadcast_in_dim3A_92], %mul3A_94 : memref<128x128xf32, #tpu.memory_space<vmem>>[vector<16xi32>, vector<16xi32>], vector<16xf32>,
        %broadcast_in_dim3A_95 = arith.constant 6 : i32
        %broadcast_in_dim3A_96 = vector.broadcast %broadcast_in_dim3A_95 : i32 to vector<16xi32>
        %gather3A_97 = tpu.vector_load_idx %arg8[%add3A_68, %broadcast_in_dim3A_96] : memref<128x128xf32, #tpu.memory_space<vmem>>[vector<16xi32>, vector<16xi32>], vector<16xf32>,
        %mul3A_98 = arith.mulf %gather3A_97, %get3A_71 : vector<16xf32>
        tpu.vector_store_idx %arg8[%add3A_68, %broadcast_in_dim3A_96], %mul3A_98 : memref<128x128xf32, #tpu.memory_space<vmem>>[vector<16xi32>, vector<16xi32>], vector<16xf32>,
        %broadcast_in_dim3A_99 = arith.constant 7 : i32
        %broadcast_in_dim3A_100 = vector.broadcast %broadcast_in_dim3A_99 : i32 to vector<16xi32>
        %gather3A_101 = tpu.vector_load_idx %arg8[%add3A_68, %broadcast_in_dim3A_100] : memref<128x128xf32, #tpu.memory_space<vmem>>[vector<16xi32>, vector<16xi32>], vector<16xf32>,
        %mul3A_102 = arith.mulf %gather3A_101, %get3A_71 : vector<16xf32>
        tpu.vector_store_idx %arg8[%add3A_68, %broadcast_in_dim3A_100], %mul3A_102 : memref<128x128xf32, #tpu.memory_space<vmem>>[vector<16xi32>, vector<16xi32>], vector<16xf32>,
        %broadcast_in_dim3A_103 = arith.constant 8 : i32
        %broadcast_in_dim3A_104 = vector.broadcast %broadcast_in_dim3A_103 : i32 to vector<16xi32>
        %gather3A_105 = tpu.vector_load_idx %arg8[%add3A_68, %broadcast_in_dim3A_104] : memref<128x128xf32, #tpu.memory_space<vmem>>[vector<16xi32>, vector<16xi32>], vector<16xf32>,
        %mul3A_106 = arith.mulf %gather3A_105, %get3A_71 : vector<16xf32>
        tpu.vector_store_idx %arg8[%add3A_68, %broadcast_in_dim3A_104], %mul3A_106 : memref<128x128xf32, #tpu.memory_space<vmem>>[vector<16xi32>, vector<16xi32>], vector<16xf32>,
        %broadcast_in_dim3A_107 = arith.constant 9 : i32
        %broadcast_in_dim3A_108 = vector.broadcast %broadcast_in_dim3A_107 : i32 to vector<16xi32>
        %gather3A_109 = tpu.vector_load_idx %arg8[%add3A_68, %broadcast_in_dim3A_108] : memref<128x128xf32, #tpu.memory_space<vmem>>[vector<16xi32>, vector<16xi32>], vector<16xf32>,
        %mul3A_110 = arith.mulf %gather3A_109, %get3A_71 : vector<16xf32>
        tpu.vector_store_idx %arg8[%add3A_68, %broadcast_in_dim3A_108], %mul3A_110 : memref<128x128xf32, #tpu.memory_space<vmem>>[vector<16xi32>, vector<16xi32>], vector<16xf32>,
        %broadcast_in_dim3A_111 = arith.constant 10 : i32
        %broadcast_in_dim3A_112 = vector.broadcast %broadcast_in_dim3A_111 : i32 to vector<16xi32>
        %gather3A_113 = tpu.vector_load_idx %arg8[%add3A_68, %broadcast_in_dim3A_112] : memref<128x128xf32, #tpu.memory_space<vmem>>[vector<16xi32>, vector<16xi32>], vector<16xf32>,
        %mul3A_114 = arith.mulf %gather3A_113, %get3A_71 : vector<16xf32>
        tpu.vector_store_idx %arg8[%add3A_68, %broadcast_in_dim3A_112], %mul3A_114 : memref<128x128xf32, #tpu.memory_space<vmem>>[vector<16xi32>, vector<16xi32>], vector<16xf32>,
        %broadcast_in_dim3A_115 = arith.constant 11 : i32
        %broadcast_in_dim3A_116 = vector.broadcast %broadcast_in_dim3A_115 : i32 to vector<16xi32>
        %gather3A_117 = tpu.vector_load_idx %arg8[%add3A_68, %broadcast_in_dim3A_116] : memref<128x128xf32, #tpu.memory_space<vmem>>[vector<16xi32>, vector<16xi32>], vector<16xf32>,
        %mul3A_118 = arith.mulf %gather3A_117, %get3A_71 : vector<16xf32>
        tpu.vector_store_idx %arg8[%add3A_68, %broadcast_in_dim3A_116], %mul3A_118 : memref<128x128xf32, #tpu.memory_space<vmem>>[vector<16xi32>, vector<16xi32>], vector<16xf32>,
        %broadcast_in_dim3A_119 = arith.constant 12 : i32
        %broadcast_in_dim3A_120 = vector.broadcast %broadcast_in_dim3A_119 : i32 to vector<16xi32>
        %gather3A_121 = tpu.vector_load_idx %arg8[%add3A_68, %broadcast_in_dim3A_120] : memref<128x128xf32, #tpu.memory_space<vmem>>[vector<16xi32>, vector<16xi32>], vector<16xf32>,
        %mul3A_122 = arith.mulf %gather3A_121, %get3A_71 : vector<16xf32>
        tpu.vector_store_idx %arg8[%add3A_68, %broadcast_in_dim3A_120], %mul3A_122 : memref<128x128xf32, #tpu.memory_space<vmem>>[vector<16xi32>, vector<16xi32>], vector<16xf32>,
        %broadcast_in_dim3A_123 = arith.constant 13 : i32
        %broadcast_in_dim3A_124 = vector.broadcast %broadcast_in_dim3A_123 : i32 to vector<16xi32>
        %gather3A_125 = tpu.vector_load_idx %arg8[%add3A_68, %broadcast_in_dim3A_124] : memref<128x128xf32, #tpu.memory_space<vmem>>[vector<16xi32>, vector<16xi32>], vector<16xf32>,
        %mul3A_126 = arith.mulf %gather3A_125, %get3A_71 : vector<16xf32>
        tpu.vector_store_idx %arg8[%add3A_68, %broadcast_in_dim3A_124], %mul3A_126 : memref<128x128xf32, #tpu.memory_space<vmem>>[vector<16xi32>, vector<16xi32>], vector<16xf32>,
        %broadcast_in_dim3A_127 = arith.constant 14 : i32
        %broadcast_in_dim3A_128 = vector.broadcast %broadcast_in_dim3A_127 : i32 to vector<16xi32>
        %gather3A_129 = tpu.vector_load_idx %arg8[%add3A_68, %broadcast_in_dim3A_128] : memref<128x128xf32, #tpu.memory_space<vmem>>[vector<16xi32>, vector<16xi32>], vector<16xf32>,
        %mul3A_130 = arith.mulf %gather3A_129, %get3A_71 : vector<16xf32>
        tpu.vector_store_idx %arg8[%add3A_68, %broadcast_in_dim3A_128], %mul3A_130 : memref<128x128xf32, #tpu.memory_space<vmem>>[vector<16xi32>, vector<16xi32>], vector<16xf32>,
        %broadcast_in_dim3A_131 = arith.constant 15 : i32
        %broadcast_in_dim3A_132 = vector.broadcast %broadcast_in_dim3A_131 : i32 to vector<16xi32>
        %gather3A_133 = tpu.vector_load_idx %arg8[%add3A_68, %broadcast_in_dim3A_132] : memref<128x128xf32, #tpu.memory_space<vmem>>[vector<16xi32>, vector<16xi32>], vector<16xf32>,
        %mul3A_134 = arith.mulf %gather3A_133, %get3A_71 : vector<16xf32>
        tpu.vector_store_idx %arg8[%add3A_68, %broadcast_in_dim3A_132], %mul3A_134 : memref<128x128xf32, #tpu.memory_space<vmem>>[vector<16xi32>, vector<16xi32>], vector<16xf32>,
        %broadcast_in_dim3A_135 = arith.constant 16 : i32
        %broadcast_in_dim3A_136 = vector.broadcast %broadcast_in_dim3A_135 : i32 to vector<16xi32>
        %gather3A_137 = tpu.vector_load_idx %arg8[%add3A_68, %broadcast_in_dim3A_136] : memref<128x128xf32, #tpu.memory_space<vmem>>[vector<16xi32>, vector<16xi32>], vector<16xf32>,
        %mul3A_138 = arith.mulf %gather3A_137, %get3A_71 : vector<16xf32>
        tpu.vector_store_idx %arg8[%add3A_68, %broadcast_in_dim3A_136], %mul3A_138 : memref<128x128xf32, #tpu.memory_space<vmem>>[vector<16xi32>, vector<16xi32>], vector<16xf32>,
        %broadcast_in_dim3A_139 = arith.constant 17 : i32
        %broadcast_in_dim3A_140 = vector.broadcast %broadcast_in_dim3A_139 : i32 to vector<16xi32>
        %gather3A_141 = tpu.vector_load_idx %arg8[%add3A_68, %broadcast_in_dim3A_140] : memref<128x128xf32, #tpu.memory_space<vmem>>[vector<16xi32>, vector<16xi32>], vector<16xf32>,
        %mul3A_142 = arith.mulf %gather3A_141, %get3A_71 : vector<16xf32>
        tpu.vector_store_idx %arg8[%add3A_68, %broadcast_in_dim3A_140], %mul3A_142 : memref<128x128xf32, #tpu.memory_space<vmem>>[vector<16xi32>, vector<16xi32>], vector<16xf32>,
        %broadcast_in_dim3A_143 = arith.constant 18 : i32
        %broadcast_in_dim3A_144 = vector.broadcast %broadcast_in_dim3A_143 : i32 to vector<16xi32>
        %gather3A_145 = tpu.vector_load_idx %arg8[%add3A_68, %broadcast_in_dim3A_144] : memref<128x128xf32, #tpu.memory_space<vmem>>[vector<16xi32>, vector<16xi32>], vector<16xf32>,
        %mul3A_146 = arith.mulf %gather3A_145, %get3A_71 : vector<16xf32>
        tpu.vector_store_idx %arg8[%add3A_68, %broadcast_in_dim3A_144], %mul3A_146 : memref<128x128xf32, #tpu.memory_space<vmem>>[vector<16xi32>, vector<16xi32>], vector<16xf32>,
        %broadcast_in_dim3A_147 = arith.constant 19 : i32
        %broadcast_in_dim3A_148 = vector.broadcast %broadcast_in_dim3A_147 : i32 to vector<16xi32>
        %gather3A_149 = tpu.vector_load_idx %arg8[%add3A_68, %broadcast_in_dim3A_148] : memref<128x128xf32, #tpu.memory_space<vmem>>[vector<16xi32>, vector<16xi32>], vector<16xf32>,
        %mul3A_150 = arith.mulf %gather3A_149, %get3A_71 : vector<16xf32>
        tpu.vector_store_idx %arg8[%add3A_68, %broadcast_in_dim3A_148], %mul3A_150 : memref<128x128xf32, #tpu.memory_space<vmem>>[vector<16xi32>, vector<16xi32>], vector<16xf32>,
        %broadcast_in_dim3A_151 = arith.constant 20 : i32
        %broadcast_in_dim3A_152 = vector.broadcast %broadcast_in_dim3A_151 : i32 to vector<16xi32>
        %gather3A_153 = tpu.vector_load_idx %arg8[%add3A_68, %broadcast_in_dim3A_152] : memref<128x128xf32, #tpu.memory_space<vmem>>[vector<16xi32>, vector<16xi32>], vector<16xf32>,
        %mul3A_154 = arith.mulf %gather3A_153, %get3A_71 : vector<16xf32>
        tpu.vector_store_idx %arg8[%add3A_68, %broadcast_in_dim3A_152], %mul3A_154 : memref<128x128xf32, #tpu.memory_space<vmem>>[vector<16xi32>, vector<16xi32>], vector<16xf32>,
        %broadcast_in_dim3A_155 = arith.constant 21 : i32
        %broadcast_in_dim3A_156 = vector.broadcast %broadcast_in_dim3A_155 : i32 to vector<16xi32>
        %gather3A_157 = tpu.vector_load_idx %arg8[%add3A_68, %broadcast_in_dim3A_156] : memref<128x128xf32, #tpu.memory_space<vmem>>[vector<16xi32>, vector<16xi32>], vector<16xf32>,
        %mul3A_158 = arith.mulf %gather3A_157, %get3A_71 : vector<16xf32>
        tpu.vector_store_idx %arg8[%add3A_68, %broadcast_in_dim3A_156], %mul3A_158 : memref<128x128xf32, #tpu.memory_space<vmem>>[vector<16xi32>, vector<16xi32>], vector<16xf32>,
        %broadcast_in_dim3A_159 = arith.constant 22 : i32
        %broadcast_in_dim3A_160 = vector.broadcast %broadcast_in_dim3A_159 : i32 to vector<16xi32>
        %gather3A_161 = tpu.vector_load_idx %arg8[%add3A_68, %broadcast_in_dim3A_160] : memref<128x128xf32, #tpu.memory_space<vmem>>[vector<16xi32>, vector<16xi32>], vector<16xf32>,
        %mul3A_162 = arith.mulf %gather3A_161, %get3A_71 : vector<16xf32>
        tpu.vector_store_idx %arg8[%add3A_68, %broadcast_in_dim3A_160], %mul3A_162 : memref<128x128xf32, #tpu.memory_space<vmem>>[vector<16xi32>, vector<16xi32>], vector<16xf32>,
        %broadcast_in_dim3A_163 = arith.constant 23 : i32
        %broadcast_in_dim3A_164 = vector.broadcast %broadcast_in_dim3A_163 : i32 to vector<16xi32>
        %gather3A_165 = tpu.vector_load_idx %arg8[%add3A_68, %broadcast_in_dim3A_164] : memref<128x128xf32, #tpu.memory_space<vmem>>[vector<16xi32>, vector<16xi32>], vector<16xf32>,
        %mul3A_166 = arith.mulf %gather3A_165, %get3A_71 : vector<16xf32>
        tpu.vector_store_idx %arg8[%add3A_68, %broadcast_in_dim3A_164], %mul3A_166 : memref<128x128xf32, #tpu.memory_space<vmem>>[vector<16xi32>, vector<16xi32>], vector<16xf32>,
        %broadcast_in_dim3A_167 = arith.constant 24 : i32
        %broadcast_in_dim3A_168 = vector.broadcast %broadcast_in_dim3A_167 : i32 to vector<16xi32>
        %gather3A_169 = tpu.vector_load_idx %arg8[%add3A_68, %broadcast_in_dim3A_168] : memref<128x128xf32, #tpu.memory_space<vmem>>[vector<16xi32>, vector<16xi32>], vector<16xf32>,
        %mul3A_170 = arith.mulf %gather3A_169, %get3A_71 : vector<16xf32>
        tpu.vector_store_idx %arg8[%add3A_68, %broadcast_in_dim3A_168], %mul3A_170 : memref<128x128xf32, #tpu.memory_space<vmem>>[vector<16xi32>, vector<16xi32>], vector<16xf32>,
        %broadcast_in_dim3A_171 = arith.constant 25 : i32
        %broadcast_in_dim3A_172 = vector.broadcast %broadcast_in_dim3A_171 : i32 to vector<16xi32>
        %gather3A_173 = tpu.vector_load_idx %arg8[%add3A_68, %broadcast_in_dim3A_172] : memref<128x128xf32, #tpu.memory_space<vmem>>[vector<16xi32>, vector<16xi32>], vector<16xf32>,
        %mul3A_174 = arith.mulf %gather3A_173, %get3A_71 : vector<16xf32>
        tpu.vector_store_idx %arg8[%add3A_68, %broadcast_in_dim3A_172], %mul3A_174 : memref<128x128xf32, #tpu.memory_space<vmem>>[vector<16xi32>, vector<16xi32>], vector<16xf32>,
        %broadcast_in_dim3A_175 = arith.constant 26 : i32
        %broadcast_in_dim3A_176 = vector.broadcast %broadcast_in_dim3A_175 : i32 to vector<16xi32>
        %gather3A_177 = tpu.vector_load_idx %arg8[%add3A_68, %broadcast_in_dim3A_176] : memref<128x128xf32, #tpu.memory_space<vmem>>[vector<16xi32>, vector<16xi32>], vector<16xf32>,
        %mul3A_178 = arith.mulf %gather3A_177, %get3A_71 : vector<16xf32>
        tpu.vector_store_idx %arg8[%add3A_68, %broadcast_in_dim3A_176], %mul3A_178 : memref<128x128xf32, #tpu.memory_space<vmem>>[vector<16xi32>, vector<16xi32>], vector<16xf32>,
        %broadcast_in_dim3A_179 = arith.constant 27 : i32
        %broadcast_in_dim3A_180 = vector.broadcast %broadcast_in_dim3A_179 : i32 to vector<16xi32>
        %gather3A_181 = tpu.vector_load_idx %arg8[%add3A_68, %broadcast_in_dim3A_180] : memref<128x128xf32, #tpu.memory_space<vmem>>[vector<16xi32>, vector<16xi32>], vector<16xf32>,
        %mul3A_182 = arith.mulf %gather3A_181, %get3A_71 : vector<16xf32>
        tpu.vector_store_idx %arg8[%add3A_68, %broadcast_in_dim3A_180], %mul3A_182 : memref<128x128xf32, #tpu.memory_space<vmem>>[vector<16xi32>, vector<16xi32>], vector<16xf32>,
        %broadcast_in_dim3A_183 = arith.constant 28 : i32
        %broadcast_in_dim3A_184 = vector.broadcast %broadcast_in_dim3A_183 : i32 to vector<16xi32>
        %gather3A_185 = tpu.vector_load_idx %arg8[%add3A_68, %broadcast_in_dim3A_184] : memref<128x128xf32, #tpu.memory_space<vmem>>[vector<16xi32>, vector<16xi32>], vector<16xf32>,
        %mul3A_186 = arith.mulf %gather3A_185, %get3A_71 : vector<16xf32>
        tpu.vector_store_idx %arg8[%add3A_68, %broadcast_in_dim3A_184], %mul3A_186 : memref<128x128xf32, #tpu.memory_space<vmem>>[vector<16xi32>, vector<16xi32>], vector<16xf32>,
        %broadcast_in_dim3A_187 = arith.constant 29 : i32
        %broadcast_in_dim3A_188 = vector.broadcast %broadcast_in_dim3A_187 : i32 to vector<16xi32>
        %gather3A_189 = tpu.vector_load_idx %arg8[%add3A_68, %broadcast_in_dim3A_188] : memref<128x128xf32, #tpu.memory_space<vmem>>[vector<16xi32>, vector<16xi32>], vector<16xf32>,
        %mul3A_190 = arith.mulf %gather3A_189, %get3A_71 : vector<16xf32>
        tpu.vector_store_idx %arg8[%add3A_68, %broadcast_in_dim3A_188], %mul3A_190 : memref<128x128xf32, #tpu.memory_space<vmem>>[vector<16xi32>, vector<16xi32>], vector<16xf32>,
        %broadcast_in_dim3A_191 = arith.constant 30 : i32
        %broadcast_in_dim3A_192 = vector.broadcast %broadcast_in_dim3A_191 : i32 to vector<16xi32>
        %gather3A_193 = tpu.vector_load_idx %arg8[%add3A_68, %broadcast_in_dim3A_192] : memref<128x128xf32, #tpu.memory_space<vmem>>[vector<16xi32>, vector<16xi32>], vector<16xf32>,
        %mul3A_194 = arith.mulf %gather3A_193, %get3A_71 : vector<16xf32>
        tpu.vector_store_idx %arg8[%add3A_68, %broadcast_in_dim3A_192], %mul3A_194 : memref<128x128xf32, #tpu.memory_space<vmem>>[vector<16xi32>, vector<16xi32>], vector<16xf32>,
        %broadcast_in_dim3A_195 = arith.constant 31 : i32
        %broadcast_in_dim3A_196 = vector.broadcast %broadcast_in_dim3A_195 : i32 to vector<16xi32>
        %gather3A_197 = tpu.vector_load_idx %arg8[%add3A_68, %broadcast_in_dim3A_196] : memref<128x128xf32, #tpu.memory_space<vmem>>[vector<16xi32>, vector<16xi32>], vector<16xf32>,
        %mul3A_198 = arith.mulf %gather3A_197, %get3A_71 : vector<16xf32>
        tpu.vector_store_idx %arg8[%add3A_68, %broadcast_in_dim3A_196], %mul3A_198 : memref<128x128xf32, #tpu.memory_space<vmem>>[vector<16xi32>, vector<16xi32>], vector<16xf32>,
        %broadcast_in_dim3A_199 = arith.constant 32 : i32
        %broadcast_in_dim3A_200 = vector.broadcast %broadcast_in_dim3A_199 : i32 to vector<16xi32>
        %gather3A_201 = tpu.vector_load_idx %arg8[%add3A_68, %broadcast_in_dim3A_200] : memref<128x128xf32, #tpu.memory_space<vmem>>[vector<16xi32>, vector<16xi32>], vector<16xf32>,
        %mul3A_202 = arith.mulf %gather3A_201, %get3A_71 : vector<16xf32>
        tpu.vector_store_idx %arg8[%add3A_68, %broadcast_in_dim3A_200], %mul3A_202 : memref<128x128xf32, #tpu.memory_space<vmem>>[vector<16xi32>, vector<16xi32>], vector<16xf32>,
        %broadcast_in_dim3A_203 = arith.constant 33 : i32
        %broadcast_in_dim3A_204 = vector.broadcast %broadcast_in_dim3A_203 : i32 to vector<16xi32>
        %gather3A_205 = tpu.vector_load_idx %arg8[%add3A_68, %broadcast_in_dim3A_204] : memref<128x128xf32, #tpu.memory_space<vmem>>[vector<16xi32>, vector<16xi32>], vector<16xf32>,
        %mul3A_206 = arith.mulf %gather3A_205, %get3A_71 : vector<16xf32>
        tpu.vector_store_idx %arg8[%add3A_68, %broadcast_in_dim3A_204], %mul3A_206 : memref<128x128xf32, #tpu.memory_space<vmem>>[vector<16xi32>, vector<16xi32>], vector<16xf32>,
        %broadcast_in_dim3A_207 = arith.constant 34 : i32
        %broadcast_in_dim3A_208 = vector.broadcast %broadcast_in_dim3A_207 : i32 to vector<16xi32>
        %gather3A_209 = tpu.vector_load_idx %arg8[%add3A_68, %broadcast_in_dim3A_208] : memref<128x128xf32, #tpu.memory_space<vmem>>[vector<16xi32>, vector<16xi32>], vector<16xf32>,
        %mul3A_210 = arith.mulf %gather3A_209, %get3A_71 : vector<16xf32>
        tpu.vector_store_idx %arg8[%add3A_68, %broadcast_in_dim3A_208], %mul3A_210 : memref<128x128xf32, #tpu.memory_space<vmem>>[vector<16xi32>, vector<16xi32>], vector<16xf32>,
        %broadcast_in_dim3A_211 = arith.constant 35 : i32
        %broadcast_in_dim3A_212 = vector.broadcast %broadcast_in_dim3A_211 : i32 to vector<16xi32>
        %gather3A_213 = tpu.vector_load_idx %arg8[%add3A_68, %broadcast_in_dim3A_212] : memref<128x128xf32, #tpu.memory_space<vmem>>[vector<16xi32>, vector<16xi32>], vector<16xf32>,
        %mul3A_214 = arith.mulf %gather3A_213, %get3A_71 : vector<16xf32>
        tpu.vector_store_idx %arg8[%add3A_68, %broadcast_in_dim3A_212], %mul3A_214 : memref<128x128xf32, #tpu.memory_space<vmem>>[vector<16xi32>, vector<16xi32>], vector<16xf32>,
        %broadcast_in_dim3A_215 = arith.constant 36 : i32
        %broadcast_in_dim3A_216 = vector.broadcast %broadcast_in_dim3A_215 : i32 to vector<16xi32>
        %gather3A_217 = tpu.vector_load_idx %arg8[%add3A_68, %broadcast_in_dim3A_216] : memref<128x128xf32, #tpu.memory_space<vmem>>[vector<16xi32>, vector<16xi32>], vector<16xf32>,
        %mul3A_218 = arith.mulf %gather3A_217, %get3A_71 : vector<16xf32>
        tpu.vector_store_idx %arg8[%add3A_68, %broadcast_in_dim3A_216], %mul3A_218 : memref<128x128xf32, #tpu.memory_space<vmem>>[vector<16xi32>, vector<16xi32>], vector<16xf32>,
        %broadcast_in_dim3A_219 = arith.constant 37 : i32
        %broadcast_in_dim3A_220 = vector.broadcast %broadcast_in_dim3A_219 : i32 to vector<16xi32>
        %gather3A_221 = tpu.vector_load_idx %arg8[%add3A_68, %broadcast_in_dim3A_220] : memref<128x128xf32, #tpu.memory_space<vmem>>[vector<16xi32>, vector<16xi32>], vector<16xf32>,
        %mul3A_222 = arith.mulf %gather3A_221, %get3A_71 : vector<16xf32>
        tpu.vector_store_idx %arg8[%add3A_68, %broadcast_in_dim3A_220], %mul3A_222 : memref<128x128xf32, #tpu.memory_space<vmem>>[vector<16xi32>, vector<16xi32>], vector<16xf32>,
        %broadcast_in_dim3A_223 = arith.constant 38 : i32
        %broadcast_in_dim3A_224 = vector.broadcast %broadcast_in_dim3A_223 : i32 to vector<16xi32>
        %gather3A_225 = tpu.vector_load_idx %arg8[%add3A_68, %broadcast_in_dim3A_224] : memref<128x128xf32, #tpu.memory_space<vmem>>[vector<16xi32>, vector<16xi32>], vector<16xf32>,
        %mul3A_226 = arith.mulf %gather3A_225, %get3A_71 : vector<16xf32>
        tpu.vector_store_idx %arg8[%add3A_68, %broadcast_in_dim3A_224], %mul3A_226 : memref<128x128xf32, #tpu.memory_space<vmem>>[vector<16xi32>, vector<16xi32>], vector<16xf32>,
        %broadcast_in_dim3A_227 = arith.constant 39 : i32
        %broadcast_in_dim3A_228 = vector.broadcast %broadcast_in_dim3A_227 : i32 to vector<16xi32>
        %gather3A_229 = tpu.vector_load_idx %arg8[%add3A_68, %broadcast_in_dim3A_228] : memref<128x128xf32, #tpu.memory_space<vmem>>[vector<16xi32>, vector<16xi32>], vector<16xf32>,
        %mul3A_230 = arith.mulf %gather3A_229, %get3A_71 : vector<16xf32>
        tpu.vector_store_idx %arg8[%add3A_68, %broadcast_in_dim3A_228], %mul3A_230 : memref<128x128xf32, #tpu.memory_space<vmem>>[vector<16xi32>, vector<16xi32>], vector<16xf32>,
        %broadcast_in_dim3A_231 = arith.constant 40 : i32
        %broadcast_in_dim3A_232 = vector.broadcast %broadcast_in_dim3A_231 : i32 to vector<16xi32>
        %gather3A_233 = tpu.vector_load_idx %arg8[%add3A_68, %broadcast_in_dim3A_232] : memref<128x128xf32, #tpu.memory_space<vmem>>[vector<16xi32>, vector<16xi32>], vector<16xf32>,
        %mul3A_234 = arith.mulf %gather3A_233, %get3A_71 : vector<16xf32>
        tpu.vector_store_idx %arg8[%add3A_68, %broadcast_in_dim3A_232], %mul3A_234 : memref<128x128xf32, #tpu.memory_space<vmem>>[vector<16xi32>, vector<16xi32>], vector<16xf32>,
        %broadcast_in_dim3A_235 = arith.constant 41 : i32
        %broadcast_in_dim3A_236 = vector.broadcast %broadcast_in_dim3A_235 : i32 to vector<16xi32>
        %gather3A_237 = tpu.vector_load_idx %arg8[%add3A_68, %broadcast_in_dim3A_236] : memref<128x128xf32, #tpu.memory_space<vmem>>[vector<16xi32>, vector<16xi32>], vector<16xf32>,
        %mul3A_238 = arith.mulf %gather3A_237, %get3A_71 : vector<16xf32>
        tpu.vector_store_idx %arg8[%add3A_68, %broadcast_in_dim3A_236], %mul3A_238 : memref<128x128xf32, #tpu.memory_space<vmem>>[vector<16xi32>, vector<16xi32>], vector<16xf32>,
        %broadcast_in_dim3A_239 = arith.constant 42 : i32
        %broadcast_in_dim3A_240 = vector.broadcast %broadcast_in_dim3A_239 : i32 to vector<16xi32>
        %gather3A_241 = tpu.vector_load_idx %arg8[%add3A_68, %broadcast_in_dim3A_240] : memref<128x128xf32, #tpu.memory_space<vmem>>[vector<16xi32>, vector<16xi32>], vector<16xf32>,
        %mul3A_242 = arith.mulf %gather3A_241, %get3A_71 : vector<16xf32>
        tpu.vector_store_idx %arg8[%add3A_68, %broadcast_in_dim3A_240], %mul3A_242 : memref<128x128xf32, #tpu.memory_space<vmem>>[vector<16xi32>, vector<16xi32>], vector<16xf32>,
        %broadcast_in_dim3A_243 = arith.constant 43 : i32
        %broadcast_in_dim3A_244 = vector.broadcast %broadcast_in_dim3A_243 : i32 to vector<16xi32>
        %gather3A_245 = tpu.vector_load_idx %arg8[%add3A_68, %broadcast_in_dim3A_244] : memref<128x128xf32, #tpu.memory_space<vmem>>[vector<16xi32>, vector<16xi32>], vector<16xf32>,
        %mul3A_246 = arith.mulf %gather3A_245, %get3A_71 : vector<16xf32>
        tpu.vector_store_idx %arg8[%add3A_68, %broadcast_in_dim3A_244], %mul3A_246 : memref<128x128xf32, #tpu.memory_space<vmem>>[vector<16xi32>, vector<16xi32>], vector<16xf32>,
        %broadcast_in_dim3A_247 = arith.constant 44 : i32
        %broadcast_in_dim3A_248 = vector.broadcast %broadcast_in_dim3A_247 : i32 to vector<16xi32>
        %gather3A_249 = tpu.vector_load_idx %arg8[%add3A_68, %broadcast_in_dim3A_248] : memref<128x128xf32, #tpu.memory_space<vmem>>[vector<16xi32>, vector<16xi32>], vector<16xf32>,
        %mul3A_250 = arith.mulf %gather3A_249, %get3A_71 : vector<16xf32>
        tpu.vector_store_idx %arg8[%add3A_68, %broadcast_in_dim3A_248], %mul3A_250 : memref<128x128xf32, #tpu.memory_space<vmem>>[vector<16xi32>, vector<16xi32>], vector<16xf32>,
        %broadcast_in_dim3A_251 = arith.constant 45 : i32
        %broadcast_in_dim3A_252 = vector.broadcast %broadcast_in_dim3A_251 : i32 to vector<16xi32>
        %gather3A_253 = tpu.vector_load_idx %arg8[%add3A_68, %broadcast_in_dim3A_252] : memref<128x128xf32, #tpu.memory_space<vmem>>[vector<16xi32>, vector<16xi32>], vector<16xf32>,
        %mul3A_254 = arith.mulf %gather3A_253, %get3A_71 : vector<16xf32>
        tpu.vector_store_idx %arg8[%add3A_68, %broadcast_in_dim3A_252], %mul3A_254 : memref<128x128xf32, #tpu.memory_space<vmem>>[vector<16xi32>, vector<16xi32>], vector<16xf32>,
        %broadcast_in_dim3A_255 = arith.constant 46 : i32
        %broadcast_in_dim3A_256 = vector.broadcast %broadcast_in_dim3A_255 : i32 to vector<16xi32>
        %gather3A_257 = tpu.vector_load_idx %arg8[%add3A_68, %broadcast_in_dim3A_256] : memref<128x128xf32, #tpu.memory_space<vmem>>[vector<16xi32>, vector<16xi32>], vector<16xf32>,
        %mul3A_258 = arith.mulf %gather3A_257, %get3A_71 : vector<16xf32>
        tpu.vector_store_idx %arg8[%add3A_68, %broadcast_in_dim3A_256], %mul3A_258 : memref<128x128xf32, #tpu.memory_space<vmem>>[vector<16xi32>, vector<16xi32>], vector<16xf32>,
        %broadcast_in_dim3A_259 = arith.constant 47 : i32
        %broadcast_in_dim3A_260 = vector.broadcast %broadcast_in_dim3A_259 : i32 to vector<16xi32>
        %gather3A_261 = tpu.vector_load_idx %arg8[%add3A_68, %broadcast_in_dim3A_260] : memref<128x128xf32, #tpu.memory_space<vmem>>[vector<16xi32>, vector<16xi32>], vector<16xf32>,
        %mul3A_262 = arith.mulf %gather3A_261, %get3A_71 : vector<16xf32>
        tpu.vector_store_idx %arg8[%add3A_68, %broadcast_in_dim3A_260], %mul3A_262 : memref<128x128xf32, #tpu.memory_space<vmem>>[vector<16xi32>, vector<16xi32>], vector<16xf32>,
        %broadcast_in_dim3A_263 = arith.constant 48 : i32
        %broadcast_in_dim3A_264 = vector.broadcast %broadcast_in_dim3A_263 : i32 to vector<16xi32>
        %gather3A_265 = tpu.vector_load_idx %arg8[%add3A_68, %broadcast_in_dim3A_264] : memref<128x128xf32, #tpu.memory_space<vmem>>[vector<16xi32>, vector<16xi32>], vector<16xf32>,
        %mul3A_266 = arith.mulf %gather3A_265, %get3A_71 : vector<16xf32>
        tpu.vector_store_idx %arg8[%add3A_68, %broadcast_in_dim3A_264], %mul3A_266 : memref<128x128xf32, #tpu.memory_space<vmem>>[vector<16xi32>, vector<16xi32>], vector<16xf32>,
        %broadcast_in_dim3A_267 = arith.constant 49 : i32
        %broadcast_in_dim3A_268 = vector.broadcast %broadcast_in_dim3A_267 : i32 to vector<16xi32>
        %gather3A_269 = tpu.vector_load_idx %arg8[%add3A_68, %broadcast_in_dim3A_268] : memref<128x128xf32, #tpu.memory_space<vmem>>[vector<16xi32>, vector<16xi32>], vector<16xf32>,
        %mul3A_270 = arith.mulf %gather3A_269, %get3A_71 : vector<16xf32>
        tpu.vector_store_idx %arg8[%add3A_68, %broadcast_in_dim3A_268], %mul3A_270 : memref<128x128xf32, #tpu.memory_space<vmem>>[vector<16xi32>, vector<16xi32>], vector<16xf32>,
        %broadcast_in_dim3A_271 = arith.constant 50 : i32
        %broadcast_in_dim3A_272 = vector.broadcast %broadcast_in_dim3A_271 : i32 to vector<16xi32>
        %gather3A_273 = tpu.vector_load_idx %arg8[%add3A_68, %broadcast_in_dim3A_272] : memref<128x128xf32, #tpu.memory_space<vmem>>[vector<16xi32>, vector<16xi32>], vector<16xf32>,
        %mul3A_274 = arith.mulf %gather3A_273, %get3A_71 : vector<16xf32>
        tpu.vector_store_idx %arg8[%add3A_68, %broadcast_in_dim3A_272], %mul3A_274 : memref<128x128xf32, #tpu.memory_space<vmem>>[vector<16xi32>, vector<16xi32>], vector<16xf32>,
        %broadcast_in_dim3A_275 = arith.constant 51 : i32
        %broadcast_in_dim3A_276 = vector.broadcast %broadcast_in_dim3A_275 : i32 to vector<16xi32>
        %gather3A_277 = tpu.vector_load_idx %arg8[%add3A_68, %broadcast_in_dim3A_276] : memref<128x128xf32, #tpu.memory_space<vmem>>[vector<16xi32>, vector<16xi32>], vector<16xf32>,
        %mul3A_278 = arith.mulf %gather3A_277, %get3A_71 : vector<16xf32>
        tpu.vector_store_idx %arg8[%add3A_68, %broadcast_in_dim3A_276], %mul3A_278 : memref<128x128xf32, #tpu.memory_space<vmem>>[vector<16xi32>, vector<16xi32>], vector<16xf32>,
        %broadcast_in_dim3A_279 = arith.constant 52 : i32
        %broadcast_in_dim3A_280 = vector.broadcast %broadcast_in_dim3A_279 : i32 to vector<16xi32>
        %gather3A_281 = tpu.vector_load_idx %arg8[%add3A_68, %broadcast_in_dim3A_280] : memref<128x128xf32, #tpu.memory_space<vmem>>[vector<16xi32>, vector<16xi32>], vector<16xf32>,
        %mul3A_282 = arith.mulf %gather3A_281, %get3A_71 : vector<16xf32>
        tpu.vector_store_idx %arg8[%add3A_68, %broadcast_in_dim3A_280], %mul3A_282 : memref<128x128xf32, #tpu.memory_space<vmem>>[vector<16xi32>, vector<16xi32>], vector<16xf32>,
        %broadcast_in_dim3A_283 = arith.constant 53 : i32
        %broadcast_in_dim3A_284 = vector.broadcast %broadcast_in_dim3A_283 : i32 to vector<16xi32>
        %gather3A_285 = tpu.vector_load_idx %arg8[%add3A_68, %broadcast_in_dim3A_284] : memref<128x128xf32, #tpu.memory_space<vmem>>[vector<16xi32>, vector<16xi32>], vector<16xf32>,
        %mul3A_286 = arith.mulf %gather3A_285, %get3A_71 : vector<16xf32>
        tpu.vector_store_idx %arg8[%add3A_68, %broadcast_in_dim3A_284], %mul3A_286 : memref<128x128xf32, #tpu.memory_space<vmem>>[vector<16xi32>, vector<16xi32>], vector<16xf32>,
        %broadcast_in_dim3A_287 = arith.constant 54 : i32
        %broadcast_in_dim3A_288 = vector.broadcast %broadcast_in_dim3A_287 : i32 to vector<16xi32>
        %gather3A_289 = tpu.vector_load_idx %arg8[%add3A_68, %broadcast_in_dim3A_288] : memref<128x128xf32, #tpu.memory_space<vmem>>[vector<16xi32>, vector<16xi32>], vector<16xf32>,
        %mul3A_290 = arith.mulf %gather3A_289, %get3A_71 : vector<16xf32>
        tpu.vector_store_idx %arg8[%add3A_68, %broadcast_in_dim3A_288], %mul3A_290 : memref<128x128xf32, #tpu.memory_space<vmem>>[vector<16xi32>, vector<16xi32>], vector<16xf32>,
        %broadcast_in_dim3A_291 = arith.constant 55 : i32
        %broadcast_in_dim3A_292 = vector.broadcast %broadcast_in_dim3A_291 : i32 to vector<16xi32>
        %gather3A_293 = tpu.vector_load_idx %arg8[%add3A_68, %broadcast_in_dim3A_292] : memref<128x128xf32, #tpu.memory_space<vmem>>[vector<16xi32>, vector<16xi32>], vector<16xf32>,
        %mul3A_294 = arith.mulf %gather3A_293, %get3A_71 : vector<16xf32>
        tpu.vector_store_idx %arg8[%add3A_68, %broadcast_in_dim3A_292], %mul3A_294 : memref<128x128xf32, #tpu.memory_space<vmem>>[vector<16xi32>, vector<16xi32>], vector<16xf32>,
        %broadcast_in_dim3A_295 = arith.constant 56 : i32
        %broadcast_in_dim3A_296 = vector.broadcast %broadcast_in_dim3A_295 : i32 to vector<16xi32>
        %gather3A_297 = tpu.vector_load_idx %arg8[%add3A_68, %broadcast_in_dim3A_296] : memref<128x128xf32, #tpu.memory_space<vmem>>[vector<16xi32>, vector<16xi32>], vector<16xf32>,
        %mul3A_298 = arith.mulf %gather3A_297, %get3A_71 : vector<16xf32>
        tpu.vector_store_idx %arg8[%add3A_68, %broadcast_in_dim3A_296], %mul3A_298 : memref<128x128xf32, #tpu.memory_space<vmem>>[vector<16xi32>, vector<16xi32>], vector<16xf32>,
        %broadcast_in_dim3A_299 = arith.constant 57 : i32
        %broadcast_in_dim3A_300 = vector.broadcast %broadcast_in_dim3A_299 : i32 to vector<16xi32>
        %gather3A_301 = tpu.vector_load_idx %arg8[%add3A_68, %broadcast_in_dim3A_300] : memref<128x128xf32, #tpu.memory_space<vmem>>[vector<16xi32>, vector<16xi32>], vector<16xf32>,
        %mul3A_302 = arith.mulf %gather3A_301, %get3A_71 : vector<16xf32>
        tpu.vector_store_idx %arg8[%add3A_68, %broadcast_in_dim3A_300], %mul3A_302 : memref<128x128xf32, #tpu.memory_space<vmem>>[vector<16xi32>, vector<16xi32>], vector<16xf32>,
        %broadcast_in_dim3A_303 = arith.constant 58 : i32
        %broadcast_in_dim3A_304 = vector.broadcast %broadcast_in_dim3A_303 : i32 to vector<16xi32>
        %gather3A_305 = tpu.vector_load_idx %arg8[%add3A_68, %broadcast_in_dim3A_304] : memref<128x128xf32, #tpu.memory_space<vmem>>[vector<16xi32>, vector<16xi32>], vector<16xf32>,
        %mul3A_306 = arith.mulf %gather3A_305, %get3A_71 : vector<16xf32>
        tpu.vector_store_idx %arg8[%add3A_68, %broadcast_in_dim3A_304], %mul3A_306 : memref<128x128xf32, #tpu.memory_space<vmem>>[vector<16xi32>, vector<16xi32>], vector<16xf32>,
        %broadcast_in_dim3A_307 = arith.constant 59 : i32
        %broadcast_in_dim3A_308 = vector.broadcast %broadcast_in_dim3A_307 : i32 to vector<16xi32>
        %gather3A_309 = tpu.vector_load_idx %arg8[%add3A_68, %broadcast_in_dim3A_308] : memref<128x128xf32, #tpu.memory_space<vmem>>[vector<16xi32>, vector<16xi32>], vector<16xf32>,
        %mul3A_310 = arith.mulf %gather3A_309, %get3A_71 : vector<16xf32>
        tpu.vector_store_idx %arg8[%add3A_68, %broadcast_in_dim3A_308], %mul3A_310 : memref<128x128xf32, #tpu.memory_space<vmem>>[vector<16xi32>, vector<16xi32>], vector<16xf32>,
        %broadcast_in_dim3A_311 = arith.constant 60 : i32
        %broadcast_in_dim3A_312 = vector.broadcast %broadcast_in_dim3A_311 : i32 to vector<16xi32>
        %gather3A_313 = tpu.vector_load_idx %arg8[%add3A_68, %broadcast_in_dim3A_312] : memref<128x128xf32, #tpu.memory_space<vmem>>[vector<16xi32>, vector<16xi32>], vector<16xf32>,
        %mul3A_314 = arith.mulf %gather3A_313, %get3A_71 : vector<16xf32>
        tpu.vector_store_idx %arg8[%add3A_68, %broadcast_in_dim3A_312], %mul3A_314 : memref<128x128xf32, #tpu.memory_space<vmem>>[vector<16xi32>, vector<16xi32>], vector<16xf32>,
        %broadcast_in_dim3A_315 = arith.constant 61 : i32
        %broadcast_in_dim3A_316 = vector.broadcast %broadcast_in_dim3A_315 : i32 to vector<16xi32>
        %gather3A_317 = tpu.vector_load_idx %arg8[%add3A_68, %broadcast_in_dim3A_316] : memref<128x128xf32, #tpu.memory_space<vmem>>[vector<16xi32>, vector<16xi32>], vector<16xf32>,
        %mul3A_318 = arith.mulf %gather3A_317, %get3A_71 : vector<16xf32>
        tpu.vector_store_idx %arg8[%add3A_68, %broadcast_in_dim3A_316], %mul3A_318 : memref<128x128xf32, #tpu.memory_space<vmem>>[vector<16xi32>, vector<16xi32>], vector<16xf32>,
        %broadcast_in_dim3A_319 = arith.constant 62 : i32
        %broadcast_in_dim3A_320 = vector.broadcast %broadcast_in_dim3A_319 : i32 to vector<16xi32>
        %gather3A_321 = tpu.vector_load_idx %arg8[%add3A_68, %broadcast_in_dim3A_320] : memref<128x128xf32, #tpu.memory_space<vmem>>[vector<16xi32>, vector<16xi32>], vector<16xf32>,
        %mul3A_322 = arith.mulf %gather3A_321, %get3A_71 : vector<16xf32>
        tpu.vector_store_idx %arg8[%add3A_68, %broadcast_in_dim3A_320], %mul3A_322 : memref<128x128xf32, #tpu.memory_space<vmem>>[vector<16xi32>, vector<16xi32>], vector<16xf32>,
        %broadcast_in_dim3A_323 = arith.constant 63 : i32
        %broadcast_in_dim3A_324 = vector.broadcast %broadcast_in_dim3A_323 : i32 to vector<16xi32>
        %gather3A_325 = tpu.vector_load_idx %arg8[%add3A_68, %broadcast_in_dim3A_324] : memref<128x128xf32, #tpu.memory_space<vmem>>[vector<16xi32>, vector<16xi32>], vector<16xf32>,
        %mul3A_326 = arith.mulf %gather3A_325, %get3A_71 : vector<16xf32>
        tpu.vector_store_idx %arg8[%add3A_68, %broadcast_in_dim3A_324], %mul3A_326 : memref<128x128xf32, #tpu.memory_space<vmem>>[vector<16xi32>, vector<16xi32>], vector<16xf32>,
        %broadcast_in_dim3A_327 = arith.constant 64 : i32
        %broadcast_in_dim3A_328 = vector.broadcast %broadcast_in_dim3A_327 : i32 to vector<16xi32>
        %gather3A_329 = tpu.vector_load_idx %arg8[%add3A_68, %broadcast_in_dim3A_328] : memref<128x128xf32, #tpu.memory_space<vmem>>[vector<16xi32>, vector<16xi32>], vector<16xf32>,
        %mul3A_330 = arith.mulf %gather3A_329, %get3A_71 : vector<16xf32>
        tpu.vector_store_idx %arg8[%add3A_68, %broadcast_in_dim3A_328], %mul3A_330 : memref<128x128xf32, #tpu.memory_space<vmem>>[vector<16xi32>, vector<16xi32>], vector<16xf32>,
        %broadcast_in_dim3A_331 = arith.constant 65 : i32
        %broadcast_in_dim3A_332 = vector.broadcast %broadcast_in_dim3A_331 : i32 to vector<16xi32>
        %gather3A_333 = tpu.vector_load_idx %arg8[%add3A_68, %broadcast_in_dim3A_332] : memref<128x128xf32, #tpu.memory_space<vmem>>[vector<16xi32>, vector<16xi32>], vector<16xf32>,
        %mul3A_334 = arith.mulf %gather3A_333, %get3A_71 : vector<16xf32>
        tpu.vector_store_idx %arg8[%add3A_68, %broadcast_in_dim3A_332], %mul3A_334 : memref<128x128xf32, #tpu.memory_space<vmem>>[vector<16xi32>, vector<16xi32>], vector<16xf32>,
        %broadcast_in_dim3A_335 = arith.constant 66 : i32
        %broadcast_in_dim3A_336 = vector.broadcast %broadcast_in_dim3A_335 : i32 to vector<16xi32>
        %gather3A_337 = tpu.vector_load_idx %arg8[%add3A_68, %broadcast_in_dim3A_336] : memref<128x128xf32, #tpu.memory_space<vmem>>[vector<16xi32>, vector<16xi32>], vector<16xf32>,
        %mul3A_338 = arith.mulf %gather3A_337, %get3A_71 : vector<16xf32>
        tpu.vector_store_idx %arg8[%add3A_68, %broadcast_in_dim3A_336], %mul3A_338 : memref<128x128xf32, #tpu.memory_space<vmem>>[vector<16xi32>, vector<16xi32>], vector<16xf32>,
        %broadcast_in_dim3A_339 = arith.constant 67 : i32
        %broadcast_in_dim3A_340 = vector.broadcast %broadcast_in_dim3A_339 : i32 to vector<16xi32>
        %gather3A_341 = tpu.vector_load_idx %arg8[%add3A_68, %broadcast_in_dim3A_340] : memref<128x128xf32, #tpu.memory_space<vmem>>[vector<16xi32>, vector<16xi32>], vector<16xf32>,
        %mul3A_342 = arith.mulf %gather3A_341, %get3A_71 : vector<16xf32>
        tpu.vector_store_idx %arg8[%add3A_68, %broadcast_in_dim3A_340], %mul3A_342 : memref<128x128xf32, #tpu.memory_space<vmem>>[vector<16xi32>, vector<16xi32>], vector<16xf32>,
        %broadcast_in_dim3A_343 = arith.constant 68 : i32
        %broadcast_in_dim3A_344 = vector.broadcast %broadcast_in_dim3A_343 : i32 to vector<16xi32>
        %gather3A_345 = tpu.vector_load_idx %arg8[%add3A_68, %broadcast_in_dim3A_344] : memref<128x128xf32, #tpu.memory_space<vmem>>[vector<16xi32>, vector<16xi32>], vector<16xf32>,
        %mul3A_346 = arith.mulf %gather3A_345, %get3A_71 : vector<16xf32>
        tpu.vector_store_idx %arg8[%add3A_68, %broadcast_in_dim3A_344], %mul3A_346 : memref<128x128xf32, #tpu.memory_space<vmem>>[vector<16xi32>, vector<16xi32>], vector<16xf32>,
        %broadcast_in_dim3A_347 = arith.constant 69 : i32
        %broadcast_in_dim3A_348 = vector.broadcast %broadcast_in_dim3A_347 : i32 to vector<16xi32>
        %gather3A_349 = tpu.vector_load_idx %arg8[%add3A_68, %broadcast_in_dim3A_348] : memref<128x128xf32, #tpu.memory_space<vmem>>[vector<16xi32>, vector<16xi32>], vector<16xf32>,
        %mul3A_350 = arith.mulf %gather3A_349, %get3A_71 : vector<16xf32>
        tpu.vector_store_idx %arg8[%add3A_68, %broadcast_in_dim3A_348], %mul3A_350 : memref<128x128xf32, #tpu.memory_space<vmem>>[vector<16xi32>, vector<16xi32>], vector<16xf32>,
        %broadcast_in_dim3A_351 = arith.constant 70 : i32
        %broadcast_in_dim3A_352 = vector.broadcast %broadcast_in_dim3A_351 : i32 to vector<16xi32>
        %gather3A_353 = tpu.vector_load_idx %arg8[%add3A_68, %broadcast_in_dim3A_352] : memref<128x128xf32, #tpu.memory_space<vmem>>[vector<16xi32>, vector<16xi32>], vector<16xf32>,
        %mul3A_354 = arith.mulf %gather3A_353, %get3A_71 : vector<16xf32>
        tpu.vector_store_idx %arg8[%add3A_68, %broadcast_in_dim3A_352], %mul3A_354 : memref<128x128xf32, #tpu.memory_space<vmem>>[vector<16xi32>, vector<16xi32>], vector<16xf32>,
        %broadcast_in_dim3A_355 = arith.constant 71 : i32
        %broadcast_in_dim3A_356 = vector.broadcast %broadcast_in_dim3A_355 : i32 to vector<16xi32>
        %gather3A_357 = tpu.vector_load_idx %arg8[%add3A_68, %broadcast_in_dim3A_356] : memref<128x128xf32, #tpu.memory_space<vmem>>[vector<16xi32>, vector<16xi32>], vector<16xf32>,
        %mul3A_358 = arith.mulf %gather3A_357, %get3A_71 : vector<16xf32>
        tpu.vector_store_idx %arg8[%add3A_68, %broadcast_in_dim3A_356], %mul3A_358 : memref<128x128xf32, #tpu.memory_space<vmem>>[vector<16xi32>, vector<16xi32>], vector<16xf32>,
        %broadcast_in_dim3A_359 = arith.constant 72 : i32
        %broadcast_in_dim3A_360 = vector.broadcast %broadcast_in_dim3A_359 : i32 to vector<16xi32>
        %gather3A_361 = tpu.vector_load_idx %arg8[%add3A_68, %broadcast_in_dim3A_360] : memref<128x128xf32, #tpu.memory_space<vmem>>[vector<16xi32>, vector<16xi32>], vector<16xf32>,
        %mul3A_362 = arith.mulf %gather3A_361, %get3A_71 : vector<16xf32>
        tpu.vector_store_idx %arg8[%add3A_68, %broadcast_in_dim3A_360], %mul3A_362 : memref<128x128xf32, #tpu.memory_space<vmem>>[vector<16xi32>, vector<16xi32>], vector<16xf32>,
        %broadcast_in_dim3A_363 = arith.constant 73 : i32
        %broadcast_in_dim3A_364 = vector.broadcast %broadcast_in_dim3A_363 : i32 to vector<16xi32>
        %gather3A_365 = tpu.vector_load_idx %arg8[%add3A_68, %broadcast_in_dim3A_364] : memref<128x128xf32, #tpu.memory_space<vmem>>[vector<16xi32>, vector<16xi32>], vector<16xf32>,
        %mul3A_366 = arith.mulf %gather3A_365, %get3A_71 : vector<16xf32>
        tpu.vector_store_idx %arg8[%add3A_68, %broadcast_in_dim3A_364], %mul3A_366 : memref<128x128xf32, #tpu.memory_space<vmem>>[vector<16xi32>, vector<16xi32>], vector<16xf32>,
        %broadcast_in_dim3A_367 = arith.constant 74 : i32
        %broadcast_in_dim3A_368 = vector.broadcast %broadcast_in_dim3A_367 : i32 to vector<16xi32>
        %gather3A_369 = tpu.vector_load_idx %arg8[%add3A_68, %broadcast_in_dim3A_368] : memref<128x128xf32, #tpu.memory_space<vmem>>[vector<16xi32>, vector<16xi32>], vector<16xf32>,
        %mul3A_370 = arith.mulf %gather3A_369, %get3A_71 : vector<16xf32>
        tpu.vector_store_idx %arg8[%add3A_68, %broadcast_in_dim3A_368], %mul3A_370 : memref<128x128xf32, #tpu.memory_space<vmem>>[vector<16xi32>, vector<16xi32>], vector<16xf32>,
        %broadcast_in_dim3A_371 = arith.constant 75 : i32
        %broadcast_in_dim3A_372 = vector.broadcast %broadcast_in_dim3A_371 : i32 to vector<16xi32>
        %gather3A_373 = tpu.vector_load_idx %arg8[%add3A_68, %broadcast_in_dim3A_372] : memref<128x128xf32, #tpu.memory_space<vmem>>[vector<16xi32>, vector<16xi32>], vector<16xf32>,
        %mul3A_374 = arith.mulf %gather3A_373, %get3A_71 : vector<16xf32>
        tpu.vector_store_idx %arg8[%add3A_68, %broadcast_in_dim3A_372], %mul3A_374 : memref<128x128xf32, #tpu.memory_space<vmem>>[vector<16xi32>, vector<16xi32>], vector<16xf32>,
        %broadcast_in_dim3A_375 = arith.constant 76 : i32
        %broadcast_in_dim3A_376 = vector.broadcast %broadcast_in_dim3A_375 : i32 to vector<16xi32>
        %gather3A_377 = tpu.vector_load_idx %arg8[%add3A_68, %broadcast_in_dim3A_376] : memref<128x128xf32, #tpu.memory_space<vmem>>[vector<16xi32>, vector<16xi32>], vector<16xf32>,
        %mul3A_378 = arith.mulf %gather3A_377, %get3A_71 : vector<16xf32>
        tpu.vector_store_idx %arg8[%add3A_68, %broadcast_in_dim3A_376], %mul3A_378 : memref<128x128xf32, #tpu.memory_space<vmem>>[vector<16xi32>, vector<16xi32>], vector<16xf32>,
        %broadcast_in_dim3A_379 = arith.constant 77 : i32
        %broadcast_in_dim3A_380 = vector.broadcast %broadcast_in_dim3A_379 : i32 to vector<16xi32>
        %gather3A_381 = tpu.vector_load_idx %arg8[%add3A_68, %broadcast_in_dim3A_380] : memref<128x128xf32, #tpu.memory_space<vmem>>[vector<16xi32>, vector<16xi32>], vector<16xf32>,
        %mul3A_382 = arith.mulf %gather3A_381, %get3A_71 : vector<16xf32>
        tpu.vector_store_idx %arg8[%add3A_68, %broadcast_in_dim3A_380], %mul3A_382 : memref<128x128xf32, #tpu.memory_space<vmem>>[vector<16xi32>, vector<16xi32>], vector<16xf32>,
        %broadcast_in_dim3A_383 = arith.constant 78 : i32
        %broadcast_in_dim3A_384 = vector.broadcast %broadcast_in_dim3A_383 : i32 to vector<16xi32>
        %gather3A_385 = tpu.vector_load_idx %arg8[%add3A_68, %broadcast_in_dim3A_384] : memref<128x128xf32, #tpu.memory_space<vmem>>[vector<16xi32>, vector<16xi32>], vector<16xf32>,
        %mul3A_386 = arith.mulf %gather3A_385, %get3A_71 : vector<16xf32>
        tpu.vector_store_idx %arg8[%add3A_68, %broadcast_in_dim3A_384], %mul3A_386 : memref<128x128xf32, #tpu.memory_space<vmem>>[vector<16xi32>, vector<16xi32>], vector<16xf32>,
        %broadcast_in_dim3A_387 = arith.constant 79 : i32
        %broadcast_in_dim3A_388 = vector.broadcast %broadcast_in_dim3A_387 : i32 to vector<16xi32>
        %gather3A_389 = tpu.vector_load_idx %arg8[%add3A_68, %broadcast_in_dim3A_388] : memref<128x128xf32, #tpu.memory_space<vmem>>[vector<16xi32>, vector<16xi32>], vector<16xf32>,
        %mul3A_390 = arith.mulf %gather3A_389, %get3A_71 : vector<16xf32>
        tpu.vector_store_idx %arg8[%add3A_68, %broadcast_in_dim3A_388], %mul3A_390 : memref<128x128xf32, #tpu.memory_space<vmem>>[vector<16xi32>, vector<16xi32>], vector<16xf32>,
        %broadcast_in_dim3A_391 = arith.constant 80 : i32
        %broadcast_in_dim3A_392 = vector.broadcast %broadcast_in_dim3A_391 : i32 to vector<16xi32>
        %gather3A_393 = tpu.vector_load_idx %arg8[%add3A_68, %broadcast_in_dim3A_392] : memref<128x128xf32, #tpu.memory_space<vmem>>[vector<16xi32>, vector<16xi32>], vector<16xf32>,
        %mul3A_394 = arith.mulf %gather3A_393, %get3A_71 : vector<16xf32>
        tpu.vector_store_idx %arg8[%add3A_68, %broadcast_in_dim3A_392], %mul3A_394 : memref<128x128xf32, #tpu.memory_space<vmem>>[vector<16xi32>, vector<16xi32>], vector<16xf32>,
        %broadcast_in_dim3A_395 = arith.constant 81 : i32
        %broadcast_in_dim3A_396 = vector.broadcast %broadcast_in_dim3A_395 : i32 to vector<16xi32>
        %gather3A_397 = tpu.vector_load_idx %arg8[%add3A_68, %broadcast_in_dim3A_396] : memref<128x128xf32, #tpu.memory_space<vmem>>[vector<16xi32>, vector<16xi32>], vector<16xf32>,
        %mul3A_398 = arith.mulf %gather3A_397, %get3A_71 : vector<16xf32>
        tpu.vector_store_idx %arg8[%add3A_68, %broadcast_in_dim3A_396], %mul3A_398 : memref<128x128xf32, #tpu.memory_space<vmem>>[vector<16xi32>, vector<16xi32>], vector<16xf32>,
        %broadcast_in_dim3A_399 = arith.constant 82 : i32
        %broadcast_in_dim3A_400 = vector.broadcast %broadcast_in_dim3A_399 : i32 to vector<16xi32>
        %gather3A_401 = tpu.vector_load_idx %arg8[%add3A_68, %broadcast_in_dim3A_400] : memref<128x128xf32, #tpu.memory_space<vmem>>[vector<16xi32>, vector<16xi32>], vector<16xf32>,
        %mul3A_402 = arith.mulf %gather3A_401, %get3A_71 : vector<16xf32>
        tpu.vector_store_idx %arg8[%add3A_68, %broadcast_in_dim3A_400], %mul3A_402 : memref<128x128xf32, #tpu.memory_space<vmem>>[vector<16xi32>, vector<16xi32>], vector<16xf32>,
        %broadcast_in_dim3A_403 = arith.constant 83 : i32
        %broadcast_in_dim3A_404 = vector.broadcast %broadcast_in_dim3A_403 : i32 to vector<16xi32>
        %gather3A_405 = tpu.vector_load_idx %arg8[%add3A_68, %broadcast_in_dim3A_404] : memref<128x128xf32, #tpu.memory_space<vmem>>[vector<16xi32>, vector<16xi32>], vector<16xf32>,
        %mul3A_406 = arith.mulf %gather3A_405, %get3A_71 : vector<16xf32>
        tpu.vector_store_idx %arg8[%add3A_68, %broadcast_in_dim3A_404], %mul3A_406 : memref<128x128xf32, #tpu.memory_space<vmem>>[vector<16xi32>, vector<16xi32>], vector<16xf32>,
        %broadcast_in_dim3A_407 = arith.constant 84 : i32
        %broadcast_in_dim3A_408 = vector.broadcast %broadcast_in_dim3A_407 : i32 to vector<16xi32>
        %gather3A_409 = tpu.vector_load_idx %arg8[%add3A_68, %broadcast_in_dim3A_408] : memref<128x128xf32, #tpu.memory_space<vmem>>[vector<16xi32>, vector<16xi32>], vector<16xf32>,
        %mul3A_410 = arith.mulf %gather3A_409, %get3A_71 : vector<16xf32>
        tpu.vector_store_idx %arg8[%add3A_68, %broadcast_in_dim3A_408], %mul3A_410 : memref<128x128xf32, #tpu.memory_space<vmem>>[vector<16xi32>, vector<16xi32>], vector<16xf32>,
        %broadcast_in_dim3A_411 = arith.constant 85 : i32
        %broadcast_in_dim3A_412 = vector.broadcast %broadcast_in_dim3A_411 : i32 to vector<16xi32>
        %gather3A_413 = tpu.vector_load_idx %arg8[%add3A_68, %broadcast_in_dim3A_412] : memref<128x128xf32, #tpu.memory_space<vmem>>[vector<16xi32>, vector<16xi32>], vector<16xf32>,
        %mul3A_414 = arith.mulf %gather3A_413, %get3A_71 : vector<16xf32>
        tpu.vector_store_idx %arg8[%add3A_68, %broadcast_in_dim3A_412], %mul3A_414 : memref<128x128xf32, #tpu.memory_space<vmem>>[vector<16xi32>, vector<16xi32>], vector<16xf32>,
        %broadcast_in_dim3A_415 = arith.constant 86 : i32
        %broadcast_in_dim3A_416 = vector.broadcast %broadcast_in_dim3A_415 : i32 to vector<16xi32>
        %gather3A_417 = tpu.vector_load_idx %arg8[%add3A_68, %broadcast_in_dim3A_416] : memref<128x128xf32, #tpu.memory_space<vmem>>[vector<16xi32>, vector<16xi32>], vector<16xf32>,
        %mul3A_418 = arith.mulf %gather3A_417, %get3A_71 : vector<16xf32>
        tpu.vector_store_idx %arg8[%add3A_68, %broadcast_in_dim3A_416], %mul3A_418 : memref<128x128xf32, #tpu.memory_space<vmem>>[vector<16xi32>, vector<16xi32>], vector<16xf32>,
        %broadcast_in_dim3A_419 = arith.constant 87 : i32
        %broadcast_in_dim3A_420 = vector.broadcast %broadcast_in_dim3A_419 : i32 to vector<16xi32>
        %gather3A_421 = tpu.vector_load_idx %arg8[%add3A_68, %broadcast_in_dim3A_420] : memref<128x128xf32, #tpu.memory_space<vmem>>[vector<16xi32>, vector<16xi32>], vector<16xf32>,
        %mul3A_422 = arith.mulf %gather3A_421, %get3A_71 : vector<16xf32>
        tpu.vector_store_idx %arg8[%add3A_68, %broadcast_in_dim3A_420], %mul3A_422 : memref<128x128xf32, #tpu.memory_space<vmem>>[vector<16xi32>, vector<16xi32>], vector<16xf32>,
        %broadcast_in_dim3A_423 = arith.constant 88 : i32
        %broadcast_in_dim3A_424 = vector.broadcast %broadcast_in_dim3A_423 : i32 to vector<16xi32>
        %gather3A_425 = tpu.vector_load_idx %arg8[%add3A_68, %broadcast_in_dim3A_424] : memref<128x128xf32, #tpu.memory_space<vmem>>[vector<16xi32>, vector<16xi32>], vector<16xf32>,
        %mul3A_426 = arith.mulf %gather3A_425, %get3A_71 : vector<16xf32>
        tpu.vector_store_idx %arg8[%add3A_68, %broadcast_in_dim3A_424], %mul3A_426 : memref<128x128xf32, #tpu.memory_space<vmem>>[vector<16xi32>, vector<16xi32>], vector<16xf32>,
        %broadcast_in_dim3A_427 = arith.constant 89 : i32
        %broadcast_in_dim3A_428 = vector.broadcast %broadcast_in_dim3A_427 : i32 to vector<16xi32>
        %gather3A_429 = tpu.vector_load_idx %arg8[%add3A_68, %broadcast_in_dim3A_428] : memref<128x128xf32, #tpu.memory_space<vmem>>[vector<16xi32>, vector<16xi32>], vector<16xf32>,
        %mul3A_430 = arith.mulf %gather3A_429, %get3A_71 : vector<16xf32>
        tpu.vector_store_idx %arg8[%add3A_68, %broadcast_in_dim3A_428], %mul3A_430 : memref<128x128xf32, #tpu.memory_space<vmem>>[vector<16xi32>, vector<16xi32>], vector<16xf32>,
        %broadcast_in_dim3A_431 = arith.constant 90 : i32
        %broadcast_in_dim3A_432 = vector.broadcast %broadcast_in_dim3A_431 : i32 to vector<16xi32>
        %gather3A_433 = tpu.vector_load_idx %arg8[%add3A_68, %broadcast_in_dim3A_432] : memref<128x128xf32, #tpu.memory_space<vmem>>[vector<16xi32>, vector<16xi32>], vector<16xf32>,
        %mul3A_434 = arith.mulf %gather3A_433, %get3A_71 : vector<16xf32>
        tpu.vector_store_idx %arg8[%add3A_68, %broadcast_in_dim3A_432], %mul3A_434 : memref<128x128xf32, #tpu.memory_space<vmem>>[vector<16xi32>, vector<16xi32>], vector<16xf32>,
        %broadcast_in_dim3A_435 = arith.constant 91 : i32
        %broadcast_in_dim3A_436 = vector.broadcast %broadcast_in_dim3A_435 : i32 to vector<16xi32>
        %gather3A_437 = tpu.vector_load_idx %arg8[%add3A_68, %broadcast_in_dim3A_436] : memref<128x128xf32, #tpu.memory_space<vmem>>[vector<16xi32>, vector<16xi32>], vector<16xf32>,
        %mul3A_438 = arith.mulf %gather3A_437, %get3A_71 : vector<16xf32>
        tpu.vector_store_idx %arg8[%add3A_68, %broadcast_in_dim3A_436], %mul3A_438 : memref<128x128xf32, #tpu.memory_space<vmem>>[vector<16xi32>, vector<16xi32>], vector<16xf32>,
        %broadcast_in_dim3A_439 = arith.constant 92 : i32
        %broadcast_in_dim3A_440 = vector.broadcast %broadcast_in_dim3A_439 : i32 to vector<16xi32>
        %gather3A_441 = tpu.vector_load_idx %arg8[%add3A_68, %broadcast_in_dim3A_440] : memref<128x128xf32, #tpu.memory_space<vmem>>[vector<16xi32>, vector<16xi32>], vector<16xf32>,
        %mul3A_442 = arith.mulf %gather3A_441, %get3A_71 : vector<16xf32>
        tpu.vector_store_idx %arg8[%add3A_68, %broadcast_in_dim3A_440], %mul3A_442 : memref<128x128xf32, #tpu.memory_space<vmem>>[vector<16xi32>, vector<16xi32>], vector<16xf32>,
        %broadcast_in_dim3A_443 = arith.constant 93 : i32
        %broadcast_in_dim3A_444 = vector.broadcast %broadcast_in_dim3A_443 : i32 to vector<16xi32>
        %gather3A_445 = tpu.vector_load_idx %arg8[%add3A_68, %broadcast_in_dim3A_444] : memref<128x128xf32, #tpu.memory_space<vmem>>[vector<16xi32>, vector<16xi32>], vector<16xf32>,
        %mul3A_446 = arith.mulf %gather3A_445, %get3A_71 : vector<16xf32>
        tpu.vector_store_idx %arg8[%add3A_68, %broadcast_in_dim3A_444], %mul3A_446 : memref<128x128xf32, #tpu.memory_space<vmem>>[vector<16xi32>, vector<16xi32>], vector<16xf32>,
        %broadcast_in_dim3A_447 = arith.constant 94 : i32
        %broadcast_in_dim3A_448 = vector.broadcast %broadcast_in_dim3A_447 : i32 to vector<16xi32>
        %gather3A_449 = tpu.vector_load_idx %arg8[%add3A_68, %broadcast_in_dim3A_448] : memref<128x128xf32, #tpu.memory_space<vmem>>[vector<16xi32>, vector<16xi32>], vector<16xf32>,
        %mul3A_450 = arith.mulf %gather3A_449, %get3A_71 : vector<16xf32>
        tpu.vector_store_idx %arg8[%add3A_68, %broadcast_in_dim3A_448], %mul3A_450 : memref<128x128xf32, #tpu.memory_space<vmem>>[vector<16xi32>, vector<16xi32>], vector<16xf32>,
        %broadcast_in_dim3A_451 = arith.constant 95 : i32
        %broadcast_in_dim3A_452 = vector.broadcast %broadcast_in_dim3A_451 : i32 to vector<16xi32>
        %gather3A_453 = tpu.vector_load_idx %arg8[%add3A_68, %broadcast_in_dim3A_452] : memref<128x128xf32, #tpu.memory_space<vmem>>[vector<16xi32>, vector<16xi32>], vector<16xf32>,
        %mul3A_454 = arith.mulf %gather3A_453, %get3A_71 : vector<16xf32>
        tpu.vector_store_idx %arg8[%add3A_68, %broadcast_in_dim3A_452], %mul3A_454 : memref<128x128xf32, #tpu.memory_space<vmem>>[vector<16xi32>, vector<16xi32>], vector<16xf32>,
        %broadcast_in_dim3A_455 = arith.constant 96 : i32
        %broadcast_in_dim3A_456 = vector.broadcast %broadcast_in_dim3A_455 : i32 to vector<16xi32>
        %gather3A_457 = tpu.vector_load_idx %arg8[%add3A_68, %broadcast_in_dim3A_456] : memref<128x128xf32, #tpu.memory_space<vmem>>[vector<16xi32>, vector<16xi32>], vector<16xf32>,
        %mul3A_458 = arith.mulf %gather3A_457, %get3A_71 : vector<16xf32>
        tpu.vector_store_idx %arg8[%add3A_68, %broadcast_in_dim3A_456], %mul3A_458 : memref<128x128xf32, #tpu.memory_space<vmem>>[vector<16xi32>, vector<16xi32>], vector<16xf32>,
        %broadcast_in_dim3A_459 = arith.constant 97 : i32
        %broadcast_in_dim3A_460 = vector.broadcast %broadcast_in_dim3A_459 : i32 to vector<16xi32>
        %gather3A_461 = tpu.vector_load_idx %arg8[%add3A_68, %broadcast_in_dim3A_460] : memref<128x128xf32, #tpu.memory_space<vmem>>[vector<16xi32>, vector<16xi32>], vector<16xf32>,
        %mul3A_462 = arith.mulf %gather3A_461, %get3A_71 : vector<16xf32>
        tpu.vector_store_idx %arg8[%add3A_68, %broadcast_in_dim3A_460], %mul3A_462 : memref<128x128xf32, #tpu.memory_space<vmem>>[vector<16xi32>, vector<16xi32>], vector<16xf32>,
        %broadcast_in_dim3A_463 = arith.constant 98 : i32
        %broadcast_in_dim3A_464 = vector.broadcast %broadcast_in_dim3A_463 : i32 to vector<16xi32>
        %gather3A_465 = tpu.vector_load_idx %arg8[%add3A_68, %broadcast_in_dim3A_464] : memref<128x128xf32, #tpu.memory_space<vmem>>[vector<16xi32>, vector<16xi32>], vector<16xf32>,
        %mul3A_466 = arith.mulf %gather3A_465, %get3A_71 : vector<16xf32>
        tpu.vector_store_idx %arg8[%add3A_68, %broadcast_in_dim3A_464], %mul3A_466 : memref<128x128xf32, #tpu.memory_space<vmem>>[vector<16xi32>, vector<16xi32>], vector<16xf32>,
        %broadcast_in_dim3A_467 = arith.constant 99 : i32
        %broadcast_in_dim3A_468 = vector.broadcast %broadcast_in_dim3A_467 : i32 to vector<16xi32>
        %gather3A_469 = tpu.vector_load_idx %arg8[%add3A_68, %broadcast_in_dim3A_468] : memref<128x128xf32, #tpu.memory_space<vmem>>[vector<16xi32>, vector<16xi32>], vector<16xf32>,
        %mul3A_470 = arith.mulf %gather3A_469, %get3A_71 : vector<16xf32>
        tpu.vector_store_idx %arg8[%add3A_68, %broadcast_in_dim3A_468], %mul3A_470 : memref<128x128xf32, #tpu.memory_space<vmem>>[vector<16xi32>, vector<16xi32>], vector<16xf32>,
        %broadcast_in_dim3A_471 = arith.constant 100 : i32
        %broadcast_in_dim3A_472 = vector.broadcast %broadcast_in_dim3A_471 : i32 to vector<16xi32>
        %gather3A_473 = tpu.vector_load_idx %arg8[%add3A_68, %broadcast_in_dim3A_472] : memref<128x128xf32, #tpu.memory_space<vmem>>[vector<16xi32>, vector<16xi32>], vector<16xf32>,
        %mul3A_474 = arith.mulf %gather3A_473, %get3A_71 : vector<16xf32>
        tpu.vector_store_idx %arg8[%add3A_68, %broadcast_in_dim3A_472], %mul3A_474 : memref<128x128xf32, #tpu.memory_space<vmem>>[vector<16xi32>, vector<16xi32>], vector<16xf32>,
        %broadcast_in_dim3A_475 = arith.constant 101 : i32
        %broadcast_in_dim3A_476 = vector.broadcast %broadcast_in_dim3A_475 : i32 to vector<16xi32>
        %gather3A_477 = tpu.vector_load_idx %arg8[%add3A_68, %broadcast_in_dim3A_476] : memref<128x128xf32, #tpu.memory_space<vmem>>[vector<16xi32>, vector<16xi32>], vector<16xf32>,
        %mul3A_478 = arith.mulf %gather3A_477, %get3A_71 : vector<16xf32>
        tpu.vector_store_idx %arg8[%add3A_68, %broadcast_in_dim3A_476], %mul3A_478 : memref<128x128xf32, #tpu.memory_space<vmem>>[vector<16xi32>, vector<16xi32>], vector<16xf32>,
        %broadcast_in_dim3A_479 = arith.constant 102 : i32
        %broadcast_in_dim3A_480 = vector.broadcast %broadcast_in_dim3A_479 : i32 to vector<16xi32>
        %gather3A_481 = tpu.vector_load_idx %arg8[%add3A_68, %broadcast_in_dim3A_480] : memref<128x128xf32, #tpu.memory_space<vmem>>[vector<16xi32>, vector<16xi32>], vector<16xf32>,
        %mul3A_482 = arith.mulf %gather3A_481, %get3A_71 : vector<16xf32>
        tpu.vector_store_idx %arg8[%add3A_68, %broadcast_in_dim3A_480], %mul3A_482 : memref<128x128xf32, #tpu.memory_space<vmem>>[vector<16xi32>, vector<16xi32>], vector<16xf32>,
        %broadcast_in_dim3A_483 = arith.constant 103 : i32
        %broadcast_in_dim3A_484 = vector.broadcast %broadcast_in_dim3A_483 : i32 to vector<16xi32>
        %gather3A_485 = tpu.vector_load_idx %arg8[%add3A_68, %broadcast_in_dim3A_484] : memref<128x128xf32, #tpu.memory_space<vmem>>[vector<16xi32>, vector<16xi32>], vector<16xf32>,
        %mul3A_486 = arith.mulf %gather3A_485, %get3A_71 : vector<16xf32>
        tpu.vector_store_idx %arg8[%add3A_68, %broadcast_in_dim3A_484], %mul3A_486 : memref<128x128xf32, #tpu.memory_space<vmem>>[vector<16xi32>, vector<16xi32>], vector<16xf32>,
        %broadcast_in_dim3A_487 = arith.constant 104 : i32
        %broadcast_in_dim3A_488 = vector.broadcast %broadcast_in_dim3A_487 : i32 to vector<16xi32>
        %gather3A_489 = tpu.vector_load_idx %arg8[%add3A_68, %broadcast_in_dim3A_488] : memref<128x128xf32, #tpu.memory_space<vmem>>[vector<16xi32>, vector<16xi32>], vector<16xf32>,
        %mul3A_490 = arith.mulf %gather3A_489, %get3A_71 : vector<16xf32>
        tpu.vector_store_idx %arg8[%add3A_68, %broadcast_in_dim3A_488], %mul3A_490 : memref<128x128xf32, #tpu.memory_space<vmem>>[vector<16xi32>, vector<16xi32>], vector<16xf32>,
        %broadcast_in_dim3A_491 = arith.constant 105 : i32
        %broadcast_in_dim3A_492 = vector.broadcast %broadcast_in_dim3A_491 : i32 to vector<16xi32>
        %gather3A_493 = tpu.vector_load_idx %arg8[%add3A_68, %broadcast_in_dim3A_492] : memref<128x128xf32, #tpu.memory_space<vmem>>[vector<16xi32>, vector<16xi32>], vector<16xf32>,
        %mul3A_494 = arith.mulf %gather3A_493, %get3A_71 : vector<16xf32>
        tpu.vector_store_idx %arg8[%add3A_68, %broadcast_in_dim3A_492], %mul3A_494 : memref<128x128xf32, #tpu.memory_space<vmem>>[vector<16xi32>, vector<16xi32>], vector<16xf32>,
        %broadcast_in_dim3A_495 = arith.constant 106 : i32
        %broadcast_in_dim3A_496 = vector.broadcast %broadcast_in_dim3A_495 : i32 to vector<16xi32>
        %gather3A_497 = tpu.vector_load_idx %arg8[%add3A_68, %broadcast_in_dim3A_496] : memref<128x128xf32, #tpu.memory_space<vmem>>[vector<16xi32>, vector<16xi32>], vector<16xf32>,
        %mul3A_498 = arith.mulf %gather3A_497, %get3A_71 : vector<16xf32>
        tpu.vector_store_idx %arg8[%add3A_68, %broadcast_in_dim3A_496], %mul3A_498 : memref<128x128xf32, #tpu.memory_space<vmem>>[vector<16xi32>, vector<16xi32>], vector<16xf32>,
        %broadcast_in_dim3A_499 = arith.constant 107 : i32
        %broadcast_in_dim3A_500 = vector.broadcast %broadcast_in_dim3A_499 : i32 to vector<16xi32>
        %gather3A_501 = tpu.vector_load_idx %arg8[%add3A_68, %broadcast_in_dim3A_500] : memref<128x128xf32, #tpu.memory_space<vmem>>[vector<16xi32>, vector<16xi32>], vector<16xf32>,
        %mul3A_502 = arith.mulf %gather3A_501, %get3A_71 : vector<16xf32>
        tpu.vector_store_idx %arg8[%add3A_68, %broadcast_in_dim3A_500], %mul3A_502 : memref<128x128xf32, #tpu.memory_space<vmem>>[vector<16xi32>, vector<16xi32>], vector<16xf32>,
        %broadcast_in_dim3A_503 = arith.constant 108 : i32
        %broadcast_in_dim3A_504 = vector.broadcast %broadcast_in_dim3A_503 : i32 to vector<16xi32>
        %gather3A_505 = tpu.vector_load_idx %arg8[%add3A_68, %broadcast_in_dim3A_504] : memref<128x128xf32, #tpu.memory_space<vmem>>[vector<16xi32>, vector<16xi32>], vector<16xf32>,
        %mul3A_506 = arith.mulf %gather3A_505, %get3A_71 : vector<16xf32>
        tpu.vector_store_idx %arg8[%add3A_68, %broadcast_in_dim3A_504], %mul3A_506 : memref<128x128xf32, #tpu.memory_space<vmem>>[vector<16xi32>, vector<16xi32>], vector<16xf32>,
        %broadcast_in_dim3A_507 = arith.constant 109 : i32
        %broadcast_in_dim3A_508 = vector.broadcast %broadcast_in_dim3A_507 : i32 to vector<16xi32>
        %gather3A_509 = tpu.vector_load_idx %arg8[%add3A_68, %broadcast_in_dim3A_508] : memref<128x128xf32, #tpu.memory_space<vmem>>[vector<16xi32>, vector<16xi32>], vector<16xf32>,
        %mul3A_510 = arith.mulf %gather3A_509, %get3A_71 : vector<16xf32>
        tpu.vector_store_idx %arg8[%add3A_68, %broadcast_in_dim3A_508], %mul3A_510 : memref<128x128xf32, #tpu.memory_space<vmem>>[vector<16xi32>, vector<16xi32>], vector<16xf32>,
        %broadcast_in_dim3A_511 = arith.constant 110 : i32
        %broadcast_in_dim3A_512 = vector.broadcast %broadcast_in_dim3A_511 : i32 to vector<16xi32>
        %gather3A_513 = tpu.vector_load_idx %arg8[%add3A_68, %broadcast_in_dim3A_512] : memref<128x128xf32, #tpu.memory_space<vmem>>[vector<16xi32>, vector<16xi32>], vector<16xf32>,
        %mul3A_514 = arith.mulf %gather3A_513, %get3A_71 : vector<16xf32>
        tpu.vector_store_idx %arg8[%add3A_68, %broadcast_in_dim3A_512], %mul3A_514 : memref<128x128xf32, #tpu.memory_space<vmem>>[vector<16xi32>, vector<16xi32>], vector<16xf32>,
        %broadcast_in_dim3A_515 = arith.constant 111 : i32
        %broadcast_in_dim3A_516 = vector.broadcast %broadcast_in_dim3A_515 : i32 to vector<16xi32>
        %gather3A_517 = tpu.vector_load_idx %arg8[%add3A_68, %broadcast_in_dim3A_516] : memref<128x128xf32, #tpu.memory_space<vmem>>[vector<16xi32>, vector<16xi32>], vector<16xf32>,
        %mul3A_518 = arith.mulf %gather3A_517, %get3A_71 : vector<16xf32>
        tpu.vector_store_idx %arg8[%add3A_68, %broadcast_in_dim3A_516], %mul3A_518 : memref<128x128xf32, #tpu.memory_space<vmem>>[vector<16xi32>, vector<16xi32>], vector<16xf32>,
        %broadcast_in_dim3A_519 = arith.constant 112 : i32
        %broadcast_in_dim3A_520 = vector.broadcast %broadcast_in_dim3A_519 : i32 to vector<16xi32>
        %gather3A_521 = tpu.vector_load_idx %arg8[%add3A_68, %broadcast_in_dim3A_520] : memref<128x128xf32, #tpu.memory_space<vmem>>[vector<16xi32>, vector<16xi32>], vector<16xf32>,
        %mul3A_522 = arith.mulf %gather3A_521, %get3A_71 : vector<16xf32>
        tpu.vector_store_idx %arg8[%add3A_68, %broadcast_in_dim3A_520], %mul3A_522 : memref<128x128xf32, #tpu.memory_space<vmem>>[vector<16xi32>, vector<16xi32>], vector<16xf32>,
        %broadcast_in_dim3A_523 = arith.constant 113 : i32
        %broadcast_in_dim3A_524 = vector.broadcast %broadcast_in_dim3A_523 : i32 to vector<16xi32>
        %gather3A_525 = tpu.vector_load_idx %arg8[%add3A_68, %broadcast_in_dim3A_524] : memref<128x128xf32, #tpu.memory_space<vmem>>[vector<16xi32>, vector<16xi32>], vector<16xf32>,
        %mul3A_526 = arith.mulf %gather3A_525, %get3A_71 : vector<16xf32>
        tpu.vector_store_idx %arg8[%add3A_68, %broadcast_in_dim3A_524], %mul3A_526 : memref<128x128xf32, #tpu.memory_space<vmem>>[vector<16xi32>, vector<16xi32>], vector<16xf32>,
        %broadcast_in_dim3A_527 = arith.constant 114 : i32
        %broadcast_in_dim3A_528 = vector.broadcast %broadcast_in_dim3A_527 : i32 to vector<16xi32>
        %gather3A_529 = tpu.vector_load_idx %arg8[%add3A_68, %broadcast_in_dim3A_528] : memref<128x128xf32, #tpu.memory_space<vmem>>[vector<16xi32>, vector<16xi32>], vector<16xf32>,
        %mul3A_530 = arith.mulf %gather3A_529, %get3A_71 : vector<16xf32>
        tpu.vector_store_idx %arg8[%add3A_68, %broadcast_in_dim3A_528], %mul3A_530 : memref<128x128xf32, #tpu.memory_space<vmem>>[vector<16xi32>, vector<16xi32>], vector<16xf32>,
        %broadcast_in_dim3A_531 = arith.constant 115 : i32
        %broadcast_in_dim3A_532 = vector.broadcast %broadcast_in_dim3A_531 : i32 to vector<16xi32>
        %gather3A_533 = tpu.vector_load_idx %arg8[%add3A_68, %broadcast_in_dim3A_532] : memref<128x128xf32, #tpu.memory_space<vmem>>[vector<16xi32>, vector<16xi32>], vector<16xf32>,
        %mul3A_534 = arith.mulf %gather3A_533, %get3A_71 : vector<16xf32>
        tpu.vector_store_idx %arg8[%add3A_68, %broadcast_in_dim3A_532], %mul3A_534 : memref<128x128xf32, #tpu.memory_space<vmem>>[vector<16xi32>, vector<16xi32>], vector<16xf32>,
        %broadcast_in_dim3A_535 = arith.constant 116 : i32
        %broadcast_in_dim3A_536 = vector.broadcast %broadcast_in_dim3A_535 : i32 to vector<16xi32>
        %gather3A_537 = tpu.vector_load_idx %arg8[%add3A_68, %broadcast_in_dim3A_536] : memref<128x128xf32, #tpu.memory_space<vmem>>[vector<16xi32>, vector<16xi32>], vector<16xf32>,
        %mul3A_538 = arith.mulf %gather3A_537, %get3A_71 : vector<16xf32>
        tpu.vector_store_idx %arg8[%add3A_68, %broadcast_in_dim3A_536], %mul3A_538 : memref<128x128xf32, #tpu.memory_space<vmem>>[vector<16xi32>, vector<16xi32>], vector<16xf32>,
        %broadcast_in_dim3A_539 = arith.constant 117 : i32
        %broadcast_in_dim3A_540 = vector.broadcast %broadcast_in_dim3A_539 : i32 to vector<16xi32>
        %gather3A_541 = tpu.vector_load_idx %arg8[%add3A_68, %broadcast_in_dim3A_540] : memref<128x128xf32, #tpu.memory_space<vmem>>[vector<16xi32>, vector<16xi32>], vector<16xf32>,
        %mul3A_542 = arith.mulf %gather3A_541, %get3A_71 : vector<16xf32>
        tpu.vector_store_idx %arg8[%add3A_68, %broadcast_in_dim3A_540], %mul3A_542 : memref<128x128xf32, #tpu.memory_space<vmem>>[vector<16xi32>, vector<16xi32>], vector<16xf32>,
        %broadcast_in_dim3A_543 = arith.constant 118 : i32
        %broadcast_in_dim3A_544 = vector.broadcast %broadcast_in_dim3A_543 : i32 to vector<16xi32>
        %gather3A_545 = tpu.vector_load_idx %arg8[%add3A_68, %broadcast_in_dim3A_544] : memref<128x128xf32, #tpu.memory_space<vmem>>[vector<16xi32>, vector<16xi32>], vector<16xf32>,
        %mul3A_546 = arith.mulf %gather3A_545, %get3A_71 : vector<16xf32>
        tpu.vector_store_idx %arg8[%add3A_68, %broadcast_in_dim3A_544], %mul3A_546 : memref<128x128xf32, #tpu.memory_space<vmem>>[vector<16xi32>, vector<16xi32>], vector<16xf32>,
        %broadcast_in_dim3A_547 = arith.constant 119 : i32
        %broadcast_in_dim3A_548 = vector.broadcast %broadcast_in_dim3A_547 : i32 to vector<16xi32>
        %gather3A_549 = tpu.vector_load_idx %arg8[%add3A_68, %broadcast_in_dim3A_548] : memref<128x128xf32, #tpu.memory_space<vmem>>[vector<16xi32>, vector<16xi32>], vector<16xf32>,
        %mul3A_550 = arith.mulf %gather3A_549, %get3A_71 : vector<16xf32>
        tpu.vector_store_idx %arg8[%add3A_68, %broadcast_in_dim3A_548], %mul3A_550 : memref<128x128xf32, #tpu.memory_space<vmem>>[vector<16xi32>, vector<16xi32>], vector<16xf32>,
        %broadcast_in_dim3A_551 = arith.constant 120 : i32
        %broadcast_in_dim3A_552 = vector.broadcast %broadcast_in_dim3A_551 : i32 to vector<16xi32>
        %gather3A_553 = tpu.vector_load_idx %arg8[%add3A_68, %broadcast_in_dim3A_552] : memref<128x128xf32, #tpu.memory_space<vmem>>[vector<16xi32>, vector<16xi32>], vector<16xf32>,
        %mul3A_554 = arith.mulf %gather3A_553, %get3A_71 : vector<16xf32>
        tpu.vector_store_idx %arg8[%add3A_68, %broadcast_in_dim3A_552], %mul3A_554 : memref<128x128xf32, #tpu.memory_space<vmem>>[vector<16xi32>, vector<16xi32>], vector<16xf32>,
        %broadcast_in_dim3A_555 = arith.constant 121 : i32
        %broadcast_in_dim3A_556 = vector.broadcast %broadcast_in_dim3A_555 : i32 to vector<16xi32>
        %gather3A_557 = tpu.vector_load_idx %arg8[%add3A_68, %broadcast_in_dim3A_556] : memref<128x128xf32, #tpu.memory_space<vmem>>[vector<16xi32>, vector<16xi32>], vector<16xf32>,
        %mul3A_558 = arith.mulf %gather3A_557, %get3A_71 : vector<16xf32>
        tpu.vector_store_idx %arg8[%add3A_68, %broadcast_in_dim3A_556], %mul3A_558 : memref<128x128xf32, #tpu.memory_space<vmem>>[vector<16xi32>, vector<16xi32>], vector<16xf32>,
        %broadcast_in_dim3A_559 = arith.constant 122 : i32
        %broadcast_in_dim3A_560 = vector.broadcast %broadcast_in_dim3A_559 : i32 to vector<16xi32>
        %gather3A_561 = tpu.vector_load_idx %arg8[%add3A_68, %broadcast_in_dim3A_560] : memref<128x128xf32, #tpu.memory_space<vmem>>[vector<16xi32>, vector<16xi32>], vector<16xf32>,
        %mul3A_562 = arith.mulf %gather3A_561, %get3A_71 : vector<16xf32>
        tpu.vector_store_idx %arg8[%add3A_68, %broadcast_in_dim3A_560], %mul3A_562 : memref<128x128xf32, #tpu.memory_space<vmem>>[vector<16xi32>, vector<16xi32>], vector<16xf32>,
        %broadcast_in_dim3A_563 = arith.constant 123 : i32
        %broadcast_in_dim3A_564 = vector.broadcast %broadcast_in_dim3A_563 : i32 to vector<16xi32>
        %gather3A_565 = tpu.vector_load_idx %arg8[%add3A_68, %broadcast_in_dim3A_564] : memref<128x128xf32, #tpu.memory_space<vmem>>[vector<16xi32>, vector<16xi32>], vector<16xf32>,
        %mul3A_566 = arith.mulf %gather3A_565, %get3A_71 : vector<16xf32>
        tpu.vector_store_idx %arg8[%add3A_68, %broadcast_in_dim3A_564], %mul3A_566 : memref<128x128xf32, #tpu.memory_space<vmem>>[vector<16xi32>, vector<16xi32>], vector<16xf32>,
        %broadcast_in_dim3A_567 = arith.constant 124 : i32
        %broadcast_in_dim3A_568 = vector.broadcast %broadcast_in_dim3A_567 : i32 to vector<16xi32>
        %gather3A_569 = tpu.vector_load_idx %arg8[%add3A_68, %broadcast_in_dim3A_568] : memref<128x128xf32, #tpu.memory_space<vmem>>[vector<16xi32>, vector<16xi32>], vector<16xf32>,
        %mul3A_570 = arith.mulf %gather3A_569, %get3A_71 : vector<16xf32>
        tpu.vector_store_idx %arg8[%add3A_68, %broadcast_in_dim3A_568], %mul3A_570 : memref<128x128xf32, #tpu.memory_space<vmem>>[vector<16xi32>, vector<16xi32>], vector<16xf32>,
        %broadcast_in_dim3A_571 = arith.constant 125 : i32
        %broadcast_in_dim3A_572 = vector.broadcast %broadcast_in_dim3A_571 : i32 to vector<16xi32>
        %gather3A_573 = tpu.vector_load_idx %arg8[%add3A_68, %broadcast_in_dim3A_572] : memref<128x128xf32, #tpu.memory_space<vmem>>[vector<16xi32>, vector<16xi32>], vector<16xf32>,
        %mul3A_574 = arith.mulf %gather3A_573, %get3A_71 : vector<16xf32>
        tpu.vector_store_idx %arg8[%add3A_68, %broadcast_in_dim3A_572], %mul3A_574 : memref<128x128xf32, #tpu.memory_space<vmem>>[vector<16xi32>, vector<16xi32>], vector<16xf32>,
        %broadcast_in_dim3A_575 = arith.constant 126 : i32
        %broadcast_in_dim3A_576 = vector.broadcast %broadcast_in_dim3A_575 : i32 to vector<16xi32>
        %gather3A_577 = tpu.vector_load_idx %arg8[%add3A_68, %broadcast_in_dim3A_576] : memref<128x128xf32, #tpu.memory_space<vmem>>[vector<16xi32>, vector<16xi32>], vector<16xf32>,
        %mul3A_578 = arith.mulf %gather3A_577, %get3A_71 : vector<16xf32>
        tpu.vector_store_idx %arg8[%add3A_68, %broadcast_in_dim3A_576], %mul3A_578 : memref<128x128xf32, #tpu.memory_space<vmem>>[vector<16xi32>, vector<16xi32>], vector<16xf32>,
        %broadcast_in_dim3A_579 = arith.constant 127 : i32
        %broadcast_in_dim3A_580 = vector.broadcast %broadcast_in_dim3A_579 : i32 to vector<16xi32>
        %gather3A_581 = tpu.vector_load_idx %arg8[%add3A_68, %broadcast_in_dim3A_580] : memref<128x128xf32, #tpu.memory_space<vmem>>[vector<16xi32>, vector<16xi32>], vector<16xf32>,
        %mul3A_582 = arith.mulf %gather3A_581, %get3A_71 : vector<16xf32>
        tpu.vector_store_idx %arg8[%add3A_68, %broadcast_in_dim3A_580], %mul3A_582 : memref<128x128xf32, #tpu.memory_space<vmem>>[vector<16xi32>, vector<16xi32>], vector<16xf32>,
        %scan3A_583 = arith.constant 0 : i32
        scf.yield %scan3A_583 : i32
      }
      %scan3A_61 = arith.constant 8 : i32
      "tpu.region"() ({
        %run_scoped3A = tpu.sem_alloc : memref<!tpu.dma_semaphore, #tpu.memory_space<semaphore_mem>>
        %dma_start3A_63 = arith.constant 0 : i32
        %dma_start3A_64 = arith.constant 0 : i32
        %dma_start3A_65 = tpu.memref_slice %arg14[%dma_start3A_63, %dma_start3A_64] : memref<10240x128xf32, #tpu.memory_space<vmem_shared>> -> memref<10240x128xf32, #tpu.memory_space<vmem_shared>>
        tpu.enqueue_indirect_dma source(%arg8 : memref<128x128xf32, #tpu.memory_space<vmem>>) target(%dma_start3A_65 : memref<10240x128xf32, #tpu.memory_space<vmem_shared>>) offsets(%arg10 : memref<128xi32, #tpu.memory_space<vmem>>) semaphore(%run_scoped3A : memref<!tpu.dma_semaphore, #tpu.memory_space<semaphore_mem>>) {add = true}
        %dma_wait3A_66 = arith.constant 0 : i32
        %dma_wait3A_67 = arith.constant 0 : i32
        %dma_wait3A_68 = tpu.memref_slice %arg14[%dma_wait3A_66, %dma_wait3A_67] : memref<10240x128xf32, #tpu.memory_space<vmem_shared>> -> memref<10240x128xf32, #tpu.memory_space<vmem_shared>>
        tpu.wait_indirect_dma semaphore(%run_scoped3A : memref<!tpu.dma_semaphore, #tpu.memory_space<semaphore_mem>>) src(%arg8 : memref<128x128xf32, #tpu.memory_space<vmem>>) dst(%dma_wait3A_68 : memref<10240x128xf32, #tpu.memory_space<vmem_shared>>)
        tpu.yield
      }) : () -> ()
      %scan3A_62 = arith.constant 0 : i32
      scf.yield %scan3A_62 : i32
    }
    %scan3A_40 = arith.constant 80 : i32
    %barrier3A_41 = arith.constant 0 : index
    tpu.barrier barrier_id(%barrier3A_41)
    %mul3A_42 = arith.constant 640 : i32
    %mul3A_43 = arith.muli %arg1, %mul3A_42 : i32
    %mul3A_44 = arith.constant 640 : i32
    %mul3A_45 = arith.muli %arg1, %mul3A_44 : i32
    "tpu.region"() ({
      %run_scoped3A = tpu.sem_alloc : memref<!tpu.dma_semaphore, #tpu.memory_space<semaphore_mem>>
      %dma_start3A = arith.constant 0 : i32
      %dma_start3A_46 = tpu.memref_slice %arg7[%arg0, %mul3A_45, %dma_start3A] : memref<2x10240x128xf32, #tpu.memory_space<hbm>> -> memref<1x640x128xf32, #tpu.memory_space<hbm>>
      %dma_start3A_47 = tpu.memref_squeeze %dma_start3A_46 : memref<1x640x128xf32, #tpu.memory_space<hbm>> -> memref<640x128xf32, #tpu.memory_space<hbm>>
      %dma_start3A_48 = arith.constant 0 : i32
      %dma_start3A_49 = tpu.memref_slice %arg14[%mul3A_43, %dma_start3A_48] : memref<10240x128xf32, #tpu.memory_space<vmem_shared>> -> memref<640x128xf32, #tpu.memory_space<vmem_shared>>
      tpu.enqueue_dma source(%dma_start3A_49 : memref<640x128xf32, #tpu.memory_space<vmem_shared>>) target(%dma_start3A_47 : memref<640x128xf32, #tpu.memory_space<hbm>>) target_semaphore(%run_scoped3A : memref<!tpu.dma_semaphore, #tpu.memory_space<semaphore_mem>>)
      %dma_wait3A = arith.constant 0 : i32
      %dma_wait3A_50 = tpu.memref_slice %arg7[%arg0, %mul3A_45, %dma_wait3A] : memref<2x10240x128xf32, #tpu.memory_space<hbm>> -> memref<1x640x128xf32, #tpu.memory_space<hbm>>
      %dma_wait3A_51 = tpu.memref_squeeze %dma_wait3A_50 : memref<1x640x128xf32, #tpu.memory_space<hbm>> -> memref<640x128xf32, #tpu.memory_space<hbm>>
      %dma_wait3A_52 = arith.constant 0 : i32
      %dma_wait3A_53 = tpu.memref_slice %arg14[%mul3A_43, %dma_wait3A_52] : memref<10240x128xf32, #tpu.memory_space<vmem_shared>> -> memref<640x128xf32, #tpu.memory_space<vmem_shared>>
      tpu.wait_dma2 semaphore(%run_scoped3A : memref<!tpu.dma_semaphore, #tpu.memory_space<semaphore_mem>>) src(%dma_wait3A_53 : memref<640x128xf32, #tpu.memory_space<vmem_shared>>) dst(%dma_wait3A_51 : memref<640x128xf32, #tpu.memory_space<hbm>>)
      tpu.yield
    }) : () -> ()
    return
  }
}

module attributes {stable_mosaic.version = 14 : i64} {
  func.func @_p0_body(%arg0: i32, %arg1: memref<128x128xi32, #tpu.memory_space<vmem>>, %arg2: memref<128x128xi32, #tpu.memory_space<vmem>>, %arg3: memref<128x128xi32, #tpu.memory_space<vmem>>, %arg4: memref<128x128xi32, #tpu.memory_space<vmem>>, %arg5: memref<128x128xi32, #tpu.memory_space<vmem>>) attributes {dimension_semantics = [#tpu.dimension_semantics<arbitrary>], iteration_bounds = array<i64: 20>, scalar_prefetch = 0 : i64, scratch_operands = 0 : i64, tpu.core_type = #tpu.core_type<tc>, window_params = [{transform_indices = @transform_0, window_bounds = array<i64: 128, 128>}, {transform_indices = @transform_1, window_bounds = array<i64: 128, 128>}, {transform_indices = @transform_2, window_bounds = array<i64: 128, 128>}, {transform_indices = @transform_3, window_bounds = array<i64: 128, 128>}, {transform_indices = @transform_4, window_bounds = array<i64: 128, 128>}]} {
    %mul3A = arith.constant 128 : i32
    %mul3A_0 = arith.muli %arg0, %mul3A : i32
    %iota3A = tpu.iota {dimensions = array<i32: 0>} : vector<128x128xi32>
    %add3A = vector.broadcast %mul3A_0 : i32 to vector<128x128xi32>
    %add3A_1 = arith.addi %add3A, %iota3A : vector<128x128xi32>
    %lt3A = arith.constant 2500 : i32
    %lt3A_2 = vector.broadcast %lt3A : i32 to vector<128x128xi32>
    %lt3A_3 = arith.cmpi slt, %add3A_1, %lt3A_2 : vector<128x128xi32>
    %get3A = arith.constant 0 : index
    %get3A_4 = arith.constant 0 : index
    %get3A_5 = vector.load %arg1[%get3A, %get3A_4] : memref<128x128xi32, #tpu.memory_space<vmem>>, vector<128x128xi32>
    %get3A_6 = arith.constant 0 : index
    %get3A_7 = arith.constant 0 : index
    %get3A_8 = vector.load %arg2[%get3A_6, %get3A_7] : memref<128x128xi32, #tpu.memory_space<vmem>>, vector<128x128xi32>
    %get3A_9 = arith.constant 0 : index
    %get3A_10 = arith.constant 0 : index
    %get3A_11 = vector.load %arg3[%get3A_9, %get3A_10] : memref<128x128xi32, #tpu.memory_space<vmem>>, vector<128x128xi32>
    %mul3A_12 = arith.constant 9 : i32
    %mul3A_13 = vector.broadcast %mul3A_12 : i32 to vector<128x128xi32>
    %mul3A_14 = arith.muli %get3A_5, %mul3A_13 : vector<128x128xi32>
    %add3A_15 = arith.addi %mul3A_14, %get3A_11 : vector<128x128xi32>
    %add3A_16 = arith.constant 1 : i32
    %add3A_17 = vector.broadcast %add3A_16 : i32 to vector<128x128xi32>
    %add3A_18 = arith.addi %add3A_15, %add3A_17 : vector<128x128xi32>
    %jit3A = arith.constant 0 : i32
    %broadcast_in_dim3A = vector.broadcast %jit3A : i32 to vector<128x128xi32>
    %select_n3A = arith.select %lt3A_3, %add3A_18, %broadcast_in_dim3A : vector<128x128xi1>, vector<128x128xi32>
    %swap3A = arith.constant 0 : index
    %swap3A_19 = arith.constant 0 : index
    %swap3A_20 = vector.load %arg4[%swap3A, %swap3A_19] : memref<128x128xi32, #tpu.memory_space<vmem>>, vector<128x128xi32>
    tpu.vector_store %arg4[%swap3A, %swap3A_19], %select_n3A {strides = array<i32>} : memref<128x128xi32, #tpu.memory_space<vmem>>, vector<128x128xi32>,
    %mul3A_21 = arith.constant 8 : i32
    %mul3A_22 = vector.broadcast %mul3A_21 : i32 to vector<128x128xi32>
    %mul3A_23 = arith.muli %get3A_8, %mul3A_22 : vector<128x128xi32>
    %add3A_24 = arith.addi %mul3A_23, %get3A_11 : vector<128x128xi32>
    %jit3A_25 = arith.constant 80000 : i32
    %broadcast_in_dim3A_26 = vector.broadcast %jit3A_25 : i32 to vector<128x128xi32>
    %select_n3A_27 = arith.select %lt3A_3, %add3A_24, %broadcast_in_dim3A_26 : vector<128x128xi1>, vector<128x128xi32>
    %swap3A_28 = arith.constant 0 : index
    %swap3A_29 = arith.constant 0 : index
    %swap3A_30 = vector.load %arg5[%swap3A_28, %swap3A_29] : memref<128x128xi32, #tpu.memory_space<vmem>>, vector<128x128xi32>
    tpu.vector_store %arg5[%swap3A_28, %swap3A_29], %select_n3A_27 {strides = array<i32>} : memref<128x128xi32, #tpu.memory_space<vmem>>, vector<128x128xi32>,
    return
  }
  func.func @transform_0(%arg0: i32) -> (i32, i32) {
    %c0_i32 = arith.constant 0 : i32
    %c0_i32_0 = arith.constant 0 : i32
    return %arg0, %c0_i32 : i32, i32
  }
  func.func @transform_1(%arg0: i32) -> (i32, i32) {
    %c0_i32 = arith.constant 0 : i32
    %c0_i32_0 = arith.constant 0 : i32
    return %arg0, %c0_i32 : i32, i32
  }
  func.func @transform_2(%arg0: i32) -> (i32, i32) {
    %c0_i32 = arith.constant 0 : i32
    %c0_i32_0 = arith.constant 0 : i32
    return %arg0, %c0_i32 : i32, i32
  }
  func.func @transform_3(%arg0: i32) -> (i32, i32) {
    %c0_i32 = arith.constant 0 : i32
    %c0_i32_0 = arith.constant 0 : i32
    return %arg0, %c0_i32 : i32, i32
  }
  func.func @transform_4(%arg0: i32) -> (i32, i32) {
    %c0_i32 = arith.constant 0 : i32
    %c0_i32_0 = arith.constant 0 : i32
    return %arg0, %c0_i32 : i32, i32
  }
}

module attributes {stable_mosaic.version = 14 : i64} {
  func.func @_mm_body(%arg0: i32, %arg1: memref<1000x128xf32, #tpu.memory_space<vmem>>, %arg2: memref<128x1152xf32, #tpu.memory_space<vmem>>, %arg3: memref<1000x1152xf32, #tpu.memory_space<vmem>>) attributes {dimension_semantics = [#tpu.dimension_semantics<arbitrary>], iteration_bounds = array<i64: 10>, scalar_prefetch = 0 : i64, scratch_operands = 0 : i64, tpu.core_type = #tpu.core_type<tc>, window_params = [{transform_indices = @transform_0, window_bounds = array<i64: 1000, 128>}, {pipeline_mode = #tpu.pipeline_mode<synchronous>, transform_indices = @transform_1, window_bounds = array<i64: 128, 1152>}, {transform_indices = @transform_2, window_bounds = array<i64: 1000, 1152>}]} {
    %get3A = arith.constant 0 : index
    %get3A_0 = arith.constant 0 : index
    %get3A_1 = vector.load %arg1[%get3A, %get3A_0] : memref<1000x128xf32, #tpu.memory_space<vmem>>, vector<1000x128xf32>
    %get3A_2 = arith.constant 0 : index
    %get3A_3 = arith.constant 0 : index
    %get3A_4 = vector.load %arg2[%get3A_2, %get3A_3] : memref<128x1152xf32, #tpu.memory_space<vmem>>, vector<128x1152xf32>
    %dot_general3A = arith.constant dense<0.000000e+00> : vector<1000x1152xf32>
    %dot_general3A_5 = tpu.matmul %get3A_1, %get3A_4, %dot_general3A {dimension_numbers = #tpu.dot_dimension_numbers<[1], [0], [0], [1], [0, 0, 1, 1], [], []>, transpose_lhs_hint = false} : vector<1000x128xf32>, vector<128x1152xf32>, vector<1000x1152xf32> -> vector<1000x1152xf32>
    %swap3A = arith.constant 0 : index
    %swap3A_6 = arith.constant 0 : index
    %swap3A_7 = vector.load %arg3[%swap3A, %swap3A_6] : memref<1000x1152xf32, #tpu.memory_space<vmem>>, vector<1000x1152xf32>
    tpu.vector_store %arg3[%swap3A, %swap3A_6], %dot_general3A_5 {strides = array<i32>} : memref<1000x1152xf32, #tpu.memory_space<vmem>>, vector<1000x1152xf32>,
    return
  }
  func.func @transform_0(%arg0: i32) -> (i32, i32) {
    %c0_i32 = arith.constant 0 : i32
    %c0_i32_0 = arith.constant 0 : i32
    return %arg0, %c0_i32 : i32, i32
  }
  func.func @transform_1(%arg0: i32) -> (i32, i32) {
    %c0_i32 = arith.constant 0 : i32
    %c0_i32_0 = arith.constant 0 : i32
    %c0_i32_1 = arith.constant 0 : i32
    return %c0_i32, %c0_i32_0 : i32, i32
  }
  func.func @transform_2(%arg0: i32) -> (i32, i32) {
    %c0_i32 = arith.constant 0 : i32
    %c0_i32_0 = arith.constant 0 : i32
    return %arg0, %c0_i32 : i32, i32
  }
}

module attributes {stable_mosaic.version = 14 : i64} {
  func.func @_combine1_body(%arg0: i32, %arg1: memref<1000x128xf32, #tpu.memory_space<vmem>>, %arg2: memref<1000x128xf32, #tpu.memory_space<vmem>>, %arg3: memref<1000x128xf32, #tpu.memory_space<vmem>>, %arg4: memref<1x128xf32, #tpu.memory_space<vmem>>, %arg5: memref<1x128xf32, #tpu.memory_space<vmem>>, %arg6: memref<1x128xf32, #tpu.memory_space<vmem>>, %arg7: memref<1x128xf32, #tpu.memory_space<vmem>>, %arg8: memref<1x128xf32, #tpu.memory_space<vmem>>, %arg9: memref<128x1152xf32, #tpu.memory_space<vmem>>, %arg10: memref<1000x1152xf32, #tpu.memory_space<vmem>>) attributes {dimension_semantics = [#tpu.dimension_semantics<arbitrary>], iteration_bounds = array<i64: 10>, scalar_prefetch = 0 : i64, scratch_operands = 0 : i64, tpu.core_type = #tpu.core_type<tc>, window_params = [{transform_indices = @transform_0, window_bounds = array<i64: 1000, 128>}, {transform_indices = @transform_1, window_bounds = array<i64: 1000, 128>}, {transform_indices = @transform_2, window_bounds = array<i64: 1000, 128>}, {pipeline_mode = #tpu.pipeline_mode<synchronous>, transform_indices = @transform_3, window_bounds = array<i64: 1, 128>}, {pipeline_mode = #tpu.pipeline_mode<synchronous>, transform_indices = @transform_4, window_bounds = array<i64: 1, 128>}, {pipeline_mode = #tpu.pipeline_mode<synchronous>, transform_indices = @transform_5, window_bounds = array<i64: 1, 128>}, {pipeline_mode = #tpu.pipeline_mode<synchronous>, transform_indices = @transform_6, window_bounds = array<i64: 1, 128>}, {pipeline_mode = #tpu.pipeline_mode<synchronous>, transform_indices = @transform_7, window_bounds = array<i64: 1, 128>}, {pipeline_mode = #tpu.pipeline_mode<synchronous>, transform_indices = @transform_8, window_bounds = array<i64: 128, 1152>}, {transform_indices = @transform_9, window_bounds = array<i64: 1000, 1152>}]} {
    %get3A = arith.constant 0 : index
    %get3A_0 = arith.constant 0 : index
    %get3A_1 = vector.load %arg1[%get3A, %get3A_0] : memref<1000x128xf32, #tpu.memory_space<vmem>>, vector<1000x128xf32>
    %get3A_2 = arith.constant 0 : index
    %get3A_3 = arith.constant 0 : index
    %get3A_4 = vector.load %arg2[%get3A_2, %get3A_3] : memref<1000x128xf32, #tpu.memory_space<vmem>>, vector<1000x128xf32>
    %add3A = arith.addf %get3A_1, %get3A_4 : vector<1000x128xf32>
    %get3A_5 = arith.constant 0 : index
    %get3A_6 = arith.constant 0 : index
    %get3A_7 = vector.load %arg3[%get3A_5, %get3A_6] : memref<1000x128xf32, #tpu.memory_space<vmem>>, vector<1000x128xf32>
    %add3A_8 = arith.addf %add3A, %get3A_7 : vector<1000x128xf32>
    %get3A_9 = arith.constant 0 : index
    %get3A_10 = arith.constant 0 : index
    %get3A_11 = vector.load %arg4[%get3A_9, %get3A_10] : memref<1x128xf32, #tpu.memory_space<vmem>>, vector<1x128xf32>
    %add3A_12 = vector.broadcast %get3A_11 : vector<1x128xf32> to vector<1000x128xf32>
    %add3A_13 = arith.addf %add3A_8, %add3A_12 : vector<1000x128xf32>
    %get3A_14 = arith.constant 0 : index
    %get3A_15 = arith.constant 0 : index
    %get3A_16 = vector.load %arg8[%get3A_14, %get3A_15] : memref<1x128xf32, #tpu.memory_space<vmem>>, vector<1x128xf32>
    %add3A_17 = arith.constant 9.99999974E-6 : f32
    %add3A_18 = vector.broadcast %add3A_17 : f32 to vector<1x128xf32>
    %add3A_19 = arith.addf %get3A_16, %add3A_18 : vector<1x128xf32>
    %rsqrt3A = math.rsqrt %add3A_19 : vector<1x128xf32>
    %get3A_20 = arith.constant 0 : index
    %get3A_21 = arith.constant 0 : index
    %get3A_22 = vector.load %arg7[%get3A_20, %get3A_21] : memref<1x128xf32, #tpu.memory_space<vmem>>, vector<1x128xf32>
    %sub3A = vector.broadcast %get3A_22 : vector<1x128xf32> to vector<1000x128xf32>
    %sub3A_23 = arith.subf %add3A_13, %sub3A : vector<1000x128xf32>
    %get3A_24 = arith.constant 0 : index
    %get3A_25 = arith.constant 0 : index
    %get3A_26 = vector.load %arg5[%get3A_24, %get3A_25] : memref<1x128xf32, #tpu.memory_space<vmem>>, vector<1x128xf32>
    %mul3A = arith.mulf %get3A_26, %rsqrt3A : vector<1x128xf32>
    %mul3A_27 = vector.broadcast %mul3A : vector<1x128xf32> to vector<1000x128xf32>
    %mul3A_28 = arith.mulf %sub3A_23, %mul3A_27 : vector<1000x128xf32>
    %get3A_29 = arith.constant 0 : index
    %get3A_30 = arith.constant 0 : index
    %get3A_31 = vector.load %arg6[%get3A_29, %get3A_30] : memref<1x128xf32, #tpu.memory_space<vmem>>, vector<1x128xf32>
    %add3A_32 = vector.broadcast %get3A_31 : vector<1x128xf32> to vector<1000x128xf32>
    %add3A_33 = arith.addf %mul3A_28, %add3A_32 : vector<1000x128xf32>
    %max3A = arith.constant 0.000000e+00 : f32
    %max3A_34 = vector.broadcast %max3A : f32 to vector<1000x128xf32>
    %max3A_35 = arith.maximumf %add3A_33, %max3A_34 : vector<1000x128xf32>
    %get3A_36 = arith.constant 0 : index
    %get3A_37 = arith.constant 0 : index
    %get3A_38 = vector.load %arg9[%get3A_36, %get3A_37] : memref<128x1152xf32, #tpu.memory_space<vmem>>, vector<128x1152xf32>
    %dot_general3A = arith.constant dense<0.000000e+00> : vector<1000x1152xf32>
    %dot_general3A_39 = tpu.matmul %max3A_35, %get3A_38, %dot_general3A {dimension_numbers = #tpu.dot_dimension_numbers<[1], [0], [0], [1], [0, 0, 1, 1], [], []>, transpose_lhs_hint = false} : vector<1000x128xf32>, vector<128x1152xf32>, vector<1000x1152xf32> -> vector<1000x1152xf32>
    %swap3A = arith.constant 0 : index
    %swap3A_40 = arith.constant 0 : index
    %swap3A_41 = vector.load %arg10[%swap3A, %swap3A_40] : memref<1000x1152xf32, #tpu.memory_space<vmem>>, vector<1000x1152xf32>
    tpu.vector_store %arg10[%swap3A, %swap3A_40], %dot_general3A_39 {strides = array<i32>} : memref<1000x1152xf32, #tpu.memory_space<vmem>>, vector<1000x1152xf32>,
    return
  }
  func.func @transform_0(%arg0: i32) -> (i32, i32) {
    %c0_i32 = arith.constant 0 : i32
    %c0_i32_0 = arith.constant 0 : i32
    return %arg0, %c0_i32 : i32, i32
  }
  func.func @transform_1(%arg0: i32) -> (i32, i32) {
    %c0_i32 = arith.constant 0 : i32
    %c0_i32_0 = arith.constant 0 : i32
    return %arg0, %c0_i32 : i32, i32
  }
  func.func @transform_2(%arg0: i32) -> (i32, i32) {
    %c0_i32 = arith.constant 0 : i32
    %c0_i32_0 = arith.constant 0 : i32
    return %arg0, %c0_i32 : i32, i32
  }
  func.func @transform_3(%arg0: i32) -> (i32, i32) {
    %c0_i32 = arith.constant 0 : i32
    %c0_i32_0 = arith.constant 0 : i32
    %c0_i32_1 = arith.constant 0 : i32
    return %c0_i32, %c0_i32_0 : i32, i32
  }
  func.func @transform_4(%arg0: i32) -> (i32, i32) {
    %c0_i32 = arith.constant 0 : i32
    %c0_i32_0 = arith.constant 0 : i32
    %c0_i32_1 = arith.constant 0 : i32
    return %c0_i32, %c0_i32_0 : i32, i32
  }
  func.func @transform_5(%arg0: i32) -> (i32, i32) {
    %c0_i32 = arith.constant 0 : i32
    %c0_i32_0 = arith.constant 0 : i32
    %c0_i32_1 = arith.constant 0 : i32
    return %c0_i32, %c0_i32_0 : i32, i32
  }
  func.func @transform_6(%arg0: i32) -> (i32, i32) {
    %c0_i32 = arith.constant 0 : i32
    %c0_i32_0 = arith.constant 0 : i32
    %c0_i32_1 = arith.constant 0 : i32
    return %c0_i32, %c0_i32_0 : i32, i32
  }
  func.func @transform_7(%arg0: i32) -> (i32, i32) {
    %c0_i32 = arith.constant 0 : i32
    %c0_i32_0 = arith.constant 0 : i32
    %c0_i32_1 = arith.constant 0 : i32
    return %c0_i32, %c0_i32_0 : i32, i32
  }
  func.func @transform_8(%arg0: i32) -> (i32, i32) {
    %c0_i32 = arith.constant 0 : i32
    %c0_i32_0 = arith.constant 0 : i32
    %c0_i32_1 = arith.constant 0 : i32
    return %c0_i32, %c0_i32_0 : i32, i32
  }
  func.func @transform_9(%arg0: i32) -> (i32, i32) {
    %c0_i32 = arith.constant 0 : i32
    %c0_i32_0 = arith.constant 0 : i32
    return %arg0, %c0_i32 : i32, i32
  }
}

module attributes {stable_mosaic.version = 14 : i64} {
  func.func @_combine2_body(%arg0: i32, %arg1: memref<1000x128xf32, #tpu.memory_space<vmem>>, %arg2: memref<1000x128xf32, #tpu.memory_space<vmem>>, %arg3: memref<1000x128xf32, #tpu.memory_space<vmem>>, %arg4: memref<1x128xf32, #tpu.memory_space<vmem>>, %arg5: memref<1000x128xf32, #tpu.memory_space<vmem>>) attributes {dimension_semantics = [#tpu.dimension_semantics<arbitrary>], iteration_bounds = array<i64: 10>, scalar_prefetch = 0 : i64, scratch_operands = 0 : i64, tpu.core_type = #tpu.core_type<tc>, window_params = [{transform_indices = @transform_0, window_bounds = array<i64: 1000, 128>}, {transform_indices = @transform_1, window_bounds = array<i64: 1000, 128>}, {transform_indices = @transform_2, window_bounds = array<i64: 1000, 128>}, {pipeline_mode = #tpu.pipeline_mode<synchronous>, transform_indices = @transform_3, window_bounds = array<i64: 1, 128>}, {transform_indices = @transform_4, window_bounds = array<i64: 1000, 128>}]} {
    %get3A = arith.constant 0 : index
    %get3A_0 = arith.constant 0 : index
    %get3A_1 = vector.load %arg1[%get3A, %get3A_0] : memref<1000x128xf32, #tpu.memory_space<vmem>>, vector<1000x128xf32>
    %get3A_2 = arith.constant 0 : index
    %get3A_3 = arith.constant 0 : index
    %get3A_4 = vector.load %arg2[%get3A_2, %get3A_3] : memref<1000x128xf32, #tpu.memory_space<vmem>>, vector<1000x128xf32>
    %add3A = arith.addf %get3A_1, %get3A_4 : vector<1000x128xf32>
    %get3A_5 = arith.constant 0 : index
    %get3A_6 = arith.constant 0 : index
    %get3A_7 = vector.load %arg3[%get3A_5, %get3A_6] : memref<1000x128xf32, #tpu.memory_space<vmem>>, vector<1000x128xf32>
    %add3A_8 = arith.addf %add3A, %get3A_7 : vector<1000x128xf32>
    %get3A_9 = arith.constant 0 : index
    %get3A_10 = arith.constant 0 : index
    %get3A_11 = vector.load %arg4[%get3A_9, %get3A_10] : memref<1x128xf32, #tpu.memory_space<vmem>>, vector<1x128xf32>
    %add3A_12 = vector.broadcast %get3A_11 : vector<1x128xf32> to vector<1000x128xf32>
    %add3A_13 = arith.addf %add3A_8, %add3A_12 : vector<1000x128xf32>
    %swap3A = arith.constant 0 : index
    %swap3A_14 = arith.constant 0 : index
    %swap3A_15 = vector.load %arg5[%swap3A, %swap3A_14] : memref<1000x128xf32, #tpu.memory_space<vmem>>, vector<1000x128xf32>
    tpu.vector_store %arg5[%swap3A, %swap3A_14], %add3A_13 {strides = array<i32>} : memref<1000x128xf32, #tpu.memory_space<vmem>>, vector<1000x128xf32>,
    return
  }
  func.func @transform_0(%arg0: i32) -> (i32, i32) {
    %c0_i32 = arith.constant 0 : i32
    %c0_i32_0 = arith.constant 0 : i32
    return %arg0, %c0_i32 : i32, i32
  }
  func.func @transform_1(%arg0: i32) -> (i32, i32) {
    %c0_i32 = arith.constant 0 : i32
    %c0_i32_0 = arith.constant 0 : i32
    return %arg0, %c0_i32 : i32, i32
  }
  func.func @transform_2(%arg0: i32) -> (i32, i32) {
    %c0_i32 = arith.constant 0 : i32
    %c0_i32_0 = arith.constant 0 : i32
    return %arg0, %c0_i32 : i32, i32
  }
  func.func @transform_3(%arg0: i32) -> (i32, i32) {
    %c0_i32 = arith.constant 0 : i32
    %c0_i32_0 = arith.constant 0 : i32
    %c0_i32_1 = arith.constant 0 : i32
    return %c0_i32, %c0_i32_0 : i32, i32
  }
  func.func @transform_4(%arg0: i32) -> (i32, i32) {
    %c0_i32 = arith.constant 0 : i32
    %c0_i32_0 = arith.constant 0 : i32
    return %arg0, %c0_i32 : i32, i32
  }
}

</mosaic_0001>

<sc_bundles>
// kernel: kernel.10.cloned.1.call-start
scs
__scs_entry_jumppad:
0x0: {  	(pc) =	sbr.rel $0x88, $3  }
0x1: {  	(tag) =	ssettag $0x0;
	lr =	simm.s32 $0x1  }
0x2: {  	[smem:$0x3F94] =	sst lr;
	_ =	strace $0xD0000000  }
0x3: {  	_ = 	snop  }
0x4: {  	_ = 	snop  }
0x5: {  	_ = 	snop  }
0x6: {  	_ = 	snop  }
0x7: {  	_ = 	snop  }
__scs_overlays_trampoline_lowered:
0x8: {  	[smem:$0x3FA3] =	sst s0  }
0x9: {  	[smem:$0x3FA4] =	sst s1  }
0xa: {  	[smem:$0x3FA5] =	sst s2  }
0xb: {  	[smem:$0x3FA6] =	sst s3  }
0xc: {  	[smem:$0x3FA7] =	sst s4  }
0xd: {  	[smem:$0x3FA8] =	sst s5  }
0xe: {  	[smem:$0x3FA9] =	sst s6  }
0xf: {  	[smem:$0x3FAA] =	sst s7  }
0x10: {  	[smem:$0x3FAB] =	sst s8  }
0x11: {  	[smem:$0x3FAC] =	sst s9;
	s0 =	simm.s32 @!p0 $0x0  }
0x12: {  	s1 =	sld [smem:$0x3F92];
	s0 =	simm.s32 @p0 $0x1  }
0x13: {  	[smem:$0x3FAD] =	sst s0;
	s0 =	simm.s32 @!p1 $0x0  }
0x14: {  	s2 =	sld [smem:$0x3F91];
	s0 =	simm.s32 @p1 $0x1  }
0x15: {  	[smem:$0x3FAE] =	sst s0;
	s0 =	simm.s32 @!p2 $0x0  }
0x16: {  	s3 =	sld [smem:$0x3FDB];
	s0 =	simm.s32 @p2 $0x1  }
0x17: {  	s4 =	simm.s32 $0x1BF5;
	[smem:$0x3FB0] =	sst s0  }
0x18: {  	s0 =	sld [smem:$0x3F93];
	_ =	swait.ge [sflag:s4], $0x0  }
0x19: {  	s7 =	sld [smem:$0x3F94]  }
0x1a: {  	s8 =	sadd.s32 $0xFFFFE003, lr  }
0x1b: {  	s9 =	sadd.s32 $0xFFFFFEF7, lr;
	s5 =	simm.s32 $0xFFFFFFFF;
	p2 =	slt.u32 s8, $0xFFFFF086  }
0x1c: {  	p1 =	slt.u32 s9, $0xF7A;
	s5 =	simm.s32 @!p2 $0x0  }
0x1d: {  	s5 =	simm.s32 @p1 $0x1;
	p0 =	seq.s32 s7, s2  }
0x1e: {  	s7 =	smul.u32 @!p0 $0xF7A, s2;
	p2 =	seq.s32 @!p0 s5, $0x0  }
0x1f: {  	s9 =	smul.u32 $0xF7A, s1;
	s8 =	simm.s32 @!p0 $0x1BF5;
	p2 =	por !p2, p0  }
0x20: {  	[sflag:s8] =	ssyncset.s32 @!p0 $0xFFFFF086;
	s6 =	sadd.s32 @!p0 s3, s7;
	s7 =	simm.s32 @!p0 $0x108  }
0x21: {  	s3 =	sadd.s32 s3, s9;
	s6 =	sadd.s32 @!p0 $0x88, s6;
	s7 =	simm.s32 @p2 $0x1082  }
0x22: {  	[simem:s7], [sflag:s8] =	dma.local @!p0 [hbm:s6], $0xF7A  }
0x23: {  	s9 =	sor.u32 $0xD0000000, s2;
	s6 =	simm.s32 $0x108;
	_ =	swait.ge @!p0 [sflag:s8], $0x0  }
0x24: {  	s3 =	sadd.s32 $0x88, s3;
	s6 =	simm.s32 @!p1 $0x1082;
	[sflag:s4] =	ssyncset.s32 $0xFFFFF086  }
0x25: {  	[simem:s6], [sflag:s4] =	dma.local [hbm:s3], $0xF7A  }
0x26: {  	[smem:$0x3F94] =	sst s1;
	(tag) =	ssettag s2;
	_ =	strace s9  }
0x27: {  	s1 =	sld [smem:$0x3FA4]  }
0x28: {  	s2 =	sld [smem:$0x3FA5]  }
0x29: {  	s4 =	sld [smem:$0x3FA7]  }
0x2a: {  	p0 =	seq.s32 s5, $0x0;
	s5 =	sld [smem:$0x3FA8]  }
0x2b: {  	s6 =	sld [smem:$0x3FA9]  }
0x2c: {  	s7 =	sld [smem:$0x3FAA]  }
0x2d: {  	s3 =	simm.s32 $0x108;
	s8 =	sld [smem:$0x3FAB]  }
0x2e: {  	s3 =	simm.s32 @!p0 $0x1082;
	s9 =	sld [smem:$0x3FAC]  }
0x2f: {  	lr =	sadd.s32 s0, s3;
	s0 =	sld [smem:$0x3FA3]  }
0x30: {  	s3 =	sld [smem:$0x3FA6]  }
0x31: {  	[smem:$0x3FAF] =	sst s10  }
0x32: {  	s10 =	sld [smem:$0x3FAD];
	_ =	sdelay $0x3  }
0x33: {  	p0 =	seq.s32 s10, $0x1;
	s10 =	sld [smem:$0x3FAF];
	_ =	sdelay $0x3  }
0x34: {  	[smem:$0x3FAF] =	sst s10  }
0x35: {  	s10 =	sld [smem:$0x3FAE];
	_ =	sdelay $0x3  }
0x36: {  	p1 =	seq.s32 s10, $0x1;
	s10 =	sld [smem:$0x3FAF];
	_ =	sdelay $0x3  }
0x37: {  	[smem:$0x3FAF] =	sst s10  }
0x38: {  	s10 =	sld [smem:$0x3FB0]  }
0x39: {  	_ = 	snop;
	(pc) =	sbr.ind lr, $3  }
0x3a: {  	_ = 	snop  }
0x3b: {  	_ = 	snop  }
0x3c: {  	p2 =	seq.s32 s10, $0x1;
	s10 =	sld [smem:$0x3FAF]  }
0x3d: {  	_ =	shalt  }
0x3e: {  	_ =	shalt  }
0x3f: {  	_ =	shalt  }
0x40: {  	_ =	shalt  }
0x41: {  	_ =	shalt  }
0x42: {  	_ =	shalt  }
0x43: {  	_ =	shalt  }
0x44: {  	_ =	shalt  }
0x45: {  	_ =	shalt  }
0x46: {  	_ =	shalt  }
0x47: {  	_ =	shalt  }
0x48: {  	_ =	shalt  }
0x49: {  	_ =	shalt  }
0x4a: {  	_ =	shalt  }
0x4b: {  	_ =	shalt  }
0x4c: {  	_ =	shalt  }
0x4d: {  	_ =	shalt  }
0x4e: {  	_ =	shalt  }
0x4f: {  	_ =	shalt  }
0x50: {  	_ =	shalt  }
0x51: {  	_ =	shalt  }
0x52: {  	_ =	shalt  }
0x53: {  	_ =	shalt  }
0x54: {  	_ =	shalt  }
0x55: {  	_ =	shalt  }
0x56: {  	_ =	shalt  }
0x57: {  	_ =	shalt  }
0x58: {  	_ =	shalt  }
0x59: {  	_ =	shalt  }
0x5a: {  	_ =	shalt  }
0x5b: {  	_ =	shalt  }
0x5c: {  	_ =	shalt  }
0x5d: {  	_ =	shalt  }
0x5e: {  	_ =	shalt  }
0x5f: {  	_ =	shalt  }
0x60: {  	_ =	shalt  }
0x61: {  	_ =	shalt  }
0x62: {  	_ =	shalt  }
0x63: {  	_ =	shalt  }
0x64: {  	_ =	shalt  }
0x65: {  	_ =	shalt  }
0x66: {  	_ =	shalt  }
0x67: {  	_ =	shalt  }
0x68: {  	_ =	shalt  }
0x69: {  	_ =	shalt  }
0x6a: {  	_ =	shalt  }
0x6b: {  	_ =	shalt  }
0x6c: {  	_ =	shalt  }
0x6d: {  	_ =	shalt  }
0x6e: {  	_ =	shalt  }
0x6f: {  	_ =	shalt  }
0x70: {  	_ =	shalt  }
0x71: {  	_ =	shalt  }
0x72: {  	_ =	shalt  }
0x73: {  	_ =	shalt  }
0x74: {  	_ =	shalt  }
0x75: {  	_ =	shalt  }
0x76: {  	_ =	shalt  }
0x77: {  	_ =	shalt  }
0x78: {  	_ =	shalt  }
0x79: {  	_ =	shalt  }
0x7a: {  	_ =	shalt  }
0x7b: {  	_ =	shalt  }
0x7c: {  	_ =	shalt  }
0x7d: {  	_ =	shalt  }
0x7e: {  	_ =	shalt  }
0x7f: {  	_ =	shalt  }
0x80: {  	_ =	shalt  }
0x81: {  	_ =	shalt  }
0x82: {  	_ =	shalt  }
0x83: {  	_ =	shalt  }
0x84: {  	_ =	shalt  }
0x85: {  	_ =	shalt  }
0x86: {  	_ =	shalt  }
0x87: {  	_ =	shalt  }
.Lfunc_end0:
.L_simem_size_0:
called_computation_lowered:
.L_overlay_start_0:
0x88: {  	s2 =	sld [smem:$0x3FD9]  }
0x89: {  	s3 =	sld [smem:$0x3FFE];
	_ =	sdelay $0x1  }
0x8a: {  	s1 =	srdreg.scid  }
0x8b: {  	s0 =	sand.u32 $0x1, s1  }
0x8c: {  	s16 =	sshll.u32 s0, $0xA;
	s2 =	sadd.s32 s3, s2  }
0x8d: {  	s2 =	sadd.s32 s2, s16  }
0x8e: {  	[smem:$0x3FBB] =	sst s2  }
0x8f: {  	_ = 	snop  }
0x90: {  	(tm) =	ssettm $0x1  }
0x91: {  	s17 =	sld [smem:$0x3FFB];
	_ =	sdelay $0x3  }
0x92: {  	_ =	strace s17  }
0x93: {  	s2 =	sld [smem:$0x3FFC];
	_ =	sdelay $0x3  }
0x94: {  	_ =	strace s2  }
0x95: {  	s2 =	sld [smem:$0x3FFD];
	_ =	sdelay $0x3  }
0x96: {  	_ =	strace s2  }
0x97: {  	_ =	strace $0x8FFFFFFF  }
0x98: {  	s18 =	sld [smem:$0x3FDB];
	_ =	sdelay $0x1  }
0x99: {  	s19 =	simm.s32 $_scs_section_size  }
0x9a: {  	s4 =	simm.s32 $_size__tile_overlayer_lowered;
	s5 =	simm.s32 $_tile_overlayer_lowered  }
0x9b: {  	s22 =	simm.s32 $0x1BFF;
	s21 =	sshll.u32 s5, $0x1;
	s2 =	sadd.s32 s19, s18  }
0x9c: {  	s6 =	simm.s32 $0x0;
	s20 =	sshll.u32 s4, $0x1;
	s4 =	sadd.s32 s21, s2  }
0x9d: {  	[timem:s6], [sflag:s22] =	dma.local [hbm:s4], s20  }
0x9e: {  	_ =	swait.ge [sflag:s22], s20  }
0x9f: {  	s3 =	ssub.s32 $0x0, s20;
	[sflag:s22] =	ssyncset.done $0x0  }
0xa0: {  	[sflag:s22] =	ssyncadd.s32 s3;
	_ =	sdelay $0x1  }
0xa1: {  	s23 =	simm.s32 $0x1B8B  }
0xa2: {  	_ =	swait.ge [sflag:s23], $0x1  }
0xa3: {  	[sflag:s23] =	ssyncset.done $0x0  }
0xa4: {  	s25 =	simm.s32 $0x1B8E;
	s24 =	sld [smem:$0x3FFE];
	[sflag:s23] =	ssyncadd.s32 $0xFFFFFFFF  }
0xa5: {  	s26 =	simm.s32 $execute0_lowered;
	[smem:$0x3FD2] =	sst s25  }
0xa6: {  	s4 =	sshll.u32 s26, $0x1;
	_ =	strace $0x80000046;
	[dreg:$0x1] =	wrdreg $0xFFFFFFFF  }
0xa7: {  	s28 =	simm.s32 $_size_execute0_lowered;
	s2 =	sadd.s32 s2, s4;
	[dreg:$0x0] =	wrdreg $0x0  }
0xa8: {  	s4 =	sshll.u32 s28, $0x1;
	[dreg:$0x2] =	wrdreg s2  }
0xa9: {  	[dreg:$0x3] =	wrdreg s4  }
0xaa: {  	[dreg:$0x4] =	wrdreg $0xC0  }
0xab: {  	_ =	task [dreg:s6], $0x5FFFF  }
0xac: {  	[dreg:$0x1] =	wrdreg $0xFFFFFFFF  }
0xad: {  	[dreg:$0x0] =	wrdreg $0x60  }
0xae: {  	[dreg:$0x2] =	wrdreg s24  }
0xaf: {  	[dreg:$0x3] =	wrdreg $0x15000  }
0xb0: {  	[dreg:$0x4] =	wrdreg $0x9  }
0xb1: {  	_ =	task.clear_ibuf [dreg:s6], $0x5FFFF;
	_ =	strace $0x90000046  }
0xb2: {  	s29 =	simm.s32 $0x9;
	_ =	strace $0x80000048  }
0xb3: {  	_ =	swait.ge [sflag:s29], $0x1  }
0xb4: {  	[sflag:s29] =	ssyncadd.s32 $0xFFFFFFFF  }
0xb5: {  	_ =	strace $0x90000048  }
0xb6: {  	_ =	sfence  }
0xb7: {  	s30 =	sld [smem:$0x0];
	_ =	sdelay $0x2  }
0xb8: {  	s31 =	sshll.u32 s1, $0xD;
	s1 =	sshrl.u32 s1, $0x2  }
0xb9: {  	s3 =	sand.u32 $0x4000, s31;
	s1 =	sadd.s32 s1, s30  }
0xba: {  	s0 =	sor.u32 s3, s0;
	s1 =	sshll.u32 s1, $0x11  }
0xbb: {  	s0 =	sor.u32 s1, s0  }
0xbc: {  	s0 =	sadd.s32 $0x8F2B, s0  }
0xbd: {  	[sflag:s0] =	ssyncadd.remote.s32 $0x1  }
0xbe: {  	_ =	sfence.sel $0xFFFF  }
0xbf: {  	[dreg:$0x0] =	wrdreg $0xFFFFFFFF;
	(pc) =	sbr.abs _section_cstart, $3  }
0xc0: {  	[dreg:$0x1] =	wrdreg $0xFFFFFFFF  }
0xc1: {  	_ =	task.clear_ibuf [dreg:s6], $0x2FFFF;
	_ =	strace $0x9FFFFFFF  }
0xc2: {  	(tm) =	ssettm $0x7FFFFFFF  }
0xc3: {  	_ =	shalt  }
tec
execute0_lowered:
.L_overlay_start_1:
0x0: {  	(tag) =	ssettag $0x1  }
0x1: {  	s4 =	rddreg [dreg:$0x0]  }
0x2: {  	s1 =	rddreg [dreg:$0x1];
	s2 =	srdreg.scid  }
0x3: {  	s0 =	rddreg [dreg:$0x2];
	s3 =	simm.s32 $0x0;
	s13 =	simm.s32 $0x20  }
0x4: {  	s14 =	simm.s32 $0x10;
	s5 =	sand.u32 $0x1, s2;
	s2 =	stileid.u32  }
0x5: {  	s15 =	simm.s32 $0x0;
	[smem:$0x7FF] =	sst s3;
	s6 =	smul.u32 $0x5000, s5  }
0x6: {  	s7 =	smul.u32 $0x2800, s2;
	_ =	strace $0x80000047;
	s8 =	sshll.u32 s5, $0x7  }
0x7: {  	s29 =	smul.u32 $0x5000, s2;
	s5 =	ssub.s32 $0x2, s5;
	s11 =	sshll.u32 s2, $0x6  }
0x8: {  	s9 =	smul.u32 $0x500, s2;
	s30 =	sshrl.u32 s5, $0x1;
	s11 =	sor.u32 $0x1C01, s11  }
0x9: {  	s6 =	sadd.s32 s6, s4;
	s7 =	sor.u32 s8, s7;
	s8 =	sshrl.u32 s29, $0x2  }
0xa: {  	s10 =	ssub.s32 s5, s30;
	s7 =	sshrl.u32 s7, $0x3;
	s31 =	sadd.s32 s9, s6  }
0xb: {  	s6 =	smax.u32 s10, $0x1;
	s9 =	simm.s32 $0x1;
	s10 =	simm.s32 $0x80  }
0xc: {  	s7 =	sadd.s32 s7, s4;
	s4 =	sadd.s32 s8, s1;
	s8 =	simm.s32 $0x100  }
0xd: {  	v0 =	vimm.f32 $0.0e+00;
	v1 =	vimm.f32 $1.000000000e+00;
	s5 =	sadd.s32 $0x17400, s7;
	s7 =	sadd.s32 $0x3400, s31;
	s12 =	sshrl.u32 s4, $0x3  }
.LBB2_1:
0xe: {  	s16 =	simm.s32 $0x40;
	s17 =	simm.s32 $0x0  }
.LBB2_2:
0xf: {  	p0 =	sne.s32 s16, $0x4FC0;
	[tilespmem:s17+$0x100] =	vst v0;
	s17 =	smov.u32 s16;
	s16 =	sadd.s32 $0x40, s16  }
.Ltmp0:
0x10: {  	(pc) =	sbr.rel @p0 .LBB2_2-.Ltmp0, $2  }
0x11: {  	_ =	sdelay $0x2  }
0x12: {  	s17 =	sshra.s32 s17, $0x2  }
0x13: {  	[tilespmem:s17+$0x100] =	vst v0  }
0x14: {  	[spmem:s4] =	stream.linear.scatter [tilespmem:s8], [sflag:$0x1], $0x1400, $0x38;
	[tilespmem:$0x2900] =	vst v63  }
0x15: {  	_ =	swait.ge [sflag:s9], $0x1400  }
0x16: {  	[sflag:s9] =	ssyncset.done $0x0  }
0x17: {  	[sflag:s9] =	ssyncadd.s32 $0xFFFFEC00  }
0x18: {  	[tilespmem:$0x80] =	vst v1  }
0x19: {  	[tilespmem:$0x90] =	vst v1  }
0x1a: {  	[tilespmem:$0xA0] =	vst v1  }
0x1b: {  	[tilespmem:$0xB0] =	vst v1  }
0x1c: {  	[tilespmem:$0xC0] =	vst v1  }
0x1d: {  	[tilespmem:$0xD0] =	vst v1  }
0x1e: {  	[tilespmem:$0xE0] =	vst v1  }
0x1f: {  	[tilespmem:$0xF0] =	vst v1  }
0x20: {  	s16 =	sadd.s32 $0x0, s7;
	[bflag:$0x0] =	sbarrier.arrive $0xFFFF  }
0x21: {  	[tilespmem:s3], [sflag:$0x1] =	stream.linear.gather [hbm4b:s16+s3], $0x80, $0x38;
	[tilespmem:$0x2900] =	vst v63  }
0x22: {  	_ =	swait.ge [sflag:s9], $0x80  }
0x23: {  	[sflag:s9] =	ssyncset.done $0x0  }
0x24: {  	[sflag:s9] =	ssyncadd.s32 $0xFFFFFF80  }
0x25: {  	[spmem:s1] =	stream.indirect.scatter.add.f32 [tilespmem:s10], [sflag:$0x1], $0x1, s3, s10, $0xb8;
	[tilespmem:$0x2900] =	vst v63  }
0x26: {  	_ =	swait.ge [sflag:s9], $0x80  }
0x27: {  	s17 =	simm.s32 $0x20;
	s16 =	simm.s32 $0x10;
	[sflag:s9] =	ssyncset.done $0x0  }
.LBB2_4:
0x28: {  	s18 =	sadd.s32 s16, s7  }
0x29: {  	[sflag:s9] =	ssyncadd.s32 $0xFFFFFF80;
	s16 =	smov.u32 s17;
	s19 =	sadd.s32 $0x10, s17  }
0x2a: {  	[tilespmem:s3], [sflag:$0x1] =	stream.linear.gather [hbm4b:s18+s3], $0x80, $0x38;
	[tilespmem:$0x2900] =	vst v63  }
0x2b: {  	p0 =	sne.s32 s17, $0x4F0;
	_ =	swait.ge [sflag:s9], $0x80  }
.Ltmp1:
0x2c: {  	[sflag:s9] =	ssyncset.done $0x0;
	(pc) =	sbr.rel @p0 .LBB2_4-.Ltmp1, $4  }
0x2d: {  	[sflag:s9] =	ssyncadd.s32 $0xFFFFFF80  }
0x2e: {  	[spmem:s1] =	stream.indirect.scatter.add.f32 [tilespmem:s10], [sflag:$0x1], $0x1, s3, s10, $0xb8;
	[tilespmem:$0x2900] =	vst v63  }
0x2f: {  	_ =	swait.ge [sflag:s9], $0x80  }
0x30: {  	s17 =	smov.u32 s19;
	[sflag:s9] =	ssyncset.done $0x0  }
0x31: {  	s16 =	sadd.s32 s16, s7;
	[sflag:s9] =	ssyncadd.s32 $0xFFFFFF80  }
0x32: {  	[tilespmem:s3], [sflag:$0x1] =	stream.linear.gather [hbm4b:s16+s3], $0x80, $0x38;
	[tilespmem:$0x2900] =	vst v63  }
0x33: {  	_ =	swait.ge [sflag:s9], $0x80  }
0x34: {  	[sflag:s9] =	ssyncset.done $0x0  }
0x35: {  	[sflag:s9] =	ssyncadd.s32 $0xFFFFFF80  }
0x36: {  	[spmem:s1] =	stream.indirect.scatter.add.f32 [tilespmem:s10], [sflag:$0x1], $0x1, s3, s10, $0xb8;
	[tilespmem:$0x2900] =	vst v63  }
0x37: {  	_ =	swait.ge [sflag:s9], $0x80  }
0x38: {  	s15 =	sadd.s32 $0x1, s15;
	[sflag:s9] =	ssyncset.done $0x0  }
0x39: {  	p0 =	sne.s32 s15, s6;
	[sflag:s9] =	ssyncadd.s32 $0xFFFFFF80  }
.Ltmp2:
0x3a: {  	[bflag:$0x0] =	sbarrier.arrive $0xFFFF;
	(pc) =	sbr.rel @p0 .LBB2_1-.Ltmp2, $4  }
0x3b: {  	[hbm:s5@s13], [sflag:s11] =	dma.strided [spmem:s12@s14], $0x280, s9, $0x10   }
0x3c: {  	_ =	swait.ge [sflag:s9], $0x280  }
0x3d: {  	[sflag:s9] =	ssyncset.done $0x0  }
0x3e: {  	[sflag:s9] =	ssyncadd.s32 $0xFFFFFD80  }
0x3f: {  	_ =	sfence.sel $0x180000  }
0x40: {  	[bflag:$0x0] =	sbarrier.arrive $0xFFFF  }
0x41: {  	p0 =	sne.s32 s2, $0x0;
	_ =	strace $0x90000047  }
0x42: {  	s0 =	sadd.s32 @!p0 $0x100000, s0;
	[bflag:$0x2] =	sbarrier.arrive $0xFFFF  }
0x43: {  	[sflag:s0] =	ssyncadd.tile.s32 @!p0 $0x1;
	_ =	shalt  }
.Lfunc_end2:
_tile_overlayer_lowered:
.L_overlay_start_2:
0x44: {  	(tag) =	ssettag $0x2  }
0x45: {  	s0 =	rddreg [dreg:$0x0];
	s2 =	stileid.u32  }
0x46: {  	s1 =	rddreg [dreg:$0x1];
	p0 =	sne.s32 s2, $0x0  }
0x47: {  	s3 =	rddreg [dreg:$0x2];
	[bflag:$0x3] =	sbarrier.arrive $0xFFFF;
	s2 =	simm.s32 @!p0 $0x1C01  }
0x48: {  	[timem:s3], [sflag:s2] =	dma.local @!p0 [hbm:s0], s1  }
0x49: {  	s0 =	simm.s32 @!p0 $0x1  }
0x4a: {  	_ =	swait.ge @!p0 [sflag:s0], s1  }
0x4b: {  	s1 =	ssub.s32 @!p0 $0x0, s1;
	[sflag:s0] =	ssyncset.done @!p0 $0x0  }
0x4c: {  	[sflag:s0] =	ssyncadd.s32 @!p0 s1  }
0x4d: {  	[bflag:$0x3] =	sbarrier.arrive $0xFFFF  }
0x4e: {  	_ =	shalt  }

// kernel: kernel.13.cloned.1.call-start
scs
__scs_entry_jumppad:
0x0: {  	(pc) =	sbr.rel $0x88, $3  }
0x1: {  	(tag) =	ssettag $0x0;
	lr =	simm.s32 $0x1  }
0x2: {  	[smem:$0x3F94] =	sst lr;
	_ =	strace $0xD0000000  }
0x3: {  	_ = 	snop  }
0x4: {  	_ = 	snop  }
0x5: {  	_ = 	snop  }
0x6: {  	_ = 	snop  }
0x7: {  	_ = 	snop  }
__scs_overlays_trampoline_lowered:
0x8: {  	[smem:$0x3FA3] =	sst s0  }
0x9: {  	[smem:$0x3FA4] =	sst s1  }
0xa: {  	[smem:$0x3FA5] =	sst s2  }
0xb: {  	[smem:$0x3FA6] =	sst s3  }
0xc: {  	[smem:$0x3FA7] =	sst s4  }
0xd: {  	[smem:$0x3FA8] =	sst s5  }
0xe: {  	[smem:$0x3FA9] =	sst s6  }
0xf: {  	[smem:$0x3FAA] =	sst s7  }
0x10: {  	[smem:$0x3FAB] =	sst s8  }
0x11: {  	[smem:$0x3FAC] =	sst s9;
	s0 =	simm.s32 @!p0 $0x0  }
0x12: {  	s1 =	sld [smem:$0x3F92];
	s0 =	simm.s32 @p0 $0x1  }
0x13: {  	[smem:$0x3FAD] =	sst s0;
	s0 =	simm.s32 @!p1 $0x0  }
0x14: {  	s2 =	sld [smem:$0x3F91];
	s0 =	simm.s32 @p1 $0x1  }
0x15: {  	[smem:$0x3FAE] =	sst s0;
	s0 =	simm.s32 @!p2 $0x0  }
0x16: {  	s3 =	sld [smem:$0x3FDB];
	s0 =	simm.s32 @p2 $0x1  }
0x17: {  	s4 =	simm.s32 $0x1BF5;
	[smem:$0x3FB0] =	sst s0  }
0x18: {  	s0 =	sld [smem:$0x3F93];
	_ =	swait.ge [sflag:s4], $0x0  }
0x19: {  	s7 =	sld [smem:$0x3F94]  }
0x1a: {  	s8 =	sadd.s32 $0xFFFFE003, lr  }
0x1b: {  	s9 =	sadd.s32 $0xFFFFFEF7, lr;
	s5 =	simm.s32 $0xFFFFFFFF;
	p2 =	slt.u32 s8, $0xFFFFF086  }
0x1c: {  	p1 =	slt.u32 s9, $0xF7A;
	s5 =	simm.s32 @!p2 $0x0  }
0x1d: {  	s5 =	simm.s32 @p1 $0x1;
	p0 =	seq.s32 s7, s2  }
0x1e: {  	s7 =	smul.u32 @!p0 $0xF7A, s2;
	p2 =	seq.s32 @!p0 s5, $0x0  }
0x1f: {  	s9 =	smul.u32 $0xF7A, s1;
	s8 =	simm.s32 @!p0 $0x1BF5;
	p2 =	por !p2, p0  }
0x20: {  	[sflag:s8] =	ssyncset.s32 @!p0 $0xFFFFF086;
	s6 =	sadd.s32 @!p0 s3, s7;
	s7 =	simm.s32 @!p0 $0x108  }
0x21: {  	s3 =	sadd.s32 s3, s9;
	s6 =	sadd.s32 @!p0 $0x88, s6;
	s7 =	simm.s32 @p2 $0x1082  }
0x22: {  	[simem:s7], [sflag:s8] =	dma.local @!p0 [hbm:s6], $0xF7A  }
0x23: {  	s9 =	sor.u32 $0xD0000000, s2;
	s6 =	simm.s32 $0x108;
	_ =	swait.ge @!p0 [sflag:s8], $0x0  }
0x24: {  	s3 =	sadd.s32 $0x88, s3;
	s6 =	simm.s32 @!p1 $0x1082;
	[sflag:s4] =	ssyncset.s32 $0xFFFFF086  }
0x25: {  	[simem:s6], [sflag:s4] =	dma.local [hbm:s3], $0xF7A  }
0x26: {  	[smem:$0x3F94] =	sst s1;
	(tag) =	ssettag s2;
	_ =	strace s9  }
0x27: {  	s1 =	sld [smem:$0x3FA4]  }
0x28: {  	s2 =	sld [smem:$0x3FA5]  }
0x29: {  	s4 =	sld [smem:$0x3FA7]  }
0x2a: {  	p0 =	seq.s32 s5, $0x0;
	s5 =	sld [smem:$0x3FA8]  }
0x2b: {  	s6 =	sld [smem:$0x3FA9]  }
0x2c: {  	s7 =	sld [smem:$0x3FAA]  }
0x2d: {  	s3 =	simm.s32 $0x108;
	s8 =	sld [smem:$0x3FAB]  }
0x2e: {  	s3 =	simm.s32 @!p0 $0x1082;
	s9 =	sld [smem:$0x3FAC]  }
0x2f: {  	lr =	sadd.s32 s0, s3;
	s0 =	sld [smem:$0x3FA3]  }
0x30: {  	s3 =	sld [smem:$0x3FA6]  }
0x31: {  	[smem:$0x3FAF] =	sst s10  }
0x32: {  	s10 =	sld [smem:$0x3FAD];
	_ =	sdelay $0x3  }
0x33: {  	p0 =	seq.s32 s10, $0x1;
	s10 =	sld [smem:$0x3FAF];
	_ =	sdelay $0x3  }
0x34: {  	[smem:$0x3FAF] =	sst s10  }
0x35: {  	s10 =	sld [smem:$0x3FAE];
	_ =	sdelay $0x3  }
0x36: {  	p1 =	seq.s32 s10, $0x1;
	s10 =	sld [smem:$0x3FAF];
	_ =	sdelay $0x3  }
0x37: {  	[smem:$0x3FAF] =	sst s10  }
0x38: {  	s10 =	sld [smem:$0x3FB0]  }
0x39: {  	_ = 	snop;
	(pc) =	sbr.ind lr, $3  }
0x3a: {  	_ = 	snop  }
0x3b: {  	_ = 	snop  }
0x3c: {  	p2 =	seq.s32 s10, $0x1;
	s10 =	sld [smem:$0x3FAF]  }
0x3d: {  	_ =	shalt  }
0x3e: {  	_ =	shalt  }
0x3f: {  	_ =	shalt  }
0x40: {  	_ =	shalt  }
0x41: {  	_ =	shalt  }
0x42: {  	_ =	shalt  }
0x43: {  	_ =	shalt  }
0x44: {  	_ =	shalt  }
0x45: {  	_ =	shalt  }
0x46: {  	_ =	shalt  }
0x47: {  	_ =	shalt  }
0x48: {  	_ =	shalt  }
0x49: {  	_ =	shalt  }
0x4a: {  	_ =	shalt  }
0x4b: {  	_ =	shalt  }
0x4c: {  	_ =	shalt  }
0x4d: {  	_ =	shalt  }
0x4e: {  	_ =	shalt  }
0x4f: {  	_ =	shalt  }
0x50: {  	_ =	shalt  }
0x51: {  	_ =	shalt  }
0x52: {  	_ =	shalt  }
0x53: {  	_ =	shalt  }
0x54: {  	_ =	shalt  }
0x55: {  	_ =	shalt  }
0x56: {  	_ =	shalt  }
0x57: {  	_ =	shalt  }
0x58: {  	_ =	shalt  }
0x59: {  	_ =	shalt  }
0x5a: {  	_ =	shalt  }
0x5b: {  	_ =	shalt  }
0x5c: {  	_ =	shalt  }
0x5d: {  	_ =	shalt  }
0x5e: {  	_ =	shalt  }
0x5f: {  	_ =	shalt  }
0x60: {  	_ =	shalt  }
0x61: {  	_ =	shalt  }
0x62: {  	_ =	shalt  }
0x63: {  	_ =	shalt  }
0x64: {  	_ =	shalt  }
0x65: {  	_ =	shalt  }
0x66: {  	_ =	shalt  }
0x67: {  	_ =	shalt  }
0x68: {  	_ =	shalt  }
0x69: {  	_ =	shalt  }
0x6a: {  	_ =	shalt  }
0x6b: {  	_ =	shalt  }
0x6c: {  	_ =	shalt  }
0x6d: {  	_ =	shalt  }
0x6e: {  	_ =	shalt  }
0x6f: {  	_ =	shalt  }
0x70: {  	_ =	shalt  }
0x71: {  	_ =	shalt  }
0x72: {  	_ =	shalt  }
0x73: {  	_ =	shalt  }
0x74: {  	_ =	shalt  }
0x75: {  	_ =	shalt  }
0x76: {  	_ =	shalt  }
0x77: {  	_ =	shalt  }
0x78: {  	_ =	shalt  }
0x79: {  	_ =	shalt  }
0x7a: {  	_ =	shalt  }
0x7b: {  	_ =	shalt  }
0x7c: {  	_ =	shalt  }
0x7d: {  	_ =	shalt  }
0x7e: {  	_ =	shalt  }
0x7f: {  	_ =	shalt  }
0x80: {  	_ =	shalt  }
0x81: {  	_ =	shalt  }
0x82: {  	_ =	shalt  }
0x83: {  	_ =	shalt  }
0x84: {  	_ =	shalt  }
0x85: {  	_ =	shalt  }
0x86: {  	_ =	shalt  }
0x87: {  	_ =	shalt  }
.Lfunc_end0:
.L_simem_size_0:
called_computation.1_lowered:
.L_overlay_start_0:
0x88: {  	s2 =	sld [smem:$0x3FD9]  }
0x89: {  	s3 =	sld [smem:$0x3FFE];
	_ =	sdelay $0x1  }
0x8a: {  	s1 =	srdreg.scid  }
0x8b: {  	s0 =	sand.u32 $0x1, s1  }
0x8c: {  	s16 =	sshll.u32 s0, $0xA;
	s2 =	sadd.s32 s3, s2  }
0x8d: {  	s2 =	sadd.s32 s2, s16  }
0x8e: {  	[smem:$0x3FBB] =	sst s2  }
0x8f: {  	_ = 	snop  }
0x90: {  	(tm) =	ssettm $0x1  }
0x91: {  	s17 =	sld [smem:$0x3FFB];
	_ =	sdelay $0x3  }
0x92: {  	_ =	strace s17  }
0x93: {  	s2 =	sld [smem:$0x3FFC];
	_ =	sdelay $0x3  }
0x94: {  	_ =	strace s2  }
0x95: {  	s2 =	sld [smem:$0x3FFD];
	_ =	sdelay $0x3  }
0x96: {  	_ =	strace s2  }
0x97: {  	_ =	strace $0x8FFFFFFF  }
0x98: {  	s18 =	sld [smem:$0x3FDB];
	_ =	sdelay $0x1  }
0x99: {  	s19 =	simm.s32 $_scs_section_size  }
0x9a: {  	s4 =	simm.s32 $_size__tile_overlayer_lowered;
	s5 =	simm.s32 $_tile_overlayer_lowered  }
0x9b: {  	s22 =	simm.s32 $0x1BFF;
	s21 =	sshll.u32 s5, $0x1;
	s2 =	sadd.s32 s19, s18  }
0x9c: {  	s6 =	simm.s32 $0x0;
	s20 =	sshll.u32 s4, $0x1;
	s4 =	sadd.s32 s21, s2  }
0x9d: {  	[timem:s6], [sflag:s22] =	dma.local [hbm:s4], s20  }
0x9e: {  	_ =	swait.ge [sflag:s22], s20  }
0x9f: {  	s3 =	ssub.s32 $0x0, s20;
	[sflag:s22] =	ssyncset.done $0x0  }
0xa0: {  	[sflag:s22] =	ssyncadd.s32 s3;
	_ =	sdelay $0x1  }
0xa1: {  	s23 =	simm.s32 $0x1B8B  }
0xa2: {  	_ =	swait.ge [sflag:s23], $0x1  }
0xa3: {  	[sflag:s23] =	ssyncset.done $0x0  }
0xa4: {  	s25 =	simm.s32 $0x1B8E;
	s24 =	sld [smem:$0x3FFE];
	[sflag:s23] =	ssyncadd.s32 $0xFFFFFFFF  }
0xa5: {  	s26 =	simm.s32 $execute0_lowered;
	[smem:$0x3FD2] =	sst s25  }
0xa6: {  	s4 =	sshll.u32 s26, $0x1;
	_ =	strace $0x80000049;
	[dreg:$0x1] =	wrdreg $0xFFFFFFFF  }
0xa7: {  	s28 =	simm.s32 $_size_execute0_lowered;
	s2 =	sadd.s32 s2, s4;
	[dreg:$0x0] =	wrdreg $0x0  }
0xa8: {  	s4 =	sshll.u32 s28, $0x1;
	[dreg:$0x2] =	wrdreg s2  }
0xa9: {  	[dreg:$0x3] =	wrdreg s4  }
0xaa: {  	[dreg:$0x4] =	wrdreg $0xC0  }
0xab: {  	_ =	task [dreg:s6], $0x5FFFF  }
0xac: {  	[dreg:$0x1] =	wrdreg $0xFFFFFFFF  }
0xad: {  	[dreg:$0x0] =	wrdreg $0x60  }
0xae: {  	[dreg:$0x2] =	wrdreg s24  }
0xaf: {  	[dreg:$0x3] =	wrdreg $0x9  }
0xb0: {  	_ =	task.clear_ibuf [dreg:s6], $0x4FFFF;
	_ =	strace $0x90000049  }
0xb1: {  	s29 =	simm.s32 $0x9;
	_ =	strace $0x8000004B  }
0xb2: {  	_ =	swait.ge [sflag:s29], $0x1  }
0xb3: {  	[sflag:s29] =	ssyncadd.s32 $0xFFFFFFFF  }
0xb4: {  	_ =	strace $0x9000004B  }
0xb5: {  	_ =	sfence  }
0xb6: {  	s30 =	sld [smem:$0x0];
	_ =	sdelay $0x2  }
0xb7: {  	s31 =	sshll.u32 s1, $0xD;
	s1 =	sshrl.u32 s1, $0x2  }
0xb8: {  	s3 =	sand.u32 $0x4000, s31;
	s1 =	sadd.s32 s1, s30  }
0xb9: {  	s0 =	sor.u32 s3, s0;
	s1 =	sshll.u32 s1, $0x11  }
0xba: {  	s0 =	sor.u32 s1, s0  }
0xbb: {  	s0 =	sadd.s32 $0x8F2B, s0  }
0xbc: {  	[sflag:s0] =	ssyncadd.remote.s32 $0x1  }
0xbd: {  	_ =	sfence.sel $0xFFFF  }
0xbe: {  	[dreg:$0x0] =	wrdreg $0xFFFFFFFF;
	(pc) =	sbr.abs _section_cstart, $3  }
0xbf: {  	[dreg:$0x1] =	wrdreg $0xFFFFFFFF  }
0xc0: {  	_ =	task.clear_ibuf [dreg:s6], $0x2FFFF;
	_ =	strace $0x9FFFFFFF  }
0xc1: {  	(tm) =	ssettm $0x7FFFFFFF  }
tec
execute0_lowered:
.L_overlay_start_1:
0x0: {  	(tag) =	ssettag $0x1  }
0x1: {  	s0 =	srdreg.scid  }
0x2: {  	s4 =	rddreg [dreg:$0x0];
	s2 =	simm.s32 $0x0;
	s3 =	sand.u32 $0x1, s0  }
0x3: {  	s10 =	simm.s32 $0x1;
	s0 =	stileid.u32;
	s1 =	sshll.u32 s3, $0x4  }
0x4: {  	s11 =	simm.s32 $0xA00;
	s8 =	smul.u32 $0xA000, s3;
	s5 =	sor.u32 s0, s1  }
0x5: {  	s12 =	simm.s32 $0x1400;
	s13 =	simm.s32 $0x0;
	s6 =	smul.u32 $0x280, s5  }
0x6: {  	[smem:$0x7FF] =	sst s2;
	s7 =	ssub.s32 $0x2, s3;
	s5 =	smul.u32 $0xA00, s5  }
0x7: {  	s9 =	smul.u32 $0xA00, s0;
	s1 =	rddreg [dreg:$0x1];
	_ =	strace $0x8000004A  }
0x8: {  	s31 =	sshrl.u32 s7, $0x1;
	s6 =	sadd.s32 s6, s4;
	s5 =	sshrl.u32 s5, $0x3  }
0x9: {  	s7 =	ssub.s32 s7, s31;
	s5 =	sadd.s32 s5, s4;
	s3 =	sadd.s32 $0x17400, s6  }
0xa: {  	s4 =	sadd.s32 $0x17410, s6;
	s6 =	smax.u32 s7, $0x1;
	s7 =	sadd.s32 s9, s8  }
0xb: {  	s8 =	simm.s32 $0x80;
	s9 =	simm.s32 $0x100;
	s5 =	sadd.s32 $0x1C400, s5  }
.LBB2_1:
0xc: {  	[tilespmem:s2], [sflag:$0x1] =	stream.strided.gather [hbm4b:s3+s8], $0xA00, s9, s8, $0x38;
	[tilespmem:$0x1E00] =	vst v63  }
0xd: {  	_ =	swait.ge [sflag:s10], $0xA00  }
0xe: {  	[sflag:s10] =	ssyncset.done $0x0  }
0xf: {  	[sflag:s10] =	ssyncadd.s32 $0xFFFFF600  }
0x10: {  	[tilespmem:s11], [sflag:$0x1] =	stream.strided.gather [hbm4b:s4+s8], $0xA00, s9, s8, $0x38;
	[tilespmem:$0x1E00] =	vst v63  }
0x11: {  	_ =	swait.ge [sflag:s10], $0xA00  }
0x12: {  	[sflag:s10] =	ssyncset.done $0x0  }
0x13: {  	s17 =	simm.s32 $0x0;
	[sflag:s10] =	ssyncadd.s32 $0xFFFFF600  }
0x14: {  	v0 =	vld [tilespmem:s17+$0x0]  }
0x15: {  	v1 =	vld [tilespmem:s17+$0xA00];
	_ =	sdelay $0x4  }
0x16: {  	v0 =	vadd.f32 v1, v0;
	_ =	sdelay $0x1  }
0x17: {  	s14 =	simm.s32 $0x10;
	v0 =	vmax.f32 v0, $1.000000000e+00  }
0x18: {  	v1 =	vld [tilespmem:s14+$0x0];
	(erf) = vrcp.f32 v0  }
0x19: {  	v0 =	vld [tilespmem:s14+$0xA00]  }
0x1a: {  	s15 =	simm.s32 $0x20  }
0x1b: {  	v2 =	vld [tilespmem:s15+$0x0]  }
0x1c: {  	v3 =	vld [tilespmem:s15+$0xA00];
	_ =	sdelay $0x1  }
0x1d: {  	v0 =	vadd.f32 v0, v1;
	_ =	sdelay $0x1  }
0x1e: {  	v1 =	vmax.f32 v0, $1.000000000e+00  }
0x1f: {  	v2 =	vadd.f32 v3, v2;
	v3 =	vpop (erf);
	(erf) = vrcp.f32 v1;
	_ =	sdelay $0x1  }
0x20: {  	s16 =	simm.s32 $0x30;
	v2 =	vmax.f32 v2, $1.000000000e+00  }
0x21: {  	v0 =	vld [tilespmem:s16+$0x0];
	(erf) = vrcp.f32 v2  }
0x22: {  	p0 =	slt.u32 s7, $0x13880;
	v1 =	vld [tilespmem:s16+$0xA00]  }
0x23: {  	v3 =	vpsel !p0, $0x0, v3  }
0x24: {  	s18 =	simm.s32 $0x100;
	[tilespmem:s17+$0x1400] =	vst v3;
	s17 =	smov.u32 s7  }
.LBB2_2:
0x25: {  	p0 =	sne.s32 s18, $0x27C0  }
.Ltmp0:
0x26: {  	s19 =	sshra.s32 s18, $0x2;
	s17 =	sadd.s32 $0x10, s17;
	(pc) =	sbr.rel @p0 .LBB2_2-.Ltmp0, $4  }
0x27: {  	s18 =	sadd.s32 $0x40, s18;
	p1 =	slt.u32 s17, $0x13880;
	v3 =	vpop (erf);
	v2 =	vadd.f32 v1, v0;
	v0 =	vld [tilespmem:s19+$0x0]  }
0x28: {  	v3 =	vpsel !p1, $0x0, v3;
	v1 =	vld [tilespmem:s19+$0xA00]  }
0x29: {  	v2 =	vmax.f32 v2, $1.000000000e+00;
	[tilespmem:s14+$0x1400] =	vst v3;
	s14 =	smov.u32 s15;
	s15 =	smov.u32 s16;
	s16 =	smov.u32 s19  }
0x2a: {  	(erf) = vrcp.f32 v2  }
0x2b: {  	_ =	sdelay $0x1  }
0x2c: {  	v0 =	vadd.f32 v1, v0;
	_ =	sdelay $0x1  }
0x2d: {  	v0 =	vmax.f32 v0, $1.000000000e+00  }
0x2e: {  	(erf) = vrcp.f32 v0;
	_ =	sdelay $0x5  }
0x2f: {  	s17 =	sadd.s32 $0x10, s17  }
0x30: {  	v59 =	vpop (erf);
	p0 =	slt.u32 s17, $0x13880;
	s17 =	sadd.s32 $0x10, s17  }
0x31: {  	p5 =	slt.u32 s17, $0x13880;
	s17 =	sadd.s32 $0x10, s17;
	v0 =	vpsel !p0, $0x0, v59;
	v60 =	vpop (erf)  }
0x32: {  	s13 =	sadd.s32 $0x1, s13;
	p6 =	slt.u32 s17, $0x13880;
	[tilespmem:s14+$0x1400] =	vst v0;
	v61 =	vpsel !p5, $0x0, v60;
	v62 =	vpop (erf)  }
0x33: {  	p0 =	sne.s32 s13, s6;
	[tilespmem:s15+$0x1400] =	vst v61;
	v63 =	vpsel !p6, $0x0, v62  }
.Ltmp1:
0x34: {  	[tilespmem:s16+$0x1400] =	vst v63;
	(pc) =	sbr.rel @p0 .LBB2_1-.Ltmp1, $4  }
0x35: {  	[hbm4b:s5+s2] =	stream.linear.scatter [tilespmem:s12], [sflag:$0x1], $0xA00, $0x38;
	[tilespmem:$0x1E00] =	vst v63  }
0x36: {  	_ =	swait.ge [sflag:s10], $0xA00  }
0x37: {  	[sflag:s10] =	ssyncset.done $0x0  }
0x38: {  	[sflag:s10] =	ssyncadd.s32 $0xFFFFF600  }
0x39: {  	_ =	sfence.sel $0x180000  }
0x3a: {  	[bflag:$0x0] =	sbarrier.arrive $0xFFFF  }
0x3b: {  	p0 =	sne.s32 s0, $0x0;
	_ =	strace $0x9000004A  }
0x3c: {  	s0 =	sadd.s32 @!p0 $0x100000, s1;
	[bflag:$0x2] =	sbarrier.arrive $0xFFFF  }
0x3d: {  	[sflag:s0] =	ssyncadd.tile.s32 @!p0 $0x1;
	_ =	shalt  }
.Lfunc_end2:
_tile_overlayer_lowered:
.L_overlay_start_2:
0x3e: {  	(tag) =	ssettag $0x2  }
0x3f: {  	s0 =	rddreg [dreg:$0x0];
	s2 =	stileid.u32  }
0x40: {  	s1 =	rddreg [dreg:$0x1];
	p0 =	sne.s32 s2, $0x0  }
0x41: {  	s3 =	rddreg [dreg:$0x2];
	[bflag:$0x3] =	sbarrier.arrive $0xFFFF;
	s2 =	simm.s32 @!p0 $0x1C01  }
0x42: {  	[timem:s3], [sflag:s2] =	dma.local @!p0 [hbm:s0], s1  }
0x43: {  	s0 =	simm.s32 @!p0 $0x1  }
0x44: {  	_ =	swait.ge @!p0 [sflag:s0], s1  }
0x45: {  	s1 =	ssub.s32 @!p0 $0x0, s1;
	[sflag:s0] =	ssyncset.done @!p0 $0x0  }
0x46: {  	[sflag:s0] =	ssyncadd.s32 @!p0 s1  }
0x47: {  	[bflag:$0x3] =	sbarrier.arrive $0xFFFF  }
0x48: {  	_ =	shalt  }

// kernel: kernel.16.cloned.1.call-start
scs
__scs_entry_jumppad:
0x0: {  	(pc) =	sbr.rel $0x88, $3  }
0x1: {  	(tag) =	ssettag $0x0;
	lr =	simm.s32 $0x1  }
0x2: {  	[smem:$0x3F94] =	sst lr;
	_ =	strace $0xD0000000  }
0x3: {  	_ = 	snop  }
0x4: {  	_ = 	snop  }
0x5: {  	_ = 	snop  }
0x6: {  	_ = 	snop  }
0x7: {  	_ = 	snop  }
__scs_overlays_trampoline_lowered:
0x8: {  	[smem:$0x3FA3] =	sst s0  }
0x9: {  	[smem:$0x3FA4] =	sst s1  }
0xa: {  	[smem:$0x3FA5] =	sst s2  }
0xb: {  	[smem:$0x3FA6] =	sst s3  }
0xc: {  	[smem:$0x3FA7] =	sst s4  }
0xd: {  	[smem:$0x3FA8] =	sst s5  }
0xe: {  	[smem:$0x3FA9] =	sst s6  }
0xf: {  	[smem:$0x3FAA] =	sst s7  }
0x10: {  	[smem:$0x3FAB] =	sst s8  }
0x11: {  	[smem:$0x3FAC] =	sst s9;
	s0 =	simm.s32 @!p0 $0x0  }
0x12: {  	s1 =	sld [smem:$0x3F92];
	s0 =	simm.s32 @p0 $0x1  }
0x13: {  	[smem:$0x3FAD] =	sst s0;
	s0 =	simm.s32 @!p1 $0x0  }
0x14: {  	s2 =	sld [smem:$0x3F91];
	s0 =	simm.s32 @p1 $0x1  }
0x15: {  	[smem:$0x3FAE] =	sst s0;
	s0 =	simm.s32 @!p2 $0x0  }
0x16: {  	s3 =	sld [smem:$0x3FDB];
	s0 =	simm.s32 @p2 $0x1  }
0x17: {  	s4 =	simm.s32 $0x1BF5;
	[smem:$0x3FB0] =	sst s0  }
0x18: {  	s0 =	sld [smem:$0x3F93];
	_ =	swait.ge [sflag:s4], $0x0  }
0x19: {  	s7 =	sld [smem:$0x3F94]  }
0x1a: {  	s8 =	sadd.s32 $0xFFFFE003, lr  }
0x1b: {  	s9 =	sadd.s32 $0xFFFFFEF7, lr;
	s5 =	simm.s32 $0xFFFFFFFF;
	p2 =	slt.u32 s8, $0xFFFFF086  }
0x1c: {  	p1 =	slt.u32 s9, $0xF7A;
	s5 =	simm.s32 @!p2 $0x0  }
0x1d: {  	s5 =	simm.s32 @p1 $0x1;
	p0 =	seq.s32 s7, s2  }
0x1e: {  	s7 =	smul.u32 @!p0 $0xF7A, s2;
	p2 =	seq.s32 @!p0 s5, $0x0  }
0x1f: {  	s9 =	smul.u32 $0xF7A, s1;
	s8 =	simm.s32 @!p0 $0x1BF5;
	p2 =	por !p2, p0  }
0x20: {  	[sflag:s8] =	ssyncset.s32 @!p0 $0xFFFFF086;
	s6 =	sadd.s32 @!p0 s3, s7;
	s7 =	simm.s32 @!p0 $0x108  }
0x21: {  	s3 =	sadd.s32 s3, s9;
	s6 =	sadd.s32 @!p0 $0x88, s6;
	s7 =	simm.s32 @p2 $0x1082  }
0x22: {  	[simem:s7], [sflag:s8] =	dma.local @!p0 [hbm:s6], $0xF7A  }
0x23: {  	s9 =	sor.u32 $0xD0000000, s2;
	s6 =	simm.s32 $0x108;
	_ =	swait.ge @!p0 [sflag:s8], $0x0  }
0x24: {  	s3 =	sadd.s32 $0x88, s3;
	s6 =	simm.s32 @!p1 $0x1082;
	[sflag:s4] =	ssyncset.s32 $0xFFFFF086  }
0x25: {  	[simem:s6], [sflag:s4] =	dma.local [hbm:s3], $0xF7A  }
0x26: {  	[smem:$0x3F94] =	sst s1;
	(tag) =	ssettag s2;
	_ =	strace s9  }
0x27: {  	s1 =	sld [smem:$0x3FA4]  }
0x28: {  	s2 =	sld [smem:$0x3FA5]  }
0x29: {  	s4 =	sld [smem:$0x3FA7]  }
0x2a: {  	p0 =	seq.s32 s5, $0x0;
	s5 =	sld [smem:$0x3FA8]  }
0x2b: {  	s6 =	sld [smem:$0x3FA9]  }
0x2c: {  	s7 =	sld [smem:$0x3FAA]  }
0x2d: {  	s3 =	simm.s32 $0x108;
	s8 =	sld [smem:$0x3FAB]  }
0x2e: {  	s3 =	simm.s32 @!p0 $0x1082;
	s9 =	sld [smem:$0x3FAC]  }
0x2f: {  	lr =	sadd.s32 s0, s3;
	s0 =	sld [smem:$0x3FA3]  }
0x30: {  	s3 =	sld [smem:$0x3FA6]  }
0x31: {  	[smem:$0x3FAF] =	sst s10  }
0x32: {  	s10 =	sld [smem:$0x3FAD];
	_ =	sdelay $0x3  }
0x33: {  	p0 =	seq.s32 s10, $0x1;
	s10 =	sld [smem:$0x3FAF];
	_ =	sdelay $0x3  }
0x34: {  	[smem:$0x3FAF] =	sst s10  }
0x35: {  	s10 =	sld [smem:$0x3FAE];
	_ =	sdelay $0x3  }
0x36: {  	p1 =	seq.s32 s10, $0x1;
	s10 =	sld [smem:$0x3FAF];
	_ =	sdelay $0x3  }
0x37: {  	[smem:$0x3FAF] =	sst s10  }
0x38: {  	s10 =	sld [smem:$0x3FB0]  }
0x39: {  	_ = 	snop;
	(pc) =	sbr.ind lr, $3  }
0x3a: {  	_ = 	snop  }
0x3b: {  	_ = 	snop  }
0x3c: {  	p2 =	seq.s32 s10, $0x1;
	s10 =	sld [smem:$0x3FAF]  }
0x3d: {  	_ =	shalt  }
0x3e: {  	_ =	shalt  }
0x3f: {  	_ =	shalt  }
0x40: {  	_ =	shalt  }
0x41: {  	_ =	shalt  }
0x42: {  	_ =	shalt  }
0x43: {  	_ =	shalt  }
0x44: {  	_ =	shalt  }
0x45: {  	_ =	shalt  }
0x46: {  	_ =	shalt  }
0x47: {  	_ =	shalt  }
0x48: {  	_ =	shalt  }
0x49: {  	_ =	shalt  }
0x4a: {  	_ =	shalt  }
0x4b: {  	_ =	shalt  }
0x4c: {  	_ =	shalt  }
0x4d: {  	_ =	shalt  }
0x4e: {  	_ =	shalt  }
0x4f: {  	_ =	shalt  }
0x50: {  	_ =	shalt  }
0x51: {  	_ =	shalt  }
0x52: {  	_ =	shalt  }
0x53: {  	_ =	shalt  }
0x54: {  	_ =	shalt  }
0x55: {  	_ =	shalt  }
0x56: {  	_ =	shalt  }
0x57: {  	_ =	shalt  }
0x58: {  	_ =	shalt  }
0x59: {  	_ =	shalt  }
0x5a: {  	_ =	shalt  }
0x5b: {  	_ =	shalt  }
0x5c: {  	_ =	shalt  }
0x5d: {  	_ =	shalt  }
0x5e: {  	_ =	shalt  }
0x5f: {  	_ =	shalt  }
0x60: {  	_ =	shalt  }
0x61: {  	_ =	shalt  }
0x62: {  	_ =	shalt  }
0x63: {  	_ =	shalt  }
0x64: {  	_ =	shalt  }
0x65: {  	_ =	shalt  }
0x66: {  	_ =	shalt  }
0x67: {  	_ =	shalt  }
0x68: {  	_ =	shalt  }
0x69: {  	_ =	shalt  }
0x6a: {  	_ =	shalt  }
0x6b: {  	_ =	shalt  }
0x6c: {  	_ =	shalt  }
0x6d: {  	_ =	shalt  }
0x6e: {  	_ =	shalt  }
0x6f: {  	_ =	shalt  }
0x70: {  	_ =	shalt  }
0x71: {  	_ =	shalt  }
0x72: {  	_ =	shalt  }
0x73: {  	_ =	shalt  }
0x74: {  	_ =	shalt  }
0x75: {  	_ =	shalt  }
0x76: {  	_ =	shalt  }
0x77: {  	_ =	shalt  }
0x78: {  	_ =	shalt  }
0x79: {  	_ =	shalt  }
0x7a: {  	_ =	shalt  }
0x7b: {  	_ =	shalt  }
0x7c: {  	_ =	shalt  }
0x7d: {  	_ =	shalt  }
0x7e: {  	_ =	shalt  }
0x7f: {  	_ =	shalt  }
0x80: {  	_ =	shalt  }
0x81: {  	_ =	shalt  }
0x82: {  	_ =	shalt  }
0x83: {  	_ =	shalt  }
0x84: {  	_ =	shalt  }
0x85: {  	_ =	shalt  }
0x86: {  	_ =	shalt  }
0x87: {  	_ =	shalt  }
.Lfunc_end0:
.L_simem_size_0:
called_computation.2_lowered:
.L_overlay_start_0:
0x88: {  	s2 =	sld [smem:$0x3FD9]  }
0x89: {  	s3 =	sld [smem:$0x3FFE];
	_ =	sdelay $0x1  }
0x8a: {  	s1 =	srdreg.scid  }
0x8b: {  	s0 =	sand.u32 $0x1, s1  }
0x8c: {  	s17 =	sshll.u32 s0, $0xA;
	s2 =	sadd.s32 s3, s2  }
0x8d: {  	s2 =	sadd.s32 s2, s17  }
0x8e: {  	[smem:$0x3FBB] =	sst s2  }
0x8f: {  	_ = 	snop  }
0x90: {  	s2 =	sld [smem:$0x3FD0];
	(tm) =	ssettm $0x1  }
0x91: {  	s18 =	sld [smem:$0x3FFB];
	_ =	sdelay $0x3  }
0x92: {  	_ =	strace s18  }
0x93: {  	s3 =	sld [smem:$0x3FFC];
	_ =	sdelay $0x3  }
0x94: {  	_ =	strace s3  }
0x95: {  	s3 =	sld [smem:$0x3FFD];
	_ =	sdelay $0x3  }
0x96: {  	_ =	strace s3  }
0x97: {  	_ =	strace $0x8FFFFFFF  }
0x98: {  	s19 =	sld [smem:$0x3FDB];
	_ =	sdelay $0x1  }
0x99: {  	s4 =	simm.s32 $_scs_section_size  }
0x9a: {  	s5 =	simm.s32 $_size__tile_overlayer_lowered;
	s6 =	simm.s32 $_tile_overlayer_lowered  }
0x9b: {  	s22 =	simm.s32 $0x1BFF;
	s21 =	sshll.u32 s6, $0x1;
	s3 =	sadd.s32 s4, s19  }
0x9c: {  	s7 =	simm.s32 $0x0;
	s20 =	sshll.u32 s5, $0x1;
	s5 =	sadd.s32 s21, s3  }
0x9d: {  	[timem:s7], [sflag:s22] =	dma.local [hbm:s5], s20  }
0x9e: {  	_ =	swait.ge [sflag:s22], s20  }
0x9f: {  	s4 =	ssub.s32 $0x0, s20;
	[sflag:s22] =	ssyncset.done $0x0  }
0xa0: {  	[sflag:s22] =	ssyncadd.s32 s4;
	_ =	sdelay $0x1  }
0xa1: {  	s23 =	simm.s32 $0x1B8B  }
0xa2: {  	_ =	swait.ge [sflag:s23], $0x1  }
0xa3: {  	[sflag:s23] =	ssyncset.done $0x0  }
0xa4: {  	s25 =	simm.s32 $0x1B8E;
	s24 =	sld [smem:$0x3FFE];
	[sflag:s23] =	ssyncadd.s32 $0xFFFFFFFF  }
0xa5: {  	s26 =	simm.s32 $execute0_lowered;
	[smem:$0x3FD2] =	sst s25  }
0xa6: {  	s5 =	sshll.u32 s26, $0x1;
	_ =	strace $0x8000004C;
	[dreg:$0x1] =	wrdreg $0xFFFFFFFF  }
0xa7: {  	s28 =	simm.s32 $_size_execute0_lowered;
	s3 =	sadd.s32 s3, s5;
	[dreg:$0x0] =	wrdreg $0x0  }
0xa8: {  	s5 =	sshll.u32 s28, $0x1;
	[dreg:$0x2] =	wrdreg s3  }
0xa9: {  	[dreg:$0x3] =	wrdreg s5  }
0xaa: {  	[dreg:$0x4] =	wrdreg $0xC0  }
0xab: {  	_ =	task [dreg:s7], $0x5FFFF  }
0xac: {  	[dreg:$0x1] =	wrdreg $0xFFFFFFFF  }
0xad: {  	[dreg:$0x0] =	wrdreg $0x60  }
0xae: {  	[dreg:$0x2] =	wrdreg s24  }
0xaf: {  	[dreg:$0x3] =	wrdreg s2  }
0xb0: {  	[dreg:$0x4] =	wrdreg $0x56000  }
0xb1: {  	[dreg:$0x5] =	wrdreg $0x42000  }
0xb2: {  	[dreg:$0x6] =	wrdreg $0x9  }
0xb3: {  	_ =	task.clear_ibuf [dreg:s7], $0x7FFFF;
	_ =	strace $0x9000004C  }
0xb4: {  	s29 =	simm.s32 $0x9;
	_ =	strace $0x8000004E  }
0xb5: {  	_ =	swait.ge [sflag:s29], $0x1  }
0xb6: {  	[sflag:s29] =	ssyncadd.s32 $0xFFFFFFFF  }
0xb7: {  	_ =	strace $0x9000004E  }
0xb8: {  	_ =	sfence  }
0xb9: {  	s30 =	sld [smem:$0x0];
	_ =	sdelay $0x2  }
0xba: {  	s31 =	sshll.u32 s1, $0xD;
	s1 =	sshrl.u32 s1, $0x2  }
0xbb: {  	s3 =	sand.u32 $0x4000, s31;
	s1 =	sadd.s32 s1, s30  }
0xbc: {  	s0 =	sor.u32 s3, s0;
	s1 =	sshll.u32 s1, $0x11  }
0xbd: {  	s0 =	sor.u32 s1, s0  }
0xbe: {  	s0 =	sadd.s32 $0x8F2B, s0  }
0xbf: {  	[sflag:s0] =	ssyncadd.remote.s32 $0x1  }
0xc0: {  	_ =	sfence.sel $0xFFFF  }
0xc1: {  	[dreg:$0x0] =	wrdreg $0xFFFFFFFF;
	(pc) =	sbr.abs _section_cstart, $3  }
0xc2: {  	[dreg:$0x1] =	wrdreg $0xFFFFFFFF  }
0xc3: {  	_ =	task.clear_ibuf [dreg:s7], $0x2FFFF;
	_ =	strace $0x9FFFFFFF  }
0xc4: {  	(tm) =	ssettm $0x7FFFFFFF  }
0xc5: {  	_ =	shalt  }
tec
execute0_lowered:
.L_overlay_start_1:
0x0: {  	(tag) =	ssettag $0x1  }
0x1: {  	s9 =	rddreg [dreg:$0x0]  }
0x2: {  	s2 =	rddreg [dreg:$0x1]  }
0x3: {  	s3 =	rddreg [dreg:$0x2]  }
0x4: {  	s4 =	rddreg [dreg:$0x3]  }
0x5: {  	s0 =	rddreg [dreg:$0x4]  }
0x6: {  	s1 =	stileid.u32;
	s6 =	srdreg.scid  }
0x7: {  	s5 =	simm.s32 $0x0;
	s21 =	simm.s32 $0x4000;
	s22 =	simm.s32 $0x4100  }
0x8: {  	s23 =	simm.s32 $0x4080;
	s24 =	simm.s32 $0x80;
	s25 =	simm.s32 $0x1  }
0x9: {  	s26 =	simm.s32 $0x0;
	s10 =	smul.u32 $0x1400, s1;
	s11 =	sand.u32 $0x1, s6  }
0xa: {  	[smem:$0x7FF] =	sst s5;
	s13 =	smul.u32 $0x14000, s1;
	s6 =	sadd.s32 $0x17E600, s9  }
0xb: {  	s7 =	sadd.s32 $0xD400, s9;
	s8 =	sadd.s32 $0x3400, s9;
	s16 =	smul.u32 $0x50000, s1  }
0xc: {  	s30 =	sshll.u32 s1, $0x6;
	s12 =	smul.u32 $0x140000, s11;
	_ =	strace $0x8000004D  }
0xd: {  	s29 =	ssub.s32 $0x2, s11;
	s11 =	sshll.u32 s11, $0x4;
	s14 =	sshrl.u32 s10, $0x3  }
0xe: {  	s15 =	sshrl.u32 s29, $0x1;
	s19 =	sor.u32 s1, s11;
	s20 =	sadd.s32 s10, s4  }
0xf: {  	s31 =	sshrl.u32 s16, $0x2;
	s10 =	sor.u32 $0x1C02, s30;
	s12 =	sadd.s32 s13, s12  }
0x10: {  	s28 =	sadd.s32 s14, s9;
	s18 =	ssub.s32 s29, s15;
	s11 =	sadd.s32 s31, s3  }
0x11: {  	s16 =	smul.u32 $0x50, s19;
	s19 =	sshrl.u32 s20, $0x3;
	s20 =	simm.s32 $0x2  }
0x12: {  	s12 =	sshrl.u32 s12, $0x3;
	s13 =	sadd.s32 $0x8000, s11;
	s14 =	sadd.s32 $0xC000, s11  }
0x13: {  	v1 =	vlaneseq.u32;
	s15 =	sadd.s32 $0x10000, s11;
	s18 =	smax.u32 s18, $0x1;
	s17 =	sadd.s32 s12, s9  }
0x14: {  	v0 =	vimm.f32 $0.0e+00;
	v1 =	vmul.u32 $0x80, v1;
	s9 =	sadd.s32 $0x1C400, s28;
	s12 =	sadd.s32 $0x4000, s11;
	s17 =	sadd.s32 $0x2DE000, s17  }
.LBB2_1:
0x15: {  	[spmem:s19], [sflag:s10] =	dma.local [hbm:s9], $0x280  }
0x16: {  	_ =	swait.ge [sflag:s20], $0x280  }
0x17: {  	[sflag:s20] =	ssyncset.done $0x0  }
0x18: {  	s28 =	simm.s32 $0x0;
	s29 =	simm.s32 $0x200;
	[sflag:s20] =	ssyncadd.s32 $0xFFFFFD80  }
.LBB2_2:
0x19: {  	p0 =	sne.s32 s29, $0xFE00;
	[tilespmem:s28+$0x70] =	vst v0  }
0x1a: {  	[tilespmem:s28+$0x0] =	vst v0  }
0x1b: {  	[tilespmem:s28+$0x10] =	vst v0  }
.Ltmp0:
0x1c: {  	[tilespmem:s28+$0x20] =	vst v0;
	(pc) =	sbr.rel @p0 .LBB2_2-.Ltmp0, $4  }
0x1d: {  	[tilespmem:s28+$0x30] =	vst v0  }
0x1e: {  	[tilespmem:s28+$0x40] =	vst v0  }
0x1f: {  	[tilespmem:s28+$0x50] =	vst v0  }
0x20: {  	[tilespmem:s28+$0x60] =	vst v0;
	s28 =	sshra.s32 s29, $0x2;
	s29 =	sadd.s32 $0x200, s29  }
0x21: {  	[tilespmem:s28+$0x70] =	vst v0  }
0x22: {  	[tilespmem:s28+$0x0] =	vst v0  }
0x23: {  	[tilespmem:s28+$0x10] =	vst v0  }
0x24: {  	[tilespmem:s28+$0x20] =	vst v0  }
0x25: {  	[tilespmem:s28+$0x30] =	vst v0  }
0x26: {  	[tilespmem:s28+$0x40] =	vst v0  }
0x27: {  	[tilespmem:s28+$0x50] =	vst v0  }
0x28: {  	[tilespmem:s28+$0x60] =	vst v0;
	s28 =	simm.s32 $0x0  }
0x29: {  	[spmem:s11] =	stream.linear.scatter [tilespmem:s28], [sflag:$0x2], $0x4000, $0x38;
	[tilespmem:$0x19600] =	vst v63  }
0x2a: {  	_ =	swait.ge [sflag:s20], $0x4000  }
0x2b: {  	[sflag:s20] =	ssyncset.done $0x0  }
0x2c: {  	[sflag:s20] =	ssyncadd.s32 $0xFFFFC000  }
0x2d: {  	[spmem:s12] =	stream.linear.scatter [tilespmem:s28], [sflag:$0x2], $0x4000, $0x38;
	[tilespmem:$0x19600] =	vst v63  }
0x2e: {  	_ =	swait.ge [sflag:s20], $0x4000  }
0x2f: {  	[sflag:s20] =	ssyncset.done $0x0  }
0x30: {  	[sflag:s20] =	ssyncadd.s32 $0xFFFFC000  }
0x31: {  	[spmem:s13] =	stream.linear.scatter [tilespmem:s28], [sflag:$0x2], $0x4000, $0x38;
	[tilespmem:$0x19600] =	vst v63  }
0x32: {  	_ =	swait.ge [sflag:s20], $0x4000  }
0x33: {  	[sflag:s20] =	ssyncset.done $0x0  }
0x34: {  	[sflag:s20] =	ssyncadd.s32 $0xFFFFC000  }
0x35: {  	[spmem:s14] =	stream.linear.scatter [tilespmem:s28], [sflag:$0x2], $0x4000, $0x38;
	[tilespmem:$0x19600] =	vst v63  }
0x36: {  	_ =	swait.ge [sflag:s20], $0x4000  }
0x37: {  	[sflag:s20] =	ssyncset.done $0x0  }
0x38: {  	[sflag:s20] =	ssyncadd.s32 $0xFFFFC000  }
0x39: {  	[spmem:s15] =	stream.linear.scatter [tilespmem:s28], [sflag:$0x2], $0x4000, $0x38;
	[tilespmem:$0x19600] =	vst v63  }
0x3a: {  	_ =	swait.ge [sflag:s20], $0x4000  }
0x3b: {  	[sflag:s20] =	ssyncset.done $0x0  }
0x3c: {  	[sflag:s20] =	ssyncadd.s32 $0xFFFFC000  }
0x3d: {  	s29 =	simm.s32 $0x0;
	[bflag:$0x0] =	sbarrier.arrive $0xFFFF  }
.LBB2_4:
0x3e: {  	s30 =	sadd.s32 s16, s29  }
0x3f: {  	s30 =	sshll.u32 s30, $0x4  }
0x40: {  	s31 =	sadd.s32 s7, s30  }
0x41: {  	[tilespmem:s21], [sflag:$0x2] =	stream.linear.gather [hbm4b:s31+s28], $0x80, $0x38;
	[tilespmem:$0x19600] =	vst v63  }
0x42: {  	_ =	swait.ge [sflag:s20], $0x80  }
0x43: {  	[sflag:s20] =	ssyncset.done $0x0  }
0x44: {  	s31 =	sadd.s32 s8, s30;
	[sflag:s20] =	ssyncadd.s32 $0xFFFFFF80  }
0x45: {  	[tilespmem:s22], [sflag:$0x2] =	stream.linear.gather [hbm4b:s31+s28], $0x80, $0x38;
	[tilespmem:$0x19600] =	vst v63  }
0x46: {  	_ =	swait.ge [sflag:s20], $0x80  }
0x47: {  	[sflag:s20] =	ssyncset.done $0x0  }
0x48: {  	s30 =	sadd.s32 s2, s30;
	[sflag:s20] =	ssyncadd.s32 $0xFFFFFF80  }
0x49: {  	[tilespmem:s23], [sflag:$0x2] =	stream.linear.gather [hbm4b:s30+s28], $0x80, $0x38;
	[tilespmem:$0x19600] =	vst v63  }
0x4a: {  	_ =	swait.ge [sflag:s20], $0x80  }
0x4b: {  	[sflag:s20] =	ssyncset.done $0x0  }
0x4c: {  	[sflag:s20] =	ssyncadd.s32 $0xFFFFFF80  }
0x4d: {  	[tilespmem:s28], [sflag:$0x1] =	stream.indirect.gather [hbm4b:s6+s24], $0x80, s21, s24, $0xb8;
	[tilespmem:$0x19600] =	vst v63  }
0x4e: {  	_ =	swait.ge [sflag:s25], $0x4000  }
0x4f: {  	[sflag:s25] =	ssyncset.done $0x0  }
0x50: {  	s30 =	simm.s32 $0x4180;
	[sflag:s25] =	ssyncadd.s32 $0xFFFFC000  }
0x51: {  	[tilespmem:s30], [sflag:$0x2] =	stream.indirect.gather [spmem:s4], $0x1, s22, s24, $0xb8;
	[tilespmem:$0x19600] =	vst v63  }
0x52: {  	_ =	swait.ge [sflag:s20], $0x80  }
0x53: {  	[sflag:s20] =	ssyncset.done $0x0  }
0x54: {  	s31 =	simm.s32 $0x0;
	[sflag:s20] =	ssyncadd.s32 $0xFFFFFF80  }
.LBB2_5:
0x55: {  	v2 =	vmov s31  }
0x56: {  	v2 =	vshll.u32 v2, $0x7  }
0x57: {  	v3 =	vor.u32 v1, v2;
	_ =	sdelay $0x3  }
0x58: {  	v2 =	vld [tilespmem:s30+$0x0]  }
0x59: {  	v4 =	vld.idx.msk [tilespmem:v3+s5+$0x0], $0xffff;
	_ =	sdelay $0x2  }
0x5a: {  	v5 =	vor.u32 $0x1, v3;
	_ =	sdelay $0x1  }
0x5b: {  	v4 =	vmul.f32 v4, v2;
	_ =	sdelay $0x1  }
0x5c: {  	[tilespmem:v3+s5+$0x0] =	vst.idx.msk $0xffff, v4  }
0x5d: {  	v4 =	vld.idx.msk [tilespmem:v5+s5+$0x0], $0xffff;
	_ =	sdelay $0x2  }
0x5e: {  	v6 =	vor.u32 $0x2, v3;
	_ =	sdelay $0x1  }
0x5f: {  	v4 =	vmul.f32 v4, v2;
	_ =	sdelay $0x1  }
0x60: {  	[tilespmem:v5+s5+$0x0] =	vst.idx.msk $0xffff, v4  }
0x61: {  	v4 =	vld.idx.msk [tilespmem:v6+s5+$0x0], $0xffff;
	_ =	sdelay $0x2  }
0x62: {  	v50 =	vor.u32 $0x3, v3;
	_ =	sdelay $0x1  }
0x63: {  	v4 =	vmul.f32 v4, v2;
	_ =	sdelay $0x1  }
0x64: {  	[tilespmem:v6+s5+$0x0] =	vst.idx.msk $0xffff, v4  }
0x65: {  	v4 =	vld.idx.msk [tilespmem:v50+s5+$0x0], $0xffff;
	_ =	sdelay $0x2  }
0x66: {  	v51 =	vor.u32 $0x4, v3;
	_ =	sdelay $0x1  }
0x67: {  	v4 =	vmul.f32 v4, v2;
	_ =	sdelay $0x1  }
0x68: {  	[tilespmem:v50+s5+$0x0] =	vst.idx.msk $0xffff, v4  }
0x69: {  	v4 =	vld.idx.msk [tilespmem:v51+s5+$0x0], $0xffff;
	_ =	sdelay $0x2  }
0x6a: {  	v52 =	vor.u32 $0x5, v3;
	_ =	sdelay $0x1  }
0x6b: {  	v4 =	vmul.f32 v4, v2;
	_ =	sdelay $0x1  }
0x6c: {  	[tilespmem:v51+s5+$0x0] =	vst.idx.msk $0xffff, v4  }
0x6d: {  	v4 =	vld.idx.msk [tilespmem:v52+s5+$0x0], $0xffff;
	_ =	sdelay $0x2  }
0x6e: {  	v53 =	vor.u32 $0x6, v3;
	_ =	sdelay $0x1  }
0x6f: {  	v4 =	vmul.f32 v4, v2;
	_ =	sdelay $0x1  }
0x70: {  	[tilespmem:v52+s5+$0x0] =	vst.idx.msk $0xffff, v4  }
0x71: {  	v4 =	vld.idx.msk [tilespmem:v53+s5+$0x0], $0xffff;
	_ =	sdelay $0x2  }
0x72: {  	v54 =	vor.u32 $0x7, v3;
	_ =	sdelay $0x1  }
0x73: {  	v4 =	vmul.f32 v4, v2;
	_ =	sdelay $0x1  }
0x74: {  	[tilespmem:v53+s5+$0x0] =	vst.idx.msk $0xffff, v4  }
0x75: {  	v4 =	vld.idx.msk [tilespmem:v54+s5+$0x0], $0xffff;
	_ =	sdelay $0x2  }
0x76: {  	v55 =	vor.u32 $0x8, v3;
	_ =	sdelay $0x1  }
0x77: {  	v4 =	vmul.f32 v4, v2;
	_ =	sdelay $0x1  }
0x78: {  	[tilespmem:v54+s5+$0x0] =	vst.idx.msk $0xffff, v4  }
0x79: {  	v4 =	vld.idx.msk [tilespmem:v55+s5+$0x0], $0xffff;
	_ =	sdelay $0x2  }
0x7a: {  	v56 =	vor.u32 $0x9, v3;
	_ =	sdelay $0x1  }
0x7b: {  	v4 =	vmul.f32 v4, v2;
	_ =	sdelay $0x1  }
0x7c: {  	[tilespmem:v55+s5+$0x0] =	vst.idx.msk $0xffff, v4  }
0x7d: {  	v4 =	vld.idx.msk [tilespmem:v56+s5+$0x0], $0xffff;
	_ =	sdelay $0x2  }
0x7e: {  	v57 =	vor.u32 $0xA, v3;
	_ =	sdelay $0x1  }
0x7f: {  	v4 =	vmul.f32 v4, v2;
	_ =	sdelay $0x1  }
0x80: {  	[tilespmem:v56+s5+$0x0] =	vst.idx.msk $0xffff, v4  }
0x81: {  	v4 =	vld.idx.msk [tilespmem:v57+s5+$0x0], $0xffff;
	_ =	sdelay $0x2  }
0x82: {  	v58 =	vor.u32 $0xB, v3;
	_ =	sdelay $0x1  }
0x83: {  	v4 =	vmul.f32 v4, v2;
	_ =	sdelay $0x1  }
0x84: {  	[tilespmem:v57+s5+$0x0] =	vst.idx.msk $0xffff, v4  }
0x85: {  	v4 =	vld.idx.msk [tilespmem:v58+s5+$0x0], $0xffff;
	_ =	sdelay $0x2  }
0x86: {  	v59 =	vor.u32 $0xC, v3;
	_ =	sdelay $0x1  }
0x87: {  	v4 =	vmul.f32 v4, v2;
	_ =	sdelay $0x1  }
0x88: {  	[tilespmem:v58+s5+$0x0] =	vst.idx.msk $0xffff, v4  }
0x89: {  	v4 =	vld.idx.msk [tilespmem:v59+s5+$0x0], $0xffff;
	_ =	sdelay $0x2  }
0x8a: {  	v60 =	vor.u32 $0xD, v3;
	_ =	sdelay $0x1  }
0x8b: {  	v4 =	vmul.f32 v4, v2;
	_ =	sdelay $0x1  }
0x8c: {  	[tilespmem:v59+s5+$0x0] =	vst.idx.msk $0xffff, v4  }
0x8d: {  	v4 =	vld.idx.msk [tilespmem:v60+s5+$0x0], $0xffff;
	_ =	sdelay $0x2  }
0x8e: {  	v61 =	vor.u32 $0xE, v3;
	_ =	sdelay $0x1  }
0x8f: {  	v4 =	vmul.f32 v4, v2;
	_ =	sdelay $0x1  }
0x90: {  	[tilespmem:v60+s5+$0x0] =	vst.idx.msk $0xffff, v4  }
0x91: {  	v4 =	vld.idx.msk [tilespmem:v61+s5+$0x0], $0xffff;
	_ =	sdelay $0x2  }
0x92: {  	v62 =	vor.u32 $0xF, v3;
	_ =	sdelay $0x1  }
0x93: {  	v4 =	vmul.f32 v4, v2;
	_ =	sdelay $0x1  }
0x94: {  	[tilespmem:v61+s5+$0x0] =	vst.idx.msk $0xffff, v4  }
0x95: {  	v4 =	vld.idx.msk [tilespmem:v62+s5+$0x0], $0xffff;
	_ =	sdelay $0x2  }
0x96: {  	v63 =	vor.u32 $0x10, v3;
	_ =	sdelay $0x1  }
0x97: {  	v4 =	vmul.f32 v4, v2;
	_ =	sdelay $0x1  }
0x98: {  	[tilespmem:v62+s5+$0x0] =	vst.idx.msk $0xffff, v4  }
0x99: {  	v4 =	vld.idx.msk [tilespmem:v63+s5+$0x0], $0xffff;
	_ =	sdelay $0x2  }
0x9a: {  	v9 =	vor.u32 $0x11, v3;
	_ =	sdelay $0x1  }
0x9b: {  	v4 =	vmul.f32 v4, v2;
	_ =	sdelay $0x1  }
0x9c: {  	[tilespmem:v63+s5+$0x0] =	vst.idx.msk $0xffff, v4  }
0x9d: {  	v4 =	vld.idx.msk [tilespmem:v9+s5+$0x0], $0xffff;
	_ =	sdelay $0x2  }
0x9e: {  	v10 =	vor.u32 $0x12, v3;
	_ =	sdelay $0x1  }
0x9f: {  	v4 =	vmul.f32 v4, v2;
	_ =	sdelay $0x1  }
0xa0: {  	[tilespmem:v9+s5+$0x0] =	vst.idx.msk $0xffff, v4  }
0xa1: {  	v4 =	vld.idx.msk [tilespmem:v10+s5+$0x0], $0xffff;
	_ =	sdelay $0x2  }
0xa2: {  	v11 =	vor.u32 $0x13, v3;
	_ =	sdelay $0x1  }
0xa3: {  	v4 =	vmul.f32 v4, v2;
	_ =	sdelay $0x1  }
0xa4: {  	[tilespmem:v10+s5+$0x0] =	vst.idx.msk $0xffff, v4  }
0xa5: {  	v4 =	vld.idx.msk [tilespmem:v11+s5+$0x0], $0xffff;
	_ =	sdelay $0x2  }
0xa6: {  	v12 =	vor.u32 $0x14, v3;
	_ =	sdelay $0x1  }
0xa7: {  	v4 =	vmul.f32 v4, v2;
	_ =	sdelay $0x1  }
0xa8: {  	[tilespmem:v11+s5+$0x0] =	vst.idx.msk $0xffff, v4  }
0xa9: {  	v4 =	vld.idx.msk [tilespmem:v12+s5+$0x0], $0xffff;
	_ =	sdelay $0x2  }
0xaa: {  	v13 =	vor.u32 $0x15, v3;
	_ =	sdelay $0x1  }
0xab: {  	v4 =	vmul.f32 v4, v2;
	_ =	sdelay $0x1  }
0xac: {  	[tilespmem:v12+s5+$0x0] =	vst.idx.msk $0xffff, v4  }
0xad: {  	v4 =	vld.idx.msk [tilespmem:v13+s5+$0x0], $0xffff;
	_ =	sdelay $0x2  }
0xae: {  	v14 =	vor.u32 $0x16, v3;
	_ =	sdelay $0x1  }
0xaf: {  	v4 =	vmul.f32 v4, v2;
	_ =	sdelay $0x1  }
0xb0: {  	[tilespmem:v13+s5+$0x0] =	vst.idx.msk $0xffff, v4  }
0xb1: {  	v4 =	vld.idx.msk [tilespmem:v14+s5+$0x0], $0xffff;
	_ =	sdelay $0x2  }
0xb2: {  	v15 =	vor.u32 $0x17, v3;
	_ =	sdelay $0x1  }
0xb3: {  	v4 =	vmul.f32 v4, v2;
	_ =	sdelay $0x1  }
0xb4: {  	[tilespmem:v14+s5+$0x0] =	vst.idx.msk $0xffff, v4  }
0xb5: {  	v4 =	vld.idx.msk [tilespmem:v15+s5+$0x0], $0xffff;
	_ =	sdelay $0x2  }
0xb6: {  	v16 =	vor.u32 $0x18, v3;
	_ =	sdelay $0x1  }
0xb7: {  	v4 =	vmul.f32 v4, v2;
	_ =	sdelay $0x1  }
0xb8: {  	[tilespmem:v15+s5+$0x0] =	vst.idx.msk $0xffff, v4  }
0xb9: {  	v4 =	vld.idx.msk [tilespmem:v16+s5+$0x0], $0xffff;
	_ =	sdelay $0x2  }
0xba: {  	v17 =	vor.u32 $0x19, v3;
	_ =	sdelay $0x1  }
0xbb: {  	v4 =	vmul.f32 v4, v2;
	_ =	sdelay $0x1  }
0xbc: {  	[tilespmem:v16+s5+$0x0] =	vst.idx.msk $0xffff, v4  }
0xbd: {  	v4 =	vld.idx.msk [tilespmem:v17+s5+$0x0], $0xffff;
	_ =	sdelay $0x2  }
0xbe: {  	v18 =	vor.u32 $0x1A, v3;
	_ =	sdelay $0x1  }
0xbf: {  	v4 =	vmul.f32 v4, v2;
	_ =	sdelay $0x1  }
0xc0: {  	[tilespmem:v17+s5+$0x0] =	vst.idx.msk $0xffff, v4  }
0xc1: {  	v4 =	vld.idx.msk [tilespmem:v18+s5+$0x0], $0xffff;
	_ =	sdelay $0x2  }
0xc2: {  	v19 =	vor.u32 $0x1B, v3;
	_ =	sdelay $0x1  }
0xc3: {  	v4 =	vmul.f32 v4, v2;
	_ =	sdelay $0x1  }
0xc4: {  	[tilespmem:v18+s5+$0x0] =	vst.idx.msk $0xffff, v4  }
0xc5: {  	v4 =	vld.idx.msk [tilespmem:v19+s5+$0x0], $0xffff;
	_ =	sdelay $0x2  }
0xc6: {  	v20 =	vor.u32 $0x1C, v3;
	_ =	sdelay $0x1  }
0xc7: {  	v4 =	vmul.f32 v4, v2;
	_ =	sdelay $0x1  }
0xc8: {  	[tilespmem:v19+s5+$0x0] =	vst.idx.msk $0xffff, v4  }
0xc9: {  	v4 =	vld.idx.msk [tilespmem:v20+s5+$0x0], $0xffff;
	_ =	sdelay $0x2  }
0xca: {  	v21 =	vor.u32 $0x1D, v3;
	_ =	sdelay $0x1  }
0xcb: {  	v4 =	vmul.f32 v4, v2;
	_ =	sdelay $0x1  }
0xcc: {  	[tilespmem:v20+s5+$0x0] =	vst.idx.msk $0xffff, v4  }
0xcd: {  	v4 =	vld.idx.msk [tilespmem:v21+s5+$0x0], $0xffff;
	_ =	sdelay $0x2  }
0xce: {  	v22 =	vor.u32 $0x1E, v3;
	_ =	sdelay $0x1  }
0xcf: {  	v4 =	vmul.f32 v4, v2;
	_ =	sdelay $0x1  }
0xd0: {  	[tilespmem:v21+s5+$0x0] =	vst.idx.msk $0xffff, v4  }
0xd1: {  	v4 =	vld.idx.msk [tilespmem:v22+s5+$0x0], $0xffff;
	_ =	sdelay $0x2  }
0xd2: {  	v23 =	vor.u32 $0x1F, v3;
	_ =	sdelay $0x1  }
0xd3: {  	v4 =	vmul.f32 v4, v2;
	_ =	sdelay $0x1  }
0xd4: {  	[tilespmem:v22+s5+$0x0] =	vst.idx.msk $0xffff, v4  }
0xd5: {  	v4 =	vld.idx.msk [tilespmem:v23+s5+$0x0], $0xffff;
	_ =	sdelay $0x2  }
0xd6: {  	v24 =	vor.u32 $0x20, v3;
	_ =	sdelay $0x1  }
0xd7: {  	v4 =	vmul.f32 v4, v2;
	_ =	sdelay $0x1  }
0xd8: {  	[tilespmem:v23+s5+$0x0] =	vst.idx.msk $0xffff, v4  }
0xd9: {  	v4 =	vld.idx.msk [tilespmem:v24+s5+$0x0], $0xffff;
	_ =	sdelay $0x2  }
0xda: {  	v25 =	vor.u32 $0x21, v3;
	_ =	sdelay $0x1  }
0xdb: {  	v4 =	vmul.f32 v4, v2;
	_ =	sdelay $0x1  }
0xdc: {  	[tilespmem:v24+s5+$0x0] =	vst.idx.msk $0xffff, v4  }
0xdd: {  	v4 =	vld.idx.msk [tilespmem:v25+s5+$0x0], $0xffff;
	_ =	sdelay $0x2  }
0xde: {  	v26 =	vor.u32 $0x22, v3;
	_ =	sdelay $0x1  }
0xdf: {  	v4 =	vmul.f32 v4, v2;
	_ =	sdelay $0x1  }
0xe0: {  	[tilespmem:v25+s5+$0x0] =	vst.idx.msk $0xffff, v4  }
0xe1: {  	v4 =	vld.idx.msk [tilespmem:v26+s5+$0x0], $0xffff;
	_ =	sdelay $0x2  }
0xe2: {  	v27 =	vor.u32 $0x23, v3;
	_ =	sdelay $0x1  }
0xe3: {  	v4 =	vmul.f32 v4, v2;
	_ =	sdelay $0x1  }
0xe4: {  	[tilespmem:v26+s5+$0x0] =	vst.idx.msk $0xffff, v4  }
0xe5: {  	v4 =	vld.idx.msk [tilespmem:v27+s5+$0x0], $0xffff;
	_ =	sdelay $0x2  }
0xe6: {  	v28 =	vor.u32 $0x24, v3;
	_ =	sdelay $0x1  }
0xe7: {  	v4 =	vmul.f32 v4, v2;
	_ =	sdelay $0x1  }
0xe8: {  	[tilespmem:v27+s5+$0x0] =	vst.idx.msk $0xffff, v4  }
0xe9: {  	v4 =	vld.idx.msk [tilespmem:v28+s5+$0x0], $0xffff;
	_ =	sdelay $0x2  }
0xea: {  	v29 =	vor.u32 $0x25, v3;
	_ =	sdelay $0x1  }
0xeb: {  	v4 =	vmul.f32 v4, v2;
	_ =	sdelay $0x1  }
0xec: {  	[tilespmem:v28+s5+$0x0] =	vst.idx.msk $0xffff, v4  }
0xed: {  	v4 =	vld.idx.msk [tilespmem:v29+s5+$0x0], $0xffff;
	_ =	sdelay $0x2  }
0xee: {  	v30 =	vor.u32 $0x26, v3;
	_ =	sdelay $0x1  }
0xef: {  	v4 =	vmul.f32 v4, v2;
	_ =	sdelay $0x1  }
0xf0: {  	[tilespmem:v29+s5+$0x0] =	vst.idx.msk $0xffff, v4  }
0xf1: {  	v4 =	vld.idx.msk [tilespmem:v30+s5+$0x0], $0xffff;
	_ =	sdelay $0x2  }
0xf2: {  	v31 =	vor.u32 $0x27, v3;
	_ =	sdelay $0x1  }
0xf3: {  	v4 =	vmul.f32 v4, v2;
	_ =	sdelay $0x1  }
0xf4: {  	[tilespmem:v30+s5+$0x0] =	vst.idx.msk $0xffff, v4  }
0xf5: {  	v4 =	vld.idx.msk [tilespmem:v31+s5+$0x0], $0xffff;
	_ =	sdelay $0x2  }
0xf6: {  	v32 =	vor.u32 $0x28, v3;
	_ =	sdelay $0x1  }
0xf7: {  	v4 =	vmul.f32 v4, v2;
	_ =	sdelay $0x1  }
0xf8: {  	[tilespmem:v31+s5+$0x0] =	vst.idx.msk $0xffff, v4  }
0xf9: {  	v4 =	vld.idx.msk [tilespmem:v32+s5+$0x0], $0xffff;
	_ =	sdelay $0x2  }
0xfa: {  	v33 =	vor.u32 $0x29, v3;
	_ =	sdelay $0x1  }
0xfb: {  	v4 =	vmul.f32 v4, v2;
	_ =	sdelay $0x1  }
0xfc: {  	[tilespmem:v32+s5+$0x0] =	vst.idx.msk $0xffff, v4  }
0xfd: {  	v4 =	vld.idx.msk [tilespmem:v33+s5+$0x0], $0xffff;
	_ =	sdelay $0x2  }
0xfe: {  	v34 =	vor.u32 $0x2A, v3;
	_ =	sdelay $0x1  }
0xff: {  	v4 =	vmul.f32 v4, v2;
	_ =	sdelay $0x1  }
0x100: {  	[tilespmem:v33+s5+$0x0] =	vst.idx.msk $0xffff, v4  }
0x101: {  	v4 =	vld.idx.msk [tilespmem:v34+s5+$0x0], $0xffff;
	_ =	sdelay $0x2  }
0x102: {  	v35 =	vor.u32 $0x2B, v3;
	_ =	sdelay $0x1  }
0x103: {  	v4 =	vmul.f32 v4, v2;
	_ =	sdelay $0x1  }
0x104: {  	[tilespmem:v34+s5+$0x0] =	vst.idx.msk $0xffff, v4  }
0x105: {  	v4 =	vld.idx.msk [tilespmem:v35+s5+$0x0], $0xffff;
	_ =	sdelay $0x2  }
0x106: {  	v36 =	vor.u32 $0x2C, v3;
	_ =	sdelay $0x1  }
0x107: {  	v4 =	vmul.f32 v4, v2;
	_ =	sdelay $0x1  }
0x108: {  	[tilespmem:v35+s5+$0x0] =	vst.idx.msk $0xffff, v4  }
0x109: {  	v4 =	vld.idx.msk [tilespmem:v36+s5+$0x0], $0xffff;
	_ =	sdelay $0x2  }
0x10a: {  	v37 =	vor.u32 $0x2D, v3;
	_ =	sdelay $0x1  }
0x10b: {  	v4 =	vmul.f32 v4, v2;
	_ =	sdelay $0x1  }
0x10c: {  	[tilespmem:v36+s5+$0x0] =	vst.idx.msk $0xffff, v4  }
0x10d: {  	v4 =	vld.idx.msk [tilespmem:v37+s5+$0x0], $0xffff;
	_ =	sdelay $0x2  }
0x10e: {  	v38 =	vor.u32 $0x2E, v3;
	_ =	sdelay $0x1  }
0x10f: {  	v4 =	vmul.f32 v4, v2;
	_ =	sdelay $0x1  }
0x110: {  	[tilespmem:v37+s5+$0x0] =	vst.idx.msk $0xffff, v4  }
0x111: {  	v4 =	vld.idx.msk [tilespmem:v38+s5+$0x0], $0xffff;
	_ =	sdelay $0x2  }
0x112: {  	v39 =	vor.u32 $0x2F, v3;
	_ =	sdelay $0x1  }
0x113: {  	v4 =	vmul.f32 v4, v2;
	_ =	sdelay $0x1  }
0x114: {  	[tilespmem:v38+s5+$0x0] =	vst.idx.msk $0xffff, v4  }
0x115: {  	v4 =	vld.idx.msk [tilespmem:v39+s5+$0x0], $0xffff;
	_ =	sdelay $0x2  }
0x116: {  	v40 =	vor.u32 $0x30, v3;
	_ =	sdelay $0x1  }
0x117: {  	v4 =	vmul.f32 v4, v2;
	_ =	sdelay $0x1  }
0x118: {  	[tilespmem:v39+s5+$0x0] =	vst.idx.msk $0xffff, v4  }
0x119: {  	v4 =	vld.idx.msk [tilespmem:v40+s5+$0x0], $0xffff;
	_ =	sdelay $0x2  }
0x11a: {  	v41 =	vor.u32 $0x31, v3;
	_ =	sdelay $0x1  }
0x11b: {  	v4 =	vmul.f32 v4, v2;
	_ =	sdelay $0x1  }
0x11c: {  	[tilespmem:v40+s5+$0x0] =	vst.idx.msk $0xffff, v4  }
0x11d: {  	v4 =	vld.idx.msk [tilespmem:v41+s5+$0x0], $0xffff;
	_ =	sdelay $0x2  }
0x11e: {  	v42 =	vor.u32 $0x32, v3;
	_ =	sdelay $0x1  }
0x11f: {  	v4 =	vmul.f32 v4, v2;
	_ =	sdelay $0x1  }
0x120: {  	[tilespmem:v41+s5+$0x0] =	vst.idx.msk $0xffff, v4  }
0x121: {  	v4 =	vld.idx.msk [tilespmem:v42+s5+$0x0], $0xffff;
	_ =	sdelay $0x2  }
0x122: {  	v43 =	vor.u32 $0x33, v3;
	_ =	sdelay $0x1  }
0x123: {  	v4 =	vmul.f32 v4, v2;
	_ =	sdelay $0x1  }
0x124: {  	[tilespmem:v42+s5+$0x0] =	vst.idx.msk $0xffff, v4  }
0x125: {  	v4 =	vld.idx.msk [tilespmem:v43+s5+$0x0], $0xffff;
	_ =	sdelay $0x2  }
0x126: {  	v44 =	vor.u32 $0x34, v3;
	_ =	sdelay $0x1  }
0x127: {  	v4 =	vmul.f32 v4, v2;
	_ =	sdelay $0x1  }
0x128: {  	[tilespmem:v43+s5+$0x0] =	vst.idx.msk $0xffff, v4  }
0x129: {  	v4 =	vld.idx.msk [tilespmem:v44+s5+$0x0], $0xffff;
	_ =	sdelay $0x2  }
0x12a: {  	v45 =	vor.u32 $0x35, v3;
	_ =	sdelay $0x1  }
0x12b: {  	v4 =	vmul.f32 v4, v2;
	_ =	sdelay $0x1  }
0x12c: {  	[tilespmem:v44+s5+$0x0] =	vst.idx.msk $0xffff, v4  }
0x12d: {  	v4 =	vld.idx.msk [tilespmem:v45+s5+$0x0], $0xffff;
	_ =	sdelay $0x2  }
0x12e: {  	v46 =	vor.u32 $0x36, v3;
	_ =	sdelay $0x1  }
0x12f: {  	v4 =	vmul.f32 v4, v2;
	_ =	sdelay $0x1  }
0x130: {  	[tilespmem:v45+s5+$0x0] =	vst.idx.msk $0xffff, v4  }
0x131: {  	v4 =	vld.idx.msk [tilespmem:v46+s5+$0x0], $0xffff;
	_ =	sdelay $0x2  }
0x132: {  	v47 =	vor.u32 $0x37, v3;
	_ =	sdelay $0x1  }
0x133: {  	v4 =	vmul.f32 v4, v2;
	_ =	sdelay $0x1  }
0x134: {  	[tilespmem:v46+s5+$0x0] =	vst.idx.msk $0xffff, v4  }
0x135: {  	v4 =	vld.idx.msk [tilespmem:v47+s5+$0x0], $0xffff;
	_ =	sdelay $0x2  }
0x136: {  	v48 =	vor.u32 $0x38, v3;
	_ =	sdelay $0x1  }
0x137: {  	v4 =	vmul.f32 v4, v2;
	_ =	sdelay $0x1  }
0x138: {  	[tilespmem:v47+s5+$0x0] =	vst.idx.msk $0xffff, v4  }
0x139: {  	v4 =	vld.idx.msk [tilespmem:v48+s5+$0x0], $0xffff;
	_ =	sdelay $0x2  }
0x13a: {  	v49 =	vor.u32 $0x39, v3;
	_ =	sdelay $0x1  }
0x13b: {  	v4 =	vmul.f32 v4, v2;
	_ =	sdelay $0x1  }
0x13c: {  	[tilespmem:v48+s5+$0x0] =	vst.idx.msk $0xffff, v4  }
0x13d: {  	v4 =	vld.idx.msk [tilespmem:v49+s5+$0x0], $0xffff;
	_ =	sdelay $0x2  }
0x13e: {  	v50 =	vor.u32 $0x3A, v3;
	_ =	sdelay $0x1  }
0x13f: {  	v4 =	vmul.f32 v4, v2;
	_ =	sdelay $0x1  }
0x140: {  	[tilespmem:v49+s5+$0x0] =	vst.idx.msk $0xffff, v4  }
0x141: {  	v4 =	vld.idx.msk [tilespmem:v50+s5+$0x0], $0xffff;
	_ =	sdelay $0x2  }
0x142: {  	v51 =	vor.u32 $0x3B, v3;
	_ =	sdelay $0x1  }
0x143: {  	v4 =	vmul.f32 v4, v2;
	_ =	sdelay $0x1  }
0x144: {  	[tilespmem:v50+s5+$0x0] =	vst.idx.msk $0xffff, v4  }
0x145: {  	v4 =	vld.idx.msk [tilespmem:v51+s5+$0x0], $0xffff;
	_ =	sdelay $0x2  }
0x146: {  	v52 =	vor.u32 $0x3C, v3;
	_ =	sdelay $0x1  }
0x147: {  	v4 =	vmul.f32 v4, v2;
	_ =	sdelay $0x1  }
0x148: {  	[tilespmem:v51+s5+$0x0] =	vst.idx.msk $0xffff, v4  }
0x149: {  	v4 =	vld.idx.msk [tilespmem:v52+s5+$0x0], $0xffff;
	_ =	sdelay $0x2  }
0x14a: {  	v53 =	vor.u32 $0x3D, v3;
	_ =	sdelay $0x1  }
0x14b: {  	v4 =	vmul.f32 v4, v2;
	_ =	sdelay $0x1  }
0x14c: {  	[tilespmem:v52+s5+$0x0] =	vst.idx.msk $0xffff, v4  }
0x14d: {  	v4 =	vld.idx.msk [tilespmem:v53+s5+$0x0], $0xffff;
	_ =	sdelay $0x2  }
0x14e: {  	v54 =	vor.u32 $0x3E, v3;
	_ =	sdelay $0x1  }
0x14f: {  	v4 =	vmul.f32 v4, v2;
	_ =	sdelay $0x1  }
0x150: {  	[tilespmem:v53+s5+$0x0] =	vst.idx.msk $0xffff, v4  }
0x151: {  	v4 =	vld.idx.msk [tilespmem:v54+s5+$0x0], $0xffff;
	_ =	sdelay $0x2  }
0x152: {  	v55 =	vor.u32 $0x3F, v3;
	_ =	sdelay $0x1  }
0x153: {  	v4 =	vmul.f32 v4, v2;
	_ =	sdelay $0x1  }
0x154: {  	[tilespmem:v54+s5+$0x0] =	vst.idx.msk $0xffff, v4  }
0x155: {  	v4 =	vld.idx.msk [tilespmem:v55+s5+$0x0], $0xffff;
	_ =	sdelay $0x2  }
0x156: {  	v56 =	vor.u32 $0x40, v3;
	_ =	sdelay $0x1  }
0x157: {  	v4 =	vmul.f32 v4, v2;
	_ =	sdelay $0x1  }
0x158: {  	[tilespmem:v55+s5+$0x0] =	vst.idx.msk $0xffff, v4  }
0x159: {  	v4 =	vld.idx.msk [tilespmem:v56+s5+$0x0], $0xffff;
	_ =	sdelay $0x2  }
0x15a: {  	v57 =	vor.u32 $0x41, v3;
	_ =	sdelay $0x1  }
0x15b: {  	v4 =	vmul.f32 v4, v2;
	_ =	sdelay $0x1  }
0x15c: {  	[tilespmem:v56+s5+$0x0] =	vst.idx.msk $0xffff, v4  }
0x15d: {  	v4 =	vld.idx.msk [tilespmem:v57+s5+$0x0], $0xffff;
	_ =	sdelay $0x2  }
0x15e: {  	v58 =	vor.u32 $0x42, v3;
	_ =	sdelay $0x1  }
0x15f: {  	v4 =	vmul.f32 v4, v2;
	_ =	sdelay $0x1  }
0x160: {  	[tilespmem:v57+s5+$0x0] =	vst.idx.msk $0xffff, v4  }
0x161: {  	v4 =	vld.idx.msk [tilespmem:v58+s5+$0x0], $0xffff;
	_ =	sdelay $0x2  }
0x162: {  	v59 =	vor.u32 $0x43, v3;
	_ =	sdelay $0x1  }
0x163: {  	v4 =	vmul.f32 v4, v2;
	_ =	sdelay $0x1  }
0x164: {  	[tilespmem:v58+s5+$0x0] =	vst.idx.msk $0xffff, v4  }
0x165: {  	v4 =	vld.idx.msk [tilespmem:v59+s5+$0x0], $0xffff;
	_ =	sdelay $0x2  }
0x166: {  	v60 =	vor.u32 $0x44, v3;
	_ =	sdelay $0x1  }
0x167: {  	v4 =	vmul.f32 v4, v2;
	_ =	sdelay $0x1  }
0x168: {  	[tilespmem:v59+s5+$0x0] =	vst.idx.msk $0xffff, v4  }
0x169: {  	v4 =	vld.idx.msk [tilespmem:v60+s5+$0x0], $0xffff;
	_ =	sdelay $0x2  }
0x16a: {  	v61 =	vor.u32 $0x45, v3;
	_ =	sdelay $0x1  }
0x16b: {  	v4 =	vmul.f32 v4, v2;
	_ =	sdelay $0x1  }
0x16c: {  	[tilespmem:v60+s5+$0x0] =	vst.idx.msk $0xffff, v4  }
0x16d: {  	v4 =	vld.idx.msk [tilespmem:v61+s5+$0x0], $0xffff;
	_ =	sdelay $0x2  }
0x16e: {  	v62 =	vor.u32 $0x46, v3;
	_ =	sdelay $0x1  }
0x16f: {  	v4 =	vmul.f32 v4, v2;
	_ =	sdelay $0x1  }
0x170: {  	[tilespmem:v61+s5+$0x0] =	vst.idx.msk $0xffff, v4  }
0x171: {  	v4 =	vld.idx.msk [tilespmem:v62+s5+$0x0], $0xffff;
	_ =	sdelay $0x2  }
0x172: {  	v63 =	vor.u32 $0x47, v3;
	_ =	sdelay $0x1  }
0x173: {  	v4 =	vmul.f32 v4, v2;
	_ =	sdelay $0x1  }
0x174: {  	[tilespmem:v62+s5+$0x0] =	vst.idx.msk $0xffff, v4  }
0x175: {  	v4 =	vld.idx.msk [tilespmem:v63+s5+$0x0], $0xffff;
	_ =	sdelay $0x2  }
0x176: {  	v9 =	vor.u32 $0x48, v3;
	_ =	sdelay $0x1  }
0x177: {  	v4 =	vmul.f32 v4, v2;
	_ =	sdelay $0x1  }
0x178: {  	[tilespmem:v63+s5+$0x0] =	vst.idx.msk $0xffff, v4  }
0x179: {  	v4 =	vld.idx.msk [tilespmem:v9+s5+$0x0], $0xffff;
	_ =	sdelay $0x2  }
0x17a: {  	v10 =	vor.u32 $0x49, v3;
	_ =	sdelay $0x1  }
0x17b: {  	v4 =	vmul.f32 v4, v2;
	_ =	sdelay $0x1  }
0x17c: {  	[tilespmem:v9+s5+$0x0] =	vst.idx.msk $0xffff, v4  }
0x17d: {  	v4 =	vld.idx.msk [tilespmem:v10+s5+$0x0], $0xffff;
	_ =	sdelay $0x2  }
0x17e: {  	v11 =	vor.u32 $0x4A, v3;
	_ =	sdelay $0x1  }
0x17f: {  	v4 =	vmul.f32 v4, v2;
	_ =	sdelay $0x1  }
0x180: {  	[tilespmem:v10+s5+$0x0] =	vst.idx.msk $0xffff, v4  }
0x181: {  	v4 =	vld.idx.msk [tilespmem:v11+s5+$0x0], $0xffff;
	_ =	sdelay $0x2  }
0x182: {  	v12 =	vor.u32 $0x4B, v3;
	_ =	sdelay $0x1  }
0x183: {  	v4 =	vmul.f32 v4, v2;
	_ =	sdelay $0x1  }
0x184: {  	[tilespmem:v11+s5+$0x0] =	vst.idx.msk $0xffff, v4  }
0x185: {  	v4 =	vld.idx.msk [tilespmem:v12+s5+$0x0], $0xffff;
	_ =	sdelay $0x2  }
0x186: {  	v13 =	vor.u32 $0x4C, v3;
	_ =	sdelay $0x1  }
0x187: {  	v4 =	vmul.f32 v4, v2;
	_ =	sdelay $0x1  }
0x188: {  	[tilespmem:v12+s5+$0x0] =	vst.idx.msk $0xffff, v4  }
0x189: {  	v4 =	vld.idx.msk [tilespmem:v13+s5+$0x0], $0xffff;
	_ =	sdelay $0x2  }
0x18a: {  	v14 =	vor.u32 $0x4D, v3;
	_ =	sdelay $0x1  }
0x18b: {  	v4 =	vmul.f32 v4, v2;
	_ =	sdelay $0x1  }
0x18c: {  	[tilespmem:v13+s5+$0x0] =	vst.idx.msk $0xffff, v4  }
0x18d: {  	v4 =	vld.idx.msk [tilespmem:v14+s5+$0x0], $0xffff;
	_ =	sdelay $0x2  }
0x18e: {  	v15 =	vor.u32 $0x4E, v3;
	_ =	sdelay $0x1  }
0x18f: {  	v4 =	vmul.f32 v4, v2;
	_ =	sdelay $0x1  }
0x190: {  	[tilespmem:v14+s5+$0x0] =	vst.idx.msk $0xffff, v4  }
0x191: {  	v4 =	vld.idx.msk [tilespmem:v15+s5+$0x0], $0xffff;
	_ =	sdelay $0x2  }
0x192: {  	v16 =	vor.u32 $0x4F, v3;
	_ =	sdelay $0x1  }
0x193: {  	v4 =	vmul.f32 v4, v2;
	_ =	sdelay $0x1  }
0x194: {  	[tilespmem:v15+s5+$0x0] =	vst.idx.msk $0xffff, v4  }
0x195: {  	v4 =	vld.idx.msk [tilespmem:v16+s5+$0x0], $0xffff;
	_ =	sdelay $0x2  }
0x196: {  	v17 =	vor.u32 $0x50, v3;
	_ =	sdelay $0x1  }
0x197: {  	v4 =	vmul.f32 v4, v2;
	_ =	sdelay $0x1  }
0x198: {  	[tilespmem:v16+s5+$0x0] =	vst.idx.msk $0xffff, v4  }
0x199: {  	v4 =	vld.idx.msk [tilespmem:v17+s5+$0x0], $0xffff;
	_ =	sdelay $0x2  }
0x19a: {  	v18 =	vor.u32 $0x51, v3;
	_ =	sdelay $0x1  }
0x19b: {  	v4 =	vmul.f32 v4, v2;
	_ =	sdelay $0x1  }
0x19c: {  	[tilespmem:v17+s5+$0x0] =	vst.idx.msk $0xffff, v4  }
0x19d: {  	v4 =	vld.idx.msk [tilespmem:v18+s5+$0x0], $0xffff;
	_ =	sdelay $0x2  }
0x19e: {  	v19 =	vor.u32 $0x52, v3;
	_ =	sdelay $0x1  }
0x19f: {  	v4 =	vmul.f32 v4, v2;
	_ =	sdelay $0x1  }
0x1a0: {  	[tilespmem:v18+s5+$0x0] =	vst.idx.msk $0xffff, v4  }
0x1a1: {  	v4 =	vld.idx.msk [tilespmem:v19+s5+$0x0], $0xffff;
	_ =	sdelay $0x2  }
0x1a2: {  	v20 =	vor.u32 $0x53, v3;
	_ =	sdelay $0x1  }
0x1a3: {  	v4 =	vmul.f32 v4, v2;
	_ =	sdelay $0x1  }
0x1a4: {  	[tilespmem:v19+s5+$0x0] =	vst.idx.msk $0xffff, v4  }
0x1a5: {  	v4 =	vld.idx.msk [tilespmem:v20+s5+$0x0], $0xffff;
	_ =	sdelay $0x2  }
0x1a6: {  	v21 =	vor.u32 $0x54, v3;
	_ =	sdelay $0x1  }
0x1a7: {  	v4 =	vmul.f32 v4, v2;
	_ =	sdelay $0x1  }
0x1a8: {  	[tilespmem:v20+s5+$0x0] =	vst.idx.msk $0xffff, v4  }
0x1a9: {  	v4 =	vld.idx.msk [tilespmem:v21+s5+$0x0], $0xffff;
	_ =	sdelay $0x2  }
0x1aa: {  	v22 =	vor.u32 $0x55, v3;
	_ =	sdelay $0x1  }
0x1ab: {  	v4 =	vmul.f32 v4, v2;
	_ =	sdelay $0x1  }
0x1ac: {  	[tilespmem:v21+s5+$0x0] =	vst.idx.msk $0xffff, v4  }
0x1ad: {  	v4 =	vld.idx.msk [tilespmem:v22+s5+$0x0], $0xffff;
	_ =	sdelay $0x2  }
0x1ae: {  	v23 =	vor.u32 $0x56, v3;
	_ =	sdelay $0x1  }
0x1af: {  	v4 =	vmul.f32 v4, v2;
	_ =	sdelay $0x1  }
0x1b0: {  	[tilespmem:v22+s5+$0x0] =	vst.idx.msk $0xffff, v4  }
0x1b1: {  	v4 =	vld.idx.msk [tilespmem:v23+s5+$0x0], $0xffff;
	_ =	sdelay $0x2  }
0x1b2: {  	v24 =	vor.u32 $0x57, v3;
	_ =	sdelay $0x1  }
0x1b3: {  	v4 =	vmul.f32 v4, v2;
	_ =	sdelay $0x1  }
0x1b4: {  	[tilespmem:v23+s5+$0x0] =	vst.idx.msk $0xffff, v4  }
0x1b5: {  	v4 =	vld.idx.msk [tilespmem:v24+s5+$0x0], $0xffff;
	_ =	sdelay $0x2  }
0x1b6: {  	v25 =	vor.u32 $0x58, v3;
	_ =	sdelay $0x1  }
0x1b7: {  	v4 =	vmul.f32 v4, v2;
	_ =	sdelay $0x1  }
0x1b8: {  	[tilespmem:v24+s5+$0x0] =	vst.idx.msk $0xffff, v4  }
0x1b9: {  	v4 =	vld.idx.msk [tilespmem:v25+s5+$0x0], $0xffff;
	_ =	sdelay $0x2  }
0x1ba: {  	v26 =	vor.u32 $0x59, v3;
	_ =	sdelay $0x1  }
0x1bb: {  	v4 =	vmul.f32 v4, v2;
	_ =	sdelay $0x1  }
0x1bc: {  	[tilespmem:v25+s5+$0x0] =	vst.idx.msk $0xffff, v4  }
0x1bd: {  	v4 =	vld.idx.msk [tilespmem:v26+s5+$0x0], $0xffff;
	_ =	sdelay $0x2  }
0x1be: {  	v27 =	vor.u32 $0x5A, v3;
	_ =	sdelay $0x1  }
0x1bf: {  	v4 =	vmul.f32 v4, v2;
	_ =	sdelay $0x1  }
0x1c0: {  	[tilespmem:v26+s5+$0x0] =	vst.idx.msk $0xffff, v4  }
0x1c1: {  	v4 =	vld.idx.msk [tilespmem:v27+s5+$0x0], $0xffff;
	_ =	sdelay $0x2  }
0x1c2: {  	v28 =	vor.u32 $0x5B, v3;
	_ =	sdelay $0x1  }
0x1c3: {  	v4 =	vmul.f32 v4, v2;
	_ =	sdelay $0x1  }
0x1c4: {  	[tilespmem:v27+s5+$0x0] =	vst.idx.msk $0xffff, v4  }
0x1c5: {  	v4 =	vld.idx.msk [tilespmem:v28+s5+$0x0], $0xffff;
	_ =	sdelay $0x2  }
0x1c6: {  	v29 =	vor.u32 $0x5C, v3;
	_ =	sdelay $0x1  }
0x1c7: {  	v4 =	vmul.f32 v4, v2;
	_ =	sdelay $0x1  }
0x1c8: {  	[tilespmem:v28+s5+$0x0] =	vst.idx.msk $0xffff, v4  }
0x1c9: {  	v4 =	vld.idx.msk [tilespmem:v29+s5+$0x0], $0xffff;
	_ =	sdelay $0x2  }
0x1ca: {  	v30 =	vor.u32 $0x5D, v3;
	_ =	sdelay $0x1  }
0x1cb: {  	v4 =	vmul.f32 v4, v2;
	_ =	sdelay $0x1  }
0x1cc: {  	[tilespmem:v29+s5+$0x0] =	vst.idx.msk $0xffff, v4  }
0x1cd: {  	v4 =	vld.idx.msk [tilespmem:v30+s5+$0x0], $0xffff;
	_ =	sdelay $0x2  }
0x1ce: {  	v31 =	vor.u32 $0x5E, v3;
	_ =	sdelay $0x1  }
0x1cf: {  	v4 =	vmul.f32 v4, v2;
	_ =	sdelay $0x1  }
0x1d0: {  	[tilespmem:v30+s5+$0x0] =	vst.idx.msk $0xffff, v4  }
0x1d1: {  	v4 =	vld.idx.msk [tilespmem:v31+s5+$0x0], $0xffff;
	_ =	sdelay $0x2  }
0x1d2: {  	v32 =	vor.u32 $0x5F, v3;
	_ =	sdelay $0x1  }
0x1d3: {  	v4 =	vmul.f32 v4, v2;
	_ =	sdelay $0x1  }
0x1d4: {  	[tilespmem:v31+s5+$0x0] =	vst.idx.msk $0xffff, v4  }
0x1d5: {  	v4 =	vld.idx.msk [tilespmem:v32+s5+$0x0], $0xffff;
	_ =	sdelay $0x2  }
0x1d6: {  	v33 =	vor.u32 $0x60, v3;
	_ =	sdelay $0x1  }
0x1d7: {  	v4 =	vmul.f32 v4, v2;
	_ =	sdelay $0x1  }
0x1d8: {  	[tilespmem:v32+s5+$0x0] =	vst.idx.msk $0xffff, v4  }
0x1d9: {  	v4 =	vld.idx.msk [tilespmem:v33+s5+$0x0], $0xffff;
	_ =	sdelay $0x2  }
0x1da: {  	v34 =	vor.u32 $0x61, v3;
	_ =	sdelay $0x1  }
0x1db: {  	v4 =	vmul.f32 v4, v2;
	_ =	sdelay $0x1  }
0x1dc: {  	[tilespmem:v33+s5+$0x0] =	vst.idx.msk $0xffff, v4  }
0x1dd: {  	v4 =	vld.idx.msk [tilespmem:v34+s5+$0x0], $0xffff;
	_ =	sdelay $0x2  }
0x1de: {  	v35 =	vor.u32 $0x62, v3;
	_ =	sdelay $0x1  }
0x1df: {  	v4 =	vmul.f32 v4, v2;
	_ =	sdelay $0x1  }
0x1e0: {  	[tilespmem:v34+s5+$0x0] =	vst.idx.msk $0xffff, v4  }
0x1e1: {  	v4 =	vld.idx.msk [tilespmem:v35+s5+$0x0], $0xffff;
	_ =	sdelay $0x2  }
0x1e2: {  	v36 =	vor.u32 $0x63, v3;
	_ =	sdelay $0x1  }
0x1e3: {  	v4 =	vmul.f32 v4, v2;
	_ =	sdelay $0x1  }
0x1e4: {  	[tilespmem:v35+s5+$0x0] =	vst.idx.msk $0xffff, v4  }
0x1e5: {  	v4 =	vld.idx.msk [tilespmem:v36+s5+$0x0], $0xffff;
	_ =	sdelay $0x2  }
0x1e6: {  	v37 =	vor.u32 $0x64, v3;
	_ =	sdelay $0x1  }
0x1e7: {  	v4 =	vmul.f32 v4, v2;
	_ =	sdelay $0x1  }
0x1e8: {  	[tilespmem:v36+s5+$0x0] =	vst.idx.msk $0xffff, v4  }
0x1e9: {  	v4 =	vld.idx.msk [tilespmem:v37+s5+$0x0], $0xffff;
	_ =	sdelay $0x2  }
0x1ea: {  	v38 =	vor.u32 $0x65, v3;
	_ =	sdelay $0x1  }
0x1eb: {  	v4 =	vmul.f32 v4, v2;
	_ =	sdelay $0x1  }
0x1ec: {  	[tilespmem:v37+s5+$0x0] =	vst.idx.msk $0xffff, v4  }
0x1ed: {  	v4 =	vld.idx.msk [tilespmem:v38+s5+$0x0], $0xffff;
	_ =	sdelay $0x2  }
0x1ee: {  	v39 =	vor.u32 $0x66, v3;
	_ =	sdelay $0x1  }
0x1ef: {  	v4 =	vmul.f32 v4, v2;
	_ =	sdelay $0x1  }
0x1f0: {  	[tilespmem:v38+s5+$0x0] =	vst.idx.msk $0xffff, v4  }
0x1f1: {  	v4 =	vld.idx.msk [tilespmem:v39+s5+$0x0], $0xffff;
	_ =	sdelay $0x2  }
0x1f2: {  	v40 =	vor.u32 $0x67, v3;
	_ =	sdelay $0x1  }
0x1f3: {  	v4 =	vmul.f32 v4, v2;
	_ =	sdelay $0x1  }
0x1f4: {  	[tilespmem:v39+s5+$0x0] =	vst.idx.msk $0xffff, v4  }
0x1f5: {  	v4 =	vld.idx.msk [tilespmem:v40+s5+$0x0], $0xffff;
	_ =	sdelay $0x2  }
0x1f6: {  	v41 =	vor.u32 $0x68, v3;
	_ =	sdelay $0x1  }
0x1f7: {  	v4 =	vmul.f32 v4, v2;
	_ =	sdelay $0x1  }
0x1f8: {  	[tilespmem:v40+s5+$0x0] =	vst.idx.msk $0xffff, v4  }
0x1f9: {  	v4 =	vld.idx.msk [tilespmem:v41+s5+$0x0], $0xffff;
	_ =	sdelay $0x2  }
0x1fa: {  	v42 =	vor.u32 $0x69, v3;
	_ =	sdelay $0x1  }
0x1fb: {  	v4 =	vmul.f32 v4, v2;
	_ =	sdelay $0x1  }
0x1fc: {  	[tilespmem:v41+s5+$0x0] =	vst.idx.msk $0xffff, v4  }
0x1fd: {  	v4 =	vld.idx.msk [tilespmem:v42+s5+$0x0], $0xffff;
	_ =	sdelay $0x2  }
0x1fe: {  	v43 =	vor.u32 $0x6A, v3;
	_ =	sdelay $0x1  }
0x1ff: {  	v4 =	vmul.f32 v4, v2;
	_ =	sdelay $0x1  }
0x200: {  	[tilespmem:v42+s5+$0x0] =	vst.idx.msk $0xffff, v4  }
0x201: {  	v4 =	vld.idx.msk [tilespmem:v43+s5+$0x0], $0xffff;
	_ =	sdelay $0x2  }
0x202: {  	v44 =	vor.u32 $0x6B, v3;
	_ =	sdelay $0x1  }
0x203: {  	v4 =	vmul.f32 v4, v2;
	_ =	sdelay $0x1  }
0x204: {  	[tilespmem:v43+s5+$0x0] =	vst.idx.msk $0xffff, v4  }
0x205: {  	v4 =	vld.idx.msk [tilespmem:v44+s5+$0x0], $0xffff;
	_ =	sdelay $0x2  }
0x206: {  	v45 =	vor.u32 $0x6C, v3;
	_ =	sdelay $0x1  }
0x207: {  	v4 =	vmul.f32 v4, v2;
	_ =	sdelay $0x1  }
0x208: {  	[tilespmem:v44+s5+$0x0] =	vst.idx.msk $0xffff, v4  }
0x209: {  	v4 =	vld.idx.msk [tilespmem:v45+s5+$0x0], $0xffff;
	_ =	sdelay $0x2  }
0x20a: {  	v46 =	vor.u32 $0x6D, v3;
	_ =	sdelay $0x1  }
0x20b: {  	v4 =	vmul.f32 v4, v2;
	_ =	sdelay $0x1  }
0x20c: {  	[tilespmem:v45+s5+$0x0] =	vst.idx.msk $0xffff, v4  }
0x20d: {  	v4 =	vld.idx.msk [tilespmem:v46+s5+$0x0], $0xffff;
	_ =	sdelay $0x2  }
0x20e: {  	v47 =	vor.u32 $0x6E, v3;
	_ =	sdelay $0x1  }
0x20f: {  	v4 =	vmul.f32 v4, v2;
	_ =	sdelay $0x1  }
0x210: {  	[tilespmem:v46+s5+$0x0] =	vst.idx.msk $0xffff, v4  }
0x211: {  	v4 =	vld.idx.msk [tilespmem:v47+s5+$0x0], $0xffff;
	_ =	sdelay $0x2  }
0x212: {  	v48 =	vor.u32 $0x6F, v3;
	_ =	sdelay $0x1  }
0x213: {  	v4 =	vmul.f32 v4, v2;
	_ =	sdelay $0x1  }
0x214: {  	[tilespmem:v47+s5+$0x0] =	vst.idx.msk $0xffff, v4  }
0x215: {  	v4 =	vld.idx.msk [tilespmem:v48+s5+$0x0], $0xffff;
	_ =	sdelay $0x2  }
0x216: {  	v49 =	vor.u32 $0x70, v3;
	_ =	sdelay $0x1  }
0x217: {  	v4 =	vmul.f32 v4, v2;
	_ =	sdelay $0x1  }
0x218: {  	[tilespmem:v48+s5+$0x0] =	vst.idx.msk $0xffff, v4  }
0x219: {  	v4 =	vld.idx.msk [tilespmem:v49+s5+$0x0], $0xffff;
	_ =	sdelay $0x2  }
0x21a: {  	v50 =	vor.u32 $0x71, v3;
	_ =	sdelay $0x1  }
0x21b: {  	v4 =	vmul.f32 v4, v2;
	_ =	sdelay $0x1  }
0x21c: {  	[tilespmem:v49+s5+$0x0] =	vst.idx.msk $0xffff, v4  }
0x21d: {  	v4 =	vld.idx.msk [tilespmem:v50+s5+$0x0], $0xffff;
	_ =	sdelay $0x2  }
0x21e: {  	v51 =	vor.u32 $0x72, v3;
	_ =	sdelay $0x1  }
0x21f: {  	v4 =	vmul.f32 v4, v2;
	_ =	sdelay $0x1  }
0x220: {  	[tilespmem:v50+s5+$0x0] =	vst.idx.msk $0xffff, v4  }
0x221: {  	v4 =	vld.idx.msk [tilespmem:v51+s5+$0x0], $0xffff;
	_ =	sdelay $0x2  }
0x222: {  	v52 =	vor.u32 $0x73, v3;
	_ =	sdelay $0x1  }
0x223: {  	v4 =	vmul.f32 v4, v2;
	_ =	sdelay $0x1  }
0x224: {  	[tilespmem:v51+s5+$0x0] =	vst.idx.msk $0xffff, v4  }
0x225: {  	v4 =	vld.idx.msk [tilespmem:v52+s5+$0x0], $0xffff;
	_ =	sdelay $0x2  }
0x226: {  	v53 =	vor.u32 $0x74, v3;
	_ =	sdelay $0x1  }
0x227: {  	v4 =	vmul.f32 v4, v2;
	_ =	sdelay $0x1  }
0x228: {  	[tilespmem:v52+s5+$0x0] =	vst.idx.msk $0xffff, v4  }
0x229: {  	v4 =	vld.idx.msk [tilespmem:v53+s5+$0x0], $0xffff;
	_ =	sdelay $0x2  }
0x22a: {  	v54 =	vor.u32 $0x75, v3;
	_ =	sdelay $0x1  }
0x22b: {  	v4 =	vmul.f32 v4, v2;
	_ =	sdelay $0x1  }
0x22c: {  	[tilespmem:v53+s5+$0x0] =	vst.idx.msk $0xffff, v4  }
0x22d: {  	v4 =	vld.idx.msk [tilespmem:v54+s5+$0x0], $0xffff;
	_ =	sdelay $0x2  }
0x22e: {  	v55 =	vor.u32 $0x76, v3;
	_ =	sdelay $0x1  }
0x22f: {  	v4 =	vmul.f32 v4, v2;
	_ =	sdelay $0x1  }
0x230: {  	[tilespmem:v54+s5+$0x0] =	vst.idx.msk $0xffff, v4  }
0x231: {  	v4 =	vld.idx.msk [tilespmem:v55+s5+$0x0], $0xffff;
	_ =	sdelay $0x2  }
0x232: {  	v56 =	vor.u32 $0x77, v3;
	_ =	sdelay $0x1  }
0x233: {  	v4 =	vmul.f32 v4, v2;
	_ =	sdelay $0x1  }
0x234: {  	[tilespmem:v55+s5+$0x0] =	vst.idx.msk $0xffff, v4  }
0x235: {  	v4 =	vld.idx.msk [tilespmem:v56+s5+$0x0], $0xffff;
	_ =	sdelay $0x2  }
0x236: {  	v57 =	vor.u32 $0x78, v3;
	_ =	sdelay $0x1  }
0x237: {  	v4 =	vmul.f32 v4, v2;
	_ =	sdelay $0x1  }
0x238: {  	[tilespmem:v56+s5+$0x0] =	vst.idx.msk $0xffff, v4  }
0x239: {  	v4 =	vld.idx.msk [tilespmem:v57+s5+$0x0], $0xffff;
	_ =	sdelay $0x2  }
0x23a: {  	v58 =	vor.u32 $0x79, v3;
	_ =	sdelay $0x1  }
0x23b: {  	v4 =	vmul.f32 v4, v2;
	_ =	sdelay $0x1  }
0x23c: {  	[tilespmem:v57+s5+$0x0] =	vst.idx.msk $0xffff, v4  }
0x23d: {  	v4 =	vld.idx.msk [tilespmem:v58+s5+$0x0], $0xffff;
	_ =	sdelay $0x2  }
0x23e: {  	v59 =	vor.u32 $0x7A, v3;
	_ =	sdelay $0x1  }
0x23f: {  	v4 =	vmul.f32 v4, v2;
	_ =	sdelay $0x1  }
0x240: {  	[tilespmem:v58+s5+$0x0] =	vst.idx.msk $0xffff, v4  }
0x241: {  	v4 =	vld.idx.msk [tilespmem:v59+s5+$0x0], $0xffff;
	_ =	sdelay $0x2  }
0x242: {  	v60 =	vor.u32 $0x7B, v3;
	_ =	sdelay $0x1  }
0x243: {  	v4 =	vmul.f32 v4, v2;
	_ =	sdelay $0x1  }
0x244: {  	[tilespmem:v59+s5+$0x0] =	vst.idx.msk $0xffff, v4  }
0x245: {  	v4 =	vld.idx.msk [tilespmem:v60+s5+$0x0], $0xffff;
	_ =	sdelay $0x2  }
0x246: {  	v61 =	vor.u32 $0x7C, v3;
	_ =	sdelay $0x1  }
0x247: {  	v4 =	vmul.f32 v4, v2;
	_ =	sdelay $0x1  }
0x248: {  	[tilespmem:v60+s5+$0x0] =	vst.idx.msk $0xffff, v4  }
0x249: {  	v4 =	vld.idx.msk [tilespmem:v61+s5+$0x0], $0xffff;
	_ =	sdelay $0x2  }
0x24a: {  	v62 =	vor.u32 $0x7D, v3;
	_ =	sdelay $0x1  }
0x24b: {  	v4 =	vmul.f32 v4, v2;
	_ =	sdelay $0x1  }
0x24c: {  	[tilespmem:v61+s5+$0x0] =	vst.idx.msk $0xffff, v4  }
0x24d: {  	v4 =	vld.idx.msk [tilespmem:v62+s5+$0x0], $0xffff;
	_ =	sdelay $0x2  }
0x24e: {  	v63 =	vor.u32 $0x7E, v3;
	_ =	sdelay $0x1  }
0x24f: {  	v4 =	vmul.f32 v4, v2;
	_ =	sdelay $0x1  }
0x250: {  	[tilespmem:v62+s5+$0x0] =	vst.idx.msk $0xffff, v4  }
0x251: {  	v4 =	vld.idx.msk [tilespmem:v63+s5+$0x0], $0xffff;
	_ =	sdelay $0x2  }
0x252: {  	v3 =	vor.u32 $0x7F, v3;
	_ =	sdelay $0x1  }
0x253: {  	v4 =	vmul.f32 v4, v2;
	_ =	sdelay $0x1  }
0x254: {  	[tilespmem:v63+s5+$0x0] =	vst.idx.msk $0xffff, v4  }
0x255: {  	v4 =	vld.idx.msk [tilespmem:v3+s5+$0x0], $0xffff;
	_ =	sdelay $0x1  }
0x256: {  	p0 =	sne.s32 s31, $0x70  }
.Ltmp1:
0x257: {  	_ = 	snop;
	(pc) =	sbr.rel @p0 .LBB2_5-.Ltmp1, $3  }
0x258: {  	_ = 	snop  }
0x259: {  	v2 =	vmul.f32 v4, v2;
	_ =	sdelay $0x1  }
0x25a: {  	s31 =	sadd.s32 $0x10, s31;
	s30 =	sadd.s32 $0x10, s30;
	[tilespmem:v3+s5+$0x0] =	vst.idx.msk $0xffff, v2  }
0x25b: {  	s29 =	sadd.s32 $0x1, s29  }
0x25c: {  	p0 =	sne.s32 s29, $0x50  }
.Ltmp2:
0x25d: {  	_ = 	snop;
	(pc) =	sbr.rel @p0 .LBB2_4-.Ltmp2, $4  }
0x25e: {  	[spmem:s3] =	stream.indirect.scatter.add.f32 [tilespmem:s5], [sflag:$0x2], $0x80, s23, s24, $0xb8;
	[tilespmem:$0x19600] =	vst v63  }
0x25f: {  	_ =	swait.ge [sflag:s20], $0x4000  }
0x260: {  	[sflag:s20] =	ssyncset.done $0x0  }
0x261: {  	[sflag:s20] =	ssyncadd.s32 $0xFFFFC000  }
0x262: {  	s26 =	sadd.s32 $0x1, s26  }
0x263: {  	p0 =	sne.s32 s26, s18  }
.Ltmp3:
0x264: {  	[bflag:$0x0] =	sbarrier.arrive $0xFFFF;
	s28 =	sshrl.u32 s11, $0x3;
	(pc) =	sbr.rel @p0 .LBB2_1-.Ltmp3, $4  }
0x265: {  	[hbm:s17], [sflag:s10] =	dma.local [spmem:s28], $0x2800  }
0x266: {  	_ =	swait.ge [sflag:s20], $0x2800  }
0x267: {  	[sflag:s20] =	ssyncset.done $0x0  }
0x268: {  	[sflag:s20] =	ssyncadd.s32 $0xFFFFD800  }
0x269: {  	_ =	sfence.sel $0x180000  }
0x26a: {  	[bflag:$0x0] =	sbarrier.arrive $0xFFFF  }
0x26b: {  	p0 =	sne.s32 s1, $0x0;
	_ =	strace $0x9000004D  }
0x26c: {  	s0 =	sadd.s32 @!p0 $0x100000, s0;
	[bflag:$0x2] =	sbarrier.arrive $0xFFFF  }
0x26d: {  	[sflag:s0] =	ssyncadd.tile.s32 @!p0 $0x1;
	_ =	shalt  }
.Lfunc_end2:
_tile_overlayer_lowered:
.L_overlay_start_2:
0x26e: {  	(tag) =	ssettag $0x2  }
0x26f: {  	s0 =	rddreg [dreg:$0x0];
	s2 =	stileid.u32  }
0x270: {  	s1 =	rddreg [dreg:$0x1];
	p0 =	sne.s32 s2, $0x0  }
0x271: {  	s3 =	rddreg [dreg:$0x2];
	[bflag:$0x3] =	sbarrier.arrive $0xFFFF;
	s2 =	simm.s32 @!p0 $0x1C02  }
0x272: {  	[timem:s3], [sflag:s2] =	dma.local @!p0 [hbm:s0], s1  }
0x273: {  	s0 =	simm.s32 @!p0 $0x2  }
0x274: {  	_ =	swait.ge @!p0 [sflag:s0], s1  }
0x275: {  	s1 =	ssub.s32 @!p0 $0x0, s1;
	[sflag:s0] =	ssyncset.done @!p0 $0x0  }
0x276: {  	[sflag:s0] =	ssyncadd.s32 @!p0 s1  }
0x277: {  	[bflag:$0x3] =	sbarrier.arrive $0xFFFF  }
0x278: {  	_ =	shalt  }

// kernel: kernel.19.cloned.1.call-start
scs
__scs_entry_jumppad:
0x0: {  	(pc) =	sbr.rel $0x88, $3  }
0x1: {  	(tag) =	ssettag $0x0;
	lr =	simm.s32 $0x1  }
0x2: {  	[smem:$0x3F94] =	sst lr;
	_ =	strace $0xD0000000  }
0x3: {  	_ = 	snop  }
0x4: {  	_ = 	snop  }
0x5: {  	_ = 	snop  }
0x6: {  	_ = 	snop  }
0x7: {  	_ = 	snop  }
__scs_overlays_trampoline_lowered:
0x8: {  	[smem:$0x3FA3] =	sst s0  }
0x9: {  	[smem:$0x3FA4] =	sst s1  }
0xa: {  	[smem:$0x3FA5] =	sst s2  }
0xb: {  	[smem:$0x3FA6] =	sst s3  }
0xc: {  	[smem:$0x3FA7] =	sst s4  }
0xd: {  	[smem:$0x3FA8] =	sst s5  }
0xe: {  	[smem:$0x3FA9] =	sst s6  }
0xf: {  	[smem:$0x3FAA] =	sst s7  }
0x10: {  	[smem:$0x3FAB] =	sst s8  }
0x11: {  	[smem:$0x3FAC] =	sst s9;
	s0 =	simm.s32 @!p0 $0x0  }
0x12: {  	s1 =	sld [smem:$0x3F92];
	s0 =	simm.s32 @p0 $0x1  }
0x13: {  	[smem:$0x3FAD] =	sst s0;
	s0 =	simm.s32 @!p1 $0x0  }
0x14: {  	s2 =	sld [smem:$0x3F91];
	s0 =	simm.s32 @p1 $0x1  }
0x15: {  	[smem:$0x3FAE] =	sst s0;
	s0 =	simm.s32 @!p2 $0x0  }
0x16: {  	s3 =	sld [smem:$0x3FDB];
	s0 =	simm.s32 @p2 $0x1  }
0x17: {  	s4 =	simm.s32 $0x1BF5;
	[smem:$0x3FB0] =	sst s0  }
0x18: {  	s0 =	sld [smem:$0x3F93];
	_ =	swait.ge [sflag:s4], $0x0  }
0x19: {  	s7 =	sld [smem:$0x3F94]  }
0x1a: {  	s8 =	sadd.s32 $0xFFFFE003, lr  }
0x1b: {  	s9 =	sadd.s32 $0xFFFFFEF7, lr;
	s5 =	simm.s32 $0xFFFFFFFF;
	p2 =	slt.u32 s8, $0xFFFFF086  }
0x1c: {  	p1 =	slt.u32 s9, $0xF7A;
	s5 =	simm.s32 @!p2 $0x0  }
0x1d: {  	s5 =	simm.s32 @p1 $0x1;
	p0 =	seq.s32 s7, s2  }
0x1e: {  	s7 =	smul.u32 @!p0 $0xF7A, s2;
	p2 =	seq.s32 @!p0 s5, $0x0  }
0x1f: {  	s9 =	smul.u32 $0xF7A, s1;
	s8 =	simm.s32 @!p0 $0x1BF5;
	p2 =	por !p2, p0  }
0x20: {  	[sflag:s8] =	ssyncset.s32 @!p0 $0xFFFFF086;
	s6 =	sadd.s32 @!p0 s3, s7;
	s7 =	simm.s32 @!p0 $0x108  }
0x21: {  	s3 =	sadd.s32 s3, s9;
	s6 =	sadd.s32 @!p0 $0x88, s6;
	s7 =	simm.s32 @p2 $0x1082  }
0x22: {  	[simem:s7], [sflag:s8] =	dma.local @!p0 [hbm:s6], $0xF7A  }
0x23: {  	s9 =	sor.u32 $0xD0000000, s2;
	s6 =	simm.s32 $0x108;
	_ =	swait.ge @!p0 [sflag:s8], $0x0  }
0x24: {  	s3 =	sadd.s32 $0x88, s3;
	s6 =	simm.s32 @!p1 $0x1082;
	[sflag:s4] =	ssyncset.s32 $0xFFFFF086  }
0x25: {  	[simem:s6], [sflag:s4] =	dma.local [hbm:s3], $0xF7A  }
0x26: {  	[smem:$0x3F94] =	sst s1;
	(tag) =	ssettag s2;
	_ =	strace s9  }
0x27: {  	s1 =	sld [smem:$0x3FA4]  }
0x28: {  	s2 =	sld [smem:$0x3FA5]  }
0x29: {  	s4 =	sld [smem:$0x3FA7]  }
0x2a: {  	p0 =	seq.s32 s5, $0x0;
	s5 =	sld [smem:$0x3FA8]  }
0x2b: {  	s6 =	sld [smem:$0x3FA9]  }
0x2c: {  	s7 =	sld [smem:$0x3FAA]  }
0x2d: {  	s3 =	simm.s32 $0x108;
	s8 =	sld [smem:$0x3FAB]  }
0x2e: {  	s3 =	simm.s32 @!p0 $0x1082;
	s9 =	sld [smem:$0x3FAC]  }
0x2f: {  	lr =	sadd.s32 s0, s3;
	s0 =	sld [smem:$0x3FA3]  }
0x30: {  	s3 =	sld [smem:$0x3FA6]  }
0x31: {  	[smem:$0x3FAF] =	sst s10  }
0x32: {  	s10 =	sld [smem:$0x3FAD];
	_ =	sdelay $0x3  }
0x33: {  	p0 =	seq.s32 s10, $0x1;
	s10 =	sld [smem:$0x3FAF];
	_ =	sdelay $0x3  }
0x34: {  	[smem:$0x3FAF] =	sst s10  }
0x35: {  	s10 =	sld [smem:$0x3FAE];
	_ =	sdelay $0x3  }
0x36: {  	p1 =	seq.s32 s10, $0x1;
	s10 =	sld [smem:$0x3FAF];
	_ =	sdelay $0x3  }
0x37: {  	[smem:$0x3FAF] =	sst s10  }
0x38: {  	s10 =	sld [smem:$0x3FB0]  }
0x39: {  	_ = 	snop;
	(pc) =	sbr.ind lr, $3  }
0x3a: {  	_ = 	snop  }
0x3b: {  	_ = 	snop  }
0x3c: {  	p2 =	seq.s32 s10, $0x1;
	s10 =	sld [smem:$0x3FAF]  }
0x3d: {  	_ =	shalt  }
0x3e: {  	_ =	shalt  }
0x3f: {  	_ =	shalt  }
0x40: {  	_ =	shalt  }
0x41: {  	_ =	shalt  }
0x42: {  	_ =	shalt  }
0x43: {  	_ =	shalt  }
0x44: {  	_ =	shalt  }
0x45: {  	_ =	shalt  }
0x46: {  	_ =	shalt  }
0x47: {  	_ =	shalt  }
0x48: {  	_ =	shalt  }
0x49: {  	_ =	shalt  }
0x4a: {  	_ =	shalt  }
0x4b: {  	_ =	shalt  }
0x4c: {  	_ =	shalt  }
0x4d: {  	_ =	shalt  }
0x4e: {  	_ =	shalt  }
0x4f: {  	_ =	shalt  }
0x50: {  	_ =	shalt  }
0x51: {  	_ =	shalt  }
0x52: {  	_ =	shalt  }
0x53: {  	_ =	shalt  }
0x54: {  	_ =	shalt  }
0x55: {  	_ =	shalt  }
0x56: {  	_ =	shalt  }
0x57: {  	_ =	shalt  }
0x58: {  	_ =	shalt  }
0x59: {  	_ =	shalt  }
0x5a: {  	_ =	shalt  }
0x5b: {  	_ =	shalt  }
0x5c: {  	_ =	shalt  }
0x5d: {  	_ =	shalt  }
0x5e: {  	_ =	shalt  }
0x5f: {  	_ =	shalt  }
0x60: {  	_ =	shalt  }
0x61: {  	_ =	shalt  }
0x62: {  	_ =	shalt  }
0x63: {  	_ =	shalt  }
0x64: {  	_ =	shalt  }
0x65: {  	_ =	shalt  }
0x66: {  	_ =	shalt  }
0x67: {  	_ =	shalt  }
0x68: {  	_ =	shalt  }
0x69: {  	_ =	shalt  }
0x6a: {  	_ =	shalt  }
0x6b: {  	_ =	shalt  }
0x6c: {  	_ =	shalt  }
0x6d: {  	_ =	shalt  }
0x6e: {  	_ =	shalt  }
0x6f: {  	_ =	shalt  }
0x70: {  	_ =	shalt  }
0x71: {  	_ =	shalt  }
0x72: {  	_ =	shalt  }
0x73: {  	_ =	shalt  }
0x74: {  	_ =	shalt  }
0x75: {  	_ =	shalt  }
0x76: {  	_ =	shalt  }
0x77: {  	_ =	shalt  }
0x78: {  	_ =	shalt  }
0x79: {  	_ =	shalt  }
0x7a: {  	_ =	shalt  }
0x7b: {  	_ =	shalt  }
0x7c: {  	_ =	shalt  }
0x7d: {  	_ =	shalt  }
0x7e: {  	_ =	shalt  }
0x7f: {  	_ =	shalt  }
0x80: {  	_ =	shalt  }
0x81: {  	_ =	shalt  }
0x82: {  	_ =	shalt  }
0x83: {  	_ =	shalt  }
0x84: {  	_ =	shalt  }
0x85: {  	_ =	shalt  }
0x86: {  	_ =	shalt  }
0x87: {  	_ =	shalt  }
.Lfunc_end0:
.L_simem_size_0:
called_computation.3_lowered:
.L_overlay_start_0:
0x88: {  	s2 =	sld [smem:$0x3FD9]  }
0x89: {  	s3 =	sld [smem:$0x3FFE];
	_ =	sdelay $0x1  }
0x8a: {  	s1 =	srdreg.scid  }
0x8b: {  	s0 =	sand.u32 $0x1, s1  }
0x8c: {  	s17 =	sshll.u32 s0, $0xA;
	s2 =	sadd.s32 s3, s2  }
0x8d: {  	s2 =	sadd.s32 s2, s17  }
0x8e: {  	[smem:$0x3FBB] =	sst s2  }
0x8f: {  	_ = 	snop  }
0x90: {  	s2 =	sld [smem:$0x3FD0];
	(tm) =	ssettm $0x1  }
0x91: {  	s18 =	sld [smem:$0x3FFB];
	_ =	sdelay $0x3  }
0x92: {  	_ =	strace s18  }
0x93: {  	s3 =	sld [smem:$0x3FFC];
	_ =	sdelay $0x3  }
0x94: {  	_ =	strace s3  }
0x95: {  	s3 =	sld [smem:$0x3FFD];
	_ =	sdelay $0x3  }
0x96: {  	_ =	strace s3  }
0x97: {  	_ =	strace $0x8FFFFFFF  }
0x98: {  	s19 =	sld [smem:$0x3FDB];
	_ =	sdelay $0x1  }
0x99: {  	s4 =	simm.s32 $_scs_section_size  }
0x9a: {  	s5 =	simm.s32 $_size__tile_overlayer_lowered;
	s6 =	simm.s32 $_tile_overlayer_lowered  }
0x9b: {  	s22 =	simm.s32 $0x1BFF;
	s21 =	sshll.u32 s6, $0x1;
	s3 =	sadd.s32 s4, s19  }
0x9c: {  	s7 =	simm.s32 $0x0;
	s20 =	sshll.u32 s5, $0x1;
	s5 =	sadd.s32 s21, s3  }
0x9d: {  	[timem:s7], [sflag:s22] =	dma.local [hbm:s5], s20  }
0x9e: {  	_ =	swait.ge [sflag:s22], s20  }
0x9f: {  	s4 =	ssub.s32 $0x0, s20;
	[sflag:s22] =	ssyncset.done $0x0  }
0xa0: {  	[sflag:s22] =	ssyncadd.s32 s4;
	_ =	sdelay $0x1  }
0xa1: {  	s23 =	simm.s32 $0x1B8B  }
0xa2: {  	_ =	swait.ge [sflag:s23], $0x1  }
0xa3: {  	[sflag:s23] =	ssyncset.done $0x0  }
0xa4: {  	s25 =	simm.s32 $0x1B8E;
	s24 =	sld [smem:$0x3FFE];
	[sflag:s23] =	ssyncadd.s32 $0xFFFFFFFF  }
0xa5: {  	s26 =	simm.s32 $execute0_lowered;
	[smem:$0x3FD2] =	sst s25  }
0xa6: {  	s5 =	sshll.u32 s26, $0x1;
	_ =	strace $0x8000004F;
	[dreg:$0x1] =	wrdreg $0xFFFFFFFF  }
0xa7: {  	s28 =	simm.s32 $_size_execute0_lowered;
	s3 =	sadd.s32 s3, s5;
	[dreg:$0x0] =	wrdreg $0x0  }
0xa8: {  	s5 =	sshll.u32 s28, $0x1;
	[dreg:$0x2] =	wrdreg s3  }
0xa9: {  	[dreg:$0x3] =	wrdreg s5  }
0xaa: {  	[dreg:$0x4] =	wrdreg $0xC0  }
0xab: {  	_ =	task [dreg:s7], $0x5FFFF  }
0xac: {  	[dreg:$0x1] =	wrdreg $0xFFFFFFFF  }
0xad: {  	[dreg:$0x0] =	wrdreg $0x60  }
0xae: {  	[dreg:$0x2] =	wrdreg s24  }
0xaf: {  	[dreg:$0x3] =	wrdreg s2  }
0xb0: {  	[dreg:$0x4] =	wrdreg $0x56000  }
0xb1: {  	[dreg:$0x5] =	wrdreg $0x42000  }
0xb2: {  	[dreg:$0x6] =	wrdreg $0x9  }
0xb3: {  	_ =	task.clear_ibuf [dreg:s7], $0x7FFFF;
	_ =	strace $0x9000004F  }
0xb4: {  	s29 =	simm.s32 $0x9;
	_ =	strace $0x80000051  }
0xb5: {  	_ =	swait.ge [sflag:s29], $0x1  }
0xb6: {  	[sflag:s29] =	ssyncadd.s32 $0xFFFFFFFF  }
0xb7: {  	_ =	strace $0x90000051  }
0xb8: {  	_ =	sfence  }
0xb9: {  	s30 =	sld [smem:$0x0];
	_ =	sdelay $0x2  }
0xba: {  	s31 =	sshll.u32 s1, $0xD;
	s1 =	sshrl.u32 s1, $0x2  }
0xbb: {  	s3 =	sand.u32 $0x4000, s31;
	s1 =	sadd.s32 s1, s30  }
0xbc: {  	s0 =	sor.u32 s3, s0;
	s1 =	sshll.u32 s1, $0x11  }
0xbd: {  	s0 =	sor.u32 s1, s0  }
0xbe: {  	s0 =	sadd.s32 $0x8F2B, s0  }
0xbf: {  	[sflag:s0] =	ssyncadd.remote.s32 $0x1  }
0xc0: {  	_ =	sfence.sel $0xFFFF  }
0xc1: {  	[dreg:$0x0] =	wrdreg $0xFFFFFFFF;
	(pc) =	sbr.abs _section_cstart, $3  }
0xc2: {  	[dreg:$0x1] =	wrdreg $0xFFFFFFFF  }
0xc3: {  	_ =	task.clear_ibuf [dreg:s7], $0x2FFFF;
	_ =	strace $0x9FFFFFFF  }
0xc4: {  	(tm) =	ssettm $0x7FFFFFFF  }
0xc5: {  	_ =	shalt  }
tec
execute0_lowered:
.L_overlay_start_1:
0x0: {  	(tag) =	ssettag $0x1  }
0x1: {  	s9 =	rddreg [dreg:$0x0]  }
0x2: {  	s2 =	rddreg [dreg:$0x1]  }
0x3: {  	s3 =	rddreg [dreg:$0x2]  }
0x4: {  	s4 =	rddreg [dreg:$0x3]  }
0x5: {  	s0 =	rddreg [dreg:$0x4]  }
0x6: {  	s1 =	stileid.u32;
	s6 =	srdreg.scid  }
0x7: {  	s5 =	simm.s32 $0x0;
	s21 =	simm.s32 $0x4000;
	s22 =	simm.s32 $0x4100  }
0x8: {  	s23 =	simm.s32 $0x4080;
	s24 =	simm.s32 $0x80;
	s25 =	simm.s32 $0x1  }
0x9: {  	s26 =	simm.s32 $0x0;
	s10 =	smul.u32 $0x1400, s1;
	s11 =	sand.u32 $0x1, s6  }
0xa: {  	[smem:$0x7FF] =	sst s5;
	s13 =	smul.u32 $0x14000, s1;
	s6 =	sadd.s32 $0x17E600, s9  }
0xb: {  	s7 =	sadd.s32 $0xD400, s9;
	s8 =	sadd.s32 $0x3400, s9;
	s16 =	smul.u32 $0x50000, s1  }
0xc: {  	s30 =	sshll.u32 s1, $0x6;
	s12 =	smul.u32 $0x140000, s11;
	_ =	strace $0x80000050  }
0xd: {  	s29 =	ssub.s32 $0x2, s11;
	s11 =	sshll.u32 s11, $0x4;
	s14 =	sshrl.u32 s10, $0x3  }
0xe: {  	s15 =	sshrl.u32 s29, $0x1;
	s19 =	sor.u32 s1, s11;
	s20 =	sadd.s32 s10, s4  }
0xf: {  	s31 =	sshrl.u32 s16, $0x2;
	s10 =	sor.u32 $0x1C02, s30;
	s12 =	sadd.s32 s13, s12  }
0x10: {  	s28 =	sadd.s32 s14, s9;
	s18 =	ssub.s32 s29, s15;
	s11 =	sadd.s32 s31, s3  }
0x11: {  	s16 =	smul.u32 $0x50, s19;
	s19 =	sshrl.u32 s20, $0x3;
	s20 =	simm.s32 $0x2  }
0x12: {  	s12 =	sshrl.u32 s12, $0x3;
	s13 =	sadd.s32 $0x8000, s11;
	s14 =	sadd.s32 $0xC000, s11  }
0x13: {  	v1 =	vlaneseq.u32;
	s15 =	sadd.s32 $0x10000, s11;
	s18 =	smax.u32 s18, $0x1;
	s17 =	sadd.s32 s12, s9  }
0x14: {  	v0 =	vimm.f32 $0.0e+00;
	v1 =	vmul.u32 $0x80, v1;
	s9 =	sadd.s32 $0x1C400, s28;
	s12 =	sadd.s32 $0x4000, s11;
	s17 =	sadd.s32 $0x2DE000, s17  }
.LBB2_1:
0x15: {  	[spmem:s19], [sflag:s10] =	dma.local [hbm:s9], $0x280  }
0x16: {  	_ =	swait.ge [sflag:s20], $0x280  }
0x17: {  	[sflag:s20] =	ssyncset.done $0x0  }
0x18: {  	s28 =	simm.s32 $0x0;
	s29 =	simm.s32 $0x200;
	[sflag:s20] =	ssyncadd.s32 $0xFFFFFD80  }
.LBB2_2:
0x19: {  	p0 =	sne.s32 s29, $0xFE00;
	[tilespmem:s28+$0x70] =	vst v0  }
0x1a: {  	[tilespmem:s28+$0x0] =	vst v0  }
0x1b: {  	[tilespmem:s28+$0x10] =	vst v0  }
.Ltmp0:
0x1c: {  	[tilespmem:s28+$0x20] =	vst v0;
	(pc) =	sbr.rel @p0 .LBB2_2-.Ltmp0, $4  }
0x1d: {  	[tilespmem:s28+$0x30] =	vst v0  }
0x1e: {  	[tilespmem:s28+$0x40] =	vst v0  }
0x1f: {  	[tilespmem:s28+$0x50] =	vst v0  }
0x20: {  	[tilespmem:s28+$0x60] =	vst v0;
	s28 =	sshra.s32 s29, $0x2;
	s29 =	sadd.s32 $0x200, s29  }
0x21: {  	[tilespmem:s28+$0x70] =	vst v0  }
0x22: {  	[tilespmem:s28+$0x0] =	vst v0  }
0x23: {  	[tilespmem:s28+$0x10] =	vst v0  }
0x24: {  	[tilespmem:s28+$0x20] =	vst v0  }
0x25: {  	[tilespmem:s28+$0x30] =	vst v0  }
0x26: {  	[tilespmem:s28+$0x40] =	vst v0  }
0x27: {  	[tilespmem:s28+$0x50] =	vst v0  }
0x28: {  	[tilespmem:s28+$0x60] =	vst v0;
	s28 =	simm.s32 $0x0  }
0x29: {  	[spmem:s11] =	stream.linear.scatter [tilespmem:s28], [sflag:$0x2], $0x4000, $0x38;
	[tilespmem:$0x19600] =	vst v63  }
0x2a: {  	_ =	swait.ge [sflag:s20], $0x4000  }
0x2b: {  	[sflag:s20] =	ssyncset.done $0x0  }
0x2c: {  	[sflag:s20] =	ssyncadd.s32 $0xFFFFC000  }
0x2d: {  	[spmem:s12] =	stream.linear.scatter [tilespmem:s28], [sflag:$0x2], $0x4000, $0x38;
	[tilespmem:$0x19600] =	vst v63  }
0x2e: {  	_ =	swait.ge [sflag:s20], $0x4000  }
0x2f: {  	[sflag:s20] =	ssyncset.done $0x0  }
0x30: {  	[sflag:s20] =	ssyncadd.s32 $0xFFFFC000  }
0x31: {  	[spmem:s13] =	stream.linear.scatter [tilespmem:s28], [sflag:$0x2], $0x4000, $0x38;
	[tilespmem:$0x19600] =	vst v63  }
0x32: {  	_ =	swait.ge [sflag:s20], $0x4000  }
0x33: {  	[sflag:s20] =	ssyncset.done $0x0  }
0x34: {  	[sflag:s20] =	ssyncadd.s32 $0xFFFFC000  }
0x35: {  	[spmem:s14] =	stream.linear.scatter [tilespmem:s28], [sflag:$0x2], $0x4000, $0x38;
	[tilespmem:$0x19600] =	vst v63  }
0x36: {  	_ =	swait.ge [sflag:s20], $0x4000  }
0x37: {  	[sflag:s20] =	ssyncset.done $0x0  }
0x38: {  	[sflag:s20] =	ssyncadd.s32 $0xFFFFC000  }
0x39: {  	[spmem:s15] =	stream.linear.scatter [tilespmem:s28], [sflag:$0x2], $0x4000, $0x38;
	[tilespmem:$0x19600] =	vst v63  }
0x3a: {  	_ =	swait.ge [sflag:s20], $0x4000  }
0x3b: {  	[sflag:s20] =	ssyncset.done $0x0  }
0x3c: {  	[sflag:s20] =	ssyncadd.s32 $0xFFFFC000  }
0x3d: {  	s29 =	simm.s32 $0x0;
	[bflag:$0x0] =	sbarrier.arrive $0xFFFF  }
.LBB2_4:
0x3e: {  	s30 =	sadd.s32 s16, s29  }
0x3f: {  	s30 =	sshll.u32 s30, $0x4  }
0x40: {  	s31 =	sadd.s32 s7, s30  }
0x41: {  	[tilespmem:s21], [sflag:$0x2] =	stream.linear.gather [hbm4b:s31+s28], $0x80, $0x38;
	[tilespmem:$0x19600] =	vst v63  }
0x42: {  	_ =	swait.ge [sflag:s20], $0x80  }
0x43: {  	[sflag:s20] =	ssyncset.done $0x0  }
0x44: {  	s31 =	sadd.s32 s8, s30;
	[sflag:s20] =	ssyncadd.s32 $0xFFFFFF80  }
0x45: {  	[tilespmem:s22], [sflag:$0x2] =	stream.linear.gather [hbm4b:s31+s28], $0x80, $0x38;
	[tilespmem:$0x19600] =	vst v63  }
0x46: {  	_ =	swait.ge [sflag:s20], $0x80  }
0x47: {  	[sflag:s20] =	ssyncset.done $0x0  }
0x48: {  	s30 =	sadd.s32 s2, s30;
	[sflag:s20] =	ssyncadd.s32 $0xFFFFFF80  }
0x49: {  	[tilespmem:s23], [sflag:$0x2] =	stream.linear.gather [hbm4b:s30+s28], $0x80, $0x38;
	[tilespmem:$0x19600] =	vst v63  }
0x4a: {  	_ =	swait.ge [sflag:s20], $0x80  }
0x4b: {  	[sflag:s20] =	ssyncset.done $0x0  }
0x4c: {  	[sflag:s20] =	ssyncadd.s32 $0xFFFFFF80  }
0x4d: {  	[tilespmem:s28], [sflag:$0x1] =	stream.indirect.gather [hbm4b:s6+s24], $0x80, s21, s24, $0xb8;
	[tilespmem:$0x19600] =	vst v63  }
0x4e: {  	_ =	swait.ge [sflag:s25], $0x4000  }
0x4f: {  	[sflag:s25] =	ssyncset.done $0x0  }
0x50: {  	s30 =	simm.s32 $0x4180;
	[sflag:s25] =	ssyncadd.s32 $0xFFFFC000  }
0x51: {  	[tilespmem:s30], [sflag:$0x2] =	stream.indirect.gather [spmem:s4], $0x1, s22, s24, $0xb8;
	[tilespmem:$0x19600] =	vst v63  }
0x52: {  	_ =	swait.ge [sflag:s20], $0x80  }
0x53: {  	[sflag:s20] =	ssyncset.done $0x0  }
0x54: {  	s31 =	simm.s32 $0x0;
	[sflag:s20] =	ssyncadd.s32 $0xFFFFFF80  }
.LBB2_5:
0x55: {  	v2 =	vmov s31  }
0x56: {  	v2 =	vshll.u32 v2, $0x7  }
0x57: {  	v3 =	vor.u32 v1, v2;
	_ =	sdelay $0x3  }
0x58: {  	v2 =	vld [tilespmem:s30+$0x0]  }
0x59: {  	v4 =	vld.idx.msk [tilespmem:v3+s5+$0x0], $0xffff;
	_ =	sdelay $0x2  }
0x5a: {  	v5 =	vor.u32 $0x1, v3;
	_ =	sdelay $0x1  }
0x5b: {  	v4 =	vmul.f32 v4, v2;
	_ =	sdelay $0x1  }
0x5c: {  	[tilespmem:v3+s5+$0x0] =	vst.idx.msk $0xffff, v4  }
0x5d: {  	v4 =	vld.idx.msk [tilespmem:v5+s5+$0x0], $0xffff;
	_ =	sdelay $0x2  }
0x5e: {  	v6 =	vor.u32 $0x2, v3;
	_ =	sdelay $0x1  }
0x5f: {  	v4 =	vmul.f32 v4, v2;
	_ =	sdelay $0x1  }
0x60: {  	[tilespmem:v5+s5+$0x0] =	vst.idx.msk $0xffff, v4  }
0x61: {  	v4 =	vld.idx.msk [tilespmem:v6+s5+$0x0], $0xffff;
	_ =	sdelay $0x2  }
0x62: {  	v50 =	vor.u32 $0x3, v3;
	_ =	sdelay $0x1  }
0x63: {  	v4 =	vmul.f32 v4, v2;
	_ =	sdelay $0x1  }
0x64: {  	[tilespmem:v6+s5+$0x0] =	vst.idx.msk $0xffff, v4  }
0x65: {  	v4 =	vld.idx.msk [tilespmem:v50+s5+$0x0], $0xffff;
	_ =	sdelay $0x2  }
0x66: {  	v51 =	vor.u32 $0x4, v3;
	_ =	sdelay $0x1  }
0x67: {  	v4 =	vmul.f32 v4, v2;
	_ =	sdelay $0x1  }
0x68: {  	[tilespmem:v50+s5+$0x0] =	vst.idx.msk $0xffff, v4  }
0x69: {  	v4 =	vld.idx.msk [tilespmem:v51+s5+$0x0], $0xffff;
	_ =	sdelay $0x2  }
0x6a: {  	v52 =	vor.u32 $0x5, v3;
	_ =	sdelay $0x1  }
0x6b: {  	v4 =	vmul.f32 v4, v2;
	_ =	sdelay $0x1  }
0x6c: {  	[tilespmem:v51+s5+$0x0] =	vst.idx.msk $0xffff, v4  }
0x6d: {  	v4 =	vld.idx.msk [tilespmem:v52+s5+$0x0], $0xffff;
	_ =	sdelay $0x2  }
0x6e: {  	v53 =	vor.u32 $0x6, v3;
	_ =	sdelay $0x1  }
0x6f: {  	v4 =	vmul.f32 v4, v2;
	_ =	sdelay $0x1  }
0x70: {  	[tilespmem:v52+s5+$0x0] =	vst.idx.msk $0xffff, v4  }
0x71: {  	v4 =	vld.idx.msk [tilespmem:v53+s5+$0x0], $0xffff;
	_ =	sdelay $0x2  }
0x72: {  	v54 =	vor.u32 $0x7, v3;
	_ =	sdelay $0x1  }
0x73: {  	v4 =	vmul.f32 v4, v2;
	_ =	sdelay $0x1  }
0x74: {  	[tilespmem:v53+s5+$0x0] =	vst.idx.msk $0xffff, v4  }
0x75: {  	v4 =	vld.idx.msk [tilespmem:v54+s5+$0x0], $0xffff;
	_ =	sdelay $0x2  }
0x76: {  	v55 =	vor.u32 $0x8, v3;
	_ =	sdelay $0x1  }
0x77: {  	v4 =	vmul.f32 v4, v2;
	_ =	sdelay $0x1  }
0x78: {  	[tilespmem:v54+s5+$0x0] =	vst.idx.msk $0xffff, v4  }
0x79: {  	v4 =	vld.idx.msk [tilespmem:v55+s5+$0x0], $0xffff;
	_ =	sdelay $0x2  }
0x7a: {  	v56 =	vor.u32 $0x9, v3;
	_ =	sdelay $0x1  }
0x7b: {  	v4 =	vmul.f32 v4, v2;
	_ =	sdelay $0x1  }
0x7c: {  	[tilespmem:v55+s5+$0x0] =	vst.idx.msk $0xffff, v4  }
0x7d: {  	v4 =	vld.idx.msk [tilespmem:v56+s5+$0x0], $0xffff;
	_ =	sdelay $0x2  }
0x7e: {  	v57 =	vor.u32 $0xA, v3;
	_ =	sdelay $0x1  }
0x7f: {  	v4 =	vmul.f32 v4, v2;
	_ =	sdelay $0x1  }
0x80: {  	[tilespmem:v56+s5+$0x0] =	vst.idx.msk $0xffff, v4  }
0x81: {  	v4 =	vld.idx.msk [tilespmem:v57+s5+$0x0], $0xffff;
	_ =	sdelay $0x2  }
0x82: {  	v58 =	vor.u32 $0xB, v3;
	_ =	sdelay $0x1  }
0x83: {  	v4 =	vmul.f32 v4, v2;
	_ =	sdelay $0x1  }
0x84: {  	[tilespmem:v57+s5+$0x0] =	vst.idx.msk $0xffff, v4  }
0x85: {  	v4 =	vld.idx.msk [tilespmem:v58+s5+$0x0], $0xffff;
	_ =	sdelay $0x2  }
0x86: {  	v59 =	vor.u32 $0xC, v3;
	_ =	sdelay $0x1  }
0x87: {  	v4 =	vmul.f32 v4, v2;
	_ =	sdelay $0x1  }
0x88: {  	[tilespmem:v58+s5+$0x0] =	vst.idx.msk $0xffff, v4  }
0x89: {  	v4 =	vld.idx.msk [tilespmem:v59+s5+$0x0], $0xffff;
	_ =	sdelay $0x2  }
0x8a: {  	v60 =	vor.u32 $0xD, v3;
	_ =	sdelay $0x1  }
0x8b: {  	v4 =	vmul.f32 v4, v2;
	_ =	sdelay $0x1  }
0x8c: {  	[tilespmem:v59+s5+$0x0] =	vst.idx.msk $0xffff, v4  }
0x8d: {  	v4 =	vld.idx.msk [tilespmem:v60+s5+$0x0], $0xffff;
	_ =	sdelay $0x2  }
0x8e: {  	v61 =	vor.u32 $0xE, v3;
	_ =	sdelay $0x1  }
0x8f: {  	v4 =	vmul.f32 v4, v2;
	_ =	sdelay $0x1  }
0x90: {  	[tilespmem:v60+s5+$0x0] =	vst.idx.msk $0xffff, v4  }
0x91: {  	v4 =	vld.idx.msk [tilespmem:v61+s5+$0x0], $0xffff;
	_ =	sdelay $0x2  }
0x92: {  	v62 =	vor.u32 $0xF, v3;
	_ =	sdelay $0x1  }
0x93: {  	v4 =	vmul.f32 v4, v2;
	_ =	sdelay $0x1  }
0x94: {  	[tilespmem:v61+s5+$0x0] =	vst.idx.msk $0xffff, v4  }
0x95: {  	v4 =	vld.idx.msk [tilespmem:v62+s5+$0x0], $0xffff;
	_ =	sdelay $0x2  }
0x96: {  	v63 =	vor.u32 $0x10, v3;
	_ =	sdelay $0x1  }
0x97: {  	v4 =	vmul.f32 v4, v2;
	_ =	sdelay $0x1  }
0x98: {  	[tilespmem:v62+s5+$0x0] =	vst.idx.msk $0xffff, v4  }
0x99: {  	v4 =	vld.idx.msk [tilespmem:v63+s5+$0x0], $0xffff;
	_ =	sdelay $0x2  }
0x9a: {  	v9 =	vor.u32 $0x11, v3;
	_ =	sdelay $0x1  }
0x9b: {  	v4 =	vmul.f32 v4, v2;
	_ =	sdelay $0x1  }
0x9c: {  	[tilespmem:v63+s5+$0x0] =	vst.idx.msk $0xffff, v4  }
0x9d: {  	v4 =	vld.idx.msk [tilespmem:v9+s5+$0x0], $0xffff;
	_ =	sdelay $0x2  }
0x9e: {  	v10 =	vor.u32 $0x12, v3;
	_ =	sdelay $0x1  }
0x9f: {  	v4 =	vmul.f32 v4, v2;
	_ =	sdelay $0x1  }
0xa0: {  	[tilespmem:v9+s5+$0x0] =	vst.idx.msk $0xffff, v4  }
0xa1: {  	v4 =	vld.idx.msk [tilespmem:v10+s5+$0x0], $0xffff;
	_ =	sdelay $0x2  }
0xa2: {  	v11 =	vor.u32 $0x13, v3;
	_ =	sdelay $0x1  }
0xa3: {  	v4 =	vmul.f32 v4, v2;
	_ =	sdelay $0x1  }
0xa4: {  	[tilespmem:v10+s5+$0x0] =	vst.idx.msk $0xffff, v4  }
0xa5: {  	v4 =	vld.idx.msk [tilespmem:v11+s5+$0x0], $0xffff;
	_ =	sdelay $0x2  }
0xa6: {  	v12 =	vor.u32 $0x14, v3;
	_ =	sdelay $0x1  }
0xa7: {  	v4 =	vmul.f32 v4, v2;
	_ =	sdelay $0x1  }
0xa8: {  	[tilespmem:v11+s5+$0x0] =	vst.idx.msk $0xffff, v4  }
0xa9: {  	v4 =	vld.idx.msk [tilespmem:v12+s5+$0x0], $0xffff;
	_ =	sdelay $0x2  }
0xaa: {  	v13 =	vor.u32 $0x15, v3;
	_ =	sdelay $0x1  }
0xab: {  	v4 =	vmul.f32 v4, v2;
	_ =	sdelay $0x1  }
0xac: {  	[tilespmem:v12+s5+$0x0] =	vst.idx.msk $0xffff, v4  }
0xad: {  	v4 =	vld.idx.msk [tilespmem:v13+s5+$0x0], $0xffff;
	_ =	sdelay $0x2  }
0xae: {  	v14 =	vor.u32 $0x16, v3;
	_ =	sdelay $0x1  }
0xaf: {  	v4 =	vmul.f32 v4, v2;
	_ =	sdelay $0x1  }
0xb0: {  	[tilespmem:v13+s5+$0x0] =	vst.idx.msk $0xffff, v4  }
0xb1: {  	v4 =	vld.idx.msk [tilespmem:v14+s5+$0x0], $0xffff;
	_ =	sdelay $0x2  }
0xb2: {  	v15 =	vor.u32 $0x17, v3;
	_ =	sdelay $0x1  }
0xb3: {  	v4 =	vmul.f32 v4, v2;
	_ =	sdelay $0x1  }
0xb4: {  	[tilespmem:v14+s5+$0x0] =	vst.idx.msk $0xffff, v4  }
0xb5: {  	v4 =	vld.idx.msk [tilespmem:v15+s5+$0x0], $0xffff;
	_ =	sdelay $0x2  }
0xb6: {  	v16 =	vor.u32 $0x18, v3;
	_ =	sdelay $0x1  }
0xb7: {  	v4 =	vmul.f32 v4, v2;
	_ =	sdelay $0x1  }
0xb8: {  	[tilespmem:v15+s5+$0x0] =	vst.idx.msk $0xffff, v4  }
0xb9: {  	v4 =	vld.idx.msk [tilespmem:v16+s5+$0x0], $0xffff;
	_ =	sdelay $0x2  }
0xba: {  	v17 =	vor.u32 $0x19, v3;
	_ =	sdelay $0x1  }
0xbb: {  	v4 =	vmul.f32 v4, v2;
	_ =	sdelay $0x1  }
0xbc: {  	[tilespmem:v16+s5+$0x0] =	vst.idx.msk $0xffff, v4  }
0xbd: {  	v4 =	vld.idx.msk [tilespmem:v17+s5+$0x0], $0xffff;
	_ =	sdelay $0x2  }
0xbe: {  	v18 =	vor.u32 $0x1A, v3;
	_ =	sdelay $0x1  }
0xbf: {  	v4 =	vmul.f32 v4, v2;
	_ =	sdelay $0x1  }
0xc0: {  	[tilespmem:v17+s5+$0x0] =	vst.idx.msk $0xffff, v4  }
0xc1: {  	v4 =	vld.idx.msk [tilespmem:v18+s5+$0x0], $0xffff;
	_ =	sdelay $0x2  }
0xc2: {  	v19 =	vor.u32 $0x1B, v3;
	_ =	sdelay $0x1  }
0xc3: {  	v4 =	vmul.f32 v4, v2;
	_ =	sdelay $0x1  }
0xc4: {  	[tilespmem:v18+s5+$0x0] =	vst.idx.msk $0xffff, v4  }
0xc5: {  	v4 =	vld.idx.msk [tilespmem:v19+s5+$0x0], $0xffff;
	_ =	sdelay $0x2  }
0xc6: {  	v20 =	vor.u32 $0x1C, v3;
	_ =	sdelay $0x1  }
0xc7: {  	v4 =	vmul.f32 v4, v2;
	_ =	sdelay $0x1  }
0xc8: {  	[tilespmem:v19+s5+$0x0] =	vst.idx.msk $0xffff, v4  }
0xc9: {  	v4 =	vld.idx.msk [tilespmem:v20+s5+$0x0], $0xffff;
	_ =	sdelay $0x2  }
0xca: {  	v21 =	vor.u32 $0x1D, v3;
	_ =	sdelay $0x1  }
0xcb: {  	v4 =	vmul.f32 v4, v2;
	_ =	sdelay $0x1  }
0xcc: {  	[tilespmem:v20+s5+$0x0] =	vst.idx.msk $0xffff, v4  }
0xcd: {  	v4 =	vld.idx.msk [tilespmem:v21+s5+$0x0], $0xffff;
	_ =	sdelay $0x2  }
0xce: {  	v22 =	vor.u32 $0x1E, v3;
	_ =	sdelay $0x1  }
0xcf: {  	v4 =	vmul.f32 v4, v2;
	_ =	sdelay $0x1  }
0xd0: {  	[tilespmem:v21+s5+$0x0] =	vst.idx.msk $0xffff, v4  }
0xd1: {  	v4 =	vld.idx.msk [tilespmem:v22+s5+$0x0], $0xffff;
	_ =	sdelay $0x2  }
0xd2: {  	v23 =	vor.u32 $0x1F, v3;
	_ =	sdelay $0x1  }
0xd3: {  	v4 =	vmul.f32 v4, v2;
	_ =	sdelay $0x1  }
0xd4: {  	[tilespmem:v22+s5+$0x0] =	vst.idx.msk $0xffff, v4  }
0xd5: {  	v4 =	vld.idx.msk [tilespmem:v23+s5+$0x0], $0xffff;
	_ =	sdelay $0x2  }
0xd6: {  	v24 =	vor.u32 $0x20, v3;
	_ =	sdelay $0x1  }
0xd7: {  	v4 =	vmul.f32 v4, v2;
	_ =	sdelay $0x1  }
0xd8: {  	[tilespmem:v23+s5+$0x0] =	vst.idx.msk $0xffff, v4  }
0xd9: {  	v4 =	vld.idx.msk [tilespmem:v24+s5+$0x0], $0xffff;
	_ =	sdelay $0x2  }
0xda: {  	v25 =	vor.u32 $0x21, v3;
	_ =	sdelay $0x1  }
0xdb: {  	v4 =	vmul.f32 v4, v2;
	_ =	sdelay $0x1  }
0xdc: {  	[tilespmem:v24+s5+$0x0] =	vst.idx.msk $0xffff, v4  }
0xdd: {  	v4 =	vld.idx.msk [tilespmem:v25+s5+$0x0], $0xffff;
	_ =	sdelay $0x2  }
0xde: {  	v26 =	vor.u32 $0x22, v3;
	_ =	sdelay $0x1  }
0xdf: {  	v4 =	vmul.f32 v4, v2;
	_ =	sdelay $0x1  }
0xe0: {  	[tilespmem:v25+s5+$0x0] =	vst.idx.msk $0xffff, v4  }
0xe1: {  	v4 =	vld.idx.msk [tilespmem:v26+s5+$0x0], $0xffff;
	_ =	sdelay $0x2  }
0xe2: {  	v27 =	vor.u32 $0x23, v3;
	_ =	sdelay $0x1  }
0xe3: {  	v4 =	vmul.f32 v4, v2;
	_ =	sdelay $0x1  }
0xe4: {  	[tilespmem:v26+s5+$0x0] =	vst.idx.msk $0xffff, v4  }
0xe5: {  	v4 =	vld.idx.msk [tilespmem:v27+s5+$0x0], $0xffff;
	_ =	sdelay $0x2  }
0xe6: {  	v28 =	vor.u32 $0x24, v3;
	_ =	sdelay $0x1  }
0xe7: {  	v4 =	vmul.f32 v4, v2;
	_ =	sdelay $0x1  }
0xe8: {  	[tilespmem:v27+s5+$0x0] =	vst.idx.msk $0xffff, v4  }
0xe9: {  	v4 =	vld.idx.msk [tilespmem:v28+s5+$0x0], $0xffff;
	_ =	sdelay $0x2  }
0xea: {  	v29 =	vor.u32 $0x25, v3;
	_ =	sdelay $0x1  }
0xeb: {  	v4 =	vmul.f32 v4, v2;
	_ =	sdelay $0x1  }
0xec: {  	[tilespmem:v28+s5+$0x0] =	vst.idx.msk $0xffff, v4  }
0xed: {  	v4 =	vld.idx.msk [tilespmem:v29+s5+$0x0], $0xffff;
	_ =	sdelay $0x2  }
0xee: {  	v30 =	vor.u32 $0x26, v3;
	_ =	sdelay $0x1  }
0xef: {  	v4 =	vmul.f32 v4, v2;
	_ =	sdelay $0x1  }
0xf0: {  	[tilespmem:v29+s5+$0x0] =	vst.idx.msk $0xffff, v4  }
0xf1: {  	v4 =	vld.idx.msk [tilespmem:v30+s5+$0x0], $0xffff;
	_ =	sdelay $0x2  }
0xf2: {  	v31 =	vor.u32 $0x27, v3;
	_ =	sdelay $0x1  }
0xf3: {  	v4 =	vmul.f32 v4, v2;
	_ =	sdelay $0x1  }
0xf4: {  	[tilespmem:v30+s5+$0x0] =	vst.idx.msk $0xffff, v4  }
0xf5: {  	v4 =	vld.idx.msk [tilespmem:v31+s5+$0x0], $0xffff;
	_ =	sdelay $0x2  }
0xf6: {  	v32 =	vor.u32 $0x28, v3;
	_ =	sdelay $0x1  }
0xf7: {  	v4 =	vmul.f32 v4, v2;
	_ =	sdelay $0x1  }
0xf8: {  	[tilespmem:v31+s5+$0x0] =	vst.idx.msk $0xffff, v4  }
0xf9: {  	v4 =	vld.idx.msk [tilespmem:v32+s5+$0x0], $0xffff;
	_ =	sdelay $0x2  }
0xfa: {  	v33 =	vor.u32 $0x29, v3;
	_ =	sdelay $0x1  }
0xfb: {  	v4 =	vmul.f32 v4, v2;
	_ =	sdelay $0x1  }
0xfc: {  	[tilespmem:v32+s5+$0x0] =	vst.idx.msk $0xffff, v4  }
0xfd: {  	v4 =	vld.idx.msk [tilespmem:v33+s5+$0x0], $0xffff;
	_ =	sdelay $0x2  }
0xfe: {  	v34 =	vor.u32 $0x2A, v3;
	_ =	sdelay $0x1  }
0xff: {  	v4 =	vmul.f32 v4, v2;
	_ =	sdelay $0x1  }
0x100: {  	[tilespmem:v33+s5+$0x0] =	vst.idx.msk $0xffff, v4  }
0x101: {  	v4 =	vld.idx.msk [tilespmem:v34+s5+$0x0], $0xffff;
	_ =	sdelay $0x2  }
0x102: {  	v35 =	vor.u32 $0x2B, v3;
	_ =	sdelay $0x1  }
0x103: {  	v4 =	vmul.f32 v4, v2;
	_ =	sdelay $0x1  }
0x104: {  	[tilespmem:v34+s5+$0x0] =	vst.idx.msk $0xffff, v4  }
0x105: {  	v4 =	vld.idx.msk [tilespmem:v35+s5+$0x0], $0xffff;
	_ =	sdelay $0x2  }
0x106: {  	v36 =	vor.u32 $0x2C, v3;
	_ =	sdelay $0x1  }
0x107: {  	v4 =	vmul.f32 v4, v2;
	_ =	sdelay $0x1  }
0x108: {  	[tilespmem:v35+s5+$0x0] =	vst.idx.msk $0xffff, v4  }
0x109: {  	v4 =	vld.idx.msk [tilespmem:v36+s5+$0x0], $0xffff;
	_ =	sdelay $0x2  }
0x10a: {  	v37 =	vor.u32 $0x2D, v3;
	_ =	sdelay $0x1  }
0x10b: {  	v4 =	vmul.f32 v4, v2;
	_ =	sdelay $0x1  }
0x10c: {  	[tilespmem:v36+s5+$0x0] =	vst.idx.msk $0xffff, v4  }
0x10d: {  	v4 =	vld.idx.msk [tilespmem:v37+s5+$0x0], $0xffff;
	_ =	sdelay $0x2  }
0x10e: {  	v38 =	vor.u32 $0x2E, v3;
	_ =	sdelay $0x1  }
0x10f: {  	v4 =	vmul.f32 v4, v2;
	_ =	sdelay $0x1  }
0x110: {  	[tilespmem:v37+s5+$0x0] =	vst.idx.msk $0xffff, v4  }
0x111: {  	v4 =	vld.idx.msk [tilespmem:v38+s5+$0x0], $0xffff;
	_ =	sdelay $0x2  }
0x112: {  	v39 =	vor.u32 $0x2F, v3;
	_ =	sdelay $0x1  }
0x113: {  	v4 =	vmul.f32 v4, v2;
	_ =	sdelay $0x1  }
0x114: {  	[tilespmem:v38+s5+$0x0] =	vst.idx.msk $0xffff, v4  }
0x115: {  	v4 =	vld.idx.msk [tilespmem:v39+s5+$0x0], $0xffff;
	_ =	sdelay $0x2  }
0x116: {  	v40 =	vor.u32 $0x30, v3;
	_ =	sdelay $0x1  }
0x117: {  	v4 =	vmul.f32 v4, v2;
	_ =	sdelay $0x1  }
0x118: {  	[tilespmem:v39+s5+$0x0] =	vst.idx.msk $0xffff, v4  }
0x119: {  	v4 =	vld.idx.msk [tilespmem:v40+s5+$0x0], $0xffff;
	_ =	sdelay $0x2  }
0x11a: {  	v41 =	vor.u32 $0x31, v3;
	_ =	sdelay $0x1  }
0x11b: {  	v4 =	vmul.f32 v4, v2;
	_ =	sdelay $0x1  }
0x11c: {  	[tilespmem:v40+s5+$0x0] =	vst.idx.msk $0xffff, v4  }
0x11d: {  	v4 =	vld.idx.msk [tilespmem:v41+s5+$0x0], $0xffff;
	_ =	sdelay $0x2  }
0x11e: {  	v42 =	vor.u32 $0x32, v3;
	_ =	sdelay $0x1  }
0x11f: {  	v4 =	vmul.f32 v4, v2;
	_ =	sdelay $0x1  }
0x120: {  	[tilespmem:v41+s5+$0x0] =	vst.idx.msk $0xffff, v4  }
0x121: {  	v4 =	vld.idx.msk [tilespmem:v42+s5+$0x0], $0xffff;
	_ =	sdelay $0x2  }
0x122: {  	v43 =	vor.u32 $0x33, v3;
	_ =	sdelay $0x1  }
0x123: {  	v4 =	vmul.f32 v4, v2;
	_ =	sdelay $0x1  }
0x124: {  	[tilespmem:v42+s5+$0x0] =	vst.idx.msk $0xffff, v4  }
0x125: {  	v4 =	vld.idx.msk [tilespmem:v43+s5+$0x0], $0xffff;
	_ =	sdelay $0x2  }
0x126: {  	v44 =	vor.u32 $0x34, v3;
	_ =	sdelay $0x1  }
0x127: {  	v4 =	vmul.f32 v4, v2;
	_ =	sdelay $0x1  }
0x128: {  	[tilespmem:v43+s5+$0x0] =	vst.idx.msk $0xffff, v4  }
0x129: {  	v4 =	vld.idx.msk [tilespmem:v44+s5+$0x0], $0xffff;
	_ =	sdelay $0x2  }
0x12a: {  	v45 =	vor.u32 $0x35, v3;
	_ =	sdelay $0x1  }
0x12b: {  	v4 =	vmul.f32 v4, v2;
	_ =	sdelay $0x1  }
0x12c: {  	[tilespmem:v44+s5+$0x0] =	vst.idx.msk $0xffff, v4  }
0x12d: {  	v4 =	vld.idx.msk [tilespmem:v45+s5+$0x0], $0xffff;
	_ =	sdelay $0x2  }
0x12e: {  	v46 =	vor.u32 $0x36, v3;
	_ =	sdelay $0x1  }
0x12f: {  	v4 =	vmul.f32 v4, v2;
	_ =	sdelay $0x1  }
0x130: {  	[tilespmem:v45+s5+$0x0] =	vst.idx.msk $0xffff, v4  }
0x131: {  	v4 =	vld.idx.msk [tilespmem:v46+s5+$0x0], $0xffff;
	_ =	sdelay $0x2  }
0x132: {  	v47 =	vor.u32 $0x37, v3;
	_ =	sdelay $0x1  }
0x133: {  	v4 =	vmul.f32 v4, v2;
	_ =	sdelay $0x1  }
0x134: {  	[tilespmem:v46+s5+$0x0] =	vst.idx.msk $0xffff, v4  }
0x135: {  	v4 =	vld.idx.msk [tilespmem:v47+s5+$0x0], $0xffff;
	_ =	sdelay $0x2  }
0x136: {  	v48 =	vor.u32 $0x38, v3;
	_ =	sdelay $0x1  }
0x137: {  	v4 =	vmul.f32 v4, v2;
	_ =	sdelay $0x1  }
0x138: {  	[tilespmem:v47+s5+$0x0] =	vst.idx.msk $0xffff, v4  }
0x139: {  	v4 =	vld.idx.msk [tilespmem:v48+s5+$0x0], $0xffff;
	_ =	sdelay $0x2  }
0x13a: {  	v49 =	vor.u32 $0x39, v3;
	_ =	sdelay $0x1  }
0x13b: {  	v4 =	vmul.f32 v4, v2;
	_ =	sdelay $0x1  }
0x13c: {  	[tilespmem:v48+s5+$0x0] =	vst.idx.msk $0xffff, v4  }
0x13d: {  	v4 =	vld.idx.msk [tilespmem:v49+s5+$0x0], $0xffff;
	_ =	sdelay $0x2  }
0x13e: {  	v50 =	vor.u32 $0x3A, v3;
	_ =	sdelay $0x1  }
0x13f: {  	v4 =	vmul.f32 v4, v2;
	_ =	sdelay $0x1  }
0x140: {  	[tilespmem:v49+s5+$0x0] =	vst.idx.msk $0xffff, v4  }
0x141: {  	v4 =	vld.idx.msk [tilespmem:v50+s5+$0x0], $0xffff;
	_ =	sdelay $0x2  }
0x142: {  	v51 =	vor.u32 $0x3B, v3;
	_ =	sdelay $0x1  }
0x143: {  	v4 =	vmul.f32 v4, v2;
	_ =	sdelay $0x1  }
0x144: {  	[tilespmem:v50+s5+$0x0] =	vst.idx.msk $0xffff, v4  }
0x145: {  	v4 =	vld.idx.msk [tilespmem:v51+s5+$0x0], $0xffff;
	_ =	sdelay $0x2  }
0x146: {  	v52 =	vor.u32 $0x3C, v3;
	_ =	sdelay $0x1  }
0x147: {  	v4 =	vmul.f32 v4, v2;
	_ =	sdelay $0x1  }
0x148: {  	[tilespmem:v51+s5+$0x0] =	vst.idx.msk $0xffff, v4  }
0x149: {  	v4 =	vld.idx.msk [tilespmem:v52+s5+$0x0], $0xffff;
	_ =	sdelay $0x2  }
0x14a: {  	v53 =	vor.u32 $0x3D, v3;
	_ =	sdelay $0x1  }
0x14b: {  	v4 =	vmul.f32 v4, v2;
	_ =	sdelay $0x1  }
0x14c: {  	[tilespmem:v52+s5+$0x0] =	vst.idx.msk $0xffff, v4  }
0x14d: {  	v4 =	vld.idx.msk [tilespmem:v53+s5+$0x0], $0xffff;
	_ =	sdelay $0x2  }
0x14e: {  	v54 =	vor.u32 $0x3E, v3;
	_ =	sdelay $0x1  }
0x14f: {  	v4 =	vmul.f32 v4, v2;
	_ =	sdelay $0x1  }
0x150: {  	[tilespmem:v53+s5+$0x0] =	vst.idx.msk $0xffff, v4  }
0x151: {  	v4 =	vld.idx.msk [tilespmem:v54+s5+$0x0], $0xffff;
	_ =	sdelay $0x2  }
0x152: {  	v55 =	vor.u32 $0x3F, v3;
	_ =	sdelay $0x1  }
0x153: {  	v4 =	vmul.f32 v4, v2;
	_ =	sdelay $0x1  }
0x154: {  	[tilespmem:v54+s5+$0x0] =	vst.idx.msk $0xffff, v4  }
0x155: {  	v4 =	vld.idx.msk [tilespmem:v55+s5+$0x0], $0xffff;
	_ =	sdelay $0x2  }
0x156: {  	v56 =	vor.u32 $0x40, v3;
	_ =	sdelay $0x1  }
0x157: {  	v4 =	vmul.f32 v4, v2;
	_ =	sdelay $0x1  }
0x158: {  	[tilespmem:v55+s5+$0x0] =	vst.idx.msk $0xffff, v4  }
0x159: {  	v4 =	vld.idx.msk [tilespmem:v56+s5+$0x0], $0xffff;
	_ =	sdelay $0x2  }
0x15a: {  	v57 =	vor.u32 $0x41, v3;
	_ =	sdelay $0x1  }
0x15b: {  	v4 =	vmul.f32 v4, v2;
	_ =	sdelay $0x1  }
0x15c: {  	[tilespmem:v56+s5+$0x0] =	vst.idx.msk $0xffff, v4  }
0x15d: {  	v4 =	vld.idx.msk [tilespmem:v57+s5+$0x0], $0xffff;
	_ =	sdelay $0x2  }
0x15e: {  	v58 =	vor.u32 $0x42, v3;
	_ =	sdelay $0x1  }
0x15f: {  	v4 =	vmul.f32 v4, v2;
	_ =	sdelay $0x1  }
0x160: {  	[tilespmem:v57+s5+$0x0] =	vst.idx.msk $0xffff, v4  }
0x161: {  	v4 =	vld.idx.msk [tilespmem:v58+s5+$0x0], $0xffff;
	_ =	sdelay $0x2  }
0x162: {  	v59 =	vor.u32 $0x43, v3;
	_ =	sdelay $0x1  }
0x163: {  	v4 =	vmul.f32 v4, v2;
	_ =	sdelay $0x1  }
0x164: {  	[tilespmem:v58+s5+$0x0] =	vst.idx.msk $0xffff, v4  }
0x165: {  	v4 =	vld.idx.msk [tilespmem:v59+s5+$0x0], $0xffff;
	_ =	sdelay $0x2  }
0x166: {  	v60 =	vor.u32 $0x44, v3;
	_ =	sdelay $0x1  }
0x167: {  	v4 =	vmul.f32 v4, v2;
	_ =	sdelay $0x1  }
0x168: {  	[tilespmem:v59+s5+$0x0] =	vst.idx.msk $0xffff, v4  }
0x169: {  	v4 =	vld.idx.msk [tilespmem:v60+s5+$0x0], $0xffff;
	_ =	sdelay $0x2  }
0x16a: {  	v61 =	vor.u32 $0x45, v3;
	_ =	sdelay $0x1  }
0x16b: {  	v4 =	vmul.f32 v4, v2;
	_ =	sdelay $0x1  }
0x16c: {  	[tilespmem:v60+s5+$0x0] =	vst.idx.msk $0xffff, v4  }
0x16d: {  	v4 =	vld.idx.msk [tilespmem:v61+s5+$0x0], $0xffff;
	_ =	sdelay $0x2  }
0x16e: {  	v62 =	vor.u32 $0x46, v3;
	_ =	sdelay $0x1  }
0x16f: {  	v4 =	vmul.f32 v4, v2;
	_ =	sdelay $0x1  }
0x170: {  	[tilespmem:v61+s5+$0x0] =	vst.idx.msk $0xffff, v4  }
0x171: {  	v4 =	vld.idx.msk [tilespmem:v62+s5+$0x0], $0xffff;
	_ =	sdelay $0x2  }
0x172: {  	v63 =	vor.u32 $0x47, v3;
	_ =	sdelay $0x1  }
0x173: {  	v4 =	vmul.f32 v4, v2;
	_ =	sdelay $0x1  }
0x174: {  	[tilespmem:v62+s5+$0x0] =	vst.idx.msk $0xffff, v4  }
0x175: {  	v4 =	vld.idx.msk [tilespmem:v63+s5+$0x0], $0xffff;
	_ =	sdelay $0x2  }
0x176: {  	v9 =	vor.u32 $0x48, v3;
	_ =	sdelay $0x1  }
0x177: {  	v4 =	vmul.f32 v4, v2;
	_ =	sdelay $0x1  }
0x178: {  	[tilespmem:v63+s5+$0x0] =	vst.idx.msk $0xffff, v4  }
0x179: {  	v4 =	vld.idx.msk [tilespmem:v9+s5+$0x0], $0xffff;
	_ =	sdelay $0x2  }
0x17a: {  	v10 =	vor.u32 $0x49, v3;
	_ =	sdelay $0x1  }
0x17b: {  	v4 =	vmul.f32 v4, v2;
	_ =	sdelay $0x1  }
0x17c: {  	[tilespmem:v9+s5+$0x0] =	vst.idx.msk $0xffff, v4  }
0x17d: {  	v4 =	vld.idx.msk [tilespmem:v10+s5+$0x0], $0xffff;
	_ =	sdelay $0x2  }
0x17e: {  	v11 =	vor.u32 $0x4A, v3;
	_ =	sdelay $0x1  }
0x17f: {  	v4 =	vmul.f32 v4, v2;
	_ =	sdelay $0x1  }
0x180: {  	[tilespmem:v10+s5+$0x0] =	vst.idx.msk $0xffff, v4  }
0x181: {  	v4 =	vld.idx.msk [tilespmem:v11+s5+$0x0], $0xffff;
	_ =	sdelay $0x2  }
0x182: {  	v12 =	vor.u32 $0x4B, v3;
	_ =	sdelay $0x1  }
0x183: {  	v4 =	vmul.f32 v4, v2;
	_ =	sdelay $0x1  }
0x184: {  	[tilespmem:v11+s5+$0x0] =	vst.idx.msk $0xffff, v4  }
0x185: {  	v4 =	vld.idx.msk [tilespmem:v12+s5+$0x0], $0xffff;
	_ =	sdelay $0x2  }
0x186: {  	v13 =	vor.u32 $0x4C, v3;
	_ =	sdelay $0x1  }
0x187: {  	v4 =	vmul.f32 v4, v2;
	_ =	sdelay $0x1  }
0x188: {  	[tilespmem:v12+s5+$0x0] =	vst.idx.msk $0xffff, v4  }
0x189: {  	v4 =	vld.idx.msk [tilespmem:v13+s5+$0x0], $0xffff;
	_ =	sdelay $0x2  }
0x18a: {  	v14 =	vor.u32 $0x4D, v3;
	_ =	sdelay $0x1  }
0x18b: {  	v4 =	vmul.f32 v4, v2;
	_ =	sdelay $0x1  }
0x18c: {  	[tilespmem:v13+s5+$0x0] =	vst.idx.msk $0xffff, v4  }
0x18d: {  	v4 =	vld.idx.msk [tilespmem:v14+s5+$0x0], $0xffff;
	_ =	sdelay $0x2  }
0x18e: {  	v15 =	vor.u32 $0x4E, v3;
	_ =	sdelay $0x1  }
0x18f: {  	v4 =	vmul.f32 v4, v2;
	_ =	sdelay $0x1  }
0x190: {  	[tilespmem:v14+s5+$0x0] =	vst.idx.msk $0xffff, v4  }
0x191: {  	v4 =	vld.idx.msk [tilespmem:v15+s5+$0x0], $0xffff;
	_ =	sdelay $0x2  }
0x192: {  	v16 =	vor.u32 $0x4F, v3;
	_ =	sdelay $0x1  }
0x193: {  	v4 =	vmul.f32 v4, v2;
	_ =	sdelay $0x1  }
0x194: {  	[tilespmem:v15+s5+$0x0] =	vst.idx.msk $0xffff, v4  }
0x195: {  	v4 =	vld.idx.msk [tilespmem:v16+s5+$0x0], $0xffff;
	_ =	sdelay $0x2  }
0x196: {  	v17 =	vor.u32 $0x50, v3;
	_ =	sdelay $0x1  }
0x197: {  	v4 =	vmul.f32 v4, v2;
	_ =	sdelay $0x1  }
0x198: {  	[tilespmem:v16+s5+$0x0] =	vst.idx.msk $0xffff, v4  }
0x199: {  	v4 =	vld.idx.msk [tilespmem:v17+s5+$0x0], $0xffff;
	_ =	sdelay $0x2  }
0x19a: {  	v18 =	vor.u32 $0x51, v3;
	_ =	sdelay $0x1  }
0x19b: {  	v4 =	vmul.f32 v4, v2;
	_ =	sdelay $0x1  }
0x19c: {  	[tilespmem:v17+s5+$0x0] =	vst.idx.msk $0xffff, v4  }
0x19d: {  	v4 =	vld.idx.msk [tilespmem:v18+s5+$0x0], $0xffff;
	_ =	sdelay $0x2  }
0x19e: {  	v19 =	vor.u32 $0x52, v3;
	_ =	sdelay $0x1  }
0x19f: {  	v4 =	vmul.f32 v4, v2;
	_ =	sdelay $0x1  }
0x1a0: {  	[tilespmem:v18+s5+$0x0] =	vst.idx.msk $0xffff, v4  }
0x1a1: {  	v4 =	vld.idx.msk [tilespmem:v19+s5+$0x0], $0xffff;
	_ =	sdelay $0x2  }
0x1a2: {  	v20 =	vor.u32 $0x53, v3;
	_ =	sdelay $0x1  }
0x1a3: {  	v4 =	vmul.f32 v4, v2;
	_ =	sdelay $0x1  }
0x1a4: {  	[tilespmem:v19+s5+$0x0] =	vst.idx.msk $0xffff, v4  }
0x1a5: {  	v4 =	vld.idx.msk [tilespmem:v20+s5+$0x0], $0xffff;
	_ =	sdelay $0x2  }
0x1a6: {  	v21 =	vor.u32 $0x54, v3;
	_ =	sdelay $0x1  }
0x1a7: {  	v4 =	vmul.f32 v4, v2;
	_ =	sdelay $0x1  }
0x1a8: {  	[tilespmem:v20+s5+$0x0] =	vst.idx.msk $0xffff, v4  }
0x1a9: {  	v4 =	vld.idx.msk [tilespmem:v21+s5+$0x0], $0xffff;
	_ =	sdelay $0x2  }
0x1aa: {  	v22 =	vor.u32 $0x55, v3;
	_ =	sdelay $0x1  }
0x1ab: {  	v4 =	vmul.f32 v4, v2;
	_ =	sdelay $0x1  }
0x1ac: {  	[tilespmem:v21+s5+$0x0] =	vst.idx.msk $0xffff, v4  }
0x1ad: {  	v4 =	vld.idx.msk [tilespmem:v22+s5+$0x0], $0xffff;
	_ =	sdelay $0x2  }
0x1ae: {  	v23 =	vor.u32 $0x56, v3;
	_ =	sdelay $0x1  }
0x1af: {  	v4 =	vmul.f32 v4, v2;
	_ =	sdelay $0x1  }
0x1b0: {  	[tilespmem:v22+s5+$0x0] =	vst.idx.msk $0xffff, v4  }
0x1b1: {  	v4 =	vld.idx.msk [tilespmem:v23+s5+$0x0], $0xffff;
	_ =	sdelay $0x2  }
0x1b2: {  	v24 =	vor.u32 $0x57, v3;
	_ =	sdelay $0x1  }
0x1b3: {  	v4 =	vmul.f32 v4, v2;
	_ =	sdelay $0x1  }
0x1b4: {  	[tilespmem:v23+s5+$0x0] =	vst.idx.msk $0xffff, v4  }
0x1b5: {  	v4 =	vld.idx.msk [tilespmem:v24+s5+$0x0], $0xffff;
	_ =	sdelay $0x2  }
0x1b6: {  	v25 =	vor.u32 $0x58, v3;
	_ =	sdelay $0x1  }
0x1b7: {  	v4 =	vmul.f32 v4, v2;
	_ =	sdelay $0x1  }
0x1b8: {  	[tilespmem:v24+s5+$0x0] =	vst.idx.msk $0xffff, v4  }
0x1b9: {  	v4 =	vld.idx.msk [tilespmem:v25+s5+$0x0], $0xffff;
	_ =	sdelay $0x2  }
0x1ba: {  	v26 =	vor.u32 $0x59, v3;
	_ =	sdelay $0x1  }
0x1bb: {  	v4 =	vmul.f32 v4, v2;
	_ =	sdelay $0x1  }
0x1bc: {  	[tilespmem:v25+s5+$0x0] =	vst.idx.msk $0xffff, v4  }
0x1bd: {  	v4 =	vld.idx.msk [tilespmem:v26+s5+$0x0], $0xffff;
	_ =	sdelay $0x2  }
0x1be: {  	v27 =	vor.u32 $0x5A, v3;
	_ =	sdelay $0x1  }
0x1bf: {  	v4 =	vmul.f32 v4, v2;
	_ =	sdelay $0x1  }
0x1c0: {  	[tilespmem:v26+s5+$0x0] =	vst.idx.msk $0xffff, v4  }
0x1c1: {  	v4 =	vld.idx.msk [tilespmem:v27+s5+$0x0], $0xffff;
	_ =	sdelay $0x2  }
0x1c2: {  	v28 =	vor.u32 $0x5B, v3;
	_ =	sdelay $0x1  }
0x1c3: {  	v4 =	vmul.f32 v4, v2;
	_ =	sdelay $0x1  }
0x1c4: {  	[tilespmem:v27+s5+$0x0] =	vst.idx.msk $0xffff, v4  }
0x1c5: {  	v4 =	vld.idx.msk [tilespmem:v28+s5+$0x0], $0xffff;
	_ =	sdelay $0x2  }
0x1c6: {  	v29 =	vor.u32 $0x5C, v3;
	_ =	sdelay $0x1  }
0x1c7: {  	v4 =	vmul.f32 v4, v2;
	_ =	sdelay $0x1  }
0x1c8: {  	[tilespmem:v28+s5+$0x0] =	vst.idx.msk $0xffff, v4  }
0x1c9: {  	v4 =	vld.idx.msk [tilespmem:v29+s5+$0x0], $0xffff;
	_ =	sdelay $0x2  }
0x1ca: {  	v30 =	vor.u32 $0x5D, v3;
	_ =	sdelay $0x1  }
0x1cb: {  	v4 =	vmul.f32 v4, v2;
	_ =	sdelay $0x1  }
0x1cc: {  	[tilespmem:v29+s5+$0x0] =	vst.idx.msk $0xffff, v4  }
0x1cd: {  	v4 =	vld.idx.msk [tilespmem:v30+s5+$0x0], $0xffff;
	_ =	sdelay $0x2  }
0x1ce: {  	v31 =	vor.u32 $0x5E, v3;
	_ =	sdelay $0x1  }
0x1cf: {  	v4 =	vmul.f32 v4, v2;
	_ =	sdelay $0x1  }
0x1d0: {  	[tilespmem:v30+s5+$0x0] =	vst.idx.msk $0xffff, v4  }
0x1d1: {  	v4 =	vld.idx.msk [tilespmem:v31+s5+$0x0], $0xffff;
	_ =	sdelay $0x2  }
0x1d2: {  	v32 =	vor.u32 $0x5F, v3;
	_ =	sdelay $0x1  }
0x1d3: {  	v4 =	vmul.f32 v4, v2;
	_ =	sdelay $0x1  }
0x1d4: {  	[tilespmem:v31+s5+$0x0] =	vst.idx.msk $0xffff, v4  }
0x1d5: {  	v4 =	vld.idx.msk [tilespmem:v32+s5+$0x0], $0xffff;
	_ =	sdelay $0x2  }
0x1d6: {  	v33 =	vor.u32 $0x60, v3;
	_ =	sdelay $0x1  }
0x1d7: {  	v4 =	vmul.f32 v4, v2;
	_ =	sdelay $0x1  }
0x1d8: {  	[tilespmem:v32+s5+$0x0] =	vst.idx.msk $0xffff, v4  }
0x1d9: {  	v4 =	vld.idx.msk [tilespmem:v33+s5+$0x0], $0xffff;
	_ =	sdelay $0x2  }
0x1da: {  	v34 =	vor.u32 $0x61, v3;
	_ =	sdelay $0x1  }
0x1db: {  	v4 =	vmul.f32 v4, v2;
	_ =	sdelay $0x1  }
0x1dc: {  	[tilespmem:v33+s5+$0x0] =	vst.idx.msk $0xffff, v4  }
0x1dd: {  	v4 =	vld.idx.msk [tilespmem:v34+s5+$0x0], $0xffff;
	_ =	sdelay $0x2  }
0x1de: {  	v35 =	vor.u32 $0x62, v3;
	_ =	sdelay $0x1  }
0x1df: {  	v4 =	vmul.f32 v4, v2;
	_ =	sdelay $0x1  }
0x1e0: {  	[tilespmem:v34+s5+$0x0] =	vst.idx.msk $0xffff, v4  }
0x1e1: {  	v4 =	vld.idx.msk [tilespmem:v35+s5+$0x0], $0xffff;
	_ =	sdelay $0x2  }
0x1e2: {  	v36 =	vor.u32 $0x63, v3;
	_ =	sdelay $0x1  }
0x1e3: {  	v4 =	vmul.f32 v4, v2;
	_ =	sdelay $0x1  }
0x1e4: {  	[tilespmem:v35+s5+$0x0] =	vst.idx.msk $0xffff, v4  }
0x1e5: {  	v4 =	vld.idx.msk [tilespmem:v36+s5+$0x0], $0xffff;
	_ =	sdelay $0x2  }
0x1e6: {  	v37 =	vor.u32 $0x64, v3;
	_ =	sdelay $0x1  }
0x1e7: {  	v4 =	vmul.f32 v4, v2;
	_ =	sdelay $0x1  }
0x1e8: {  	[tilespmem:v36+s5+$0x0] =	vst.idx.msk $0xffff, v4  }
0x1e9: {  	v4 =	vld.idx.msk [tilespmem:v37+s5+$0x0], $0xffff;
	_ =	sdelay $0x2  }
0x1ea: {  	v38 =	vor.u32 $0x65, v3;
	_ =	sdelay $0x1  }
0x1eb: {  	v4 =	vmul.f32 v4, v2;
	_ =	sdelay $0x1  }
0x1ec: {  	[tilespmem:v37+s5+$0x0] =	vst.idx.msk $0xffff, v4  }
0x1ed: {  	v4 =	vld.idx.msk [tilespmem:v38+s5+$0x0], $0xffff;
	_ =	sdelay $0x2  }
0x1ee: {  	v39 =	vor.u32 $0x66, v3;
	_ =	sdelay $0x1  }
0x1ef: {  	v4 =	vmul.f32 v4, v2;
	_ =	sdelay $0x1  }
0x1f0: {  	[tilespmem:v38+s5+$0x0] =	vst.idx.msk $0xffff, v4  }
0x1f1: {  	v4 =	vld.idx.msk [tilespmem:v39+s5+$0x0], $0xffff;
	_ =	sdelay $0x2  }
0x1f2: {  	v40 =	vor.u32 $0x67, v3;
	_ =	sdelay $0x1  }
0x1f3: {  	v4 =	vmul.f32 v4, v2;
	_ =	sdelay $0x1  }
0x1f4: {  	[tilespmem:v39+s5+$0x0] =	vst.idx.msk $0xffff, v4  }
0x1f5: {  	v4 =	vld.idx.msk [tilespmem:v40+s5+$0x0], $0xffff;
	_ =	sdelay $0x2  }
0x1f6: {  	v41 =	vor.u32 $0x68, v3;
	_ =	sdelay $0x1  }
0x1f7: {  	v4 =	vmul.f32 v4, v2;
	_ =	sdelay $0x1  }
0x1f8: {  	[tilespmem:v40+s5+$0x0] =	vst.idx.msk $0xffff, v4  }
0x1f9: {  	v4 =	vld.idx.msk [tilespmem:v41+s5+$0x0], $0xffff;
	_ =	sdelay $0x2  }
0x1fa: {  	v42 =	vor.u32 $0x69, v3;
	_ =	sdelay $0x1  }
0x1fb: {  	v4 =	vmul.f32 v4, v2;
	_ =	sdelay $0x1  }
0x1fc: {  	[tilespmem:v41+s5+$0x0] =	vst.idx.msk $0xffff, v4  }
0x1fd: {  	v4 =	vld.idx.msk [tilespmem:v42+s5+$0x0], $0xffff;
	_ =	sdelay $0x2  }
0x1fe: {  	v43 =	vor.u32 $0x6A, v3;
	_ =	sdelay $0x1  }
0x1ff: {  	v4 =	vmul.f32 v4, v2;
	_ =	sdelay $0x1  }
0x200: {  	[tilespmem:v42+s5+$0x0] =	vst.idx.msk $0xffff, v4  }
0x201: {  	v4 =	vld.idx.msk [tilespmem:v43+s5+$0x0], $0xffff;
	_ =	sdelay $0x2  }
0x202: {  	v44 =	vor.u32 $0x6B, v3;
	_ =	sdelay $0x1  }
0x203: {  	v4 =	vmul.f32 v4, v2;
	_ =	sdelay $0x1  }
0x204: {  	[tilespmem:v43+s5+$0x0] =	vst.idx.msk $0xffff, v4  }
0x205: {  	v4 =	vld.idx.msk [tilespmem:v44+s5+$0x0], $0xffff;
	_ =	sdelay $0x2  }
0x206: {  	v45 =	vor.u32 $0x6C, v3;
	_ =	sdelay $0x1  }
0x207: {  	v4 =	vmul.f32 v4, v2;
	_ =	sdelay $0x1  }
0x208: {  	[tilespmem:v44+s5+$0x0] =	vst.idx.msk $0xffff, v4  }
0x209: {  	v4 =	vld.idx.msk [tilespmem:v45+s5+$0x0], $0xffff;
	_ =	sdelay $0x2  }
0x20a: {  	v46 =	vor.u32 $0x6D, v3;
	_ =	sdelay $0x1  }
0x20b: {  	v4 =	vmul.f32 v4, v2;
	_ =	sdelay $0x1  }
0x20c: {  	[tilespmem:v45+s5+$0x0] =	vst.idx.msk $0xffff, v4  }
0x20d: {  	v4 =	vld.idx.msk [tilespmem:v46+s5+$0x0], $0xffff;
	_ =	sdelay $0x2  }
0x20e: {  	v47 =	vor.u32 $0x6E, v3;
	_ =	sdelay $0x1  }
0x20f: {  	v4 =	vmul.f32 v4, v2;
	_ =	sdelay $0x1  }
0x210: {  	[tilespmem:v46+s5+$0x0] =	vst.idx.msk $0xffff, v4  }
0x211: {  	v4 =	vld.idx.msk [tilespmem:v47+s5+$0x0], $0xffff;
	_ =	sdelay $0x2  }
0x212: {  	v48 =	vor.u32 $0x6F, v3;
	_ =	sdelay $0x1  }
0x213: {  	v4 =	vmul.f32 v4, v2;
	_ =	sdelay $0x1  }
0x214: {  	[tilespmem:v47+s5+$0x0] =	vst.idx.msk $0xffff, v4  }
0x215: {  	v4 =	vld.idx.msk [tilespmem:v48+s5+$0x0], $0xffff;
	_ =	sdelay $0x2  }
0x216: {  	v49 =	vor.u32 $0x70, v3;
	_ =	sdelay $0x1  }
0x217: {  	v4 =	vmul.f32 v4, v2;
	_ =	sdelay $0x1  }
0x218: {  	[tilespmem:v48+s5+$0x0] =	vst.idx.msk $0xffff, v4  }
0x219: {  	v4 =	vld.idx.msk [tilespmem:v49+s5+$0x0], $0xffff;
	_ =	sdelay $0x2  }
0x21a: {  	v50 =	vor.u32 $0x71, v3;
	_ =	sdelay $0x1  }
0x21b: {  	v4 =	vmul.f32 v4, v2;
	_ =	sdelay $0x1  }
0x21c: {  	[tilespmem:v49+s5+$0x0] =	vst.idx.msk $0xffff, v4  }
0x21d: {  	v4 =	vld.idx.msk [tilespmem:v50+s5+$0x0], $0xffff;
	_ =	sdelay $0x2  }
0x21e: {  	v51 =	vor.u32 $0x72, v3;
	_ =	sdelay $0x1  }
0x21f: {  	v4 =	vmul.f32 v4, v2;
	_ =	sdelay $0x1  }
0x220: {  	[tilespmem:v50+s5+$0x0] =	vst.idx.msk $0xffff, v4  }
0x221: {  	v4 =	vld.idx.msk [tilespmem:v51+s5+$0x0], $0xffff;
	_ =	sdelay $0x2  }
0x222: {  	v52 =	vor.u32 $0x73, v3;
	_ =	sdelay $0x1  }
0x223: {  	v4 =	vmul.f32 v4, v2;
	_ =	sdelay $0x1  }
0x224: {  	[tilespmem:v51+s5+$0x0] =	vst.idx.msk $0xffff, v4  }
0x225: {  	v4 =	vld.idx.msk [tilespmem:v52+s5+$0x0], $0xffff;
	_ =	sdelay $0x2  }
0x226: {  	v53 =	vor.u32 $0x74, v3;
	_ =	sdelay $0x1  }
0x227: {  	v4 =	vmul.f32 v4, v2;
	_ =	sdelay $0x1  }
0x228: {  	[tilespmem:v52+s5+$0x0] =	vst.idx.msk $0xffff, v4  }
0x229: {  	v4 =	vld.idx.msk [tilespmem:v53+s5+$0x0], $0xffff;
	_ =	sdelay $0x2  }
0x22a: {  	v54 =	vor.u32 $0x75, v3;
	_ =	sdelay $0x1  }
0x22b: {  	v4 =	vmul.f32 v4, v2;
	_ =	sdelay $0x1  }
0x22c: {  	[tilespmem:v53+s5+$0x0] =	vst.idx.msk $0xffff, v4  }
0x22d: {  	v4 =	vld.idx.msk [tilespmem:v54+s5+$0x0], $0xffff;
	_ =	sdelay $0x2  }
0x22e: {  	v55 =	vor.u32 $0x76, v3;
	_ =	sdelay $0x1  }
0x22f: {  	v4 =	vmul.f32 v4, v2;
	_ =	sdelay $0x1  }
0x230: {  	[tilespmem:v54+s5+$0x0] =	vst.idx.msk $0xffff, v4  }
0x231: {  	v4 =	vld.idx.msk [tilespmem:v55+s5+$0x0], $0xffff;
	_ =	sdelay $0x2  }
0x232: {  	v56 =	vor.u32 $0x77, v3;
	_ =	sdelay $0x1  }
0x233: {  	v4 =	vmul.f32 v4, v2;
	_ =	sdelay $0x1  }
0x234: {  	[tilespmem:v55+s5+$0x0] =	vst.idx.msk $0xffff, v4  }
0x235: {  	v4 =	vld.idx.msk [tilespmem:v56+s5+$0x0], $0xffff;
	_ =	sdelay $0x2  }
0x236: {  	v57 =	vor.u32 $0x78, v3;
	_ =	sdelay $0x1  }
0x237: {  	v4 =	vmul.f32 v4, v2;
	_ =	sdelay $0x1  }
0x238: {  	[tilespmem:v56+s5+$0x0] =	vst.idx.msk $0xffff, v4  }
0x239: {  	v4 =	vld.idx.msk [tilespmem:v57+s5+$0x0], $0xffff;
	_ =	sdelay $0x2  }
0x23a: {  	v58 =	vor.u32 $0x79, v3;
	_ =	sdelay $0x1  }
0x23b: {  	v4 =	vmul.f32 v4, v2;
	_ =	sdelay $0x1  }
0x23c: {  	[tilespmem:v57+s5+$0x0] =	vst.idx.msk $0xffff, v4  }
0x23d: {  	v4 =	vld.idx.msk [tilespmem:v58+s5+$0x0], $0xffff;
	_ =	sdelay $0x2  }
0x23e: {  	v59 =	vor.u32 $0x7A, v3;
	_ =	sdelay $0x1  }
0x23f: {  	v4 =	vmul.f32 v4, v2;
	_ =	sdelay $0x1  }
0x240: {  	[tilespmem:v58+s5+$0x0] =	vst.idx.msk $0xffff, v4  }
0x241: {  	v4 =	vld.idx.msk [tilespmem:v59+s5+$0x0], $0xffff;
	_ =	sdelay $0x2  }
0x242: {  	v60 =	vor.u32 $0x7B, v3;
	_ =	sdelay $0x1  }
0x243: {  	v4 =	vmul.f32 v4, v2;
	_ =	sdelay $0x1  }
0x244: {  	[tilespmem:v59+s5+$0x0] =	vst.idx.msk $0xffff, v4  }
0x245: {  	v4 =	vld.idx.msk [tilespmem:v60+s5+$0x0], $0xffff;
	_ =	sdelay $0x2  }
0x246: {  	v61 =	vor.u32 $0x7C, v3;
	_ =	sdelay $0x1  }
0x247: {  	v4 =	vmul.f32 v4, v2;
	_ =	sdelay $0x1  }
0x248: {  	[tilespmem:v60+s5+$0x0] =	vst.idx.msk $0xffff, v4  }
0x249: {  	v4 =	vld.idx.msk [tilespmem:v61+s5+$0x0], $0xffff;
	_ =	sdelay $0x2  }
0x24a: {  	v62 =	vor.u32 $0x7D, v3;
	_ =	sdelay $0x1  }
0x24b: {  	v4 =	vmul.f32 v4, v2;
	_ =	sdelay $0x1  }
0x24c: {  	[tilespmem:v61+s5+$0x0] =	vst.idx.msk $0xffff, v4  }
0x24d: {  	v4 =	vld.idx.msk [tilespmem:v62+s5+$0x0], $0xffff;
	_ =	sdelay $0x2  }
0x24e: {  	v63 =	vor.u32 $0x7E, v3;
	_ =	sdelay $0x1  }
0x24f: {  	v4 =	vmul.f32 v4, v2;
	_ =	sdelay $0x1  }
0x250: {  	[tilespmem:v62+s5+$0x0] =	vst.idx.msk $0xffff, v4  }
0x251: {  	v4 =	vld.idx.msk [tilespmem:v63+s5+$0x0], $0xffff;
	_ =	sdelay $0x2  }
0x252: {  	v3 =	vor.u32 $0x7F, v3;
	_ =	sdelay $0x1  }
0x253: {  	v4 =	vmul.f32 v4, v2;
	_ =	sdelay $0x1  }
0x254: {  	[tilespmem:v63+s5+$0x0] =	vst.idx.msk $0xffff, v4  }
0x255: {  	v4 =	vld.idx.msk [tilespmem:v3+s5+$0x0], $0xffff;
	_ =	sdelay $0x1  }
0x256: {  	p0 =	sne.s32 s31, $0x70  }
.Ltmp1:
0x257: {  	_ = 	snop;
	(pc) =	sbr.rel @p0 .LBB2_5-.Ltmp1, $3  }
0x258: {  	_ = 	snop  }
0x259: {  	v2 =	vmul.f32 v4, v2;
	_ =	sdelay $0x1  }
0x25a: {  	s31 =	sadd.s32 $0x10, s31;
	s30 =	sadd.s32 $0x10, s30;
	[tilespmem:v3+s5+$0x0] =	vst.idx.msk $0xffff, v2  }
0x25b: {  	s29 =	sadd.s32 $0x1, s29  }
0x25c: {  	p0 =	sne.s32 s29, $0x50  }
.Ltmp2:
0x25d: {  	_ = 	snop;
	(pc) =	sbr.rel @p0 .LBB2_4-.Ltmp2, $4  }
0x25e: {  	[spmem:s3] =	stream.indirect.scatter.add.f32 [tilespmem:s5], [sflag:$0x2], $0x80, s23, s24, $0xb8;
	[tilespmem:$0x19600] =	vst v63  }
0x25f: {  	_ =	swait.ge [sflag:s20], $0x4000  }
0x260: {  	[sflag:s20] =	ssyncset.done $0x0  }
0x261: {  	[sflag:s20] =	ssyncadd.s32 $0xFFFFC000  }
0x262: {  	s26 =	sadd.s32 $0x1, s26  }
0x263: {  	p0 =	sne.s32 s26, s18  }
.Ltmp3:
0x264: {  	[bflag:$0x0] =	sbarrier.arrive $0xFFFF;
	s28 =	sshrl.u32 s11, $0x3;
	(pc) =	sbr.rel @p0 .LBB2_1-.Ltmp3, $4  }
0x265: {  	[hbm:s17], [sflag:s10] =	dma.local [spmem:s28], $0x2800  }
0x266: {  	_ =	swait.ge [sflag:s20], $0x2800  }
0x267: {  	[sflag:s20] =	ssyncset.done $0x0  }
0x268: {  	[sflag:s20] =	ssyncadd.s32 $0xFFFFD800  }
0x269: {  	_ =	sfence.sel $0x180000  }
0x26a: {  	[bflag:$0x0] =	sbarrier.arrive $0xFFFF  }
0x26b: {  	p0 =	sne.s32 s1, $0x0;
	_ =	strace $0x90000050  }
0x26c: {  	s0 =	sadd.s32 @!p0 $0x100000, s0;
	[bflag:$0x2] =	sbarrier.arrive $0xFFFF  }
0x26d: {  	[sflag:s0] =	ssyncadd.tile.s32 @!p0 $0x1;
	_ =	shalt  }
.Lfunc_end2:
_tile_overlayer_lowered:
.L_overlay_start_2:
0x26e: {  	(tag) =	ssettag $0x2  }
0x26f: {  	s0 =	rddreg [dreg:$0x0];
	s2 =	stileid.u32  }
0x270: {  	s1 =	rddreg [dreg:$0x1];
	p0 =	sne.s32 s2, $0x0  }
0x271: {  	s3 =	rddreg [dreg:$0x2];
	[bflag:$0x3] =	sbarrier.arrive $0xFFFF;
	s2 =	simm.s32 @!p0 $0x1C02  }
0x272: {  	[timem:s3], [sflag:s2] =	dma.local @!p0 [hbm:s0], s1  }
0x273: {  	s0 =	simm.s32 @!p0 $0x2  }
0x274: {  	_ =	swait.ge @!p0 [sflag:s0], s1  }
0x275: {  	s1 =	ssub.s32 @!p0 $0x0, s1;
	[sflag:s0] =	ssyncset.done @!p0 $0x0  }
0x276: {  	[sflag:s0] =	ssyncadd.s32 @!p0 s1  }
0x277: {  	[bflag:$0x3] =	sbarrier.arrive $0xFFFF  }
0x278: {  	_ =	shalt  }

</sc_bundles>
